<compile_context>
chip_gen: v7x
topology: tpu7x:2x2x1
jax: 0.10.2.dev20260603
libtpu: 0.0.44.dev20260713+nightly
codegen_flags: <defaults>
</compile_context>

<pallas_src>
import functools

import jax
import jax.numpy as jnp
from jax import lax
from jax.experimental import pallas as pl
from jax.experimental.pallas import tpu as pltpu
from jax.experimental.pallas import tpu_sc as plsc

N = 10000
NP = 10240
F = 16
NC = 2
NS = 16
NW = NC * NS
JC = 1024
SLICE = NP // NS
NPK = NP // 8
NPK8 = NP // 16

_mesh = plsc.VectorSubcoreMesh(
    core_axis_name="c", subcore_axis_name="s", num_cores=NC, num_subcores=NS)
_sc_params = pltpu.CompilerParams(use_tc_tiling_on_sc=False)


def _fill(ref, n_rows, value):
    def body(j, _):
        ref[j, :] = jnp.full((16,), value, jnp.float32)
        return 0
    lax.fori_loop(0, n_rows, body, 0)


def _make_sc_degree(sizes):
    offs = [sum(sizes[:g]) for g in range(len(sizes))]

    @functools.partial(
        pl.kernel,
        out_type=jax.ShapeDtypeStruct((NC, NP, F), jnp.float32),
        mesh=_mesh,
        compiler_params=_sc_params,
        scratch_types=[
            [pltpu.VMEM((sz,), jnp.int32) for sz in sizes],
            pltpu.VMEM((JC, F), jnp.float32),
            pltpu.VMEM((SLICE, F), jnp.float32),
            pltpu.VMEM_SHARED((NP, F), jnp.float32),
            pltpu.SemaphoreType.DMA,
        ],
    )
    def deg_kernel(edge_hbm, out_hbm, dstv, onesv, zerov, acc, dsem):
        c = lax.axis_index("c")
        s = lax.axis_index("s")
        t = c * NS + s

        _fill(onesv, JC, 1.0)
        _fill(zerov, SLICE, 0.0)
        pltpu.sync_copy(zerov, acc.at[pl.ds(s * SLICE, SLICE)])
        for g, sz in enumerate(sizes):
            pltpu.async_copy(edge_hbm.at[1, t, pl.ds(offs[g], sz)],
                             dstv[g], dsem)
        for g, sz in enumerate(sizes):
            pltpu.make_async_copy(edge_hbm.at[1, t, pl.ds(offs[g], sz)],
                                  dstv[g], dsem).wait()
        plsc.subcore_barrier()

        for g, sz in enumerate(sizes):
            pltpu.async_copy(onesv.at[pl.ds(0, sz)], acc.at[dstv[g]], dsem,
                             add=True)
        for g, sz in enumerate(sizes):
            pltpu.make_async_copy(onesv.at[pl.ds(0, sz)], acc.at[dstv[g]],
                                  dsem).wait()
        plsc.subcore_barrier()
        pltpu.sync_copy(acc.at[pl.ds(s * SLICE, SLICE)],
                        out_hbm.at[c, pl.ds(s * SLICE, SLICE)])

    return deg_kernel


def _make_sc_agg(sizes, W):
    offs = [sum(sizes[:g]) for g in range(len(sizes))]
    NSUP = len(sizes)

    @functools.partial(
        pl.kernel,
        out_type=jax.ShapeDtypeStruct((NC, NP, W), jnp.float32),
        mesh=_mesh,
        compiler_params=_sc_params,
        scratch_types=[
            [pltpu.VMEM((sz,), jnp.int32) for sz in sizes],
            [pltpu.VMEM((sz,), jnp.int32) for sz in sizes],
            [pltpu.VMEM((JC, W), jnp.float32) for _ in range(2)],
            pltpu.VMEM_SHARED((NP, W), jnp.float32),
            pltpu.VMEM_SHARED((NP, W), jnp.float32),
            [pltpu.SemaphoreType.DMA for _ in range(2)],
            [pltpu.SemaphoreType.DMA for _ in range(2)],
            pltpu.SemaphoreType.DMA,
        ],
    )
    def agg_kernel(table_hbm, edge_hbm, zeros_hbm, out_hbm,
                   srcv, dstv, rows, acc, tbl, gsem, ssem, isem):
        c = lax.axis_index("c")
        s = lax.axis_index("s")
        t = c * NS + s

        pltpu.sync_copy(zeros_hbm, acc.at[pl.ds(s * SLICE, SLICE)])
        pltpu.async_copy(table_hbm.at[pl.ds(s * SLICE, SLICE)],
                         tbl.at[pl.ds(s * SLICE, SLICE)], isem)
        for g, sz in enumerate(sizes):
            pltpu.async_copy(edge_hbm.at[0, t, pl.ds(offs[g], sz)],
                             srcv[g], isem)
            pltpu.async_copy(edge_hbm.at[1, t, pl.ds(offs[g], sz)],
                             dstv[g], isem)
        for g, sz in enumerate(sizes):
            pltpu.make_async_copy(edge_hbm.at[0, t, pl.ds(offs[g], sz)],
                                  srcv[g], isem).wait()
            pltpu.make_async_copy(edge_hbm.at[1, t, pl.ds(offs[g], sz)],
                                  dstv[g], isem).wait()
        pltpu.make_async_copy(table_hbm.at[pl.ds(s * SLICE, SLICE)],
                              tbl.at[pl.ds(s * SLICE, SLICE)], isem).wait()
        plsc.subcore_barrier()

        def rowbuf(b, sz):
            return rows[b].at[pl.ds(0, sz)] if sz != JC else rows[b]

        pending = [None, None]
        pltpu.async_copy(tbl.at[srcv[0]], rowbuf(0, sizes[0]), gsem[0])
        for g, sz in enumerate(sizes):
            b = g % 2
            o = 1 - b
            pltpu.make_async_copy(tbl.at[srcv[g]], rowbuf(b, sz),
                                  gsem[b]).wait()
            pltpu.async_copy(rowbuf(b, sz), acc.at[dstv[g]], ssem[b],
                             add=True)
            pending[b] = g
            if g + 1 < NSUP:
                if pending[o] is not None:
                    po = pending[o]
                    pltpu.make_async_copy(rowbuf(o, sizes[po]),
                                          acc.at[dstv[po]],
                                          ssem[o]).wait()
                    pending[o] = None
                pltpu.async_copy(tbl.at[srcv[g + 1]],
                                 rowbuf(o, sizes[g + 1]), gsem[o])
        for b in range(2):
            if pending[b] is not None:
                pb = pending[b]
                pltpu.make_async_copy(rowbuf(b, sizes[pb]),
                                      acc.at[dstv[pb]], ssem[b]).wait()
        plsc.subcore_barrier()
        pltpu.sync_copy(acc.at[pl.ds(s * SLICE, SLICE)],
                        out_hbm.at[c, pl.ds(s * SLICE, SLICE)])

    return agg_kernel


def _tc_matmul1(x_pk, W1B):
    NPKX = x_pk.shape[0]

    def body(xr, w1r, hr):
        h = jnp.dot(xr[...], w1r[...], preferred_element_type=jnp.float32)
        hr[0:NPKX, :] = h
        hr[NPKX:NPK, :] = jnp.zeros((NPK - NPKX, 128), jnp.float32)

    return pl.pallas_call(
        body,
        out_shape=jax.ShapeDtypeStruct((NPK, 128), jnp.float32),
    )(x_pk, W1B)


def _tc_scale1(h1_p, deg_p):
    def body(hr, dpr, h1sr, dinvr):
        deg = dpr[0] + dpr[1] + 1.0
        dinv = lax.rsqrt(deg)
        h1sr[...] = hr[...] * dinv
        dinvr[...] = dinv

    return pl.pallas_call(
        body,
        out_shape=[
            jax.ShapeDtypeStruct((NPK, 128), jnp.float32),
            jax.ShapeDtypeStruct((NPK, 128), jnp.float32),
        ],
    )(h1_p, deg_p)


def _tc_mid(agg1, h1s, dinv, W2B8, dinv8, b1P):
    def body(ar, h1r, dr, w2r, d8r, b1ref, outr):
        agg = ar[0] + ar[1]
        o1 = jnp.maximum(dr[...] * (agg + h1r[...]) + b1ref[...], 0.0)
        o1p = o1.reshape(NPK8, 256)
        h2 = jnp.dot(o1p, w2r[...], preferred_element_type=jnp.float32)
        h2s8 = h2 * d8r[...]
        node = (16 * lax.broadcasted_iota(jnp.int32, (NPK8, 128), 0)
                + lax.broadcasted_iota(jnp.int32, (NPK8, 128), 1) // 8)
        outr[...] = jnp.where(node < N, h2s8, 0.0)

    return pl.pallas_call(
        body,
        out_shape=jax.ShapeDtypeStruct((NPK8, 128), jnp.float32),
    )(agg1, h1s, dinv, W2B8, dinv8, b1P)


def _tc_final(agg2, h2s8, dinv8, b2P8):
    def body(ar, h2r, d8r, b2ref, outr):
        outr[...] = d8r[...] * (ar[0] + ar[1] + h2r[...]) + b2ref[...]

    return pl.pallas_call(
        body,
        out_shape=jax.ShapeDtypeStruct((NPK8, 128), jnp.float32),
    )(agg2, h2s8, dinv8, b2P8)


def kernel(x, edge_index, W1, b1, W2, b2):
    E = edge_index.shape[1]
    ei = edge_index.astype(jnp.int32)
    if E % (NW * 8) != 0:
        pad = NW * 8 - E % (NW * 8)
        ei = jnp.pad(ei, ((0, 0), (0, pad)), constant_values=N)
        E += pad
    EPT = E // NW
    sizes = [JC] * (EPT // JC) + ([EPT % JC] if EPT % JC else [])
    edges = ei.reshape(2, NW, EPT)
    x_pk = x.reshape(x.shape[0] // 8, 8 * 128)
    W1B = jnp.kron(jnp.eye(8, dtype=jnp.float32), W1)
    W2p8 = jnp.pad(W2, ((0, 0), (0, 8 - W2.shape[1])))
    W2B8 = jnp.kron(jnp.eye(16, dtype=jnp.float32), W2p8)
    b1P = jnp.tile(b1, 8).reshape(1, 128)
    b2P8 = jnp.tile(jnp.pad(b2, (0, 8 - b2.shape[0])), 16).reshape(1, 128)
    zeros16 = jnp.zeros((SLICE, F), jnp.float32)
    zeros8 = jnp.zeros((SLICE, 8), jnp.float32)

    sc_degree = _make_sc_degree(sizes)
    sc_agg16 = _make_sc_agg(sizes, F)
    sc_agg8 = _make_sc_agg(sizes, 8)

    h1_p = _tc_matmul1(x_pk, W1B)
    deg_p = sc_degree(edges).reshape(NC, NPK, 128)
    h1s_p, dinv_p = _tc_scale1(h1_p, deg_p)
    dinv8 = dinv_p.reshape(NP, F)[:, :8].reshape(NPK8, 128)
    agg1 = sc_agg16(h1s_p.reshape(NP, F), edges,
                    zeros16).reshape(NC, NPK, 128)
    h2s8 = _tc_mid(agg1, h1s_p, dinv_p, W2B8, dinv8, b1P)
    agg2 = sc_agg8(h2s8.reshape(NP, 8), edges,
                   zeros8).reshape(NC, NPK8, 128)
    out8 = _tc_final(agg2, h2s8, dinv8, b2P8)
    return out8.reshape(NP, 8)[:N, :W2.shape[1]]

# --- scband reference (transcript-rebuilt; emitter-appended) ---
"""Pipeline reference for scband-gcn-48378511622512 (READ-ONLY COPY).

The authoritative reference and input builder live on the scoring server;
editing this copy changes nothing except your own understanding.
"""

import jax, jax.numpy as jnp
import numpy as np

N_NODES = 10000

def setup_inputs(seed: int = 0) -> dict:
    key = jax.random.key(seed)
    k1, k2, k3, k4, k5, k6 = jax.random.split(key, 6)
    x = jax.random.normal(k1, (N_NODES, 128), dtype=jnp.float32)
    edge_index = jax.random.randint(k2, (2, 320000), 0, N_NODES, dtype=jnp.int64)
    # GCNConv weights (glorot-style scale)
    W1 = jax.random.normal(k3, (128, 16), dtype=jnp.float32) * (1.0 / np.sqrt(128))
    b1 = jnp.zeros((16,), dtype=jnp.float32)
    W2 = jax.random.normal(k4, (16, 6), dtype=jnp.float32) * (1.0 / np.sqrt(16))
    b2 = jnp.zeros((6,), dtype=jnp.float32)
    return {"x": x, "edge_index": edge_index, "W1": W1, "b1": b1, "W2": W2, "b2": b2}


def _gcn_conv(x, edge_index, W, b, num_nodes):
    # x' = x @ W
    h = x @ W
    src = edge_index[0]
    dst = edge_index[1]
    # add self-loops (PyG GCNConv default)
    loop = jnp.arange(num_nodes, dtype=src.dtype)
    src = jnp.concatenate([src, loop])
    dst = jnp.concatenate([dst, loop])
    # symmetric normalization: D^{-1/2} A D^{-1/2}
    deg = jnp.zeros((num_nodes,), dtype=h.dtype).at[dst].add(1.0)
    deg_inv_sqrt = jnp.where(deg > 0, deg ** -0.5, 0.0)
    norm = deg_inv_sqrt[src] * deg_inv_sqrt[dst]
    msg = h[src] * norm[:, None]
    out = jax.ops.segment_sum(msg, dst, num_segments=num_nodes)
    return out + b


def reference(x, edge_index, W1, b1, W2, b2):
    h = _gcn_conv(x, edge_index, W1, b1, N_NODES)
    h = jax.nn.relu(h)
    # F.dropout with training=False at inference -> identity
    out = _gcn_conv(h, edge_index, W2, b2, N_NODES)
    return out

if __name__ == "__main__":
    import jax
    _d = setup_inputs()
    print(jax.jit(kernel)(*tuple(_d.values())))

</pallas_src>

<mosaic_0001>
#map = affine_map<(d0, d1) -> (0, 0, 0)>
module attributes {stable_mosaic.version = 14 : i64} {
  func.func @deg_kernel(%arg0: i32, %arg1: i32, %arg2: memref<2x32x10000xi32, #tpu.memory_space<hbm>>, %arg3: memref<2x10240x16xf32, #tpu.memory_space<hbm>>, %arg4: memref<1024xi32, #tpu.memory_space<vmem>>, %arg5: memref<1024xi32, #tpu.memory_space<vmem>>, %arg6: memref<1024xi32, #tpu.memory_space<vmem>>, %arg7: memref<1024xi32, #tpu.memory_space<vmem>>, %arg8: memref<1024xi32, #tpu.memory_space<vmem>>, %arg9: memref<1024xi32, #tpu.memory_space<vmem>>, %arg10: memref<1024xi32, #tpu.memory_space<vmem>>, %arg11: memref<1024xi32, #tpu.memory_space<vmem>>, %arg12: memref<1024xi32, #tpu.memory_space<vmem>>, %arg13: memref<784xi32, #tpu.memory_space<vmem>>, %arg14: memref<1024x16xf32, #tpu.memory_space<vmem>>, %arg15: memref<640x16xf32, #tpu.memory_space<vmem>>, %arg16: memref<10240x16xf32, #tpu.memory_space<vmem_shared>>, %arg17: memref<!tpu.dma_semaphore, #tpu.memory_space<semaphore_mem>>) attributes {dimension_semantics = [#tpu.dimension_semantics<core_parallel>, #tpu.dimension_semantics<subcore_parallel>], iteration_bounds = array<i64: 2, 16>, scalar_prefetch = 0 : i64, scratch_operands = 14 : i64, tpu.core_type = #tpu.core_type<sc_vector_subcore>, window_params = [{transform_indices = #map}, {transform_indices = #map}]} {
    %mul3A = arith.constant 16 : i32
    %mul3A_0 = arith.muli %arg0, %mul3A : i32
    %add3A = arith.addi %mul3A_0, %arg1 : i32
    %scan3A = arith.constant 0 : i32
    %scan3A_1 = arith.constant 0 : i32
    %scan3A_2 = arith.constant 1024 : i32
    %scan3A_3 = arith.addi %scan3A_1, %scan3A_2 : i32
    %scan3A_4 = arith.constant 1 : i32
    %scan3A_5 = scf.for %scan3A_279 = %scan3A_1 to %scan3A_3 step %scan3A_4 iter_args(%scan3A_280 = %scan3A) -> (i32)  : i32 {
      %broadcast_in_dim3A = arith.constant 1.000000e+00 : f32
      %broadcast_in_dim3A_281 = vector.broadcast %broadcast_in_dim3A : f32 to vector<16xf32>
      %swap3A = arith.index_cast %scan3A_279 : i32 to index
      %swap3A_282 = arith.constant 0 : index
      %swap3A_283 = tpu.vector_load %arg14[%swap3A, %swap3A_282] {strides = array<i32>} : memref<1024x16xf32, #tpu.memory_space<vmem>>, vector<1x16xf32>,
      %swap3A_284 = vector.shape_cast %swap3A_283 : vector<1x16xf32> to vector<16xf32>
      %swap3A_285 = vector.shape_cast %broadcast_in_dim3A_281 : vector<16xf32> to vector<1x16xf32>
      tpu.vector_store %arg14[%swap3A, %swap3A_282], %swap3A_285 {strides = array<i32>} : memref<1024x16xf32, #tpu.memory_space<vmem>>, vector<1x16xf32>,
      %scan3A_286 = arith.constant 0 : i32
      scf.yield %scan3A_286 : i32
    }
    %scan3A_6 = arith.constant 1024 : i32
    %scan3A_7 = arith.constant 0 : i32
    %scan3A_8 = arith.constant 0 : i32
    %scan3A_9 = arith.constant 640 : i32
    %scan3A_10 = arith.addi %scan3A_8, %scan3A_9 : i32
    %scan3A_11 = arith.constant 1 : i32
    %scan3A_12 = scf.for %scan3A_279 = %scan3A_8 to %scan3A_10 step %scan3A_11 iter_args(%scan3A_280 = %scan3A_7) -> (i32)  : i32 {
      %broadcast_in_dim3A = arith.constant 0.000000e+00 : f32
      %broadcast_in_dim3A_281 = vector.broadcast %broadcast_in_dim3A : f32 to vector<16xf32>
      %swap3A = arith.index_cast %scan3A_279 : i32 to index
      %swap3A_282 = arith.constant 0 : index
      %swap3A_283 = tpu.vector_load %arg15[%swap3A, %swap3A_282] {strides = array<i32>} : memref<640x16xf32, #tpu.memory_space<vmem>>, vector<1x16xf32>,
      %swap3A_284 = vector.shape_cast %swap3A_283 : vector<1x16xf32> to vector<16xf32>
      %swap3A_285 = vector.shape_cast %broadcast_in_dim3A_281 : vector<16xf32> to vector<1x16xf32>
      tpu.vector_store %arg15[%swap3A, %swap3A_282], %swap3A_285 {strides = array<i32>} : memref<640x16xf32, #tpu.memory_space<vmem>>, vector<1x16xf32>,
      %scan3A_286 = arith.constant 0 : i32
      scf.yield %scan3A_286 : i32
    }
    %scan3A_13 = arith.constant 640 : i32
    %mul3A_14 = arith.constant 640 : i32
    %mul3A_15 = arith.muli %arg1, %mul3A_14 : i32
    "tpu.region"() ({
      %run_scoped3A = tpu.sem_alloc : memref<!tpu.dma_semaphore, #tpu.memory_space<semaphore_mem>>
      %dma_start3A_279 = arith.constant 0 : i32
      %dma_start3A_280 = tpu.memref_slice %arg16[%mul3A_15, %dma_start3A_279] : memref<10240x16xf32, #tpu.memory_space<vmem_shared>> -> memref<640x16xf32, #tpu.memory_space<vmem_shared>>
      %dma_start3A_281 = arith.constant 0 : i32
      %dma_start3A_282 = tpu.memref_slice %arg16[%mul3A_15, %dma_start3A_281] : memref<10240x16xf32, #tpu.memory_space<vmem_shared>> -> memref<640x16xf32, #tpu.memory_space<vmem_shared>>
      tpu.enqueue_dma source(%arg15 : memref<640x16xf32, #tpu.memory_space<vmem>>) target(%dma_start3A_282 : memref<640x16xf32, #tpu.memory_space<vmem_shared>>) target_semaphore(%run_scoped3A : memref<!tpu.dma_semaphore, #tpu.memory_space<semaphore_mem>>)
      %dma_wait3A_283 = arith.constant 0 : i32
      %dma_wait3A_284 = tpu.memref_slice %arg16[%mul3A_15, %dma_wait3A_283] : memref<10240x16xf32, #tpu.memory_space<vmem_shared>> -> memref<640x16xf32, #tpu.memory_space<vmem_shared>>
      %dma_wait3A_285 = arith.constant 0 : i32
      %dma_wait3A_286 = tpu.memref_slice %arg16[%mul3A_15, %dma_wait3A_285] : memref<10240x16xf32, #tpu.memory_space<vmem_shared>> -> memref<640x16xf32, #tpu.memory_space<vmem_shared>>
      tpu.wait_dma2 semaphore(%run_scoped3A : memref<!tpu.dma_semaphore, #tpu.memory_space<semaphore_mem>>) src(%arg15 : memref<640x16xf32, #tpu.memory_space<vmem>>) dst(%dma_wait3A_286 : memref<640x16xf32, #tpu.memory_space<vmem_shared>>)
      tpu.yield
    }) : () -> ()
    %dma_start3A = arith.constant 1 : i32
    %dma_start3A_16 = arith.constant 0 : i32
    %dma_start3A_17 = tpu.memref_slice %arg2[%dma_start3A, %add3A, %dma_start3A_16] : memref<2x32x10000xi32, #tpu.memory_space<hbm>> -> memref<1x1x1024xi32, #tpu.memory_space<hbm>>
    %dma_start3A_18 = tpu.memref_squeeze %dma_start3A_17 : memref<1x1x1024xi32, #tpu.memory_space<hbm>> -> memref<1024xi32, #tpu.memory_space<hbm>>
    %dma_start3A_19 = arith.constant 0 : i32
    %dma_start3A_20 = tpu.memref_slice %arg2[%dma_start3A, %add3A, %dma_start3A_19] : memref<2x32x10000xi32, #tpu.memory_space<hbm>> -> memref<1x1x1024xi32, #tpu.memory_space<hbm>>
    %dma_start3A_21 = tpu.memref_squeeze %dma_start3A_20 : memref<1x1x1024xi32, #tpu.memory_space<hbm>> -> memref<1024xi32, #tpu.memory_space<hbm>>
    tpu.enqueue_dma source(%dma_start3A_21 : memref<1024xi32, #tpu.memory_space<hbm>>) target(%arg4 : memref<1024xi32, #tpu.memory_space<vmem>>) target_semaphore(%arg17 : memref<!tpu.dma_semaphore, #tpu.memory_space<semaphore_mem>>)
    %dma_start3A_22 = arith.constant 1 : i32
    %dma_start3A_23 = arith.constant 1024 : i32
    %dma_start3A_24 = tpu.memref_slice %arg2[%dma_start3A_22, %add3A, %dma_start3A_23] : memref<2x32x10000xi32, #tpu.memory_space<hbm>> -> memref<1x1x1024xi32, #tpu.memory_space<hbm>>
    %dma_start3A_25 = tpu.memref_squeeze %dma_start3A_24 : memref<1x1x1024xi32, #tpu.memory_space<hbm>> -> memref<1024xi32, #tpu.memory_space<hbm>>
    %dma_start3A_26 = arith.constant 1024 : i32
    %dma_start3A_27 = tpu.memref_slice %arg2[%dma_start3A_22, %add3A, %dma_start3A_26] : memref<2x32x10000xi32, #tpu.memory_space<hbm>> -> memref<1x1x1024xi32, #tpu.memory_space<hbm>>
    %dma_start3A_28 = tpu.memref_squeeze %dma_start3A_27 : memref<1x1x1024xi32, #tpu.memory_space<hbm>> -> memref<1024xi32, #tpu.memory_space<hbm>>
    tpu.enqueue_dma source(%dma_start3A_28 : memref<1024xi32, #tpu.memory_space<hbm>>) target(%arg5 : memref<1024xi32, #tpu.memory_space<vmem>>) target_semaphore(%arg17 : memref<!tpu.dma_semaphore, #tpu.memory_space<semaphore_mem>>)
    %dma_start3A_29 = arith.constant 1 : i32
    %dma_start3A_30 = arith.constant 2048 : i32
    %dma_start3A_31 = tpu.memref_slice %arg2[%dma_start3A_29, %add3A, %dma_start3A_30] : memref<2x32x10000xi32, #tpu.memory_space<hbm>> -> memref<1x1x1024xi32, #tpu.memory_space<hbm>>
    %dma_start3A_32 = tpu.memref_squeeze %dma_start3A_31 : memref<1x1x1024xi32, #tpu.memory_space<hbm>> -> memref<1024xi32, #tpu.memory_space<hbm>>
    %dma_start3A_33 = arith.constant 2048 : i32
    %dma_start3A_34 = tpu.memref_slice %arg2[%dma_start3A_29, %add3A, %dma_start3A_33] : memref<2x32x10000xi32, #tpu.memory_space<hbm>> -> memref<1x1x1024xi32, #tpu.memory_space<hbm>>
    %dma_start3A_35 = tpu.memref_squeeze %dma_start3A_34 : memref<1x1x1024xi32, #tpu.memory_space<hbm>> -> memref<1024xi32, #tpu.memory_space<hbm>>
    tpu.enqueue_dma source(%dma_start3A_35 : memref<1024xi32, #tpu.memory_space<hbm>>) target(%arg6 : memref<1024xi32, #tpu.memory_space<vmem>>) target_semaphore(%arg17 : memref<!tpu.dma_semaphore, #tpu.memory_space<semaphore_mem>>)
    %dma_start3A_36 = arith.constant 1 : i32
    %dma_start3A_37 = arith.constant 3072 : i32
    %dma_start3A_38 = tpu.memref_slice %arg2[%dma_start3A_36, %add3A, %dma_start3A_37] : memref<2x32x10000xi32, #tpu.memory_space<hbm>> -> memref<1x1x1024xi32, #tpu.memory_space<hbm>>
    %dma_start3A_39 = tpu.memref_squeeze %dma_start3A_38 : memref<1x1x1024xi32, #tpu.memory_space<hbm>> -> memref<1024xi32, #tpu.memory_space<hbm>>
    %dma_start3A_40 = arith.constant 3072 : i32
    %dma_start3A_41 = tpu.memref_slice %arg2[%dma_start3A_36, %add3A, %dma_start3A_40] : memref<2x32x10000xi32, #tpu.memory_space<hbm>> -> memref<1x1x1024xi32, #tpu.memory_space<hbm>>
    %dma_start3A_42 = tpu.memref_squeeze %dma_start3A_41 : memref<1x1x1024xi32, #tpu.memory_space<hbm>> -> memref<1024xi32, #tpu.memory_space<hbm>>
    tpu.enqueue_dma source(%dma_start3A_42 : memref<1024xi32, #tpu.memory_space<hbm>>) target(%arg7 : memref<1024xi32, #tpu.memory_space<vmem>>) target_semaphore(%arg17 : memref<!tpu.dma_semaphore, #tpu.memory_space<semaphore_mem>>)
    %dma_start3A_43 = arith.constant 1 : i32
    %dma_start3A_44 = arith.constant 4096 : i32
    %dma_start3A_45 = tpu.memref_slice %arg2[%dma_start3A_43, %add3A, %dma_start3A_44] : memref<2x32x10000xi32, #tpu.memory_space<hbm>> -> memref<1x1x1024xi32, #tpu.memory_space<hbm>>
    %dma_start3A_46 = tpu.memref_squeeze %dma_start3A_45 : memref<1x1x1024xi32, #tpu.memory_space<hbm>> -> memref<1024xi32, #tpu.memory_space<hbm>>
    %dma_start3A_47 = arith.constant 4096 : i32
    %dma_start3A_48 = tpu.memref_slice %arg2[%dma_start3A_43, %add3A, %dma_start3A_47] : memref<2x32x10000xi32, #tpu.memory_space<hbm>> -> memref<1x1x1024xi32, #tpu.memory_space<hbm>>
    %dma_start3A_49 = tpu.memref_squeeze %dma_start3A_48 : memref<1x1x1024xi32, #tpu.memory_space<hbm>> -> memref<1024xi32, #tpu.memory_space<hbm>>
    tpu.enqueue_dma source(%dma_start3A_49 : memref<1024xi32, #tpu.memory_space<hbm>>) target(%arg8 : memref<1024xi32, #tpu.memory_space<vmem>>) target_semaphore(%arg17 : memref<!tpu.dma_semaphore, #tpu.memory_space<semaphore_mem>>)
    %dma_start3A_50 = arith.constant 1 : i32
    %dma_start3A_51 = arith.constant 5120 : i32
    %dma_start3A_52 = tpu.memref_slice %arg2[%dma_start3A_50, %add3A, %dma_start3A_51] : memref<2x32x10000xi32, #tpu.memory_space<hbm>> -> memref<1x1x1024xi32, #tpu.memory_space<hbm>>
    %dma_start3A_53 = tpu.memref_squeeze %dma_start3A_52 : memref<1x1x1024xi32, #tpu.memory_space<hbm>> -> memref<1024xi32, #tpu.memory_space<hbm>>
    %dma_start3A_54 = arith.constant 5120 : i32
    %dma_start3A_55 = tpu.memref_slice %arg2[%dma_start3A_50, %add3A, %dma_start3A_54] : memref<2x32x10000xi32, #tpu.memory_space<hbm>> -> memref<1x1x1024xi32, #tpu.memory_space<hbm>>
    %dma_start3A_56 = tpu.memref_squeeze %dma_start3A_55 : memref<1x1x1024xi32, #tpu.memory_space<hbm>> -> memref<1024xi32, #tpu.memory_space<hbm>>
    tpu.enqueue_dma source(%dma_start3A_56 : memref<1024xi32, #tpu.memory_space<hbm>>) target(%arg9 : memref<1024xi32, #tpu.memory_space<vmem>>) target_semaphore(%arg17 : memref<!tpu.dma_semaphore, #tpu.memory_space<semaphore_mem>>)
    %dma_start3A_57 = arith.constant 1 : i32
    %dma_start3A_58 = arith.constant 6144 : i32
    %dma_start3A_59 = tpu.memref_slice %arg2[%dma_start3A_57, %add3A, %dma_start3A_58] : memref<2x32x10000xi32, #tpu.memory_space<hbm>> -> memref<1x1x1024xi32, #tpu.memory_space<hbm>>
    %dma_start3A_60 = tpu.memref_squeeze %dma_start3A_59 : memref<1x1x1024xi32, #tpu.memory_space<hbm>> -> memref<1024xi32, #tpu.memory_space<hbm>>
    %dma_start3A_61 = arith.constant 6144 : i32
    %dma_start3A_62 = tpu.memref_slice %arg2[%dma_start3A_57, %add3A, %dma_start3A_61] : memref<2x32x10000xi32, #tpu.memory_space<hbm>> -> memref<1x1x1024xi32, #tpu.memory_space<hbm>>
    %dma_start3A_63 = tpu.memref_squeeze %dma_start3A_62 : memref<1x1x1024xi32, #tpu.memory_space<hbm>> -> memref<1024xi32, #tpu.memory_space<hbm>>
    tpu.enqueue_dma source(%dma_start3A_63 : memref<1024xi32, #tpu.memory_space<hbm>>) target(%arg10 : memref<1024xi32, #tpu.memory_space<vmem>>) target_semaphore(%arg17 : memref<!tpu.dma_semaphore, #tpu.memory_space<semaphore_mem>>)
    %dma_start3A_64 = arith.constant 1 : i32
    %dma_start3A_65 = arith.constant 7168 : i32
    %dma_start3A_66 = tpu.memref_slice %arg2[%dma_start3A_64, %add3A, %dma_start3A_65] : memref<2x32x10000xi32, #tpu.memory_space<hbm>> -> memref<1x1x1024xi32, #tpu.memory_space<hbm>>
    %dma_start3A_67 = tpu.memref_squeeze %dma_start3A_66 : memref<1x1x1024xi32, #tpu.memory_space<hbm>> -> memref<1024xi32, #tpu.memory_space<hbm>>
    %dma_start3A_68 = arith.constant 7168 : i32
    %dma_start3A_69 = tpu.memref_slice %arg2[%dma_start3A_64, %add3A, %dma_start3A_68] : memref<2x32x10000xi32, #tpu.memory_space<hbm>> -> memref<1x1x1024xi32, #tpu.memory_space<hbm>>
    %dma_start3A_70 = tpu.memref_squeeze %dma_start3A_69 : memref<1x1x1024xi32, #tpu.memory_space<hbm>> -> memref<1024xi32, #tpu.memory_space<hbm>>
    tpu.enqueue_dma source(%dma_start3A_70 : memref<1024xi32, #tpu.memory_space<hbm>>) target(%arg11 : memref<1024xi32, #tpu.memory_space<vmem>>) target_semaphore(%arg17 : memref<!tpu.dma_semaphore, #tpu.memory_space<semaphore_mem>>)
    %dma_start3A_71 = arith.constant 1 : i32
    %dma_start3A_72 = arith.constant 8192 : i32
    %dma_start3A_73 = tpu.memref_slice %arg2[%dma_start3A_71, %add3A, %dma_start3A_72] : memref<2x32x10000xi32, #tpu.memory_space<hbm>> -> memref<1x1x1024xi32, #tpu.memory_space<hbm>>
    %dma_start3A_74 = tpu.memref_squeeze %dma_start3A_73 : memref<1x1x1024xi32, #tpu.memory_space<hbm>> -> memref<1024xi32, #tpu.memory_space<hbm>>
    %dma_start3A_75 = arith.constant 8192 : i32
    %dma_start3A_76 = tpu.memref_slice %arg2[%dma_start3A_71, %add3A, %dma_start3A_75] : memref<2x32x10000xi32, #tpu.memory_space<hbm>> -> memref<1x1x1024xi32, #tpu.memory_space<hbm>>
    %dma_start3A_77 = tpu.memref_squeeze %dma_start3A_76 : memref<1x1x1024xi32, #tpu.memory_space<hbm>> -> memref<1024xi32, #tpu.memory_space<hbm>>
    tpu.enqueue_dma source(%dma_start3A_77 : memref<1024xi32, #tpu.memory_space<hbm>>) target(%arg12 : memref<1024xi32, #tpu.memory_space<vmem>>) target_semaphore(%arg17 : memref<!tpu.dma_semaphore, #tpu.memory_space<semaphore_mem>>)
    %dma_start3A_78 = arith.constant 1 : i32
    %dma_start3A_79 = arith.constant 9216 : i32
    %dma_start3A_80 = tpu.memref_slice %arg2[%dma_start3A_78, %add3A, %dma_start3A_79] : memref<2x32x10000xi32, #tpu.memory_space<hbm>> -> memref<1x1x784xi32, #tpu.memory_space<hbm>>
    %dma_start3A_81 = tpu.memref_squeeze %dma_start3A_80 : memref<1x1x784xi32, #tpu.memory_space<hbm>> -> memref<784xi32, #tpu.memory_space<hbm>>
    %dma_start3A_82 = arith.constant 9216 : i32
    %dma_start3A_83 = tpu.memref_slice %arg2[%dma_start3A_78, %add3A, %dma_start3A_82] : memref<2x32x10000xi32, #tpu.memory_space<hbm>> -> memref<1x1x784xi32, #tpu.memory_space<hbm>>
    %dma_start3A_84 = tpu.memref_squeeze %dma_start3A_83 : memref<1x1x784xi32, #tpu.memory_space<hbm>> -> memref<784xi32, #tpu.memory_space<hbm>>
    tpu.enqueue_dma source(%dma_start3A_84 : memref<784xi32, #tpu.memory_space<hbm>>) target(%arg13 : memref<784xi32, #tpu.memory_space<vmem>>) target_semaphore(%arg17 : memref<!tpu.dma_semaphore, #tpu.memory_space<semaphore_mem>>)
    %dma_wait3A = arith.constant 1 : i32
    %dma_wait3A_85 = arith.constant 0 : i32
    %dma_wait3A_86 = tpu.memref_slice %arg2[%dma_wait3A, %add3A, %dma_wait3A_85] : memref<2x32x10000xi32, #tpu.memory_space<hbm>> -> memref<1x1x1024xi32, #tpu.memory_space<hbm>>
    %dma_wait3A_87 = tpu.memref_squeeze %dma_wait3A_86 : memref<1x1x1024xi32, #tpu.memory_space<hbm>> -> memref<1024xi32, #tpu.memory_space<hbm>>
    %dma_wait3A_88 = arith.constant 0 : i32
    %dma_wait3A_89 = tpu.memref_slice %arg2[%dma_wait3A, %add3A, %dma_wait3A_88] : memref<2x32x10000xi32, #tpu.memory_space<hbm>> -> memref<1x1x1024xi32, #tpu.memory_space<hbm>>
    %dma_wait3A_90 = tpu.memref_squeeze %dma_wait3A_89 : memref<1x1x1024xi32, #tpu.memory_space<hbm>> -> memref<1024xi32, #tpu.memory_space<hbm>>
    tpu.wait_dma2 semaphore(%arg17 : memref<!tpu.dma_semaphore, #tpu.memory_space<semaphore_mem>>) src(%dma_wait3A_90 : memref<1024xi32, #tpu.memory_space<hbm>>) dst(%arg4 : memref<1024xi32, #tpu.memory_space<vmem>>)
    %dma_wait3A_91 = arith.constant 1 : i32
    %dma_wait3A_92 = arith.constant 1024 : i32
    %dma_wait3A_93 = tpu.memref_slice %arg2[%dma_wait3A_91, %add3A, %dma_wait3A_92] : memref<2x32x10000xi32, #tpu.memory_space<hbm>> -> memref<1x1x1024xi32, #tpu.memory_space<hbm>>
    %dma_wait3A_94 = tpu.memref_squeeze %dma_wait3A_93 : memref<1x1x1024xi32, #tpu.memory_space<hbm>> -> memref<1024xi32, #tpu.memory_space<hbm>>
    %dma_wait3A_95 = arith.constant 1024 : i32
    %dma_wait3A_96 = tpu.memref_slice %arg2[%dma_wait3A_91, %add3A, %dma_wait3A_95] : memref<2x32x10000xi32, #tpu.memory_space<hbm>> -> memref<1x1x1024xi32, #tpu.memory_space<hbm>>
    %dma_wait3A_97 = tpu.memref_squeeze %dma_wait3A_96 : memref<1x1x1024xi32, #tpu.memory_space<hbm>> -> memref<1024xi32, #tpu.memory_space<hbm>>
    tpu.wait_dma2 semaphore(%arg17 : memref<!tpu.dma_semaphore, #tpu.memory_space<semaphore_mem>>) src(%dma_wait3A_97 : memref<1024xi32, #tpu.memory_space<hbm>>) dst(%arg5 : memref<1024xi32, #tpu.memory_space<vmem>>)
    %dma_wait3A_98 = arith.constant 1 : i32
    %dma_wait3A_99 = arith.constant 2048 : i32
    %dma_wait3A_100 = tpu.memref_slice %arg2[%dma_wait3A_98, %add3A, %dma_wait3A_99] : memref<2x32x10000xi32, #tpu.memory_space<hbm>> -> memref<1x1x1024xi32, #tpu.memory_space<hbm>>
    %dma_wait3A_101 = tpu.memref_squeeze %dma_wait3A_100 : memref<1x1x1024xi32, #tpu.memory_space<hbm>> -> memref<1024xi32, #tpu.memory_space<hbm>>
    %dma_wait3A_102 = arith.constant 2048 : i32
    %dma_wait3A_103 = tpu.memref_slice %arg2[%dma_wait3A_98, %add3A, %dma_wait3A_102] : memref<2x32x10000xi32, #tpu.memory_space<hbm>> -> memref<1x1x1024xi32, #tpu.memory_space<hbm>>
    %dma_wait3A_104 = tpu.memref_squeeze %dma_wait3A_103 : memref<1x1x1024xi32, #tpu.memory_space<hbm>> -> memref<1024xi32, #tpu.memory_space<hbm>>
    tpu.wait_dma2 semaphore(%arg17 : memref<!tpu.dma_semaphore, #tpu.memory_space<semaphore_mem>>) src(%dma_wait3A_104 : memref<1024xi32, #tpu.memory_space<hbm>>) dst(%arg6 : memref<1024xi32, #tpu.memory_space<vmem>>)
    %dma_wait3A_105 = arith.constant 1 : i32
    %dma_wait3A_106 = arith.constant 3072 : i32
    %dma_wait3A_107 = tpu.memref_slice %arg2[%dma_wait3A_105, %add3A, %dma_wait3A_106] : memref<2x32x10000xi32, #tpu.memory_space<hbm>> -> memref<1x1x1024xi32, #tpu.memory_space<hbm>>
    %dma_wait3A_108 = tpu.memref_squeeze %dma_wait3A_107 : memref<1x1x1024xi32, #tpu.memory_space<hbm>> -> memref<1024xi32, #tpu.memory_space<hbm>>
    %dma_wait3A_109 = arith.constant 3072 : i32
    %dma_wait3A_110 = tpu.memref_slice %arg2[%dma_wait3A_105, %add3A, %dma_wait3A_109] : memref<2x32x10000xi32, #tpu.memory_space<hbm>> -> memref<1x1x1024xi32, #tpu.memory_space<hbm>>
    %dma_wait3A_111 = tpu.memref_squeeze %dma_wait3A_110 : memref<1x1x1024xi32, #tpu.memory_space<hbm>> -> memref<1024xi32, #tpu.memory_space<hbm>>
    tpu.wait_dma2 semaphore(%arg17 : memref<!tpu.dma_semaphore, #tpu.memory_space<semaphore_mem>>) src(%dma_wait3A_111 : memref<1024xi32, #tpu.memory_space<hbm>>) dst(%arg7 : memref<1024xi32, #tpu.memory_space<vmem>>)
    %dma_wait3A_112 = arith.constant 1 : i32
    %dma_wait3A_113 = arith.constant 4096 : i32
    %dma_wait3A_114 = tpu.memref_slice %arg2[%dma_wait3A_112, %add3A, %dma_wait3A_113] : memref<2x32x10000xi32, #tpu.memory_space<hbm>> -> memref<1x1x1024xi32, #tpu.memory_space<hbm>>
    %dma_wait3A_115 = tpu.memref_squeeze %dma_wait3A_114 : memref<1x1x1024xi32, #tpu.memory_space<hbm>> -> memref<1024xi32, #tpu.memory_space<hbm>>
    %dma_wait3A_116 = arith.constant 4096 : i32
    %dma_wait3A_117 = tpu.memref_slice %arg2[%dma_wait3A_112, %add3A, %dma_wait3A_116] : memref<2x32x10000xi32, #tpu.memory_space<hbm>> -> memref<1x1x1024xi32, #tpu.memory_space<hbm>>
    %dma_wait3A_118 = tpu.memref_squeeze %dma_wait3A_117 : memref<1x1x1024xi32, #tpu.memory_space<hbm>> -> memref<1024xi32, #tpu.memory_space<hbm>>
    tpu.wait_dma2 semaphore(%arg17 : memref<!tpu.dma_semaphore, #tpu.memory_space<semaphore_mem>>) src(%dma_wait3A_118 : memref<1024xi32, #tpu.memory_space<hbm>>) dst(%arg8 : memref<1024xi32, #tpu.memory_space<vmem>>)
    %dma_wait3A_119 = arith.constant 1 : i32
    %dma_wait3A_120 = arith.constant 5120 : i32
    %dma_wait3A_121 = tpu.memref_slice %arg2[%dma_wait3A_119, %add3A, %dma_wait3A_120] : memref<2x32x10000xi32, #tpu.memory_space<hbm>> -> memref<1x1x1024xi32, #tpu.memory_space<hbm>>
    %dma_wait3A_122 = tpu.memref_squeeze %dma_wait3A_121 : memref<1x1x1024xi32, #tpu.memory_space<hbm>> -> memref<1024xi32, #tpu.memory_space<hbm>>
    %dma_wait3A_123 = arith.constant 5120 : i32
    %dma_wait3A_124 = tpu.memref_slice %arg2[%dma_wait3A_119, %add3A, %dma_wait3A_123] : memref<2x32x10000xi32, #tpu.memory_space<hbm>> -> memref<1x1x1024xi32, #tpu.memory_space<hbm>>
    %dma_wait3A_125 = tpu.memref_squeeze %dma_wait3A_124 : memref<1x1x1024xi32, #tpu.memory_space<hbm>> -> memref<1024xi32, #tpu.memory_space<hbm>>
    tpu.wait_dma2 semaphore(%arg17 : memref<!tpu.dma_semaphore, #tpu.memory_space<semaphore_mem>>) src(%dma_wait3A_125 : memref<1024xi32, #tpu.memory_space<hbm>>) dst(%arg9 : memref<1024xi32, #tpu.memory_space<vmem>>)
    %dma_wait3A_126 = arith.constant 1 : i32
    %dma_wait3A_127 = arith.constant 6144 : i32
    %dma_wait3A_128 = tpu.memref_slice %arg2[%dma_wait3A_126, %add3A, %dma_wait3A_127] : memref<2x32x10000xi32, #tpu.memory_space<hbm>> -> memref<1x1x1024xi32, #tpu.memory_space<hbm>>
    %dma_wait3A_129 = tpu.memref_squeeze %dma_wait3A_128 : memref<1x1x1024xi32, #tpu.memory_space<hbm>> -> memref<1024xi32, #tpu.memory_space<hbm>>
    %dma_wait3A_130 = arith.constant 6144 : i32
    %dma_wait3A_131 = tpu.memref_slice %arg2[%dma_wait3A_126, %add3A, %dma_wait3A_130] : memref<2x32x10000xi32, #tpu.memory_space<hbm>> -> memref<1x1x1024xi32, #tpu.memory_space<hbm>>
    %dma_wait3A_132 = tpu.memref_squeeze %dma_wait3A_131 : memref<1x1x1024xi32, #tpu.memory_space<hbm>> -> memref<1024xi32, #tpu.memory_space<hbm>>
    tpu.wait_dma2 semaphore(%arg17 : memref<!tpu.dma_semaphore, #tpu.memory_space<semaphore_mem>>) src(%dma_wait3A_132 : memref<1024xi32, #tpu.memory_space<hbm>>) dst(%arg10 : memref<1024xi32, #tpu.memory_space<vmem>>)
    %dma_wait3A_133 = arith.constant 1 : i32
    %dma_wait3A_134 = arith.constant 7168 : i32
    %dma_wait3A_135 = tpu.memref_slice %arg2[%dma_wait3A_133, %add3A, %dma_wait3A_134] : memref<2x32x10000xi32, #tpu.memory_space<hbm>> -> memref<1x1x1024xi32, #tpu.memory_space<hbm>>
    %dma_wait3A_136 = tpu.memref_squeeze %dma_wait3A_135 : memref<1x1x1024xi32, #tpu.memory_space<hbm>> -> memref<1024xi32, #tpu.memory_space<hbm>>
    %dma_wait3A_137 = arith.constant 7168 : i32
    %dma_wait3A_138 = tpu.memref_slice %arg2[%dma_wait3A_133, %add3A, %dma_wait3A_137] : memref<2x32x10000xi32, #tpu.memory_space<hbm>> -> memref<1x1x1024xi32, #tpu.memory_space<hbm>>
    %dma_wait3A_139 = tpu.memref_squeeze %dma_wait3A_138 : memref<1x1x1024xi32, #tpu.memory_space<hbm>> -> memref<1024xi32, #tpu.memory_space<hbm>>
    tpu.wait_dma2 semaphore(%arg17 : memref<!tpu.dma_semaphore, #tpu.memory_space<semaphore_mem>>) src(%dma_wait3A_139 : memref<1024xi32, #tpu.memory_space<hbm>>) dst(%arg11 : memref<1024xi32, #tpu.memory_space<vmem>>)
    %dma_wait3A_140 = arith.constant 1 : i32
    %dma_wait3A_141 = arith.constant 8192 : i32
    %dma_wait3A_142 = tpu.memref_slice %arg2[%dma_wait3A_140, %add3A, %dma_wait3A_141] : memref<2x32x10000xi32, #tpu.memory_space<hbm>> -> memref<1x1x1024xi32, #tpu.memory_space<hbm>>
    %dma_wait3A_143 = tpu.memref_squeeze %dma_wait3A_142 : memref<1x1x1024xi32, #tpu.memory_space<hbm>> -> memref<1024xi32, #tpu.memory_space<hbm>>
    %dma_wait3A_144 = arith.constant 8192 : i32
    %dma_wait3A_145 = tpu.memref_slice %arg2[%dma_wait3A_140, %add3A, %dma_wait3A_144] : memref<2x32x10000xi32, #tpu.memory_space<hbm>> -> memref<1x1x1024xi32, #tpu.memory_space<hbm>>
    %dma_wait3A_146 = tpu.memref_squeeze %dma_wait3A_145 : memref<1x1x1024xi32, #tpu.memory_space<hbm>> -> memref<1024xi32, #tpu.memory_space<hbm>>
    tpu.wait_dma2 semaphore(%arg17 : memref<!tpu.dma_semaphore, #tpu.memory_space<semaphore_mem>>) src(%dma_wait3A_146 : memref<1024xi32, #tpu.memory_space<hbm>>) dst(%arg12 : memref<1024xi32, #tpu.memory_space<vmem>>)
    %dma_wait3A_147 = arith.constant 1 : i32
    %dma_wait3A_148 = arith.constant 9216 : i32
    %dma_wait3A_149 = tpu.memref_slice %arg2[%dma_wait3A_147, %add3A, %dma_wait3A_148] : memref<2x32x10000xi32, #tpu.memory_space<hbm>> -> memref<1x1x784xi32, #tpu.memory_space<hbm>>
    %dma_wait3A_150 = tpu.memref_squeeze %dma_wait3A_149 : memref<1x1x784xi32, #tpu.memory_space<hbm>> -> memref<784xi32, #tpu.memory_space<hbm>>
    %dma_wait3A_151 = arith.constant 9216 : i32
    %dma_wait3A_152 = tpu.memref_slice %arg2[%dma_wait3A_147, %add3A, %dma_wait3A_151] : memref<2x32x10000xi32, #tpu.memory_space<hbm>> -> memref<1x1x784xi32, #tpu.memory_space<hbm>>
    %dma_wait3A_153 = tpu.memref_squeeze %dma_wait3A_152 : memref<1x1x784xi32, #tpu.memory_space<hbm>> -> memref<784xi32, #tpu.memory_space<hbm>>
    tpu.wait_dma2 semaphore(%arg17 : memref<!tpu.dma_semaphore, #tpu.memory_space<semaphore_mem>>) src(%dma_wait3A_153 : memref<784xi32, #tpu.memory_space<hbm>>) dst(%arg13 : memref<784xi32, #tpu.memory_space<vmem>>)
    %barrier3A = arith.constant 0 : index
    tpu.barrier barrier_id(%barrier3A)
    %dma_start3A_154 = arith.constant 0 : i32
    %dma_start3A_155 = arith.constant 0 : i32
    %dma_start3A_156 = tpu.memref_slice %arg14[%dma_start3A_154, %dma_start3A_155] : memref<1024x16xf32, #tpu.memory_space<vmem>> -> memref<1024x16xf32, #tpu.memory_space<vmem>>
    %dma_start3A_157 = arith.constant 0 : i32
    %dma_start3A_158 = arith.constant 0 : i32
    %dma_start3A_159 = tpu.memref_slice %arg16[%dma_start3A_157, %dma_start3A_158] : memref<10240x16xf32, #tpu.memory_space<vmem_shared>> -> memref<10240x16xf32, #tpu.memory_space<vmem_shared>>
    tpu.enqueue_indirect_dma source(%dma_start3A_156 : memref<1024x16xf32, #tpu.memory_space<vmem>>) target(%dma_start3A_159 : memref<10240x16xf32, #tpu.memory_space<vmem_shared>>) offsets(%arg4 : memref<1024xi32, #tpu.memory_space<vmem>>) semaphore(%arg17 : memref<!tpu.dma_semaphore, #tpu.memory_space<semaphore_mem>>) {add = true}
    %dma_start3A_160 = arith.constant 0 : i32
    %dma_start3A_161 = arith.constant 0 : i32
    %dma_start3A_162 = tpu.memref_slice %arg14[%dma_start3A_160, %dma_start3A_161] : memref<1024x16xf32, #tpu.memory_space<vmem>> -> memref<1024x16xf32, #tpu.memory_space<vmem>>
    %dma_start3A_163 = arith.constant 0 : i32
    %dma_start3A_164 = arith.constant 0 : i32
    %dma_start3A_165 = tpu.memref_slice %arg16[%dma_start3A_163, %dma_start3A_164] : memref<10240x16xf32, #tpu.memory_space<vmem_shared>> -> memref<10240x16xf32, #tpu.memory_space<vmem_shared>>
    tpu.enqueue_indirect_dma source(%dma_start3A_162 : memref<1024x16xf32, #tpu.memory_space<vmem>>) target(%dma_start3A_165 : memref<10240x16xf32, #tpu.memory_space<vmem_shared>>) offsets(%arg5 : memref<1024xi32, #tpu.memory_space<vmem>>) semaphore(%arg17 : memref<!tpu.dma_semaphore, #tpu.memory_space<semaphore_mem>>) {add = true}
    %dma_start3A_166 = arith.constant 0 : i32
    %dma_start3A_167 = arith.constant 0 : i32
    %dma_start3A_168 = tpu.memref_slice %arg14[%dma_start3A_166, %dma_start3A_167] : memref<1024x16xf32, #tpu.memory_space<vmem>> -> memref<1024x16xf32, #tpu.memory_space<vmem>>
    %dma_start3A_169 = arith.constant 0 : i32
    %dma_start3A_170 = arith.constant 0 : i32
    %dma_start3A_171 = tpu.memref_slice %arg16[%dma_start3A_169, %dma_start3A_170] : memref<10240x16xf32, #tpu.memory_space<vmem_shared>> -> memref<10240x16xf32, #tpu.memory_space<vmem_shared>>
    tpu.enqueue_indirect_dma source(%dma_start3A_168 : memref<1024x16xf32, #tpu.memory_space<vmem>>) target(%dma_start3A_171 : memref<10240x16xf32, #tpu.memory_space<vmem_shared>>) offsets(%arg6 : memref<1024xi32, #tpu.memory_space<vmem>>) semaphore(%arg17 : memref<!tpu.dma_semaphore, #tpu.memory_space<semaphore_mem>>) {add = true}
    %dma_start3A_172 = arith.constant 0 : i32
    %dma_start3A_173 = arith.constant 0 : i32
    %dma_start3A_174 = tpu.memref_slice %arg14[%dma_start3A_172, %dma_start3A_173] : memref<1024x16xf32, #tpu.memory_space<vmem>> -> memref<1024x16xf32, #tpu.memory_space<vmem>>
    %dma_start3A_175 = arith.constant 0 : i32
    %dma_start3A_176 = arith.constant 0 : i32
    %dma_start3A_177 = tpu.memref_slice %arg16[%dma_start3A_175, %dma_start3A_176] : memref<10240x16xf32, #tpu.memory_space<vmem_shared>> -> memref<10240x16xf32, #tpu.memory_space<vmem_shared>>
    tpu.enqueue_indirect_dma source(%dma_start3A_174 : memref<1024x16xf32, #tpu.memory_space<vmem>>) target(%dma_start3A_177 : memref<10240x16xf32, #tpu.memory_space<vmem_shared>>) offsets(%arg7 : memref<1024xi32, #tpu.memory_space<vmem>>) semaphore(%arg17 : memref<!tpu.dma_semaphore, #tpu.memory_space<semaphore_mem>>) {add = true}
    %dma_start3A_178 = arith.constant 0 : i32
    %dma_start3A_179 = arith.constant 0 : i32
    %dma_start3A_180 = tpu.memref_slice %arg14[%dma_start3A_178, %dma_start3A_179] : memref<1024x16xf32, #tpu.memory_space<vmem>> -> memref<1024x16xf32, #tpu.memory_space<vmem>>
    %dma_start3A_181 = arith.constant 0 : i32
    %dma_start3A_182 = arith.constant 0 : i32
    %dma_start3A_183 = tpu.memref_slice %arg16[%dma_start3A_181, %dma_start3A_182] : memref<10240x16xf32, #tpu.memory_space<vmem_shared>> -> memref<10240x16xf32, #tpu.memory_space<vmem_shared>>
    tpu.enqueue_indirect_dma source(%dma_start3A_180 : memref<1024x16xf32, #tpu.memory_space<vmem>>) target(%dma_start3A_183 : memref<10240x16xf32, #tpu.memory_space<vmem_shared>>) offsets(%arg8 : memref<1024xi32, #tpu.memory_space<vmem>>) semaphore(%arg17 : memref<!tpu.dma_semaphore, #tpu.memory_space<semaphore_mem>>) {add = true}
    %dma_start3A_184 = arith.constant 0 : i32
    %dma_start3A_185 = arith.constant 0 : i32
    %dma_start3A_186 = tpu.memref_slice %arg14[%dma_start3A_184, %dma_start3A_185] : memref<1024x16xf32, #tpu.memory_space<vmem>> -> memref<1024x16xf32, #tpu.memory_space<vmem>>
    %dma_start3A_187 = arith.constant 0 : i32
    %dma_start3A_188 = arith.constant 0 : i32
    %dma_start3A_189 = tpu.memref_slice %arg16[%dma_start3A_187, %dma_start3A_188] : memref<10240x16xf32, #tpu.memory_space<vmem_shared>> -> memref<10240x16xf32, #tpu.memory_space<vmem_shared>>
    tpu.enqueue_indirect_dma source(%dma_start3A_186 : memref<1024x16xf32, #tpu.memory_space<vmem>>) target(%dma_start3A_189 : memref<10240x16xf32, #tpu.memory_space<vmem_shared>>) offsets(%arg9 : memref<1024xi32, #tpu.memory_space<vmem>>) semaphore(%arg17 : memref<!tpu.dma_semaphore, #tpu.memory_space<semaphore_mem>>) {add = true}
    %dma_start3A_190 = arith.constant 0 : i32
    %dma_start3A_191 = arith.constant 0 : i32
    %dma_start3A_192 = tpu.memref_slice %arg14[%dma_start3A_190, %dma_start3A_191] : memref<1024x16xf32, #tpu.memory_space<vmem>> -> memref<1024x16xf32, #tpu.memory_space<vmem>>
    %dma_start3A_193 = arith.constant 0 : i32
    %dma_start3A_194 = arith.constant 0 : i32
    %dma_start3A_195 = tpu.memref_slice %arg16[%dma_start3A_193, %dma_start3A_194] : memref<10240x16xf32, #tpu.memory_space<vmem_shared>> -> memref<10240x16xf32, #tpu.memory_space<vmem_shared>>
    tpu.enqueue_indirect_dma source(%dma_start3A_192 : memref<1024x16xf32, #tpu.memory_space<vmem>>) target(%dma_start3A_195 : memref<10240x16xf32, #tpu.memory_space<vmem_shared>>) offsets(%arg10 : memref<1024xi32, #tpu.memory_space<vmem>>) semaphore(%arg17 : memref<!tpu.dma_semaphore, #tpu.memory_space<semaphore_mem>>) {add = true}
    %dma_start3A_196 = arith.constant 0 : i32
    %dma_start3A_197 = arith.constant 0 : i32
    %dma_start3A_198 = tpu.memref_slice %arg14[%dma_start3A_196, %dma_start3A_197] : memref<1024x16xf32, #tpu.memory_space<vmem>> -> memref<1024x16xf32, #tpu.memory_space<vmem>>
    %dma_start3A_199 = arith.constant 0 : i32
    %dma_start3A_200 = arith.constant 0 : i32
    %dma_start3A_201 = tpu.memref_slice %arg16[%dma_start3A_199, %dma_start3A_200] : memref<10240x16xf32, #tpu.memory_space<vmem_shared>> -> memref<10240x16xf32, #tpu.memory_space<vmem_shared>>
    tpu.enqueue_indirect_dma source(%dma_start3A_198 : memref<1024x16xf32, #tpu.memory_space<vmem>>) target(%dma_start3A_201 : memref<10240x16xf32, #tpu.memory_space<vmem_shared>>) offsets(%arg11 : memref<1024xi32, #tpu.memory_space<vmem>>) semaphore(%arg17 : memref<!tpu.dma_semaphore, #tpu.memory_space<semaphore_mem>>) {add = true}
    %dma_start3A_202 = arith.constant 0 : i32
    %dma_start3A_203 = arith.constant 0 : i32
    %dma_start3A_204 = tpu.memref_slice %arg14[%dma_start3A_202, %dma_start3A_203] : memref<1024x16xf32, #tpu.memory_space<vmem>> -> memref<1024x16xf32, #tpu.memory_space<vmem>>
    %dma_start3A_205 = arith.constant 0 : i32
    %dma_start3A_206 = arith.constant 0 : i32
    %dma_start3A_207 = tpu.memref_slice %arg16[%dma_start3A_205, %dma_start3A_206] : memref<10240x16xf32, #tpu.memory_space<vmem_shared>> -> memref<10240x16xf32, #tpu.memory_space<vmem_shared>>
    tpu.enqueue_indirect_dma source(%dma_start3A_204 : memref<1024x16xf32, #tpu.memory_space<vmem>>) target(%dma_start3A_207 : memref<10240x16xf32, #tpu.memory_space<vmem_shared>>) offsets(%arg12 : memref<1024xi32, #tpu.memory_space<vmem>>) semaphore(%arg17 : memref<!tpu.dma_semaphore, #tpu.memory_space<semaphore_mem>>) {add = true}
    %dma_start3A_208 = arith.constant 0 : i32
    %dma_start3A_209 = arith.constant 0 : i32
    %dma_start3A_210 = tpu.memref_slice %arg14[%dma_start3A_208, %dma_start3A_209] : memref<1024x16xf32, #tpu.memory_space<vmem>> -> memref<784x16xf32, #tpu.memory_space<vmem>>
    %dma_start3A_211 = arith.constant 0 : i32
    %dma_start3A_212 = arith.constant 0 : i32
    %dma_start3A_213 = tpu.memref_slice %arg16[%dma_start3A_211, %dma_start3A_212] : memref<10240x16xf32, #tpu.memory_space<vmem_shared>> -> memref<10240x16xf32, #tpu.memory_space<vmem_shared>>
    tpu.enqueue_indirect_dma source(%dma_start3A_210 : memref<784x16xf32, #tpu.memory_space<vmem>>) target(%dma_start3A_213 : memref<10240x16xf32, #tpu.memory_space<vmem_shared>>) offsets(%arg13 : memref<784xi32, #tpu.memory_space<vmem>>) semaphore(%arg17 : memref<!tpu.dma_semaphore, #tpu.memory_space<semaphore_mem>>) {add = true}
    %dma_wait3A_214 = arith.constant 0 : i32
    %dma_wait3A_215 = arith.constant 0 : i32
    %dma_wait3A_216 = tpu.memref_slice %arg14[%dma_wait3A_214, %dma_wait3A_215] : memref<1024x16xf32, #tpu.memory_space<vmem>> -> memref<1024x16xf32, #tpu.memory_space<vmem>>
    %dma_wait3A_217 = arith.constant 0 : i32
    %dma_wait3A_218 = arith.constant 0 : i32
    %dma_wait3A_219 = tpu.memref_slice %arg16[%dma_wait3A_217, %dma_wait3A_218] : memref<10240x16xf32, #tpu.memory_space<vmem_shared>> -> memref<10240x16xf32, #tpu.memory_space<vmem_shared>>
    tpu.wait_indirect_dma semaphore(%arg17 : memref<!tpu.dma_semaphore, #tpu.memory_space<semaphore_mem>>) src(%dma_wait3A_216 : memref<1024x16xf32, #tpu.memory_space<vmem>>) dst(%dma_wait3A_219 : memref<10240x16xf32, #tpu.memory_space<vmem_shared>>)
    %dma_wait3A_220 = arith.constant 0 : i32
    %dma_wait3A_221 = arith.constant 0 : i32
    %dma_wait3A_222 = tpu.memref_slice %arg14[%dma_wait3A_220, %dma_wait3A_221] : memref<1024x16xf32, #tpu.memory_space<vmem>> -> memref<1024x16xf32, #tpu.memory_space<vmem>>
    %dma_wait3A_223 = arith.constant 0 : i32
    %dma_wait3A_224 = arith.constant 0 : i32
    %dma_wait3A_225 = tpu.memref_slice %arg16[%dma_wait3A_223, %dma_wait3A_224] : memref<10240x16xf32, #tpu.memory_space<vmem_shared>> -> memref<10240x16xf32, #tpu.memory_space<vmem_shared>>
    tpu.wait_indirect_dma semaphore(%arg17 : memref<!tpu.dma_semaphore, #tpu.memory_space<semaphore_mem>>) src(%dma_wait3A_222 : memref<1024x16xf32, #tpu.memory_space<vmem>>) dst(%dma_wait3A_225 : memref<10240x16xf32, #tpu.memory_space<vmem_shared>>)
    %dma_wait3A_226 = arith.constant 0 : i32
    %dma_wait3A_227 = arith.constant 0 : i32
    %dma_wait3A_228 = tpu.memref_slice %arg14[%dma_wait3A_226, %dma_wait3A_227] : memref<1024x16xf32, #tpu.memory_space<vmem>> -> memref<1024x16xf32, #tpu.memory_space<vmem>>
    %dma_wait3A_229 = arith.constant 0 : i32
    %dma_wait3A_230 = arith.constant 0 : i32
    %dma_wait3A_231 = tpu.memref_slice %arg16[%dma_wait3A_229, %dma_wait3A_230] : memref<10240x16xf32, #tpu.memory_space<vmem_shared>> -> memref<10240x16xf32, #tpu.memory_space<vmem_shared>>
    tpu.wait_indirect_dma semaphore(%arg17 : memref<!tpu.dma_semaphore, #tpu.memory_space<semaphore_mem>>) src(%dma_wait3A_228 : memref<1024x16xf32, #tpu.memory_space<vmem>>) dst(%dma_wait3A_231 : memref<10240x16xf32, #tpu.memory_space<vmem_shared>>)
    %dma_wait3A_232 = arith.constant 0 : i32
    %dma_wait3A_233 = arith.constant 0 : i32
    %dma_wait3A_234 = tpu.memref_slice %arg14[%dma_wait3A_232, %dma_wait3A_233] : memref<1024x16xf32, #tpu.memory_space<vmem>> -> memref<1024x16xf32, #tpu.memory_space<vmem>>
    %dma_wait3A_235 = arith.constant 0 : i32
    %dma_wait3A_236 = arith.constant 0 : i32
    %dma_wait3A_237 = tpu.memref_slice %arg16[%dma_wait3A_235, %dma_wait3A_236] : memref<10240x16xf32, #tpu.memory_space<vmem_shared>> -> memref<10240x16xf32, #tpu.memory_space<vmem_shared>>
    tpu.wait_indirect_dma semaphore(%arg17 : memref<!tpu.dma_semaphore, #tpu.memory_space<semaphore_mem>>) src(%dma_wait3A_234 : memref<1024x16xf32, #tpu.memory_space<vmem>>) dst(%dma_wait3A_237 : memref<10240x16xf32, #tpu.memory_space<vmem_shared>>)
    %dma_wait3A_238 = arith.constant 0 : i32
    %dma_wait3A_239 = arith.constant 0 : i32
    %dma_wait3A_240 = tpu.memref_slice %arg14[%dma_wait3A_238, %dma_wait3A_239] : memref<1024x16xf32, #tpu.memory_space<vmem>> -> memref<1024x16xf32, #tpu.memory_space<vmem>>
    %dma_wait3A_241 = arith.constant 0 : i32
    %dma_wait3A_242 = arith.constant 0 : i32
    %dma_wait3A_243 = tpu.memref_slice %arg16[%dma_wait3A_241, %dma_wait3A_242] : memref<10240x16xf32, #tpu.memory_space<vmem_shared>> -> memref<10240x16xf32, #tpu.memory_space<vmem_shared>>
    tpu.wait_indirect_dma semaphore(%arg17 : memref<!tpu.dma_semaphore, #tpu.memory_space<semaphore_mem>>) src(%dma_wait3A_240 : memref<1024x16xf32, #tpu.memory_space<vmem>>) dst(%dma_wait3A_243 : memref<10240x16xf32, #tpu.memory_space<vmem_shared>>)
    %dma_wait3A_244 = arith.constant 0 : i32
    %dma_wait3A_245 = arith.constant 0 : i32
    %dma_wait3A_246 = tpu.memref_slice %arg14[%dma_wait3A_244, %dma_wait3A_245] : memref<1024x16xf32, #tpu.memory_space<vmem>> -> memref<1024x16xf32, #tpu.memory_space<vmem>>
    %dma_wait3A_247 = arith.constant 0 : i32
    %dma_wait3A_248 = arith.constant 0 : i32
    %dma_wait3A_249 = tpu.memref_slice %arg16[%dma_wait3A_247, %dma_wait3A_248] : memref<10240x16xf32, #tpu.memory_space<vmem_shared>> -> memref<10240x16xf32, #tpu.memory_space<vmem_shared>>
    tpu.wait_indirect_dma semaphore(%arg17 : memref<!tpu.dma_semaphore, #tpu.memory_space<semaphore_mem>>) src(%dma_wait3A_246 : memref<1024x16xf32, #tpu.memory_space<vmem>>) dst(%dma_wait3A_249 : memref<10240x16xf32, #tpu.memory_space<vmem_shared>>)
    %dma_wait3A_250 = arith.constant 0 : i32
    %dma_wait3A_251 = arith.constant 0 : i32
    %dma_wait3A_252 = tpu.memref_slice %arg14[%dma_wait3A_250, %dma_wait3A_251] : memref<1024x16xf32, #tpu.memory_space<vmem>> -> memref<1024x16xf32, #tpu.memory_space<vmem>>
    %dma_wait3A_253 = arith.constant 0 : i32
    %dma_wait3A_254 = arith.constant 0 : i32
    %dma_wait3A_255 = tpu.memref_slice %arg16[%dma_wait3A_253, %dma_wait3A_254] : memref<10240x16xf32, #tpu.memory_space<vmem_shared>> -> memref<10240x16xf32, #tpu.memory_space<vmem_shared>>
    tpu.wait_indirect_dma semaphore(%arg17 : memref<!tpu.dma_semaphore, #tpu.memory_space<semaphore_mem>>) src(%dma_wait3A_252 : memref<1024x16xf32, #tpu.memory_space<vmem>>) dst(%dma_wait3A_255 : memref<10240x16xf32, #tpu.memory_space<vmem_shared>>)
    %dma_wait3A_256 = arith.constant 0 : i32
    %dma_wait3A_257 = arith.constant 0 : i32
    %dma_wait3A_258 = tpu.memref_slice %arg14[%dma_wait3A_256, %dma_wait3A_257] : memref<1024x16xf32, #tpu.memory_space<vmem>> -> memref<1024x16xf32, #tpu.memory_space<vmem>>
    %dma_wait3A_259 = arith.constant 0 : i32
    %dma_wait3A_260 = arith.constant 0 : i32
    %dma_wait3A_261 = tpu.memref_slice %arg16[%dma_wait3A_259, %dma_wait3A_260] : memref<10240x16xf32, #tpu.memory_space<vmem_shared>> -> memref<10240x16xf32, #tpu.memory_space<vmem_shared>>
    tpu.wait_indirect_dma semaphore(%arg17 : memref<!tpu.dma_semaphore, #tpu.memory_space<semaphore_mem>>) src(%dma_wait3A_258 : memref<1024x16xf32, #tpu.memory_space<vmem>>) dst(%dma_wait3A_261 : memref<10240x16xf32, #tpu.memory_space<vmem_shared>>)
    %dma_wait3A_262 = arith.constant 0 : i32
    %dma_wait3A_263 = arith.constant 0 : i32
    %dma_wait3A_264 = tpu.memref_slice %arg14[%dma_wait3A_262, %dma_wait3A_263] : memref<1024x16xf32, #tpu.memory_space<vmem>> -> memref<1024x16xf32, #tpu.memory_space<vmem>>
    %dma_wait3A_265 = arith.constant 0 : i32
    %dma_wait3A_266 = arith.constant 0 : i32
    %dma_wait3A_267 = tpu.memref_slice %arg16[%dma_wait3A_265, %dma_wait3A_266] : memref<10240x16xf32, #tpu.memory_space<vmem_shared>> -> memref<10240x16xf32, #tpu.memory_space<vmem_shared>>
    tpu.wait_indirect_dma semaphore(%arg17 : memref<!tpu.dma_semaphore, #tpu.memory_space<semaphore_mem>>) src(%dma_wait3A_264 : memref<1024x16xf32, #tpu.memory_space<vmem>>) dst(%dma_wait3A_267 : memref<10240x16xf32, #tpu.memory_space<vmem_shared>>)
    %dma_wait3A_268 = arith.constant 0 : i32
    %dma_wait3A_269 = arith.constant 0 : i32
    %dma_wait3A_270 = tpu.memref_slice %arg14[%dma_wait3A_268, %dma_wait3A_269] : memref<1024x16xf32, #tpu.memory_space<vmem>> -> memref<784x16xf32, #tpu.memory_space<vmem>>
    %dma_wait3A_271 = arith.constant 0 : i32
    %dma_wait3A_272 = arith.constant 0 : i32
    %dma_wait3A_273 = tpu.memref_slice %arg16[%dma_wait3A_271, %dma_wait3A_272] : memref<10240x16xf32, #tpu.memory_space<vmem_shared>> -> memref<10240x16xf32, #tpu.memory_space<vmem_shared>>
    tpu.wait_indirect_dma semaphore(%arg17 : memref<!tpu.dma_semaphore, #tpu.memory_space<semaphore_mem>>) src(%dma_wait3A_270 : memref<784x16xf32, #tpu.memory_space<vmem>>) dst(%dma_wait3A_273 : memref<10240x16xf32, #tpu.memory_space<vmem_shared>>)
    %barrier3A_274 = arith.constant 0 : index
    tpu.barrier barrier_id(%barrier3A_274)
    %mul3A_275 = arith.constant 640 : i32
    %mul3A_276 = arith.muli %arg1, %mul3A_275 : i32
    %mul3A_277 = arith.constant 640 : i32
    %mul3A_278 = arith.muli %arg1, %mul3A_277 : i32
    "tpu.region"() ({
      %run_scoped3A = tpu.sem_alloc : memref<!tpu.dma_semaphore, #tpu.memory_space<semaphore_mem>>
      %dma_start3A_279 = arith.constant 0 : i32
      %dma_start3A_280 = tpu.memref_slice %arg3[%arg0, %mul3A_278, %dma_start3A_279] : memref<2x10240x16xf32, #tpu.memory_space<hbm>> -> memref<1x640x16xf32, #tpu.memory_space<hbm>>
      %dma_start3A_281 = tpu.memref_squeeze %dma_start3A_280 : memref<1x640x16xf32, #tpu.memory_space<hbm>> -> memref<640x16xf32, #tpu.memory_space<hbm>>
      %dma_start3A_282 = arith.constant 0 : i32
      %dma_start3A_283 = tpu.memref_slice %arg16[%mul3A_276, %dma_start3A_282] : memref<10240x16xf32, #tpu.memory_space<vmem_shared>> -> memref<640x16xf32, #tpu.memory_space<vmem_shared>>
      tpu.enqueue_dma source(%dma_start3A_283 : memref<640x16xf32, #tpu.memory_space<vmem_shared>>) target(%dma_start3A_281 : memref<640x16xf32, #tpu.memory_space<hbm>>) target_semaphore(%run_scoped3A : memref<!tpu.dma_semaphore, #tpu.memory_space<semaphore_mem>>)
      %dma_wait3A_284 = arith.constant 0 : i32
      %dma_wait3A_285 = tpu.memref_slice %arg3[%arg0, %mul3A_278, %dma_wait3A_284] : memref<2x10240x16xf32, #tpu.memory_space<hbm>> -> memref<1x640x16xf32, #tpu.memory_space<hbm>>
      %dma_wait3A_286 = tpu.memref_squeeze %dma_wait3A_285 : memref<1x640x16xf32, #tpu.memory_space<hbm>> -> memref<640x16xf32, #tpu.memory_space<hbm>>
      %dma_wait3A_287 = arith.constant 0 : i32
      %dma_wait3A_288 = tpu.memref_slice %arg16[%mul3A_276, %dma_wait3A_287] : memref<10240x16xf32, #tpu.memory_space<vmem_shared>> -> memref<640x16xf32, #tpu.memory_space<vmem_shared>>
      tpu.wait_dma2 semaphore(%run_scoped3A : memref<!tpu.dma_semaphore, #tpu.memory_space<semaphore_mem>>) src(%dma_wait3A_288 : memref<640x16xf32, #tpu.memory_space<vmem_shared>>) dst(%dma_wait3A_286 : memref<640x16xf32, #tpu.memory_space<hbm>>)
      tpu.yield
    }) : () -> ()
    return
  }
}

#map = affine_map<(d0, d1) -> (0, 0)>
#map1 = affine_map<(d0, d1) -> (0, 0, 0)>
module attributes {stable_mosaic.version = 14 : i64} {
  func.func @agg_kernel(%arg0: i32, %arg1: i32, %arg2: memref<10240x8xf32, #tpu.memory_space<hbm>>, %arg3: memref<2x32x10000xi32, #tpu.memory_space<hbm>>, %arg4: memref<640x8xf32, #tpu.memory_space<hbm>>, %arg5: memref<2x10240x8xf32, #tpu.memory_space<hbm>>, %arg6: memref<1024xi32, #tpu.memory_space<vmem>>, %arg7: memref<1024xi32, #tpu.memory_space<vmem>>, %arg8: memref<1024xi32, #tpu.memory_space<vmem>>, %arg9: memref<1024xi32, #tpu.memory_space<vmem>>, %arg10: memref<1024xi32, #tpu.memory_space<vmem>>, %arg11: memref<1024xi32, #tpu.memory_space<vmem>>, %arg12: memref<1024xi32, #tpu.memory_space<vmem>>, %arg13: memref<1024xi32, #tpu.memory_space<vmem>>, %arg14: memref<1024xi32, #tpu.memory_space<vmem>>, %arg15: memref<784xi32, #tpu.memory_space<vmem>>, %arg16: memref<1024xi32, #tpu.memory_space<vmem>>, %arg17: memref<1024xi32, #tpu.memory_space<vmem>>, %arg18: memref<1024xi32, #tpu.memory_space<vmem>>, %arg19: memref<1024xi32, #tpu.memory_space<vmem>>, %arg20: memref<1024xi32, #tpu.memory_space<vmem>>, %arg21: memref<1024xi32, #tpu.memory_space<vmem>>, %arg22: memref<1024xi32, #tpu.memory_space<vmem>>, %arg23: memref<1024xi32, #tpu.memory_space<vmem>>, %arg24: memref<1024xi32, #tpu.memory_space<vmem>>, %arg25: memref<784xi32, #tpu.memory_space<vmem>>, %arg26: memref<1024x8xf32, #tpu.memory_space<vmem>>, %arg27: memref<1024x8xf32, #tpu.memory_space<vmem>>, %arg28: memref<10240x8xf32, #tpu.memory_space<vmem_shared>>, %arg29: memref<10240x8xf32, #tpu.memory_space<vmem_shared>>, %arg30: memref<!tpu.dma_semaphore, #tpu.memory_space<semaphore_mem>>, %arg31: memref<!tpu.dma_semaphore, #tpu.memory_space<semaphore_mem>>, %arg32: memref<!tpu.dma_semaphore, #tpu.memory_space<semaphore_mem>>, %arg33: memref<!tpu.dma_semaphore, #tpu.memory_space<semaphore_mem>>, %arg34: memref<!tpu.dma_semaphore, #tpu.memory_space<semaphore_mem>>) attributes {dimension_semantics = [#tpu.dimension_semantics<core_parallel>, #tpu.dimension_semantics<subcore_parallel>], iteration_bounds = array<i64: 2, 16>, scalar_prefetch = 0 : i64, scratch_operands = 29 : i64, tpu.core_type = #tpu.core_type<sc_vector_subcore>, window_params = [{transform_indices = #map}, {transform_indices = #map1}, {transform_indices = #map}, {transform_indices = #map1}]} {
    %mul3A = arith.constant 16 : i32
    %mul3A_0 = arith.muli %arg0, %mul3A : i32
    %add3A = arith.addi %mul3A_0, %arg1 : i32
    %mul3A_1 = arith.constant 640 : i32
    %mul3A_2 = arith.muli %arg1, %mul3A_1 : i32
    "tpu.region"() ({
      %run_scoped3A = tpu.sem_alloc : memref<!tpu.dma_semaphore, #tpu.memory_space<semaphore_mem>>
      %dma_start3A_434 = arith.constant 0 : i32
      %dma_start3A_435 = tpu.memref_slice %arg28[%mul3A_2, %dma_start3A_434] : memref<10240x8xf32, #tpu.memory_space<vmem_shared>> -> memref<640x8xf32, #tpu.memory_space<vmem_shared>>
      tpu.enqueue_dma source(%arg4 : memref<640x8xf32, #tpu.memory_space<hbm>>) target(%dma_start3A_435 : memref<640x8xf32, #tpu.memory_space<vmem_shared>>) target_semaphore(%run_scoped3A : memref<!tpu.dma_semaphore, #tpu.memory_space<semaphore_mem>>)
      %dma_wait3A_436 = arith.constant 0 : i32
      %dma_wait3A_437 = tpu.memref_slice %arg28[%mul3A_2, %dma_wait3A_436] : memref<10240x8xf32, #tpu.memory_space<vmem_shared>> -> memref<640x8xf32, #tpu.memory_space<vmem_shared>>
      tpu.wait_dma2 semaphore(%run_scoped3A : memref<!tpu.dma_semaphore, #tpu.memory_space<semaphore_mem>>) src(%arg4 : memref<640x8xf32, #tpu.memory_space<hbm>>) dst(%dma_wait3A_437 : memref<640x8xf32, #tpu.memory_space<vmem_shared>>)
      tpu.yield
    }) : () -> ()
    %mul3A_3 = arith.constant 640 : i32
    %mul3A_4 = arith.muli %arg1, %mul3A_3 : i32
    %mul3A_5 = arith.constant 640 : i32
    %mul3A_6 = arith.muli %arg1, %mul3A_5 : i32
    %dma_start3A = arith.constant 0 : i32
    %dma_start3A_7 = tpu.memref_slice %arg29[%mul3A_6, %dma_start3A] : memref<10240x8xf32, #tpu.memory_space<vmem_shared>> -> memref<640x8xf32, #tpu.memory_space<vmem_shared>>
    %dma_start3A_8 = arith.constant 0 : i32
    %dma_start3A_9 = tpu.memref_slice %arg2[%mul3A_4, %dma_start3A_8] : memref<10240x8xf32, #tpu.memory_space<hbm>> -> memref<640x8xf32, #tpu.memory_space<hbm>>
    tpu.enqueue_dma source(%dma_start3A_9 : memref<640x8xf32, #tpu.memory_space<hbm>>) target(%dma_start3A_7 : memref<640x8xf32, #tpu.memory_space<vmem_shared>>) target_semaphore(%arg34 : memref<!tpu.dma_semaphore, #tpu.memory_space<semaphore_mem>>)
    %dma_start3A_10 = arith.constant 0 : i32
    %dma_start3A_11 = arith.constant 0 : i32
    %dma_start3A_12 = tpu.memref_slice %arg3[%dma_start3A_10, %add3A, %dma_start3A_11] : memref<2x32x10000xi32, #tpu.memory_space<hbm>> -> memref<1x1x1024xi32, #tpu.memory_space<hbm>>
    %dma_start3A_13 = tpu.memref_squeeze %dma_start3A_12 : memref<1x1x1024xi32, #tpu.memory_space<hbm>> -> memref<1024xi32, #tpu.memory_space<hbm>>
    %dma_start3A_14 = arith.constant 0 : i32
    %dma_start3A_15 = tpu.memref_slice %arg3[%dma_start3A_10, %add3A, %dma_start3A_14] : memref<2x32x10000xi32, #tpu.memory_space<hbm>> -> memref<1x1x1024xi32, #tpu.memory_space<hbm>>
    %dma_start3A_16 = tpu.memref_squeeze %dma_start3A_15 : memref<1x1x1024xi32, #tpu.memory_space<hbm>> -> memref<1024xi32, #tpu.memory_space<hbm>>
    tpu.enqueue_dma source(%dma_start3A_16 : memref<1024xi32, #tpu.memory_space<hbm>>) target(%arg6 : memref<1024xi32, #tpu.memory_space<vmem>>) target_semaphore(%arg34 : memref<!tpu.dma_semaphore, #tpu.memory_space<semaphore_mem>>)
    %dma_start3A_17 = arith.constant 1 : i32
    %dma_start3A_18 = arith.constant 0 : i32
    %dma_start3A_19 = tpu.memref_slice %arg3[%dma_start3A_17, %add3A, %dma_start3A_18] : memref<2x32x10000xi32, #tpu.memory_space<hbm>> -> memref<1x1x1024xi32, #tpu.memory_space<hbm>>
    %dma_start3A_20 = tpu.memref_squeeze %dma_start3A_19 : memref<1x1x1024xi32, #tpu.memory_space<hbm>> -> memref<1024xi32, #tpu.memory_space<hbm>>
    %dma_start3A_21 = arith.constant 0 : i32
    %dma_start3A_22 = tpu.memref_slice %arg3[%dma_start3A_17, %add3A, %dma_start3A_21] : memref<2x32x10000xi32, #tpu.memory_space<hbm>> -> memref<1x1x1024xi32, #tpu.memory_space<hbm>>
    %dma_start3A_23 = tpu.memref_squeeze %dma_start3A_22 : memref<1x1x1024xi32, #tpu.memory_space<hbm>> -> memref<1024xi32, #tpu.memory_space<hbm>>
    tpu.enqueue_dma source(%dma_start3A_23 : memref<1024xi32, #tpu.memory_space<hbm>>) target(%arg16 : memref<1024xi32, #tpu.memory_space<vmem>>) target_semaphore(%arg34 : memref<!tpu.dma_semaphore, #tpu.memory_space<semaphore_mem>>)
    %dma_start3A_24 = arith.constant 0 : i32
    %dma_start3A_25 = arith.constant 1024 : i32
    %dma_start3A_26 = tpu.memref_slice %arg3[%dma_start3A_24, %add3A, %dma_start3A_25] : memref<2x32x10000xi32, #tpu.memory_space<hbm>> -> memref<1x1x1024xi32, #tpu.memory_space<hbm>>
    %dma_start3A_27 = tpu.memref_squeeze %dma_start3A_26 : memref<1x1x1024xi32, #tpu.memory_space<hbm>> -> memref<1024xi32, #tpu.memory_space<hbm>>
    %dma_start3A_28 = arith.constant 1024 : i32
    %dma_start3A_29 = tpu.memref_slice %arg3[%dma_start3A_24, %add3A, %dma_start3A_28] : memref<2x32x10000xi32, #tpu.memory_space<hbm>> -> memref<1x1x1024xi32, #tpu.memory_space<hbm>>
    %dma_start3A_30 = tpu.memref_squeeze %dma_start3A_29 : memref<1x1x1024xi32, #tpu.memory_space<hbm>> -> memref<1024xi32, #tpu.memory_space<hbm>>
    tpu.enqueue_dma source(%dma_start3A_30 : memref<1024xi32, #tpu.memory_space<hbm>>) target(%arg7 : memref<1024xi32, #tpu.memory_space<vmem>>) target_semaphore(%arg34 : memref<!tpu.dma_semaphore, #tpu.memory_space<semaphore_mem>>)
    %dma_start3A_31 = arith.constant 1 : i32
    %dma_start3A_32 = arith.constant 1024 : i32
    %dma_start3A_33 = tpu.memref_slice %arg3[%dma_start3A_31, %add3A, %dma_start3A_32] : memref<2x32x10000xi32, #tpu.memory_space<hbm>> -> memref<1x1x1024xi32, #tpu.memory_space<hbm>>
    %dma_start3A_34 = tpu.memref_squeeze %dma_start3A_33 : memref<1x1x1024xi32, #tpu.memory_space<hbm>> -> memref<1024xi32, #tpu.memory_space<hbm>>
    %dma_start3A_35 = arith.constant 1024 : i32
    %dma_start3A_36 = tpu.memref_slice %arg3[%dma_start3A_31, %add3A, %dma_start3A_35] : memref<2x32x10000xi32, #tpu.memory_space<hbm>> -> memref<1x1x1024xi32, #tpu.memory_space<hbm>>
    %dma_start3A_37 = tpu.memref_squeeze %dma_start3A_36 : memref<1x1x1024xi32, #tpu.memory_space<hbm>> -> memref<1024xi32, #tpu.memory_space<hbm>>
    tpu.enqueue_dma source(%dma_start3A_37 : memref<1024xi32, #tpu.memory_space<hbm>>) target(%arg17 : memref<1024xi32, #tpu.memory_space<vmem>>) target_semaphore(%arg34 : memref<!tpu.dma_semaphore, #tpu.memory_space<semaphore_mem>>)
    %dma_start3A_38 = arith.constant 0 : i32
    %dma_start3A_39 = arith.constant 2048 : i32
    %dma_start3A_40 = tpu.memref_slice %arg3[%dma_start3A_38, %add3A, %dma_start3A_39] : memref<2x32x10000xi32, #tpu.memory_space<hbm>> -> memref<1x1x1024xi32, #tpu.memory_space<hbm>>
    %dma_start3A_41 = tpu.memref_squeeze %dma_start3A_40 : memref<1x1x1024xi32, #tpu.memory_space<hbm>> -> memref<1024xi32, #tpu.memory_space<hbm>>
    %dma_start3A_42 = arith.constant 2048 : i32
    %dma_start3A_43 = tpu.memref_slice %arg3[%dma_start3A_38, %add3A, %dma_start3A_42] : memref<2x32x10000xi32, #tpu.memory_space<hbm>> -> memref<1x1x1024xi32, #tpu.memory_space<hbm>>
    %dma_start3A_44 = tpu.memref_squeeze %dma_start3A_43 : memref<1x1x1024xi32, #tpu.memory_space<hbm>> -> memref<1024xi32, #tpu.memory_space<hbm>>
    tpu.enqueue_dma source(%dma_start3A_44 : memref<1024xi32, #tpu.memory_space<hbm>>) target(%arg8 : memref<1024xi32, #tpu.memory_space<vmem>>) target_semaphore(%arg34 : memref<!tpu.dma_semaphore, #tpu.memory_space<semaphore_mem>>)
    %dma_start3A_45 = arith.constant 1 : i32
    %dma_start3A_46 = arith.constant 2048 : i32
    %dma_start3A_47 = tpu.memref_slice %arg3[%dma_start3A_45, %add3A, %dma_start3A_46] : memref<2x32x10000xi32, #tpu.memory_space<hbm>> -> memref<1x1x1024xi32, #tpu.memory_space<hbm>>
    %dma_start3A_48 = tpu.memref_squeeze %dma_start3A_47 : memref<1x1x1024xi32, #tpu.memory_space<hbm>> -> memref<1024xi32, #tpu.memory_space<hbm>>
    %dma_start3A_49 = arith.constant 2048 : i32
    %dma_start3A_50 = tpu.memref_slice %arg3[%dma_start3A_45, %add3A, %dma_start3A_49] : memref<2x32x10000xi32, #tpu.memory_space<hbm>> -> memref<1x1x1024xi32, #tpu.memory_space<hbm>>
    %dma_start3A_51 = tpu.memref_squeeze %dma_start3A_50 : memref<1x1x1024xi32, #tpu.memory_space<hbm>> -> memref<1024xi32, #tpu.memory_space<hbm>>
    tpu.enqueue_dma source(%dma_start3A_51 : memref<1024xi32, #tpu.memory_space<hbm>>) target(%arg18 : memref<1024xi32, #tpu.memory_space<vmem>>) target_semaphore(%arg34 : memref<!tpu.dma_semaphore, #tpu.memory_space<semaphore_mem>>)
    %dma_start3A_52 = arith.constant 0 : i32
    %dma_start3A_53 = arith.constant 3072 : i32
    %dma_start3A_54 = tpu.memref_slice %arg3[%dma_start3A_52, %add3A, %dma_start3A_53] : memref<2x32x10000xi32, #tpu.memory_space<hbm>> -> memref<1x1x1024xi32, #tpu.memory_space<hbm>>
    %dma_start3A_55 = tpu.memref_squeeze %dma_start3A_54 : memref<1x1x1024xi32, #tpu.memory_space<hbm>> -> memref<1024xi32, #tpu.memory_space<hbm>>
    %dma_start3A_56 = arith.constant 3072 : i32
    %dma_start3A_57 = tpu.memref_slice %arg3[%dma_start3A_52, %add3A, %dma_start3A_56] : memref<2x32x10000xi32, #tpu.memory_space<hbm>> -> memref<1x1x1024xi32, #tpu.memory_space<hbm>>
    %dma_start3A_58 = tpu.memref_squeeze %dma_start3A_57 : memref<1x1x1024xi32, #tpu.memory_space<hbm>> -> memref<1024xi32, #tpu.memory_space<hbm>>
    tpu.enqueue_dma source(%dma_start3A_58 : memref<1024xi32, #tpu.memory_space<hbm>>) target(%arg9 : memref<1024xi32, #tpu.memory_space<vmem>>) target_semaphore(%arg34 : memref<!tpu.dma_semaphore, #tpu.memory_space<semaphore_mem>>)
    %dma_start3A_59 = arith.constant 1 : i32
    %dma_start3A_60 = arith.constant 3072 : i32
    %dma_start3A_61 = tpu.memref_slice %arg3[%dma_start3A_59, %add3A, %dma_start3A_60] : memref<2x32x10000xi32, #tpu.memory_space<hbm>> -> memref<1x1x1024xi32, #tpu.memory_space<hbm>>
    %dma_start3A_62 = tpu.memref_squeeze %dma_start3A_61 : memref<1x1x1024xi32, #tpu.memory_space<hbm>> -> memref<1024xi32, #tpu.memory_space<hbm>>
    %dma_start3A_63 = arith.constant 3072 : i32
    %dma_start3A_64 = tpu.memref_slice %arg3[%dma_start3A_59, %add3A, %dma_start3A_63] : memref<2x32x10000xi32, #tpu.memory_space<hbm>> -> memref<1x1x1024xi32, #tpu.memory_space<hbm>>
    %dma_start3A_65 = tpu.memref_squeeze %dma_start3A_64 : memref<1x1x1024xi32, #tpu.memory_space<hbm>> -> memref<1024xi32, #tpu.memory_space<hbm>>
    tpu.enqueue_dma source(%dma_start3A_65 : memref<1024xi32, #tpu.memory_space<hbm>>) target(%arg19 : memref<1024xi32, #tpu.memory_space<vmem>>) target_semaphore(%arg34 : memref<!tpu.dma_semaphore, #tpu.memory_space<semaphore_mem>>)
    %dma_start3A_66 = arith.constant 0 : i32
    %dma_start3A_67 = arith.constant 4096 : i32
    %dma_start3A_68 = tpu.memref_slice %arg3[%dma_start3A_66, %add3A, %dma_start3A_67] : memref<2x32x10000xi32, #tpu.memory_space<hbm>> -> memref<1x1x1024xi32, #tpu.memory_space<hbm>>
    %dma_start3A_69 = tpu.memref_squeeze %dma_start3A_68 : memref<1x1x1024xi32, #tpu.memory_space<hbm>> -> memref<1024xi32, #tpu.memory_space<hbm>>
    %dma_start3A_70 = arith.constant 4096 : i32
    %dma_start3A_71 = tpu.memref_slice %arg3[%dma_start3A_66, %add3A, %dma_start3A_70] : memref<2x32x10000xi32, #tpu.memory_space<hbm>> -> memref<1x1x1024xi32, #tpu.memory_space<hbm>>
    %dma_start3A_72 = tpu.memref_squeeze %dma_start3A_71 : memref<1x1x1024xi32, #tpu.memory_space<hbm>> -> memref<1024xi32, #tpu.memory_space<hbm>>
    tpu.enqueue_dma source(%dma_start3A_72 : memref<1024xi32, #tpu.memory_space<hbm>>) target(%arg10 : memref<1024xi32, #tpu.memory_space<vmem>>) target_semaphore(%arg34 : memref<!tpu.dma_semaphore, #tpu.memory_space<semaphore_mem>>)
    %dma_start3A_73 = arith.constant 1 : i32
    %dma_start3A_74 = arith.constant 4096 : i32
    %dma_start3A_75 = tpu.memref_slice %arg3[%dma_start3A_73, %add3A, %dma_start3A_74] : memref<2x32x10000xi32, #tpu.memory_space<hbm>> -> memref<1x1x1024xi32, #tpu.memory_space<hbm>>
    %dma_start3A_76 = tpu.memref_squeeze %dma_start3A_75 : memref<1x1x1024xi32, #tpu.memory_space<hbm>> -> memref<1024xi32, #tpu.memory_space<hbm>>
    %dma_start3A_77 = arith.constant 4096 : i32
    %dma_start3A_78 = tpu.memref_slice %arg3[%dma_start3A_73, %add3A, %dma_start3A_77] : memref<2x32x10000xi32, #tpu.memory_space<hbm>> -> memref<1x1x1024xi32, #tpu.memory_space<hbm>>
    %dma_start3A_79 = tpu.memref_squeeze %dma_start3A_78 : memref<1x1x1024xi32, #tpu.memory_space<hbm>> -> memref<1024xi32, #tpu.memory_space<hbm>>
    tpu.enqueue_dma source(%dma_start3A_79 : memref<1024xi32, #tpu.memory_space<hbm>>) target(%arg20 : memref<1024xi32, #tpu.memory_space<vmem>>) target_semaphore(%arg34 : memref<!tpu.dma_semaphore, #tpu.memory_space<semaphore_mem>>)
    %dma_start3A_80 = arith.constant 0 : i32
    %dma_start3A_81 = arith.constant 5120 : i32
    %dma_start3A_82 = tpu.memref_slice %arg3[%dma_start3A_80, %add3A, %dma_start3A_81] : memref<2x32x10000xi32, #tpu.memory_space<hbm>> -> memref<1x1x1024xi32, #tpu.memory_space<hbm>>
    %dma_start3A_83 = tpu.memref_squeeze %dma_start3A_82 : memref<1x1x1024xi32, #tpu.memory_space<hbm>> -> memref<1024xi32, #tpu.memory_space<hbm>>
    %dma_start3A_84 = arith.constant 5120 : i32
    %dma_start3A_85 = tpu.memref_slice %arg3[%dma_start3A_80, %add3A, %dma_start3A_84] : memref<2x32x10000xi32, #tpu.memory_space<hbm>> -> memref<1x1x1024xi32, #tpu.memory_space<hbm>>
    %dma_start3A_86 = tpu.memref_squeeze %dma_start3A_85 : memref<1x1x1024xi32, #tpu.memory_space<hbm>> -> memref<1024xi32, #tpu.memory_space<hbm>>
    tpu.enqueue_dma source(%dma_start3A_86 : memref<1024xi32, #tpu.memory_space<hbm>>) target(%arg11 : memref<1024xi32, #tpu.memory_space<vmem>>) target_semaphore(%arg34 : memref<!tpu.dma_semaphore, #tpu.memory_space<semaphore_mem>>)
    %dma_start3A_87 = arith.constant 1 : i32
    %dma_start3A_88 = arith.constant 5120 : i32
    %dma_start3A_89 = tpu.memref_slice %arg3[%dma_start3A_87, %add3A, %dma_start3A_88] : memref<2x32x10000xi32, #tpu.memory_space<hbm>> -> memref<1x1x1024xi32, #tpu.memory_space<hbm>>
    %dma_start3A_90 = tpu.memref_squeeze %dma_start3A_89 : memref<1x1x1024xi32, #tpu.memory_space<hbm>> -> memref<1024xi32, #tpu.memory_space<hbm>>
    %dma_start3A_91 = arith.constant 5120 : i32
    %dma_start3A_92 = tpu.memref_slice %arg3[%dma_start3A_87, %add3A, %dma_start3A_91] : memref<2x32x10000xi32, #tpu.memory_space<hbm>> -> memref<1x1x1024xi32, #tpu.memory_space<hbm>>
    %dma_start3A_93 = tpu.memref_squeeze %dma_start3A_92 : memref<1x1x1024xi32, #tpu.memory_space<hbm>> -> memref<1024xi32, #tpu.memory_space<hbm>>
    tpu.enqueue_dma source(%dma_start3A_93 : memref<1024xi32, #tpu.memory_space<hbm>>) target(%arg21 : memref<1024xi32, #tpu.memory_space<vmem>>) target_semaphore(%arg34 : memref<!tpu.dma_semaphore, #tpu.memory_space<semaphore_mem>>)
    %dma_start3A_94 = arith.constant 0 : i32
    %dma_start3A_95 = arith.constant 6144 : i32
    %dma_start3A_96 = tpu.memref_slice %arg3[%dma_start3A_94, %add3A, %dma_start3A_95] : memref<2x32x10000xi32, #tpu.memory_space<hbm>> -> memref<1x1x1024xi32, #tpu.memory_space<hbm>>
    %dma_start3A_97 = tpu.memref_squeeze %dma_start3A_96 : memref<1x1x1024xi32, #tpu.memory_space<hbm>> -> memref<1024xi32, #tpu.memory_space<hbm>>
    %dma_start3A_98 = arith.constant 6144 : i32
    %dma_start3A_99 = tpu.memref_slice %arg3[%dma_start3A_94, %add3A, %dma_start3A_98] : memref<2x32x10000xi32, #tpu.memory_space<hbm>> -> memref<1x1x1024xi32, #tpu.memory_space<hbm>>
    %dma_start3A_100 = tpu.memref_squeeze %dma_start3A_99 : memref<1x1x1024xi32, #tpu.memory_space<hbm>> -> memref<1024xi32, #tpu.memory_space<hbm>>
    tpu.enqueue_dma source(%dma_start3A_100 : memref<1024xi32, #tpu.memory_space<hbm>>) target(%arg12 : memref<1024xi32, #tpu.memory_space<vmem>>) target_semaphore(%arg34 : memref<!tpu.dma_semaphore, #tpu.memory_space<semaphore_mem>>)
    %dma_start3A_101 = arith.constant 1 : i32
    %dma_start3A_102 = arith.constant 6144 : i32
    %dma_start3A_103 = tpu.memref_slice %arg3[%dma_start3A_101, %add3A, %dma_start3A_102] : memref<2x32x10000xi32, #tpu.memory_space<hbm>> -> memref<1x1x1024xi32, #tpu.memory_space<hbm>>
    %dma_start3A_104 = tpu.memref_squeeze %dma_start3A_103 : memref<1x1x1024xi32, #tpu.memory_space<hbm>> -> memref<1024xi32, #tpu.memory_space<hbm>>
    %dma_start3A_105 = arith.constant 6144 : i32
    %dma_start3A_106 = tpu.memref_slice %arg3[%dma_start3A_101, %add3A, %dma_start3A_105] : memref<2x32x10000xi32, #tpu.memory_space<hbm>> -> memref<1x1x1024xi32, #tpu.memory_space<hbm>>
    %dma_start3A_107 = tpu.memref_squeeze %dma_start3A_106 : memref<1x1x1024xi32, #tpu.memory_space<hbm>> -> memref<1024xi32, #tpu.memory_space<hbm>>
    tpu.enqueue_dma source(%dma_start3A_107 : memref<1024xi32, #tpu.memory_space<hbm>>) target(%arg22 : memref<1024xi32, #tpu.memory_space<vmem>>) target_semaphore(%arg34 : memref<!tpu.dma_semaphore, #tpu.memory_space<semaphore_mem>>)
    %dma_start3A_108 = arith.constant 0 : i32
    %dma_start3A_109 = arith.constant 7168 : i32
    %dma_start3A_110 = tpu.memref_slice %arg3[%dma_start3A_108, %add3A, %dma_start3A_109] : memref<2x32x10000xi32, #tpu.memory_space<hbm>> -> memref<1x1x1024xi32, #tpu.memory_space<hbm>>
    %dma_start3A_111 = tpu.memref_squeeze %dma_start3A_110 : memref<1x1x1024xi32, #tpu.memory_space<hbm>> -> memref<1024xi32, #tpu.memory_space<hbm>>
    %dma_start3A_112 = arith.constant 7168 : i32
    %dma_start3A_113 = tpu.memref_slice %arg3[%dma_start3A_108, %add3A, %dma_start3A_112] : memref<2x32x10000xi32, #tpu.memory_space<hbm>> -> memref<1x1x1024xi32, #tpu.memory_space<hbm>>
    %dma_start3A_114 = tpu.memref_squeeze %dma_start3A_113 : memref<1x1x1024xi32, #tpu.memory_space<hbm>> -> memref<1024xi32, #tpu.memory_space<hbm>>
    tpu.enqueue_dma source(%dma_start3A_114 : memref<1024xi32, #tpu.memory_space<hbm>>) target(%arg13 : memref<1024xi32, #tpu.memory_space<vmem>>) target_semaphore(%arg34 : memref<!tpu.dma_semaphore, #tpu.memory_space<semaphore_mem>>)
    %dma_start3A_115 = arith.constant 1 : i32
    %dma_start3A_116 = arith.constant 7168 : i32
    %dma_start3A_117 = tpu.memref_slice %arg3[%dma_start3A_115, %add3A, %dma_start3A_116] : memref<2x32x10000xi32, #tpu.memory_space<hbm>> -> memref<1x1x1024xi32, #tpu.memory_space<hbm>>
    %dma_start3A_118 = tpu.memref_squeeze %dma_start3A_117 : memref<1x1x1024xi32, #tpu.memory_space<hbm>> -> memref<1024xi32, #tpu.memory_space<hbm>>
    %dma_start3A_119 = arith.constant 7168 : i32
    %dma_start3A_120 = tpu.memref_slice %arg3[%dma_start3A_115, %add3A, %dma_start3A_119] : memref<2x32x10000xi32, #tpu.memory_space<hbm>> -> memref<1x1x1024xi32, #tpu.memory_space<hbm>>
    %dma_start3A_121 = tpu.memref_squeeze %dma_start3A_120 : memref<1x1x1024xi32, #tpu.memory_space<hbm>> -> memref<1024xi32, #tpu.memory_space<hbm>>
    tpu.enqueue_dma source(%dma_start3A_121 : memref<1024xi32, #tpu.memory_space<hbm>>) target(%arg23 : memref<1024xi32, #tpu.memory_space<vmem>>) target_semaphore(%arg34 : memref<!tpu.dma_semaphore, #tpu.memory_space<semaphore_mem>>)
    %dma_start3A_122 = arith.constant 0 : i32
    %dma_start3A_123 = arith.constant 8192 : i32
    %dma_start3A_124 = tpu.memref_slice %arg3[%dma_start3A_122, %add3A, %dma_start3A_123] : memref<2x32x10000xi32, #tpu.memory_space<hbm>> -> memref<1x1x1024xi32, #tpu.memory_space<hbm>>
    %dma_start3A_125 = tpu.memref_squeeze %dma_start3A_124 : memref<1x1x1024xi32, #tpu.memory_space<hbm>> -> memref<1024xi32, #tpu.memory_space<hbm>>
    %dma_start3A_126 = arith.constant 8192 : i32
    %dma_start3A_127 = tpu.memref_slice %arg3[%dma_start3A_122, %add3A, %dma_start3A_126] : memref<2x32x10000xi32, #tpu.memory_space<hbm>> -> memref<1x1x1024xi32, #tpu.memory_space<hbm>>
    %dma_start3A_128 = tpu.memref_squeeze %dma_start3A_127 : memref<1x1x1024xi32, #tpu.memory_space<hbm>> -> memref<1024xi32, #tpu.memory_space<hbm>>
    tpu.enqueue_dma source(%dma_start3A_128 : memref<1024xi32, #tpu.memory_space<hbm>>) target(%arg14 : memref<1024xi32, #tpu.memory_space<vmem>>) target_semaphore(%arg34 : memref<!tpu.dma_semaphore, #tpu.memory_space<semaphore_mem>>)
    %dma_start3A_129 = arith.constant 1 : i32
    %dma_start3A_130 = arith.constant 8192 : i32
    %dma_start3A_131 = tpu.memref_slice %arg3[%dma_start3A_129, %add3A, %dma_start3A_130] : memref<2x32x10000xi32, #tpu.memory_space<hbm>> -> memref<1x1x1024xi32, #tpu.memory_space<hbm>>
    %dma_start3A_132 = tpu.memref_squeeze %dma_start3A_131 : memref<1x1x1024xi32, #tpu.memory_space<hbm>> -> memref<1024xi32, #tpu.memory_space<hbm>>
    %dma_start3A_133 = arith.constant 8192 : i32
    %dma_start3A_134 = tpu.memref_slice %arg3[%dma_start3A_129, %add3A, %dma_start3A_133] : memref<2x32x10000xi32, #tpu.memory_space<hbm>> -> memref<1x1x1024xi32, #tpu.memory_space<hbm>>
    %dma_start3A_135 = tpu.memref_squeeze %dma_start3A_134 : memref<1x1x1024xi32, #tpu.memory_space<hbm>> -> memref<1024xi32, #tpu.memory_space<hbm>>
    tpu.enqueue_dma source(%dma_start3A_135 : memref<1024xi32, #tpu.memory_space<hbm>>) target(%arg24 : memref<1024xi32, #tpu.memory_space<vmem>>) target_semaphore(%arg34 : memref<!tpu.dma_semaphore, #tpu.memory_space<semaphore_mem>>)
    %dma_start3A_136 = arith.constant 0 : i32
    %dma_start3A_137 = arith.constant 9216 : i32
    %dma_start3A_138 = tpu.memref_slice %arg3[%dma_start3A_136, %add3A, %dma_start3A_137] : memref<2x32x10000xi32, #tpu.memory_space<hbm>> -> memref<1x1x784xi32, #tpu.memory_space<hbm>>
    %dma_start3A_139 = tpu.memref_squeeze %dma_start3A_138 : memref<1x1x784xi32, #tpu.memory_space<hbm>> -> memref<784xi32, #tpu.memory_space<hbm>>
    %dma_start3A_140 = arith.constant 9216 : i32
    %dma_start3A_141 = tpu.memref_slice %arg3[%dma_start3A_136, %add3A, %dma_start3A_140] : memref<2x32x10000xi32, #tpu.memory_space<hbm>> -> memref<1x1x784xi32, #tpu.memory_space<hbm>>
    %dma_start3A_142 = tpu.memref_squeeze %dma_start3A_141 : memref<1x1x784xi32, #tpu.memory_space<hbm>> -> memref<784xi32, #tpu.memory_space<hbm>>
    tpu.enqueue_dma source(%dma_start3A_142 : memref<784xi32, #tpu.memory_space<hbm>>) target(%arg15 : memref<784xi32, #tpu.memory_space<vmem>>) target_semaphore(%arg34 : memref<!tpu.dma_semaphore, #tpu.memory_space<semaphore_mem>>)
    %dma_start3A_143 = arith.constant 1 : i32
    %dma_start3A_144 = arith.constant 9216 : i32
    %dma_start3A_145 = tpu.memref_slice %arg3[%dma_start3A_143, %add3A, %dma_start3A_144] : memref<2x32x10000xi32, #tpu.memory_space<hbm>> -> memref<1x1x784xi32, #tpu.memory_space<hbm>>
    %dma_start3A_146 = tpu.memref_squeeze %dma_start3A_145 : memref<1x1x784xi32, #tpu.memory_space<hbm>> -> memref<784xi32, #tpu.memory_space<hbm>>
    %dma_start3A_147 = arith.constant 9216 : i32
    %dma_start3A_148 = tpu.memref_slice %arg3[%dma_start3A_143, %add3A, %dma_start3A_147] : memref<2x32x10000xi32, #tpu.memory_space<hbm>> -> memref<1x1x784xi32, #tpu.memory_space<hbm>>
    %dma_start3A_149 = tpu.memref_squeeze %dma_start3A_148 : memref<1x1x784xi32, #tpu.memory_space<hbm>> -> memref<784xi32, #tpu.memory_space<hbm>>
    tpu.enqueue_dma source(%dma_start3A_149 : memref<784xi32, #tpu.memory_space<hbm>>) target(%arg25 : memref<784xi32, #tpu.memory_space<vmem>>) target_semaphore(%arg34 : memref<!tpu.dma_semaphore, #tpu.memory_space<semaphore_mem>>)
    %dma_wait3A = arith.constant 0 : i32
    %dma_wait3A_150 = arith.constant 0 : i32
    %dma_wait3A_151 = tpu.memref_slice %arg3[%dma_wait3A, %add3A, %dma_wait3A_150] : memref<2x32x10000xi32, #tpu.memory_space<hbm>> -> memref<1x1x1024xi32, #tpu.memory_space<hbm>>
    %dma_wait3A_152 = tpu.memref_squeeze %dma_wait3A_151 : memref<1x1x1024xi32, #tpu.memory_space<hbm>> -> memref<1024xi32, #tpu.memory_space<hbm>>
    %dma_wait3A_153 = arith.constant 0 : i32
    %dma_wait3A_154 = tpu.memref_slice %arg3[%dma_wait3A, %add3A, %dma_wait3A_153] : memref<2x32x10000xi32, #tpu.memory_space<hbm>> -> memref<1x1x1024xi32, #tpu.memory_space<hbm>>
    %dma_wait3A_155 = tpu.memref_squeeze %dma_wait3A_154 : memref<1x1x1024xi32, #tpu.memory_space<hbm>> -> memref<1024xi32, #tpu.memory_space<hbm>>
    tpu.wait_dma2 semaphore(%arg34 : memref<!tpu.dma_semaphore, #tpu.memory_space<semaphore_mem>>) src(%dma_wait3A_155 : memref<1024xi32, #tpu.memory_space<hbm>>) dst(%arg6 : memref<1024xi32, #tpu.memory_space<vmem>>)
    %dma_wait3A_156 = arith.constant 1 : i32
    %dma_wait3A_157 = arith.constant 0 : i32
    %dma_wait3A_158 = tpu.memref_slice %arg3[%dma_wait3A_156, %add3A, %dma_wait3A_157] : memref<2x32x10000xi32, #tpu.memory_space<hbm>> -> memref<1x1x1024xi32, #tpu.memory_space<hbm>>
    %dma_wait3A_159 = tpu.memref_squeeze %dma_wait3A_158 : memref<1x1x1024xi32, #tpu.memory_space<hbm>> -> memref<1024xi32, #tpu.memory_space<hbm>>
    %dma_wait3A_160 = arith.constant 0 : i32
    %dma_wait3A_161 = tpu.memref_slice %arg3[%dma_wait3A_156, %add3A, %dma_wait3A_160] : memref<2x32x10000xi32, #tpu.memory_space<hbm>> -> memref<1x1x1024xi32, #tpu.memory_space<hbm>>
    %dma_wait3A_162 = tpu.memref_squeeze %dma_wait3A_161 : memref<1x1x1024xi32, #tpu.memory_space<hbm>> -> memref<1024xi32, #tpu.memory_space<hbm>>
    tpu.wait_dma2 semaphore(%arg34 : memref<!tpu.dma_semaphore, #tpu.memory_space<semaphore_mem>>) src(%dma_wait3A_162 : memref<1024xi32, #tpu.memory_space<hbm>>) dst(%arg16 : memref<1024xi32, #tpu.memory_space<vmem>>)
    %dma_wait3A_163 = arith.constant 0 : i32
    %dma_wait3A_164 = arith.constant 1024 : i32
    %dma_wait3A_165 = tpu.memref_slice %arg3[%dma_wait3A_163, %add3A, %dma_wait3A_164] : memref<2x32x10000xi32, #tpu.memory_space<hbm>> -> memref<1x1x1024xi32, #tpu.memory_space<hbm>>
    %dma_wait3A_166 = tpu.memref_squeeze %dma_wait3A_165 : memref<1x1x1024xi32, #tpu.memory_space<hbm>> -> memref<1024xi32, #tpu.memory_space<hbm>>
    %dma_wait3A_167 = arith.constant 1024 : i32
    %dma_wait3A_168 = tpu.memref_slice %arg3[%dma_wait3A_163, %add3A, %dma_wait3A_167] : memref<2x32x10000xi32, #tpu.memory_space<hbm>> -> memref<1x1x1024xi32, #tpu.memory_space<hbm>>
    %dma_wait3A_169 = tpu.memref_squeeze %dma_wait3A_168 : memref<1x1x1024xi32, #tpu.memory_space<hbm>> -> memref<1024xi32, #tpu.memory_space<hbm>>
    tpu.wait_dma2 semaphore(%arg34 : memref<!tpu.dma_semaphore, #tpu.memory_space<semaphore_mem>>) src(%dma_wait3A_169 : memref<1024xi32, #tpu.memory_space<hbm>>) dst(%arg7 : memref<1024xi32, #tpu.memory_space<vmem>>)
    %dma_wait3A_170 = arith.constant 1 : i32
    %dma_wait3A_171 = arith.constant 1024 : i32
    %dma_wait3A_172 = tpu.memref_slice %arg3[%dma_wait3A_170, %add3A, %dma_wait3A_171] : memref<2x32x10000xi32, #tpu.memory_space<hbm>> -> memref<1x1x1024xi32, #tpu.memory_space<hbm>>
    %dma_wait3A_173 = tpu.memref_squeeze %dma_wait3A_172 : memref<1x1x1024xi32, #tpu.memory_space<hbm>> -> memref<1024xi32, #tpu.memory_space<hbm>>
    %dma_wait3A_174 = arith.constant 1024 : i32
    %dma_wait3A_175 = tpu.memref_slice %arg3[%dma_wait3A_170, %add3A, %dma_wait3A_174] : memref<2x32x10000xi32, #tpu.memory_space<hbm>> -> memref<1x1x1024xi32, #tpu.memory_space<hbm>>
    %dma_wait3A_176 = tpu.memref_squeeze %dma_wait3A_175 : memref<1x1x1024xi32, #tpu.memory_space<hbm>> -> memref<1024xi32, #tpu.memory_space<hbm>>
    tpu.wait_dma2 semaphore(%arg34 : memref<!tpu.dma_semaphore, #tpu.memory_space<semaphore_mem>>) src(%dma_wait3A_176 : memref<1024xi32, #tpu.memory_space<hbm>>) dst(%arg17 : memref<1024xi32, #tpu.memory_space<vmem>>)
    %dma_wait3A_177 = arith.constant 0 : i32
    %dma_wait3A_178 = arith.constant 2048 : i32
    %dma_wait3A_179 = tpu.memref_slice %arg3[%dma_wait3A_177, %add3A, %dma_wait3A_178] : memref<2x32x10000xi32, #tpu.memory_space<hbm>> -> memref<1x1x1024xi32, #tpu.memory_space<hbm>>
    %dma_wait3A_180 = tpu.memref_squeeze %dma_wait3A_179 : memref<1x1x1024xi32, #tpu.memory_space<hbm>> -> memref<1024xi32, #tpu.memory_space<hbm>>
    %dma_wait3A_181 = arith.constant 2048 : i32
    %dma_wait3A_182 = tpu.memref_slice %arg3[%dma_wait3A_177, %add3A, %dma_wait3A_181] : memref<2x32x10000xi32, #tpu.memory_space<hbm>> -> memref<1x1x1024xi32, #tpu.memory_space<hbm>>
    %dma_wait3A_183 = tpu.memref_squeeze %dma_wait3A_182 : memref<1x1x1024xi32, #tpu.memory_space<hbm>> -> memref<1024xi32, #tpu.memory_space<hbm>>
    tpu.wait_dma2 semaphore(%arg34 : memref<!tpu.dma_semaphore, #tpu.memory_space<semaphore_mem>>) src(%dma_wait3A_183 : memref<1024xi32, #tpu.memory_space<hbm>>) dst(%arg8 : memref<1024xi32, #tpu.memory_space<vmem>>)
    %dma_wait3A_184 = arith.constant 1 : i32
    %dma_wait3A_185 = arith.constant 2048 : i32
    %dma_wait3A_186 = tpu.memref_slice %arg3[%dma_wait3A_184, %add3A, %dma_wait3A_185] : memref<2x32x10000xi32, #tpu.memory_space<hbm>> -> memref<1x1x1024xi32, #tpu.memory_space<hbm>>
    %dma_wait3A_187 = tpu.memref_squeeze %dma_wait3A_186 : memref<1x1x1024xi32, #tpu.memory_space<hbm>> -> memref<1024xi32, #tpu.memory_space<hbm>>
    %dma_wait3A_188 = arith.constant 2048 : i32
    %dma_wait3A_189 = tpu.memref_slice %arg3[%dma_wait3A_184, %add3A, %dma_wait3A_188] : memref<2x32x10000xi32, #tpu.memory_space<hbm>> -> memref<1x1x1024xi32, #tpu.memory_space<hbm>>
    %dma_wait3A_190 = tpu.memref_squeeze %dma_wait3A_189 : memref<1x1x1024xi32, #tpu.memory_space<hbm>> -> memref<1024xi32, #tpu.memory_space<hbm>>
    tpu.wait_dma2 semaphore(%arg34 : memref<!tpu.dma_semaphore, #tpu.memory_space<semaphore_mem>>) src(%dma_wait3A_190 : memref<1024xi32, #tpu.memory_space<hbm>>) dst(%arg18 : memref<1024xi32, #tpu.memory_space<vmem>>)
    %dma_wait3A_191 = arith.constant 0 : i32
    %dma_wait3A_192 = arith.constant 3072 : i32
    %dma_wait3A_193 = tpu.memref_slice %arg3[%dma_wait3A_191, %add3A, %dma_wait3A_192] : memref<2x32x10000xi32, #tpu.memory_space<hbm>> -> memref<1x1x1024xi32, #tpu.memory_space<hbm>>
    %dma_wait3A_194 = tpu.memref_squeeze %dma_wait3A_193 : memref<1x1x1024xi32, #tpu.memory_space<hbm>> -> memref<1024xi32, #tpu.memory_space<hbm>>
    %dma_wait3A_195 = arith.constant 3072 : i32
    %dma_wait3A_196 = tpu.memref_slice %arg3[%dma_wait3A_191, %add3A, %dma_wait3A_195] : memref<2x32x10000xi32, #tpu.memory_space<hbm>> -> memref<1x1x1024xi32, #tpu.memory_space<hbm>>
    %dma_wait3A_197 = tpu.memref_squeeze %dma_wait3A_196 : memref<1x1x1024xi32, #tpu.memory_space<hbm>> -> memref<1024xi32, #tpu.memory_space<hbm>>
    tpu.wait_dma2 semaphore(%arg34 : memref<!tpu.dma_semaphore, #tpu.memory_space<semaphore_mem>>) src(%dma_wait3A_197 : memref<1024xi32, #tpu.memory_space<hbm>>) dst(%arg9 : memref<1024xi32, #tpu.memory_space<vmem>>)
    %dma_wait3A_198 = arith.constant 1 : i32
    %dma_wait3A_199 = arith.constant 3072 : i32
    %dma_wait3A_200 = tpu.memref_slice %arg3[%dma_wait3A_198, %add3A, %dma_wait3A_199] : memref<2x32x10000xi32, #tpu.memory_space<hbm>> -> memref<1x1x1024xi32, #tpu.memory_space<hbm>>
    %dma_wait3A_201 = tpu.memref_squeeze %dma_wait3A_200 : memref<1x1x1024xi32, #tpu.memory_space<hbm>> -> memref<1024xi32, #tpu.memory_space<hbm>>
    %dma_wait3A_202 = arith.constant 3072 : i32
    %dma_wait3A_203 = tpu.memref_slice %arg3[%dma_wait3A_198, %add3A, %dma_wait3A_202] : memref<2x32x10000xi32, #tpu.memory_space<hbm>> -> memref<1x1x1024xi32, #tpu.memory_space<hbm>>
    %dma_wait3A_204 = tpu.memref_squeeze %dma_wait3A_203 : memref<1x1x1024xi32, #tpu.memory_space<hbm>> -> memref<1024xi32, #tpu.memory_space<hbm>>
    tpu.wait_dma2 semaphore(%arg34 : memref<!tpu.dma_semaphore, #tpu.memory_space<semaphore_mem>>) src(%dma_wait3A_204 : memref<1024xi32, #tpu.memory_space<hbm>>) dst(%arg19 : memref<1024xi32, #tpu.memory_space<vmem>>)
    %dma_wait3A_205 = arith.constant 0 : i32
    %dma_wait3A_206 = arith.constant 4096 : i32
    %dma_wait3A_207 = tpu.memref_slice %arg3[%dma_wait3A_205, %add3A, %dma_wait3A_206] : memref<2x32x10000xi32, #tpu.memory_space<hbm>> -> memref<1x1x1024xi32, #tpu.memory_space<hbm>>
    %dma_wait3A_208 = tpu.memref_squeeze %dma_wait3A_207 : memref<1x1x1024xi32, #tpu.memory_space<hbm>> -> memref<1024xi32, #tpu.memory_space<hbm>>
    %dma_wait3A_209 = arith.constant 4096 : i32
    %dma_wait3A_210 = tpu.memref_slice %arg3[%dma_wait3A_205, %add3A, %dma_wait3A_209] : memref<2x32x10000xi32, #tpu.memory_space<hbm>> -> memref<1x1x1024xi32, #tpu.memory_space<hbm>>
    %dma_wait3A_211 = tpu.memref_squeeze %dma_wait3A_210 : memref<1x1x1024xi32, #tpu.memory_space<hbm>> -> memref<1024xi32, #tpu.memory_space<hbm>>
    tpu.wait_dma2 semaphore(%arg34 : memref<!tpu.dma_semaphore, #tpu.memory_space<semaphore_mem>>) src(%dma_wait3A_211 : memref<1024xi32, #tpu.memory_space<hbm>>) dst(%arg10 : memref<1024xi32, #tpu.memory_space<vmem>>)
    %dma_wait3A_212 = arith.constant 1 : i32
    %dma_wait3A_213 = arith.constant 4096 : i32
    %dma_wait3A_214 = tpu.memref_slice %arg3[%dma_wait3A_212, %add3A, %dma_wait3A_213] : memref<2x32x10000xi32, #tpu.memory_space<hbm>> -> memref<1x1x1024xi32, #tpu.memory_space<hbm>>
    %dma_wait3A_215 = tpu.memref_squeeze %dma_wait3A_214 : memref<1x1x1024xi32, #tpu.memory_space<hbm>> -> memref<1024xi32, #tpu.memory_space<hbm>>
    %dma_wait3A_216 = arith.constant 4096 : i32
    %dma_wait3A_217 = tpu.memref_slice %arg3[%dma_wait3A_212, %add3A, %dma_wait3A_216] : memref<2x32x10000xi32, #tpu.memory_space<hbm>> -> memref<1x1x1024xi32, #tpu.memory_space<hbm>>
    %dma_wait3A_218 = tpu.memref_squeeze %dma_wait3A_217 : memref<1x1x1024xi32, #tpu.memory_space<hbm>> -> memref<1024xi32, #tpu.memory_space<hbm>>
    tpu.wait_dma2 semaphore(%arg34 : memref<!tpu.dma_semaphore, #tpu.memory_space<semaphore_mem>>) src(%dma_wait3A_218 : memref<1024xi32, #tpu.memory_space<hbm>>) dst(%arg20 : memref<1024xi32, #tpu.memory_space<vmem>>)
    %dma_wait3A_219 = arith.constant 0 : i32
    %dma_wait3A_220 = arith.constant 5120 : i32
    %dma_wait3A_221 = tpu.memref_slice %arg3[%dma_wait3A_219, %add3A, %dma_wait3A_220] : memref<2x32x10000xi32, #tpu.memory_space<hbm>> -> memref<1x1x1024xi32, #tpu.memory_space<hbm>>
    %dma_wait3A_222 = tpu.memref_squeeze %dma_wait3A_221 : memref<1x1x1024xi32, #tpu.memory_space<hbm>> -> memref<1024xi32, #tpu.memory_space<hbm>>
    %dma_wait3A_223 = arith.constant 5120 : i32
    %dma_wait3A_224 = tpu.memref_slice %arg3[%dma_wait3A_219, %add3A, %dma_wait3A_223] : memref<2x32x10000xi32, #tpu.memory_space<hbm>> -> memref<1x1x1024xi32, #tpu.memory_space<hbm>>
    %dma_wait3A_225 = tpu.memref_squeeze %dma_wait3A_224 : memref<1x1x1024xi32, #tpu.memory_space<hbm>> -> memref<1024xi32, #tpu.memory_space<hbm>>
    tpu.wait_dma2 semaphore(%arg34 : memref<!tpu.dma_semaphore, #tpu.memory_space<semaphore_mem>>) src(%dma_wait3A_225 : memref<1024xi32, #tpu.memory_space<hbm>>) dst(%arg11 : memref<1024xi32, #tpu.memory_space<vmem>>)
    %dma_wait3A_226 = arith.constant 1 : i32
    %dma_wait3A_227 = arith.constant 5120 : i32
    %dma_wait3A_228 = tpu.memref_slice %arg3[%dma_wait3A_226, %add3A, %dma_wait3A_227] : memref<2x32x10000xi32, #tpu.memory_space<hbm>> -> memref<1x1x1024xi32, #tpu.memory_space<hbm>>
    %dma_wait3A_229 = tpu.memref_squeeze %dma_wait3A_228 : memref<1x1x1024xi32, #tpu.memory_space<hbm>> -> memref<1024xi32, #tpu.memory_space<hbm>>
    %dma_wait3A_230 = arith.constant 5120 : i32
    %dma_wait3A_231 = tpu.memref_slice %arg3[%dma_wait3A_226, %add3A, %dma_wait3A_230] : memref<2x32x10000xi32, #tpu.memory_space<hbm>> -> memref<1x1x1024xi32, #tpu.memory_space<hbm>>
    %dma_wait3A_232 = tpu.memref_squeeze %dma_wait3A_231 : memref<1x1x1024xi32, #tpu.memory_space<hbm>> -> memref<1024xi32, #tpu.memory_space<hbm>>
    tpu.wait_dma2 semaphore(%arg34 : memref<!tpu.dma_semaphore, #tpu.memory_space<semaphore_mem>>) src(%dma_wait3A_232 : memref<1024xi32, #tpu.memory_space<hbm>>) dst(%arg21 : memref<1024xi32, #tpu.memory_space<vmem>>)
    %dma_wait3A_233 = arith.constant 0 : i32
    %dma_wait3A_234 = arith.constant 6144 : i32
    %dma_wait3A_235 = tpu.memref_slice %arg3[%dma_wait3A_233, %add3A, %dma_wait3A_234] : memref<2x32x10000xi32, #tpu.memory_space<hbm>> -> memref<1x1x1024xi32, #tpu.memory_space<hbm>>
    %dma_wait3A_236 = tpu.memref_squeeze %dma_wait3A_235 : memref<1x1x1024xi32, #tpu.memory_space<hbm>> -> memref<1024xi32, #tpu.memory_space<hbm>>
    %dma_wait3A_237 = arith.constant 6144 : i32
    %dma_wait3A_238 = tpu.memref_slice %arg3[%dma_wait3A_233, %add3A, %dma_wait3A_237] : memref<2x32x10000xi32, #tpu.memory_space<hbm>> -> memref<1x1x1024xi32, #tpu.memory_space<hbm>>
    %dma_wait3A_239 = tpu.memref_squeeze %dma_wait3A_238 : memref<1x1x1024xi32, #tpu.memory_space<hbm>> -> memref<1024xi32, #tpu.memory_space<hbm>>
    tpu.wait_dma2 semaphore(%arg34 : memref<!tpu.dma_semaphore, #tpu.memory_space<semaphore_mem>>) src(%dma_wait3A_239 : memref<1024xi32, #tpu.memory_space<hbm>>) dst(%arg12 : memref<1024xi32, #tpu.memory_space<vmem>>)
    %dma_wait3A_240 = arith.constant 1 : i32
    %dma_wait3A_241 = arith.constant 6144 : i32
    %dma_wait3A_242 = tpu.memref_slice %arg3[%dma_wait3A_240, %add3A, %dma_wait3A_241] : memref<2x32x10000xi32, #tpu.memory_space<hbm>> -> memref<1x1x1024xi32, #tpu.memory_space<hbm>>
    %dma_wait3A_243 = tpu.memref_squeeze %dma_wait3A_242 : memref<1x1x1024xi32, #tpu.memory_space<hbm>> -> memref<1024xi32, #tpu.memory_space<hbm>>
    %dma_wait3A_244 = arith.constant 6144 : i32
    %dma_wait3A_245 = tpu.memref_slice %arg3[%dma_wait3A_240, %add3A, %dma_wait3A_244] : memref<2x32x10000xi32, #tpu.memory_space<hbm>> -> memref<1x1x1024xi32, #tpu.memory_space<hbm>>
    %dma_wait3A_246 = tpu.memref_squeeze %dma_wait3A_245 : memref<1x1x1024xi32, #tpu.memory_space<hbm>> -> memref<1024xi32, #tpu.memory_space<hbm>>
    tpu.wait_dma2 semaphore(%arg34 : memref<!tpu.dma_semaphore, #tpu.memory_space<semaphore_mem>>) src(%dma_wait3A_246 : memref<1024xi32, #tpu.memory_space<hbm>>) dst(%arg22 : memref<1024xi32, #tpu.memory_space<vmem>>)
    %dma_wait3A_247 = arith.constant 0 : i32
    %dma_wait3A_248 = arith.constant 7168 : i32
    %dma_wait3A_249 = tpu.memref_slice %arg3[%dma_wait3A_247, %add3A, %dma_wait3A_248] : memref<2x32x10000xi32, #tpu.memory_space<hbm>> -> memref<1x1x1024xi32, #tpu.memory_space<hbm>>
    %dma_wait3A_250 = tpu.memref_squeeze %dma_wait3A_249 : memref<1x1x1024xi32, #tpu.memory_space<hbm>> -> memref<1024xi32, #tpu.memory_space<hbm>>
    %dma_wait3A_251 = arith.constant 7168 : i32
    %dma_wait3A_252 = tpu.memref_slice %arg3[%dma_wait3A_247, %add3A, %dma_wait3A_251] : memref<2x32x10000xi32, #tpu.memory_space<hbm>> -> memref<1x1x1024xi32, #tpu.memory_space<hbm>>
    %dma_wait3A_253 = tpu.memref_squeeze %dma_wait3A_252 : memref<1x1x1024xi32, #tpu.memory_space<hbm>> -> memref<1024xi32, #tpu.memory_space<hbm>>
    tpu.wait_dma2 semaphore(%arg34 : memref<!tpu.dma_semaphore, #tpu.memory_space<semaphore_mem>>) src(%dma_wait3A_253 : memref<1024xi32, #tpu.memory_space<hbm>>) dst(%arg13 : memref<1024xi32, #tpu.memory_space<vmem>>)
    %dma_wait3A_254 = arith.constant 1 : i32
    %dma_wait3A_255 = arith.constant 7168 : i32
    %dma_wait3A_256 = tpu.memref_slice %arg3[%dma_wait3A_254, %add3A, %dma_wait3A_255] : memref<2x32x10000xi32, #tpu.memory_space<hbm>> -> memref<1x1x1024xi32, #tpu.memory_space<hbm>>
    %dma_wait3A_257 = tpu.memref_squeeze %dma_wait3A_256 : memref<1x1x1024xi32, #tpu.memory_space<hbm>> -> memref<1024xi32, #tpu.memory_space<hbm>>
    %dma_wait3A_258 = arith.constant 7168 : i32
    %dma_wait3A_259 = tpu.memref_slice %arg3[%dma_wait3A_254, %add3A, %dma_wait3A_258] : memref<2x32x10000xi32, #tpu.memory_space<hbm>> -> memref<1x1x1024xi32, #tpu.memory_space<hbm>>
    %dma_wait3A_260 = tpu.memref_squeeze %dma_wait3A_259 : memref<1x1x1024xi32, #tpu.memory_space<hbm>> -> memref<1024xi32, #tpu.memory_space<hbm>>
    tpu.wait_dma2 semaphore(%arg34 : memref<!tpu.dma_semaphore, #tpu.memory_space<semaphore_mem>>) src(%dma_wait3A_260 : memref<1024xi32, #tpu.memory_space<hbm>>) dst(%arg23 : memref<1024xi32, #tpu.memory_space<vmem>>)
    %dma_wait3A_261 = arith.constant 0 : i32
    %dma_wait3A_262 = arith.constant 8192 : i32
    %dma_wait3A_263 = tpu.memref_slice %arg3[%dma_wait3A_261, %add3A, %dma_wait3A_262] : memref<2x32x10000xi32, #tpu.memory_space<hbm>> -> memref<1x1x1024xi32, #tpu.memory_space<hbm>>
    %dma_wait3A_264 = tpu.memref_squeeze %dma_wait3A_263 : memref<1x1x1024xi32, #tpu.memory_space<hbm>> -> memref<1024xi32, #tpu.memory_space<hbm>>
    %dma_wait3A_265 = arith.constant 8192 : i32
    %dma_wait3A_266 = tpu.memref_slice %arg3[%dma_wait3A_261, %add3A, %dma_wait3A_265] : memref<2x32x10000xi32, #tpu.memory_space<hbm>> -> memref<1x1x1024xi32, #tpu.memory_space<hbm>>
    %dma_wait3A_267 = tpu.memref_squeeze %dma_wait3A_266 : memref<1x1x1024xi32, #tpu.memory_space<hbm>> -> memref<1024xi32, #tpu.memory_space<hbm>>
    tpu.wait_dma2 semaphore(%arg34 : memref<!tpu.dma_semaphore, #tpu.memory_space<semaphore_mem>>) src(%dma_wait3A_267 : memref<1024xi32, #tpu.memory_space<hbm>>) dst(%arg14 : memref<1024xi32, #tpu.memory_space<vmem>>)
    %dma_wait3A_268 = arith.constant 1 : i32
    %dma_wait3A_269 = arith.constant 8192 : i32
    %dma_wait3A_270 = tpu.memref_slice %arg3[%dma_wait3A_268, %add3A, %dma_wait3A_269] : memref<2x32x10000xi32, #tpu.memory_space<hbm>> -> memref<1x1x1024xi32, #tpu.memory_space<hbm>>
    %dma_wait3A_271 = tpu.memref_squeeze %dma_wait3A_270 : memref<1x1x1024xi32, #tpu.memory_space<hbm>> -> memref<1024xi32, #tpu.memory_space<hbm>>
    %dma_wait3A_272 = arith.constant 8192 : i32
    %dma_wait3A_273 = tpu.memref_slice %arg3[%dma_wait3A_268, %add3A, %dma_wait3A_272] : memref<2x32x10000xi32, #tpu.memory_space<hbm>> -> memref<1x1x1024xi32, #tpu.memory_space<hbm>>
    %dma_wait3A_274 = tpu.memref_squeeze %dma_wait3A_273 : memref<1x1x1024xi32, #tpu.memory_space<hbm>> -> memref<1024xi32, #tpu.memory_space<hbm>>
    tpu.wait_dma2 semaphore(%arg34 : memref<!tpu.dma_semaphore, #tpu.memory_space<semaphore_mem>>) src(%dma_wait3A_274 : memref<1024xi32, #tpu.memory_space<hbm>>) dst(%arg24 : memref<1024xi32, #tpu.memory_space<vmem>>)
    %dma_wait3A_275 = arith.constant 0 : i32
    %dma_wait3A_276 = arith.constant 9216 : i32
    %dma_wait3A_277 = tpu.memref_slice %arg3[%dma_wait3A_275, %add3A, %dma_wait3A_276] : memref<2x32x10000xi32, #tpu.memory_space<hbm>> -> memref<1x1x784xi32, #tpu.memory_space<hbm>>
    %dma_wait3A_278 = tpu.memref_squeeze %dma_wait3A_277 : memref<1x1x784xi32, #tpu.memory_space<hbm>> -> memref<784xi32, #tpu.memory_space<hbm>>
    %dma_wait3A_279 = arith.constant 9216 : i32
    %dma_wait3A_280 = tpu.memref_slice %arg3[%dma_wait3A_275, %add3A, %dma_wait3A_279] : memref<2x32x10000xi32, #tpu.memory_space<hbm>> -> memref<1x1x784xi32, #tpu.memory_space<hbm>>
    %dma_wait3A_281 = tpu.memref_squeeze %dma_wait3A_280 : memref<1x1x784xi32, #tpu.memory_space<hbm>> -> memref<784xi32, #tpu.memory_space<hbm>>
    tpu.wait_dma2 semaphore(%arg34 : memref<!tpu.dma_semaphore, #tpu.memory_space<semaphore_mem>>) src(%dma_wait3A_281 : memref<784xi32, #tpu.memory_space<hbm>>) dst(%arg15 : memref<784xi32, #tpu.memory_space<vmem>>)
    %dma_wait3A_282 = arith.constant 1 : i32
    %dma_wait3A_283 = arith.constant 9216 : i32
    %dma_wait3A_284 = tpu.memref_slice %arg3[%dma_wait3A_282, %add3A, %dma_wait3A_283] : memref<2x32x10000xi32, #tpu.memory_space<hbm>> -> memref<1x1x784xi32, #tpu.memory_space<hbm>>
    %dma_wait3A_285 = tpu.memref_squeeze %dma_wait3A_284 : memref<1x1x784xi32, #tpu.memory_space<hbm>> -> memref<784xi32, #tpu.memory_space<hbm>>
    %dma_wait3A_286 = arith.constant 9216 : i32
    %dma_wait3A_287 = tpu.memref_slice %arg3[%dma_wait3A_282, %add3A, %dma_wait3A_286] : memref<2x32x10000xi32, #tpu.memory_space<hbm>> -> memref<1x1x784xi32, #tpu.memory_space<hbm>>
    %dma_wait3A_288 = tpu.memref_squeeze %dma_wait3A_287 : memref<1x1x784xi32, #tpu.memory_space<hbm>> -> memref<784xi32, #tpu.memory_space<hbm>>
    tpu.wait_dma2 semaphore(%arg34 : memref<!tpu.dma_semaphore, #tpu.memory_space<semaphore_mem>>) src(%dma_wait3A_288 : memref<784xi32, #tpu.memory_space<hbm>>) dst(%arg25 : memref<784xi32, #tpu.memory_space<vmem>>)
    %mul3A_289 = arith.constant 640 : i32
    %mul3A_290 = arith.muli %arg1, %mul3A_289 : i32
    %mul3A_291 = arith.constant 640 : i32
    %mul3A_292 = arith.muli %arg1, %mul3A_291 : i32
    %dma_wait3A_293 = arith.constant 0 : i32
    %dma_wait3A_294 = tpu.memref_slice %arg29[%mul3A_292, %dma_wait3A_293] : memref<10240x8xf32, #tpu.memory_space<vmem_shared>> -> memref<640x8xf32, #tpu.memory_space<vmem_shared>>
    %dma_wait3A_295 = arith.constant 0 : i32
    %dma_wait3A_296 = tpu.memref_slice %arg2[%mul3A_290, %dma_wait3A_295] : memref<10240x8xf32, #tpu.memory_space<hbm>> -> memref<640x8xf32, #tpu.memory_space<hbm>>
    tpu.wait_dma2 semaphore(%arg34 : memref<!tpu.dma_semaphore, #tpu.memory_space<semaphore_mem>>) src(%dma_wait3A_296 : memref<640x8xf32, #tpu.memory_space<hbm>>) dst(%dma_wait3A_294 : memref<640x8xf32, #tpu.memory_space<vmem_shared>>)
    %barrier3A = arith.constant 0 : index
    tpu.barrier barrier_id(%barrier3A)
    %dma_start3A_297 = arith.constant 0 : i32
    %dma_start3A_298 = arith.constant 0 : i32
    %dma_start3A_299 = tpu.memref_slice %arg29[%dma_start3A_297, %dma_start3A_298] : memref<10240x8xf32, #tpu.memory_space<vmem_shared>> -> memref<10240x8xf32, #tpu.memory_space<vmem_shared>>
    tpu.enqueue_indirect_dma source(%dma_start3A_299 : memref<10240x8xf32, #tpu.memory_space<vmem_shared>>) target(%arg26 : memref<1024x8xf32, #tpu.memory_space<vmem>>) offsets(%arg6 : memref<1024xi32, #tpu.memory_space<vmem>>) semaphore(%arg30 : memref<!tpu.dma_semaphore, #tpu.memory_space<semaphore_mem>>)
    %dma_wait3A_300 = arith.constant 0 : i32
    %dma_wait3A_301 = arith.constant 0 : i32
    %dma_wait3A_302 = tpu.memref_slice %arg29[%dma_wait3A_300, %dma_wait3A_301] : memref<10240x8xf32, #tpu.memory_space<vmem_shared>> -> memref<10240x8xf32, #tpu.memory_space<vmem_shared>>
    tpu.wait_indirect_dma semaphore(%arg30 : memref<!tpu.dma_semaphore, #tpu.memory_space<semaphore_mem>>) src(%dma_wait3A_302 : memref<10240x8xf32, #tpu.memory_space<vmem_shared>>) dst(%arg26 : memref<1024x8xf32, #tpu.memory_space<vmem>>)
    %dma_start3A_303 = arith.constant 0 : i32
    %dma_start3A_304 = arith.constant 0 : i32
    %dma_start3A_305 = tpu.memref_slice %arg28[%dma_start3A_303, %dma_start3A_304] : memref<10240x8xf32, #tpu.memory_space<vmem_shared>> -> memref<10240x8xf32, #tpu.memory_space<vmem_shared>>
    tpu.enqueue_indirect_dma source(%arg26 : memref<1024x8xf32, #tpu.memory_space<vmem>>) target(%dma_start3A_305 : memref<10240x8xf32, #tpu.memory_space<vmem_shared>>) offsets(%arg16 : memref<1024xi32, #tpu.memory_space<vmem>>) semaphore(%arg32 : memref<!tpu.dma_semaphore, #tpu.memory_space<semaphore_mem>>) {add = true}
    %dma_start3A_306 = arith.constant 0 : i32
    %dma_start3A_307 = arith.constant 0 : i32
    %dma_start3A_308 = tpu.memref_slice %arg29[%dma_start3A_306, %dma_start3A_307] : memref<10240x8xf32, #tpu.memory_space<vmem_shared>> -> memref<10240x8xf32, #tpu.memory_space<vmem_shared>>
    tpu.enqueue_indirect_dma source(%dma_start3A_308 : memref<10240x8xf32, #tpu.memory_space<vmem_shared>>) target(%arg27 : memref<1024x8xf32, #tpu.memory_space<vmem>>) offsets(%arg7 : memref<1024xi32, #tpu.memory_space<vmem>>) semaphore(%arg31 : memref<!tpu.dma_semaphore, #tpu.memory_space<semaphore_mem>>)
    %dma_wait3A_309 = arith.constant 0 : i32
    %dma_wait3A_310 = arith.constant 0 : i32
    %dma_wait3A_311 = tpu.memref_slice %arg29[%dma_wait3A_309, %dma_wait3A_310] : memref<10240x8xf32, #tpu.memory_space<vmem_shared>> -> memref<10240x8xf32, #tpu.memory_space<vmem_shared>>
    tpu.wait_indirect_dma semaphore(%arg31 : memref<!tpu.dma_semaphore, #tpu.memory_space<semaphore_mem>>) src(%dma_wait3A_311 : memref<10240x8xf32, #tpu.memory_space<vmem_shared>>) dst(%arg27 : memref<1024x8xf32, #tpu.memory_space<vmem>>)
    %dma_start3A_312 = arith.constant 0 : i32
    %dma_start3A_313 = arith.constant 0 : i32
    %dma_start3A_314 = tpu.memref_slice %arg28[%dma_start3A_312, %dma_start3A_313] : memref<10240x8xf32, #tpu.memory_space<vmem_shared>> -> memref<10240x8xf32, #tpu.memory_space<vmem_shared>>
    tpu.enqueue_indirect_dma source(%arg27 : memref<1024x8xf32, #tpu.memory_space<vmem>>) target(%dma_start3A_314 : memref<10240x8xf32, #tpu.memory_space<vmem_shared>>) offsets(%arg17 : memref<1024xi32, #tpu.memory_space<vmem>>) semaphore(%arg33 : memref<!tpu.dma_semaphore, #tpu.memory_space<semaphore_mem>>) {add = true}
    %dma_wait3A_315 = arith.constant 0 : i32
    %dma_wait3A_316 = arith.constant 0 : i32
    %dma_wait3A_317 = tpu.memref_slice %arg28[%dma_wait3A_315, %dma_wait3A_316] : memref<10240x8xf32, #tpu.memory_space<vmem_shared>> -> memref<10240x8xf32, #tpu.memory_space<vmem_shared>>
    tpu.wait_indirect_dma semaphore(%arg32 : memref<!tpu.dma_semaphore, #tpu.memory_space<semaphore_mem>>) src(%arg26 : memref<1024x8xf32, #tpu.memory_space<vmem>>) dst(%dma_wait3A_317 : memref<10240x8xf32, #tpu.memory_space<vmem_shared>>)
    %dma_start3A_318 = arith.constant 0 : i32
    %dma_start3A_319 = arith.constant 0 : i32
    %dma_start3A_320 = tpu.memref_slice %arg29[%dma_start3A_318, %dma_start3A_319] : memref<10240x8xf32, #tpu.memory_space<vmem_shared>> -> memref<10240x8xf32, #tpu.memory_space<vmem_shared>>
    tpu.enqueue_indirect_dma source(%dma_start3A_320 : memref<10240x8xf32, #tpu.memory_space<vmem_shared>>) target(%arg26 : memref<1024x8xf32, #tpu.memory_space<vmem>>) offsets(%arg8 : memref<1024xi32, #tpu.memory_space<vmem>>) semaphore(%arg30 : memref<!tpu.dma_semaphore, #tpu.memory_space<semaphore_mem>>)
    %dma_wait3A_321 = arith.constant 0 : i32
    %dma_wait3A_322 = arith.constant 0 : i32
    %dma_wait3A_323 = tpu.memref_slice %arg29[%dma_wait3A_321, %dma_wait3A_322] : memref<10240x8xf32, #tpu.memory_space<vmem_shared>> -> memref<10240x8xf32, #tpu.memory_space<vmem_shared>>
    tpu.wait_indirect_dma semaphore(%arg30 : memref<!tpu.dma_semaphore, #tpu.memory_space<semaphore_mem>>) src(%dma_wait3A_323 : memref<10240x8xf32, #tpu.memory_space<vmem_shared>>) dst(%arg26 : memref<1024x8xf32, #tpu.memory_space<vmem>>)
    %dma_start3A_324 = arith.constant 0 : i32
    %dma_start3A_325 = arith.constant 0 : i32
    %dma_start3A_326 = tpu.memref_slice %arg28[%dma_start3A_324, %dma_start3A_325] : memref<10240x8xf32, #tpu.memory_space<vmem_shared>> -> memref<10240x8xf32, #tpu.memory_space<vmem_shared>>
    tpu.enqueue_indirect_dma source(%arg26 : memref<1024x8xf32, #tpu.memory_space<vmem>>) target(%dma_start3A_326 : memref<10240x8xf32, #tpu.memory_space<vmem_shared>>) offsets(%arg18 : memref<1024xi32, #tpu.memory_space<vmem>>) semaphore(%arg32 : memref<!tpu.dma_semaphore, #tpu.memory_space<semaphore_mem>>) {add = true}
    %dma_wait3A_327 = arith.constant 0 : i32
    %dma_wait3A_328 = arith.constant 0 : i32
    %dma_wait3A_329 = tpu.memref_slice %arg28[%dma_wait3A_327, %dma_wait3A_328] : memref<10240x8xf32, #tpu.memory_space<vmem_shared>> -> memref<10240x8xf32, #tpu.memory_space<vmem_shared>>
    tpu.wait_indirect_dma semaphore(%arg33 : memref<!tpu.dma_semaphore, #tpu.memory_space<semaphore_mem>>) src(%arg27 : memref<1024x8xf32, #tpu.memory_space<vmem>>) dst(%dma_wait3A_329 : memref<10240x8xf32, #tpu.memory_space<vmem_shared>>)
    %dma_start3A_330 = arith.constant 0 : i32
    %dma_start3A_331 = arith.constant 0 : i32
    %dma_start3A_332 = tpu.memref_slice %arg29[%dma_start3A_330, %dma_start3A_331] : memref<10240x8xf32, #tpu.memory_space<vmem_shared>> -> memref<10240x8xf32, #tpu.memory_space<vmem_shared>>
    tpu.enqueue_indirect_dma source(%dma_start3A_332 : memref<10240x8xf32, #tpu.memory_space<vmem_shared>>) target(%arg27 : memref<1024x8xf32, #tpu.memory_space<vmem>>) offsets(%arg9 : memref<1024xi32, #tpu.memory_space<vmem>>) semaphore(%arg31 : memref<!tpu.dma_semaphore, #tpu.memory_space<semaphore_mem>>)
    %dma_wait3A_333 = arith.constant 0 : i32
    %dma_wait3A_334 = arith.constant 0 : i32
    %dma_wait3A_335 = tpu.memref_slice %arg29[%dma_wait3A_333, %dma_wait3A_334] : memref<10240x8xf32, #tpu.memory_space<vmem_shared>> -> memref<10240x8xf32, #tpu.memory_space<vmem_shared>>
    tpu.wait_indirect_dma semaphore(%arg31 : memref<!tpu.dma_semaphore, #tpu.memory_space<semaphore_mem>>) src(%dma_wait3A_335 : memref<10240x8xf32, #tpu.memory_space<vmem_shared>>) dst(%arg27 : memref<1024x8xf32, #tpu.memory_space<vmem>>)
    %dma_start3A_336 = arith.constant 0 : i32
    %dma_start3A_337 = arith.constant 0 : i32
    %dma_start3A_338 = tpu.memref_slice %arg28[%dma_start3A_336, %dma_start3A_337] : memref<10240x8xf32, #tpu.memory_space<vmem_shared>> -> memref<10240x8xf32, #tpu.memory_space<vmem_shared>>
    tpu.enqueue_indirect_dma source(%arg27 : memref<1024x8xf32, #tpu.memory_space<vmem>>) target(%dma_start3A_338 : memref<10240x8xf32, #tpu.memory_space<vmem_shared>>) offsets(%arg19 : memref<1024xi32, #tpu.memory_space<vmem>>) semaphore(%arg33 : memref<!tpu.dma_semaphore, #tpu.memory_space<semaphore_mem>>) {add = true}
    %dma_wait3A_339 = arith.constant 0 : i32
    %dma_wait3A_340 = arith.constant 0 : i32
    %dma_wait3A_341 = tpu.memref_slice %arg28[%dma_wait3A_339, %dma_wait3A_340] : memref<10240x8xf32, #tpu.memory_space<vmem_shared>> -> memref<10240x8xf32, #tpu.memory_space<vmem_shared>>
    tpu.wait_indirect_dma semaphore(%arg32 : memref<!tpu.dma_semaphore, #tpu.memory_space<semaphore_mem>>) src(%arg26 : memref<1024x8xf32, #tpu.memory_space<vmem>>) dst(%dma_wait3A_341 : memref<10240x8xf32, #tpu.memory_space<vmem_shared>>)
    %dma_start3A_342 = arith.constant 0 : i32
    %dma_start3A_343 = arith.constant 0 : i32
    %dma_start3A_344 = tpu.memref_slice %arg29[%dma_start3A_342, %dma_start3A_343] : memref<10240x8xf32, #tpu.memory_space<vmem_shared>> -> memref<10240x8xf32, #tpu.memory_space<vmem_shared>>
    tpu.enqueue_indirect_dma source(%dma_start3A_344 : memref<10240x8xf32, #tpu.memory_space<vmem_shared>>) target(%arg26 : memref<1024x8xf32, #tpu.memory_space<vmem>>) offsets(%arg10 : memref<1024xi32, #tpu.memory_space<vmem>>) semaphore(%arg30 : memref<!tpu.dma_semaphore, #tpu.memory_space<semaphore_mem>>)
    %dma_wait3A_345 = arith.constant 0 : i32
    %dma_wait3A_346 = arith.constant 0 : i32
    %dma_wait3A_347 = tpu.memref_slice %arg29[%dma_wait3A_345, %dma_wait3A_346] : memref<10240x8xf32, #tpu.memory_space<vmem_shared>> -> memref<10240x8xf32, #tpu.memory_space<vmem_shared>>
    tpu.wait_indirect_dma semaphore(%arg30 : memref<!tpu.dma_semaphore, #tpu.memory_space<semaphore_mem>>) src(%dma_wait3A_347 : memref<10240x8xf32, #tpu.memory_space<vmem_shared>>) dst(%arg26 : memref<1024x8xf32, #tpu.memory_space<vmem>>)
    %dma_start3A_348 = arith.constant 0 : i32
    %dma_start3A_349 = arith.constant 0 : i32
    %dma_start3A_350 = tpu.memref_slice %arg28[%dma_start3A_348, %dma_start3A_349] : memref<10240x8xf32, #tpu.memory_space<vmem_shared>> -> memref<10240x8xf32, #tpu.memory_space<vmem_shared>>
    tpu.enqueue_indirect_dma source(%arg26 : memref<1024x8xf32, #tpu.memory_space<vmem>>) target(%dma_start3A_350 : memref<10240x8xf32, #tpu.memory_space<vmem_shared>>) offsets(%arg20 : memref<1024xi32, #tpu.memory_space<vmem>>) semaphore(%arg32 : memref<!tpu.dma_semaphore, #tpu.memory_space<semaphore_mem>>) {add = true}
    %dma_wait3A_351 = arith.constant 0 : i32
    %dma_wait3A_352 = arith.constant 0 : i32
    %dma_wait3A_353 = tpu.memref_slice %arg28[%dma_wait3A_351, %dma_wait3A_352] : memref<10240x8xf32, #tpu.memory_space<vmem_shared>> -> memref<10240x8xf32, #tpu.memory_space<vmem_shared>>
    tpu.wait_indirect_dma semaphore(%arg33 : memref<!tpu.dma_semaphore, #tpu.memory_space<semaphore_mem>>) src(%arg27 : memref<1024x8xf32, #tpu.memory_space<vmem>>) dst(%dma_wait3A_353 : memref<10240x8xf32, #tpu.memory_space<vmem_shared>>)
    %dma_start3A_354 = arith.constant 0 : i32
    %dma_start3A_355 = arith.constant 0 : i32
    %dma_start3A_356 = tpu.memref_slice %arg29[%dma_start3A_354, %dma_start3A_355] : memref<10240x8xf32, #tpu.memory_space<vmem_shared>> -> memref<10240x8xf32, #tpu.memory_space<vmem_shared>>
    tpu.enqueue_indirect_dma source(%dma_start3A_356 : memref<10240x8xf32, #tpu.memory_space<vmem_shared>>) target(%arg27 : memref<1024x8xf32, #tpu.memory_space<vmem>>) offsets(%arg11 : memref<1024xi32, #tpu.memory_space<vmem>>) semaphore(%arg31 : memref<!tpu.dma_semaphore, #tpu.memory_space<semaphore_mem>>)
    %dma_wait3A_357 = arith.constant 0 : i32
    %dma_wait3A_358 = arith.constant 0 : i32
    %dma_wait3A_359 = tpu.memref_slice %arg29[%dma_wait3A_357, %dma_wait3A_358] : memref<10240x8xf32, #tpu.memory_space<vmem_shared>> -> memref<10240x8xf32, #tpu.memory_space<vmem_shared>>
    tpu.wait_indirect_dma semaphore(%arg31 : memref<!tpu.dma_semaphore, #tpu.memory_space<semaphore_mem>>) src(%dma_wait3A_359 : memref<10240x8xf32, #tpu.memory_space<vmem_shared>>) dst(%arg27 : memref<1024x8xf32, #tpu.memory_space<vmem>>)
    %dma_start3A_360 = arith.constant 0 : i32
    %dma_start3A_361 = arith.constant 0 : i32
    %dma_start3A_362 = tpu.memref_slice %arg28[%dma_start3A_360, %dma_start3A_361] : memref<10240x8xf32, #tpu.memory_space<vmem_shared>> -> memref<10240x8xf32, #tpu.memory_space<vmem_shared>>
    tpu.enqueue_indirect_dma source(%arg27 : memref<1024x8xf32, #tpu.memory_space<vmem>>) target(%dma_start3A_362 : memref<10240x8xf32, #tpu.memory_space<vmem_shared>>) offsets(%arg21 : memref<1024xi32, #tpu.memory_space<vmem>>) semaphore(%arg33 : memref<!tpu.dma_semaphore, #tpu.memory_space<semaphore_mem>>) {add = true}
    %dma_wait3A_363 = arith.constant 0 : i32
    %dma_wait3A_364 = arith.constant 0 : i32
    %dma_wait3A_365 = tpu.memref_slice %arg28[%dma_wait3A_363, %dma_wait3A_364] : memref<10240x8xf32, #tpu.memory_space<vmem_shared>> -> memref<10240x8xf32, #tpu.memory_space<vmem_shared>>
    tpu.wait_indirect_dma semaphore(%arg32 : memref<!tpu.dma_semaphore, #tpu.memory_space<semaphore_mem>>) src(%arg26 : memref<1024x8xf32, #tpu.memory_space<vmem>>) dst(%dma_wait3A_365 : memref<10240x8xf32, #tpu.memory_space<vmem_shared>>)
    %dma_start3A_366 = arith.constant 0 : i32
    %dma_start3A_367 = arith.constant 0 : i32
    %dma_start3A_368 = tpu.memref_slice %arg29[%dma_start3A_366, %dma_start3A_367] : memref<10240x8xf32, #tpu.memory_space<vmem_shared>> -> memref<10240x8xf32, #tpu.memory_space<vmem_shared>>
    tpu.enqueue_indirect_dma source(%dma_start3A_368 : memref<10240x8xf32, #tpu.memory_space<vmem_shared>>) target(%arg26 : memref<1024x8xf32, #tpu.memory_space<vmem>>) offsets(%arg12 : memref<1024xi32, #tpu.memory_space<vmem>>) semaphore(%arg30 : memref<!tpu.dma_semaphore, #tpu.memory_space<semaphore_mem>>)
    %dma_wait3A_369 = arith.constant 0 : i32
    %dma_wait3A_370 = arith.constant 0 : i32
    %dma_wait3A_371 = tpu.memref_slice %arg29[%dma_wait3A_369, %dma_wait3A_370] : memref<10240x8xf32, #tpu.memory_space<vmem_shared>> -> memref<10240x8xf32, #tpu.memory_space<vmem_shared>>
    tpu.wait_indirect_dma semaphore(%arg30 : memref<!tpu.dma_semaphore, #tpu.memory_space<semaphore_mem>>) src(%dma_wait3A_371 : memref<10240x8xf32, #tpu.memory_space<vmem_shared>>) dst(%arg26 : memref<1024x8xf32, #tpu.memory_space<vmem>>)
    %dma_start3A_372 = arith.constant 0 : i32
    %dma_start3A_373 = arith.constant 0 : i32
    %dma_start3A_374 = tpu.memref_slice %arg28[%dma_start3A_372, %dma_start3A_373] : memref<10240x8xf32, #tpu.memory_space<vmem_shared>> -> memref<10240x8xf32, #tpu.memory_space<vmem_shared>>
    tpu.enqueue_indirect_dma source(%arg26 : memref<1024x8xf32, #tpu.memory_space<vmem>>) target(%dma_start3A_374 : memref<10240x8xf32, #tpu.memory_space<vmem_shared>>) offsets(%arg22 : memref<1024xi32, #tpu.memory_space<vmem>>) semaphore(%arg32 : memref<!tpu.dma_semaphore, #tpu.memory_space<semaphore_mem>>) {add = true}
    %dma_wait3A_375 = arith.constant 0 : i32
    %dma_wait3A_376 = arith.constant 0 : i32
    %dma_wait3A_377 = tpu.memref_slice %arg28[%dma_wait3A_375, %dma_wait3A_376] : memref<10240x8xf32, #tpu.memory_space<vmem_shared>> -> memref<10240x8xf32, #tpu.memory_space<vmem_shared>>
    tpu.wait_indirect_dma semaphore(%arg33 : memref<!tpu.dma_semaphore, #tpu.memory_space<semaphore_mem>>) src(%arg27 : memref<1024x8xf32, #tpu.memory_space<vmem>>) dst(%dma_wait3A_377 : memref<10240x8xf32, #tpu.memory_space<vmem_shared>>)
    %dma_start3A_378 = arith.constant 0 : i32
    %dma_start3A_379 = arith.constant 0 : i32
    %dma_start3A_380 = tpu.memref_slice %arg29[%dma_start3A_378, %dma_start3A_379] : memref<10240x8xf32, #tpu.memory_space<vmem_shared>> -> memref<10240x8xf32, #tpu.memory_space<vmem_shared>>
    tpu.enqueue_indirect_dma source(%dma_start3A_380 : memref<10240x8xf32, #tpu.memory_space<vmem_shared>>) target(%arg27 : memref<1024x8xf32, #tpu.memory_space<vmem>>) offsets(%arg13 : memref<1024xi32, #tpu.memory_space<vmem>>) semaphore(%arg31 : memref<!tpu.dma_semaphore, #tpu.memory_space<semaphore_mem>>)
    %dma_wait3A_381 = arith.constant 0 : i32
    %dma_wait3A_382 = arith.constant 0 : i32
    %dma_wait3A_383 = tpu.memref_slice %arg29[%dma_wait3A_381, %dma_wait3A_382] : memref<10240x8xf32, #tpu.memory_space<vmem_shared>> -> memref<10240x8xf32, #tpu.memory_space<vmem_shared>>
    tpu.wait_indirect_dma semaphore(%arg31 : memref<!tpu.dma_semaphore, #tpu.memory_space<semaphore_mem>>) src(%dma_wait3A_383 : memref<10240x8xf32, #tpu.memory_space<vmem_shared>>) dst(%arg27 : memref<1024x8xf32, #tpu.memory_space<vmem>>)
    %dma_start3A_384 = arith.constant 0 : i32
    %dma_start3A_385 = arith.constant 0 : i32
    %dma_start3A_386 = tpu.memref_slice %arg28[%dma_start3A_384, %dma_start3A_385] : memref<10240x8xf32, #tpu.memory_space<vmem_shared>> -> memref<10240x8xf32, #tpu.memory_space<vmem_shared>>
    tpu.enqueue_indirect_dma source(%arg27 : memref<1024x8xf32, #tpu.memory_space<vmem>>) target(%dma_start3A_386 : memref<10240x8xf32, #tpu.memory_space<vmem_shared>>) offsets(%arg23 : memref<1024xi32, #tpu.memory_space<vmem>>) semaphore(%arg33 : memref<!tpu.dma_semaphore, #tpu.memory_space<semaphore_mem>>) {add = true}
    %dma_wait3A_387 = arith.constant 0 : i32
    %dma_wait3A_388 = arith.constant 0 : i32
    %dma_wait3A_389 = tpu.memref_slice %arg28[%dma_wait3A_387, %dma_wait3A_388] : memref<10240x8xf32, #tpu.memory_space<vmem_shared>> -> memref<10240x8xf32, #tpu.memory_space<vmem_shared>>
    tpu.wait_indirect_dma semaphore(%arg32 : memref<!tpu.dma_semaphore, #tpu.memory_space<semaphore_mem>>) src(%arg26 : memref<1024x8xf32, #tpu.memory_space<vmem>>) dst(%dma_wait3A_389 : memref<10240x8xf32, #tpu.memory_space<vmem_shared>>)
    %dma_start3A_390 = arith.constant 0 : i32
    %dma_start3A_391 = arith.constant 0 : i32
    %dma_start3A_392 = tpu.memref_slice %arg29[%dma_start3A_390, %dma_start3A_391] : memref<10240x8xf32, #tpu.memory_space<vmem_shared>> -> memref<10240x8xf32, #tpu.memory_space<vmem_shared>>
    tpu.enqueue_indirect_dma source(%dma_start3A_392 : memref<10240x8xf32, #tpu.memory_space<vmem_shared>>) target(%arg26 : memref<1024x8xf32, #tpu.memory_space<vmem>>) offsets(%arg14 : memref<1024xi32, #tpu.memory_space<vmem>>) semaphore(%arg30 : memref<!tpu.dma_semaphore, #tpu.memory_space<semaphore_mem>>)
    %dma_wait3A_393 = arith.constant 0 : i32
    %dma_wait3A_394 = arith.constant 0 : i32
    %dma_wait3A_395 = tpu.memref_slice %arg29[%dma_wait3A_393, %dma_wait3A_394] : memref<10240x8xf32, #tpu.memory_space<vmem_shared>> -> memref<10240x8xf32, #tpu.memory_space<vmem_shared>>
    tpu.wait_indirect_dma semaphore(%arg30 : memref<!tpu.dma_semaphore, #tpu.memory_space<semaphore_mem>>) src(%dma_wait3A_395 : memref<10240x8xf32, #tpu.memory_space<vmem_shared>>) dst(%arg26 : memref<1024x8xf32, #tpu.memory_space<vmem>>)
    %dma_start3A_396 = arith.constant 0 : i32
    %dma_start3A_397 = arith.constant 0 : i32
    %dma_start3A_398 = tpu.memref_slice %arg28[%dma_start3A_396, %dma_start3A_397] : memref<10240x8xf32, #tpu.memory_space<vmem_shared>> -> memref<10240x8xf32, #tpu.memory_space<vmem_shared>>
    tpu.enqueue_indirect_dma source(%arg26 : memref<1024x8xf32, #tpu.memory_space<vmem>>) target(%dma_start3A_398 : memref<10240x8xf32, #tpu.memory_space<vmem_shared>>) offsets(%arg24 : memref<1024xi32, #tpu.memory_space<vmem>>) semaphore(%arg32 : memref<!tpu.dma_semaphore, #tpu.memory_space<semaphore_mem>>) {add = true}
    %dma_wait3A_399 = arith.constant 0 : i32
    %dma_wait3A_400 = arith.constant 0 : i32
    %dma_wait3A_401 = tpu.memref_slice %arg28[%dma_wait3A_399, %dma_wait3A_400] : memref<10240x8xf32, #tpu.memory_space<vmem_shared>> -> memref<10240x8xf32, #tpu.memory_space<vmem_shared>>
    tpu.wait_indirect_dma semaphore(%arg33 : memref<!tpu.dma_semaphore, #tpu.memory_space<semaphore_mem>>) src(%arg27 : memref<1024x8xf32, #tpu.memory_space<vmem>>) dst(%dma_wait3A_401 : memref<10240x8xf32, #tpu.memory_space<vmem_shared>>)
    %dma_start3A_402 = arith.constant 0 : i32
    %dma_start3A_403 = arith.constant 0 : i32
    %dma_start3A_404 = tpu.memref_slice %arg27[%dma_start3A_402, %dma_start3A_403] : memref<1024x8xf32, #tpu.memory_space<vmem>> -> memref<784x8xf32, #tpu.memory_space<vmem>>
    %dma_start3A_405 = arith.constant 0 : i32
    %dma_start3A_406 = arith.constant 0 : i32
    %dma_start3A_407 = tpu.memref_slice %arg29[%dma_start3A_405, %dma_start3A_406] : memref<10240x8xf32, #tpu.memory_space<vmem_shared>> -> memref<10240x8xf32, #tpu.memory_space<vmem_shared>>
    tpu.enqueue_indirect_dma source(%dma_start3A_407 : memref<10240x8xf32, #tpu.memory_space<vmem_shared>>) target(%dma_start3A_404 : memref<784x8xf32, #tpu.memory_space<vmem>>) offsets(%arg15 : memref<784xi32, #tpu.memory_space<vmem>>) semaphore(%arg31 : memref<!tpu.dma_semaphore, #tpu.memory_space<semaphore_mem>>)
    %dma_wait3A_408 = arith.constant 0 : i32
    %dma_wait3A_409 = arith.constant 0 : i32
    %dma_wait3A_410 = tpu.memref_slice %arg27[%dma_wait3A_408, %dma_wait3A_409] : memref<1024x8xf32, #tpu.memory_space<vmem>> -> memref<784x8xf32, #tpu.memory_space<vmem>>
    %dma_wait3A_411 = arith.constant 0 : i32
    %dma_wait3A_412 = arith.constant 0 : i32
    %dma_wait3A_413 = tpu.memref_slice %arg29[%dma_wait3A_411, %dma_wait3A_412] : memref<10240x8xf32, #tpu.memory_space<vmem_shared>> -> memref<10240x8xf32, #tpu.memory_space<vmem_shared>>
    tpu.wait_indirect_dma semaphore(%arg31 : memref<!tpu.dma_semaphore, #tpu.memory_space<semaphore_mem>>) src(%dma_wait3A_413 : memref<10240x8xf32, #tpu.memory_space<vmem_shared>>) dst(%dma_wait3A_410 : memref<784x8xf32, #tpu.memory_space<vmem>>)
    %dma_start3A_414 = arith.constant 0 : i32
    %dma_start3A_415 = arith.constant 0 : i32
    %dma_start3A_416 = tpu.memref_slice %arg27[%dma_start3A_414, %dma_start3A_415] : memref<1024x8xf32, #tpu.memory_space<vmem>> -> memref<784x8xf32, #tpu.memory_space<vmem>>
    %dma_start3A_417 = arith.constant 0 : i32
    %dma_start3A_418 = arith.constant 0 : i32
    %dma_start3A_419 = tpu.memref_slice %arg28[%dma_start3A_417, %dma_start3A_418] : memref<10240x8xf32, #tpu.memory_space<vmem_shared>> -> memref<10240x8xf32, #tpu.memory_space<vmem_shared>>
    tpu.enqueue_indirect_dma source(%dma_start3A_416 : memref<784x8xf32, #tpu.memory_space<vmem>>) target(%dma_start3A_419 : memref<10240x8xf32, #tpu.memory_space<vmem_shared>>) offsets(%arg25 : memref<784xi32, #tpu.memory_space<vmem>>) semaphore(%arg33 : memref<!tpu.dma_semaphore, #tpu.memory_space<semaphore_mem>>) {add = true}
    %dma_wait3A_420 = arith.constant 0 : i32
    %dma_wait3A_421 = arith.constant 0 : i32
    %dma_wait3A_422 = tpu.memref_slice %arg28[%dma_wait3A_420, %dma_wait3A_421] : memref<10240x8xf32, #tpu.memory_space<vmem_shared>> -> memref<10240x8xf32, #tpu.memory_space<vmem_shared>>
    tpu.wait_indirect_dma semaphore(%arg32 : memref<!tpu.dma_semaphore, #tpu.memory_space<semaphore_mem>>) src(%arg26 : memref<1024x8xf32, #tpu.memory_space<vmem>>) dst(%dma_wait3A_422 : memref<10240x8xf32, #tpu.memory_space<vmem_shared>>)
    %dma_wait3A_423 = arith.constant 0 : i32
    %dma_wait3A_424 = arith.constant 0 : i32
    %dma_wait3A_425 = tpu.memref_slice %arg27[%dma_wait3A_423, %dma_wait3A_424] : memref<1024x8xf32, #tpu.memory_space<vmem>> -> memref<784x8xf32, #tpu.memory_space<vmem>>
    %dma_wait3A_426 = arith.constant 0 : i32
    %dma_wait3A_427 = arith.constant 0 : i32
    %dma_wait3A_428 = tpu.memref_slice %arg28[%dma_wait3A_426, %dma_wait3A_427] : memref<10240x8xf32, #tpu.memory_space<vmem_shared>> -> memref<10240x8xf32, #tpu.memory_space<vmem_shared>>
    tpu.wait_indirect_dma semaphore(%arg33 : memref<!tpu.dma_semaphore, #tpu.memory_space<semaphore_mem>>) src(%dma_wait3A_425 : memref<784x8xf32, #tpu.memory_space<vmem>>) dst(%dma_wait3A_428 : memref<10240x8xf32, #tpu.memory_space<vmem_shared>>)
    %barrier3A_429 = arith.constant 0 : index
    tpu.barrier barrier_id(%barrier3A_429)
    %mul3A_430 = arith.constant 640 : i32
    %mul3A_431 = arith.muli %arg1, %mul3A_430 : i32
    %mul3A_432 = arith.constant 640 : i32
    %mul3A_433 = arith.muli %arg1, %mul3A_432 : i32
    "tpu.region"() ({
      %run_scoped3A = tpu.sem_alloc : memref<!tpu.dma_semaphore, #tpu.memory_space<semaphore_mem>>
      %dma_start3A_434 = arith.constant 0 : i32
      %dma_start3A_435 = tpu.memref_slice %arg5[%arg0, %mul3A_433, %dma_start3A_434] : memref<2x10240x8xf32, #tpu.memory_space<hbm>> -> memref<1x640x8xf32, #tpu.memory_space<hbm>>
      %dma_start3A_436 = tpu.memref_squeeze %dma_start3A_435 : memref<1x640x8xf32, #tpu.memory_space<hbm>> -> memref<640x8xf32, #tpu.memory_space<hbm>>
      %dma_start3A_437 = arith.constant 0 : i32
      %dma_start3A_438 = tpu.memref_slice %arg28[%mul3A_431, %dma_start3A_437] : memref<10240x8xf32, #tpu.memory_space<vmem_shared>> -> memref<640x8xf32, #tpu.memory_space<vmem_shared>>
      tpu.enqueue_dma source(%dma_start3A_438 : memref<640x8xf32, #tpu.memory_space<vmem_shared>>) target(%dma_start3A_436 : memref<640x8xf32, #tpu.memory_space<hbm>>) target_semaphore(%run_scoped3A : memref<!tpu.dma_semaphore, #tpu.memory_space<semaphore_mem>>)
      %dma_wait3A_439 = arith.constant 0 : i32
      %dma_wait3A_440 = tpu.memref_slice %arg5[%arg0, %mul3A_433, %dma_wait3A_439] : memref<2x10240x8xf32, #tpu.memory_space<hbm>> -> memref<1x640x8xf32, #tpu.memory_space<hbm>>
      %dma_wait3A_441 = tpu.memref_squeeze %dma_wait3A_440 : memref<1x640x8xf32, #tpu.memory_space<hbm>> -> memref<640x8xf32, #tpu.memory_space<hbm>>
      %dma_wait3A_442 = arith.constant 0 : i32
      %dma_wait3A_443 = tpu.memref_slice %arg28[%mul3A_431, %dma_wait3A_442] : memref<10240x8xf32, #tpu.memory_space<vmem_shared>> -> memref<640x8xf32, #tpu.memory_space<vmem_shared>>
      tpu.wait_dma2 semaphore(%run_scoped3A : memref<!tpu.dma_semaphore, #tpu.memory_space<semaphore_mem>>) src(%dma_wait3A_443 : memref<640x8xf32, #tpu.memory_space<vmem_shared>>) dst(%dma_wait3A_441 : memref<640x8xf32, #tpu.memory_space<hbm>>)
      tpu.yield
    }) : () -> ()
    return
  }
}

#map = affine_map<(d0, d1) -> (0, 0)>
#map1 = affine_map<(d0, d1) -> (0, 0, 0)>
module attributes {stable_mosaic.version = 14 : i64} {
  func.func @agg_kernel(%arg0: i32, %arg1: i32, %arg2: memref<10240x16xf32, #tpu.memory_space<hbm>>, %arg3: memref<2x32x10000xi32, #tpu.memory_space<hbm>>, %arg4: memref<640x16xf32, #tpu.memory_space<hbm>>, %arg5: memref<2x10240x16xf32, #tpu.memory_space<hbm>>, %arg6: memref<1024xi32, #tpu.memory_space<vmem>>, %arg7: memref<1024xi32, #tpu.memory_space<vmem>>, %arg8: memref<1024xi32, #tpu.memory_space<vmem>>, %arg9: memref<1024xi32, #tpu.memory_space<vmem>>, %arg10: memref<1024xi32, #tpu.memory_space<vmem>>, %arg11: memref<1024xi32, #tpu.memory_space<vmem>>, %arg12: memref<1024xi32, #tpu.memory_space<vmem>>, %arg13: memref<1024xi32, #tpu.memory_space<vmem>>, %arg14: memref<1024xi32, #tpu.memory_space<vmem>>, %arg15: memref<784xi32, #tpu.memory_space<vmem>>, %arg16: memref<1024xi32, #tpu.memory_space<vmem>>, %arg17: memref<1024xi32, #tpu.memory_space<vmem>>, %arg18: memref<1024xi32, #tpu.memory_space<vmem>>, %arg19: memref<1024xi32, #tpu.memory_space<vmem>>, %arg20: memref<1024xi32, #tpu.memory_space<vmem>>, %arg21: memref<1024xi32, #tpu.memory_space<vmem>>, %arg22: memref<1024xi32, #tpu.memory_space<vmem>>, %arg23: memref<1024xi32, #tpu.memory_space<vmem>>, %arg24: memref<1024xi32, #tpu.memory_space<vmem>>, %arg25: memref<784xi32, #tpu.memory_space<vmem>>, %arg26: memref<1024x16xf32, #tpu.memory_space<vmem>>, %arg27: memref<1024x16xf32, #tpu.memory_space<vmem>>, %arg28: memref<10240x16xf32, #tpu.memory_space<vmem_shared>>, %arg29: memref<10240x16xf32, #tpu.memory_space<vmem_shared>>, %arg30: memref<!tpu.dma_semaphore, #tpu.memory_space<semaphore_mem>>, %arg31: memref<!tpu.dma_semaphore, #tpu.memory_space<semaphore_mem>>, %arg32: memref<!tpu.dma_semaphore, #tpu.memory_space<semaphore_mem>>, %arg33: memref<!tpu.dma_semaphore, #tpu.memory_space<semaphore_mem>>, %arg34: memref<!tpu.dma_semaphore, #tpu.memory_space<semaphore_mem>>) attributes {dimension_semantics = [#tpu.dimension_semantics<core_parallel>, #tpu.dimension_semantics<subcore_parallel>], iteration_bounds = array<i64: 2, 16>, scalar_prefetch = 0 : i64, scratch_operands = 29 : i64, tpu.core_type = #tpu.core_type<sc_vector_subcore>, window_params = [{transform_indices = #map}, {transform_indices = #map1}, {transform_indices = #map}, {transform_indices = #map1}]} {
    %mul3A = arith.constant 16 : i32
    %mul3A_0 = arith.muli %arg0, %mul3A : i32
    %add3A = arith.addi %mul3A_0, %arg1 : i32
    %mul3A_1 = arith.constant 640 : i32
    %mul3A_2 = arith.muli %arg1, %mul3A_1 : i32
    "tpu.region"() ({
      %run_scoped3A = tpu.sem_alloc : memref<!tpu.dma_semaphore, #tpu.memory_space<semaphore_mem>>
      %dma_start3A_434 = arith.constant 0 : i32
      %dma_start3A_435 = tpu.memref_slice %arg28[%mul3A_2, %dma_start3A_434] : memref<10240x16xf32, #tpu.memory_space<vmem_shared>> -> memref<640x16xf32, #tpu.memory_space<vmem_shared>>
      tpu.enqueue_dma source(%arg4 : memref<640x16xf32, #tpu.memory_space<hbm>>) target(%dma_start3A_435 : memref<640x16xf32, #tpu.memory_space<vmem_shared>>) target_semaphore(%run_scoped3A : memref<!tpu.dma_semaphore, #tpu.memory_space<semaphore_mem>>)
      %dma_wait3A_436 = arith.constant 0 : i32
      %dma_wait3A_437 = tpu.memref_slice %arg28[%mul3A_2, %dma_wait3A_436] : memref<10240x16xf32, #tpu.memory_space<vmem_shared>> -> memref<640x16xf32, #tpu.memory_space<vmem_shared>>
      tpu.wait_dma2 semaphore(%run_scoped3A : memref<!tpu.dma_semaphore, #tpu.memory_space<semaphore_mem>>) src(%arg4 : memref<640x16xf32, #tpu.memory_space<hbm>>) dst(%dma_wait3A_437 : memref<640x16xf32, #tpu.memory_space<vmem_shared>>)
      tpu.yield
    }) : () -> ()
    %mul3A_3 = arith.constant 640 : i32
    %mul3A_4 = arith.muli %arg1, %mul3A_3 : i32
    %mul3A_5 = arith.constant 640 : i32
    %mul3A_6 = arith.muli %arg1, %mul3A_5 : i32
    %dma_start3A = arith.constant 0 : i32
    %dma_start3A_7 = tpu.memref_slice %arg29[%mul3A_6, %dma_start3A] : memref<10240x16xf32, #tpu.memory_space<vmem_shared>> -> memref<640x16xf32, #tpu.memory_space<vmem_shared>>
    %dma_start3A_8 = arith.constant 0 : i32
    %dma_start3A_9 = tpu.memref_slice %arg2[%mul3A_4, %dma_start3A_8] : memref<10240x16xf32, #tpu.memory_space<hbm>> -> memref<640x16xf32, #tpu.memory_space<hbm>>
    tpu.enqueue_dma source(%dma_start3A_9 : memref<640x16xf32, #tpu.memory_space<hbm>>) target(%dma_start3A_7 : memref<640x16xf32, #tpu.memory_space<vmem_shared>>) target_semaphore(%arg34 : memref<!tpu.dma_semaphore, #tpu.memory_space<semaphore_mem>>)
    %dma_start3A_10 = arith.constant 0 : i32
    %dma_start3A_11 = arith.constant 0 : i32
    %dma_start3A_12 = tpu.memref_slice %arg3[%dma_start3A_10, %add3A, %dma_start3A_11] : memref<2x32x10000xi32, #tpu.memory_space<hbm>> -> memref<1x1x1024xi32, #tpu.memory_space<hbm>>
    %dma_start3A_13 = tpu.memref_squeeze %dma_start3A_12 : memref<1x1x1024xi32, #tpu.memory_space<hbm>> -> memref<1024xi32, #tpu.memory_space<hbm>>
    %dma_start3A_14 = arith.constant 0 : i32
    %dma_start3A_15 = tpu.memref_slice %arg3[%dma_start3A_10, %add3A, %dma_start3A_14] : memref<2x32x10000xi32, #tpu.memory_space<hbm>> -> memref<1x1x1024xi32, #tpu.memory_space<hbm>>
    %dma_start3A_16 = tpu.memref_squeeze %dma_start3A_15 : memref<1x1x1024xi32, #tpu.memory_space<hbm>> -> memref<1024xi32, #tpu.memory_space<hbm>>
    tpu.enqueue_dma source(%dma_start3A_16 : memref<1024xi32, #tpu.memory_space<hbm>>) target(%arg6 : memref<1024xi32, #tpu.memory_space<vmem>>) target_semaphore(%arg34 : memref<!tpu.dma_semaphore, #tpu.memory_space<semaphore_mem>>)
    %dma_start3A_17 = arith.constant 1 : i32
    %dma_start3A_18 = arith.constant 0 : i32
    %dma_start3A_19 = tpu.memref_slice %arg3[%dma_start3A_17, %add3A, %dma_start3A_18] : memref<2x32x10000xi32, #tpu.memory_space<hbm>> -> memref<1x1x1024xi32, #tpu.memory_space<hbm>>
    %dma_start3A_20 = tpu.memref_squeeze %dma_start3A_19 : memref<1x1x1024xi32, #tpu.memory_space<hbm>> -> memref<1024xi32, #tpu.memory_space<hbm>>
    %dma_start3A_21 = arith.constant 0 : i32
    %dma_start3A_22 = tpu.memref_slice %arg3[%dma_start3A_17, %add3A, %dma_start3A_21] : memref<2x32x10000xi32, #tpu.memory_space<hbm>> -> memref<1x1x1024xi32, #tpu.memory_space<hbm>>
    %dma_start3A_23 = tpu.memref_squeeze %dma_start3A_22 : memref<1x1x1024xi32, #tpu.memory_space<hbm>> -> memref<1024xi32, #tpu.memory_space<hbm>>
    tpu.enqueue_dma source(%dma_start3A_23 : memref<1024xi32, #tpu.memory_space<hbm>>) target(%arg16 : memref<1024xi32, #tpu.memory_space<vmem>>) target_semaphore(%arg34 : memref<!tpu.dma_semaphore, #tpu.memory_space<semaphore_mem>>)
    %dma_start3A_24 = arith.constant 0 : i32
    %dma_start3A_25 = arith.constant 1024 : i32
    %dma_start3A_26 = tpu.memref_slice %arg3[%dma_start3A_24, %add3A, %dma_start3A_25] : memref<2x32x10000xi32, #tpu.memory_space<hbm>> -> memref<1x1x1024xi32, #tpu.memory_space<hbm>>
    %dma_start3A_27 = tpu.memref_squeeze %dma_start3A_26 : memref<1x1x1024xi32, #tpu.memory_space<hbm>> -> memref<1024xi32, #tpu.memory_space<hbm>>
    %dma_start3A_28 = arith.constant 1024 : i32
    %dma_start3A_29 = tpu.memref_slice %arg3[%dma_start3A_24, %add3A, %dma_start3A_28] : memref<2x32x10000xi32, #tpu.memory_space<hbm>> -> memref<1x1x1024xi32, #tpu.memory_space<hbm>>
    %dma_start3A_30 = tpu.memref_squeeze %dma_start3A_29 : memref<1x1x1024xi32, #tpu.memory_space<hbm>> -> memref<1024xi32, #tpu.memory_space<hbm>>
    tpu.enqueue_dma source(%dma_start3A_30 : memref<1024xi32, #tpu.memory_space<hbm>>) target(%arg7 : memref<1024xi32, #tpu.memory_space<vmem>>) target_semaphore(%arg34 : memref<!tpu.dma_semaphore, #tpu.memory_space<semaphore_mem>>)
    %dma_start3A_31 = arith.constant 1 : i32
    %dma_start3A_32 = arith.constant 1024 : i32
    %dma_start3A_33 = tpu.memref_slice %arg3[%dma_start3A_31, %add3A, %dma_start3A_32] : memref<2x32x10000xi32, #tpu.memory_space<hbm>> -> memref<1x1x1024xi32, #tpu.memory_space<hbm>>
    %dma_start3A_34 = tpu.memref_squeeze %dma_start3A_33 : memref<1x1x1024xi32, #tpu.memory_space<hbm>> -> memref<1024xi32, #tpu.memory_space<hbm>>
    %dma_start3A_35 = arith.constant 1024 : i32
    %dma_start3A_36 = tpu.memref_slice %arg3[%dma_start3A_31, %add3A, %dma_start3A_35] : memref<2x32x10000xi32, #tpu.memory_space<hbm>> -> memref<1x1x1024xi32, #tpu.memory_space<hbm>>
    %dma_start3A_37 = tpu.memref_squeeze %dma_start3A_36 : memref<1x1x1024xi32, #tpu.memory_space<hbm>> -> memref<1024xi32, #tpu.memory_space<hbm>>
    tpu.enqueue_dma source(%dma_start3A_37 : memref<1024xi32, #tpu.memory_space<hbm>>) target(%arg17 : memref<1024xi32, #tpu.memory_space<vmem>>) target_semaphore(%arg34 : memref<!tpu.dma_semaphore, #tpu.memory_space<semaphore_mem>>)
    %dma_start3A_38 = arith.constant 0 : i32
    %dma_start3A_39 = arith.constant 2048 : i32
    %dma_start3A_40 = tpu.memref_slice %arg3[%dma_start3A_38, %add3A, %dma_start3A_39] : memref<2x32x10000xi32, #tpu.memory_space<hbm>> -> memref<1x1x1024xi32, #tpu.memory_space<hbm>>
    %dma_start3A_41 = tpu.memref_squeeze %dma_start3A_40 : memref<1x1x1024xi32, #tpu.memory_space<hbm>> -> memref<1024xi32, #tpu.memory_space<hbm>>
    %dma_start3A_42 = arith.constant 2048 : i32
    %dma_start3A_43 = tpu.memref_slice %arg3[%dma_start3A_38, %add3A, %dma_start3A_42] : memref<2x32x10000xi32, #tpu.memory_space<hbm>> -> memref<1x1x1024xi32, #tpu.memory_space<hbm>>
    %dma_start3A_44 = tpu.memref_squeeze %dma_start3A_43 : memref<1x1x1024xi32, #tpu.memory_space<hbm>> -> memref<1024xi32, #tpu.memory_space<hbm>>
    tpu.enqueue_dma source(%dma_start3A_44 : memref<1024xi32, #tpu.memory_space<hbm>>) target(%arg8 : memref<1024xi32, #tpu.memory_space<vmem>>) target_semaphore(%arg34 : memref<!tpu.dma_semaphore, #tpu.memory_space<semaphore_mem>>)
    %dma_start3A_45 = arith.constant 1 : i32
    %dma_start3A_46 = arith.constant 2048 : i32
    %dma_start3A_47 = tpu.memref_slice %arg3[%dma_start3A_45, %add3A, %dma_start3A_46] : memref<2x32x10000xi32, #tpu.memory_space<hbm>> -> memref<1x1x1024xi32, #tpu.memory_space<hbm>>
    %dma_start3A_48 = tpu.memref_squeeze %dma_start3A_47 : memref<1x1x1024xi32, #tpu.memory_space<hbm>> -> memref<1024xi32, #tpu.memory_space<hbm>>
    %dma_start3A_49 = arith.constant 2048 : i32
    %dma_start3A_50 = tpu.memref_slice %arg3[%dma_start3A_45, %add3A, %dma_start3A_49] : memref<2x32x10000xi32, #tpu.memory_space<hbm>> -> memref<1x1x1024xi32, #tpu.memory_space<hbm>>
    %dma_start3A_51 = tpu.memref_squeeze %dma_start3A_50 : memref<1x1x1024xi32, #tpu.memory_space<hbm>> -> memref<1024xi32, #tpu.memory_space<hbm>>
    tpu.enqueue_dma source(%dma_start3A_51 : memref<1024xi32, #tpu.memory_space<hbm>>) target(%arg18 : memref<1024xi32, #tpu.memory_space<vmem>>) target_semaphore(%arg34 : memref<!tpu.dma_semaphore, #tpu.memory_space<semaphore_mem>>)
    %dma_start3A_52 = arith.constant 0 : i32
    %dma_start3A_53 = arith.constant 3072 : i32
    %dma_start3A_54 = tpu.memref_slice %arg3[%dma_start3A_52, %add3A, %dma_start3A_53] : memref<2x32x10000xi32, #tpu.memory_space<hbm>> -> memref<1x1x1024xi32, #tpu.memory_space<hbm>>
    %dma_start3A_55 = tpu.memref_squeeze %dma_start3A_54 : memref<1x1x1024xi32, #tpu.memory_space<hbm>> -> memref<1024xi32, #tpu.memory_space<hbm>>
    %dma_start3A_56 = arith.constant 3072 : i32
    %dma_start3A_57 = tpu.memref_slice %arg3[%dma_start3A_52, %add3A, %dma_start3A_56] : memref<2x32x10000xi32, #tpu.memory_space<hbm>> -> memref<1x1x1024xi32, #tpu.memory_space<hbm>>
    %dma_start3A_58 = tpu.memref_squeeze %dma_start3A_57 : memref<1x1x1024xi32, #tpu.memory_space<hbm>> -> memref<1024xi32, #tpu.memory_space<hbm>>
    tpu.enqueue_dma source(%dma_start3A_58 : memref<1024xi32, #tpu.memory_space<hbm>>) target(%arg9 : memref<1024xi32, #tpu.memory_space<vmem>>) target_semaphore(%arg34 : memref<!tpu.dma_semaphore, #tpu.memory_space<semaphore_mem>>)
    %dma_start3A_59 = arith.constant 1 : i32
    %dma_start3A_60 = arith.constant 3072 : i32
    %dma_start3A_61 = tpu.memref_slice %arg3[%dma_start3A_59, %add3A, %dma_start3A_60] : memref<2x32x10000xi32, #tpu.memory_space<hbm>> -> memref<1x1x1024xi32, #tpu.memory_space<hbm>>
    %dma_start3A_62 = tpu.memref_squeeze %dma_start3A_61 : memref<1x1x1024xi32, #tpu.memory_space<hbm>> -> memref<1024xi32, #tpu.memory_space<hbm>>
    %dma_start3A_63 = arith.constant 3072 : i32
    %dma_start3A_64 = tpu.memref_slice %arg3[%dma_start3A_59, %add3A, %dma_start3A_63] : memref<2x32x10000xi32, #tpu.memory_space<hbm>> -> memref<1x1x1024xi32, #tpu.memory_space<hbm>>
    %dma_start3A_65 = tpu.memref_squeeze %dma_start3A_64 : memref<1x1x1024xi32, #tpu.memory_space<hbm>> -> memref<1024xi32, #tpu.memory_space<hbm>>
    tpu.enqueue_dma source(%dma_start3A_65 : memref<1024xi32, #tpu.memory_space<hbm>>) target(%arg19 : memref<1024xi32, #tpu.memory_space<vmem>>) target_semaphore(%arg34 : memref<!tpu.dma_semaphore, #tpu.memory_space<semaphore_mem>>)
    %dma_start3A_66 = arith.constant 0 : i32
    %dma_start3A_67 = arith.constant 4096 : i32
    %dma_start3A_68 = tpu.memref_slice %arg3[%dma_start3A_66, %add3A, %dma_start3A_67] : memref<2x32x10000xi32, #tpu.memory_space<hbm>> -> memref<1x1x1024xi32, #tpu.memory_space<hbm>>
    %dma_start3A_69 = tpu.memref_squeeze %dma_start3A_68 : memref<1x1x1024xi32, #tpu.memory_space<hbm>> -> memref<1024xi32, #tpu.memory_space<hbm>>
    %dma_start3A_70 = arith.constant 4096 : i32
    %dma_start3A_71 = tpu.memref_slice %arg3[%dma_start3A_66, %add3A, %dma_start3A_70] : memref<2x32x10000xi32, #tpu.memory_space<hbm>> -> memref<1x1x1024xi32, #tpu.memory_space<hbm>>
    %dma_start3A_72 = tpu.memref_squeeze %dma_start3A_71 : memref<1x1x1024xi32, #tpu.memory_space<hbm>> -> memref<1024xi32, #tpu.memory_space<hbm>>
    tpu.enqueue_dma source(%dma_start3A_72 : memref<1024xi32, #tpu.memory_space<hbm>>) target(%arg10 : memref<1024xi32, #tpu.memory_space<vmem>>) target_semaphore(%arg34 : memref<!tpu.dma_semaphore, #tpu.memory_space<semaphore_mem>>)
    %dma_start3A_73 = arith.constant 1 : i32
    %dma_start3A_74 = arith.constant 4096 : i32
    %dma_start3A_75 = tpu.memref_slice %arg3[%dma_start3A_73, %add3A, %dma_start3A_74] : memref<2x32x10000xi32, #tpu.memory_space<hbm>> -> memref<1x1x1024xi32, #tpu.memory_space<hbm>>
    %dma_start3A_76 = tpu.memref_squeeze %dma_start3A_75 : memref<1x1x1024xi32, #tpu.memory_space<hbm>> -> memref<1024xi32, #tpu.memory_space<hbm>>
    %dma_start3A_77 = arith.constant 4096 : i32
    %dma_start3A_78 = tpu.memref_slice %arg3[%dma_start3A_73, %add3A, %dma_start3A_77] : memref<2x32x10000xi32, #tpu.memory_space<hbm>> -> memref<1x1x1024xi32, #tpu.memory_space<hbm>>
    %dma_start3A_79 = tpu.memref_squeeze %dma_start3A_78 : memref<1x1x1024xi32, #tpu.memory_space<hbm>> -> memref<1024xi32, #tpu.memory_space<hbm>>
    tpu.enqueue_dma source(%dma_start3A_79 : memref<1024xi32, #tpu.memory_space<hbm>>) target(%arg20 : memref<1024xi32, #tpu.memory_space<vmem>>) target_semaphore(%arg34 : memref<!tpu.dma_semaphore, #tpu.memory_space<semaphore_mem>>)
    %dma_start3A_80 = arith.constant 0 : i32
    %dma_start3A_81 = arith.constant 5120 : i32
    %dma_start3A_82 = tpu.memref_slice %arg3[%dma_start3A_80, %add3A, %dma_start3A_81] : memref<2x32x10000xi32, #tpu.memory_space<hbm>> -> memref<1x1x1024xi32, #tpu.memory_space<hbm>>
    %dma_start3A_83 = tpu.memref_squeeze %dma_start3A_82 : memref<1x1x1024xi32, #tpu.memory_space<hbm>> -> memref<1024xi32, #tpu.memory_space<hbm>>
    %dma_start3A_84 = arith.constant 5120 : i32
    %dma_start3A_85 = tpu.memref_slice %arg3[%dma_start3A_80, %add3A, %dma_start3A_84] : memref<2x32x10000xi32, #tpu.memory_space<hbm>> -> memref<1x1x1024xi32, #tpu.memory_space<hbm>>
    %dma_start3A_86 = tpu.memref_squeeze %dma_start3A_85 : memref<1x1x1024xi32, #tpu.memory_space<hbm>> -> memref<1024xi32, #tpu.memory_space<hbm>>
    tpu.enqueue_dma source(%dma_start3A_86 : memref<1024xi32, #tpu.memory_space<hbm>>) target(%arg11 : memref<1024xi32, #tpu.memory_space<vmem>>) target_semaphore(%arg34 : memref<!tpu.dma_semaphore, #tpu.memory_space<semaphore_mem>>)
    %dma_start3A_87 = arith.constant 1 : i32
    %dma_start3A_88 = arith.constant 5120 : i32
    %dma_start3A_89 = tpu.memref_slice %arg3[%dma_start3A_87, %add3A, %dma_start3A_88] : memref<2x32x10000xi32, #tpu.memory_space<hbm>> -> memref<1x1x1024xi32, #tpu.memory_space<hbm>>
    %dma_start3A_90 = tpu.memref_squeeze %dma_start3A_89 : memref<1x1x1024xi32, #tpu.memory_space<hbm>> -> memref<1024xi32, #tpu.memory_space<hbm>>
    %dma_start3A_91 = arith.constant 5120 : i32
    %dma_start3A_92 = tpu.memref_slice %arg3[%dma_start3A_87, %add3A, %dma_start3A_91] : memref<2x32x10000xi32, #tpu.memory_space<hbm>> -> memref<1x1x1024xi32, #tpu.memory_space<hbm>>
    %dma_start3A_93 = tpu.memref_squeeze %dma_start3A_92 : memref<1x1x1024xi32, #tpu.memory_space<hbm>> -> memref<1024xi32, #tpu.memory_space<hbm>>
    tpu.enqueue_dma source(%dma_start3A_93 : memref<1024xi32, #tpu.memory_space<hbm>>) target(%arg21 : memref<1024xi32, #tpu.memory_space<vmem>>) target_semaphore(%arg34 : memref<!tpu.dma_semaphore, #tpu.memory_space<semaphore_mem>>)
    %dma_start3A_94 = arith.constant 0 : i32
    %dma_start3A_95 = arith.constant 6144 : i32
    %dma_start3A_96 = tpu.memref_slice %arg3[%dma_start3A_94, %add3A, %dma_start3A_95] : memref<2x32x10000xi32, #tpu.memory_space<hbm>> -> memref<1x1x1024xi32, #tpu.memory_space<hbm>>
    %dma_start3A_97 = tpu.memref_squeeze %dma_start3A_96 : memref<1x1x1024xi32, #tpu.memory_space<hbm>> -> memref<1024xi32, #tpu.memory_space<hbm>>
    %dma_start3A_98 = arith.constant 6144 : i32
    %dma_start3A_99 = tpu.memref_slice %arg3[%dma_start3A_94, %add3A, %dma_start3A_98] : memref<2x32x10000xi32, #tpu.memory_space<hbm>> -> memref<1x1x1024xi32, #tpu.memory_space<hbm>>
    %dma_start3A_100 = tpu.memref_squeeze %dma_start3A_99 : memref<1x1x1024xi32, #tpu.memory_space<hbm>> -> memref<1024xi32, #tpu.memory_space<hbm>>
    tpu.enqueue_dma source(%dma_start3A_100 : memref<1024xi32, #tpu.memory_space<hbm>>) target(%arg12 : memref<1024xi32, #tpu.memory_space<vmem>>) target_semaphore(%arg34 : memref<!tpu.dma_semaphore, #tpu.memory_space<semaphore_mem>>)
    %dma_start3A_101 = arith.constant 1 : i32
    %dma_start3A_102 = arith.constant 6144 : i32
    %dma_start3A_103 = tpu.memref_slice %arg3[%dma_start3A_101, %add3A, %dma_start3A_102] : memref<2x32x10000xi32, #tpu.memory_space<hbm>> -> memref<1x1x1024xi32, #tpu.memory_space<hbm>>
    %dma_start3A_104 = tpu.memref_squeeze %dma_start3A_103 : memref<1x1x1024xi32, #tpu.memory_space<hbm>> -> memref<1024xi32, #tpu.memory_space<hbm>>
    %dma_start3A_105 = arith.constant 6144 : i32
    %dma_start3A_106 = tpu.memref_slice %arg3[%dma_start3A_101, %add3A, %dma_start3A_105] : memref<2x32x10000xi32, #tpu.memory_space<hbm>> -> memref<1x1x1024xi32, #tpu.memory_space<hbm>>
    %dma_start3A_107 = tpu.memref_squeeze %dma_start3A_106 : memref<1x1x1024xi32, #tpu.memory_space<hbm>> -> memref<1024xi32, #tpu.memory_space<hbm>>
    tpu.enqueue_dma source(%dma_start3A_107 : memref<1024xi32, #tpu.memory_space<hbm>>) target(%arg22 : memref<1024xi32, #tpu.memory_space<vmem>>) target_semaphore(%arg34 : memref<!tpu.dma_semaphore, #tpu.memory_space<semaphore_mem>>)
    %dma_start3A_108 = arith.constant 0 : i32
    %dma_start3A_109 = arith.constant 7168 : i32
    %dma_start3A_110 = tpu.memref_slice %arg3[%dma_start3A_108, %add3A, %dma_start3A_109] : memref<2x32x10000xi32, #tpu.memory_space<hbm>> -> memref<1x1x1024xi32, #tpu.memory_space<hbm>>
    %dma_start3A_111 = tpu.memref_squeeze %dma_start3A_110 : memref<1x1x1024xi32, #tpu.memory_space<hbm>> -> memref<1024xi32, #tpu.memory_space<hbm>>
    %dma_start3A_112 = arith.constant 7168 : i32
    %dma_start3A_113 = tpu.memref_slice %arg3[%dma_start3A_108, %add3A, %dma_start3A_112] : memref<2x32x10000xi32, #tpu.memory_space<hbm>> -> memref<1x1x1024xi32, #tpu.memory_space<hbm>>
    %dma_start3A_114 = tpu.memref_squeeze %dma_start3A_113 : memref<1x1x1024xi32, #tpu.memory_space<hbm>> -> memref<1024xi32, #tpu.memory_space<hbm>>
    tpu.enqueue_dma source(%dma_start3A_114 : memref<1024xi32, #tpu.memory_space<hbm>>) target(%arg13 : memref<1024xi32, #tpu.memory_space<vmem>>) target_semaphore(%arg34 : memref<!tpu.dma_semaphore, #tpu.memory_space<semaphore_mem>>)
    %dma_start3A_115 = arith.constant 1 : i32
    %dma_start3A_116 = arith.constant 7168 : i32
    %dma_start3A_117 = tpu.memref_slice %arg3[%dma_start3A_115, %add3A, %dma_start3A_116] : memref<2x32x10000xi32, #tpu.memory_space<hbm>> -> memref<1x1x1024xi32, #tpu.memory_space<hbm>>
    %dma_start3A_118 = tpu.memref_squeeze %dma_start3A_117 : memref<1x1x1024xi32, #tpu.memory_space<hbm>> -> memref<1024xi32, #tpu.memory_space<hbm>>
    %dma_start3A_119 = arith.constant 7168 : i32
    %dma_start3A_120 = tpu.memref_slice %arg3[%dma_start3A_115, %add3A, %dma_start3A_119] : memref<2x32x10000xi32, #tpu.memory_space<hbm>> -> memref<1x1x1024xi32, #tpu.memory_space<hbm>>
    %dma_start3A_121 = tpu.memref_squeeze %dma_start3A_120 : memref<1x1x1024xi32, #tpu.memory_space<hbm>> -> memref<1024xi32, #tpu.memory_space<hbm>>
    tpu.enqueue_dma source(%dma_start3A_121 : memref<1024xi32, #tpu.memory_space<hbm>>) target(%arg23 : memref<1024xi32, #tpu.memory_space<vmem>>) target_semaphore(%arg34 : memref<!tpu.dma_semaphore, #tpu.memory_space<semaphore_mem>>)
    %dma_start3A_122 = arith.constant 0 : i32
    %dma_start3A_123 = arith.constant 8192 : i32
    %dma_start3A_124 = tpu.memref_slice %arg3[%dma_start3A_122, %add3A, %dma_start3A_123] : memref<2x32x10000xi32, #tpu.memory_space<hbm>> -> memref<1x1x1024xi32, #tpu.memory_space<hbm>>
    %dma_start3A_125 = tpu.memref_squeeze %dma_start3A_124 : memref<1x1x1024xi32, #tpu.memory_space<hbm>> -> memref<1024xi32, #tpu.memory_space<hbm>>
    %dma_start3A_126 = arith.constant 8192 : i32
    %dma_start3A_127 = tpu.memref_slice %arg3[%dma_start3A_122, %add3A, %dma_start3A_126] : memref<2x32x10000xi32, #tpu.memory_space<hbm>> -> memref<1x1x1024xi32, #tpu.memory_space<hbm>>
    %dma_start3A_128 = tpu.memref_squeeze %dma_start3A_127 : memref<1x1x1024xi32, #tpu.memory_space<hbm>> -> memref<1024xi32, #tpu.memory_space<hbm>>
    tpu.enqueue_dma source(%dma_start3A_128 : memref<1024xi32, #tpu.memory_space<hbm>>) target(%arg14 : memref<1024xi32, #tpu.memory_space<vmem>>) target_semaphore(%arg34 : memref<!tpu.dma_semaphore, #tpu.memory_space<semaphore_mem>>)
    %dma_start3A_129 = arith.constant 1 : i32
    %dma_start3A_130 = arith.constant 8192 : i32
    %dma_start3A_131 = tpu.memref_slice %arg3[%dma_start3A_129, %add3A, %dma_start3A_130] : memref<2x32x10000xi32, #tpu.memory_space<hbm>> -> memref<1x1x1024xi32, #tpu.memory_space<hbm>>
    %dma_start3A_132 = tpu.memref_squeeze %dma_start3A_131 : memref<1x1x1024xi32, #tpu.memory_space<hbm>> -> memref<1024xi32, #tpu.memory_space<hbm>>
    %dma_start3A_133 = arith.constant 8192 : i32
    %dma_start3A_134 = tpu.memref_slice %arg3[%dma_start3A_129, %add3A, %dma_start3A_133] : memref<2x32x10000xi32, #tpu.memory_space<hbm>> -> memref<1x1x1024xi32, #tpu.memory_space<hbm>>
    %dma_start3A_135 = tpu.memref_squeeze %dma_start3A_134 : memref<1x1x1024xi32, #tpu.memory_space<hbm>> -> memref<1024xi32, #tpu.memory_space<hbm>>
    tpu.enqueue_dma source(%dma_start3A_135 : memref<1024xi32, #tpu.memory_space<hbm>>) target(%arg24 : memref<1024xi32, #tpu.memory_space<vmem>>) target_semaphore(%arg34 : memref<!tpu.dma_semaphore, #tpu.memory_space<semaphore_mem>>)
    %dma_start3A_136 = arith.constant 0 : i32
    %dma_start3A_137 = arith.constant 9216 : i32
    %dma_start3A_138 = tpu.memref_slice %arg3[%dma_start3A_136, %add3A, %dma_start3A_137] : memref<2x32x10000xi32, #tpu.memory_space<hbm>> -> memref<1x1x784xi32, #tpu.memory_space<hbm>>
    %dma_start3A_139 = tpu.memref_squeeze %dma_start3A_138 : memref<1x1x784xi32, #tpu.memory_space<hbm>> -> memref<784xi32, #tpu.memory_space<hbm>>
    %dma_start3A_140 = arith.constant 9216 : i32
    %dma_start3A_141 = tpu.memref_slice %arg3[%dma_start3A_136, %add3A, %dma_start3A_140] : memref<2x32x10000xi32, #tpu.memory_space<hbm>> -> memref<1x1x784xi32, #tpu.memory_space<hbm>>
    %dma_start3A_142 = tpu.memref_squeeze %dma_start3A_141 : memref<1x1x784xi32, #tpu.memory_space<hbm>> -> memref<784xi32, #tpu.memory_space<hbm>>
    tpu.enqueue_dma source(%dma_start3A_142 : memref<784xi32, #tpu.memory_space<hbm>>) target(%arg15 : memref<784xi32, #tpu.memory_space<vmem>>) target_semaphore(%arg34 : memref<!tpu.dma_semaphore, #tpu.memory_space<semaphore_mem>>)
    %dma_start3A_143 = arith.constant 1 : i32
    %dma_start3A_144 = arith.constant 9216 : i32
    %dma_start3A_145 = tpu.memref_slice %arg3[%dma_start3A_143, %add3A, %dma_start3A_144] : memref<2x32x10000xi32, #tpu.memory_space<hbm>> -> memref<1x1x784xi32, #tpu.memory_space<hbm>>
    %dma_start3A_146 = tpu.memref_squeeze %dma_start3A_145 : memref<1x1x784xi32, #tpu.memory_space<hbm>> -> memref<784xi32, #tpu.memory_space<hbm>>
    %dma_start3A_147 = arith.constant 9216 : i32
    %dma_start3A_148 = tpu.memref_slice %arg3[%dma_start3A_143, %add3A, %dma_start3A_147] : memref<2x32x10000xi32, #tpu.memory_space<hbm>> -> memref<1x1x784xi32, #tpu.memory_space<hbm>>
    %dma_start3A_149 = tpu.memref_squeeze %dma_start3A_148 : memref<1x1x784xi32, #tpu.memory_space<hbm>> -> memref<784xi32, #tpu.memory_space<hbm>>
    tpu.enqueue_dma source(%dma_start3A_149 : memref<784xi32, #tpu.memory_space<hbm>>) target(%arg25 : memref<784xi32, #tpu.memory_space<vmem>>) target_semaphore(%arg34 : memref<!tpu.dma_semaphore, #tpu.memory_space<semaphore_mem>>)
    %dma_wait3A = arith.constant 0 : i32
    %dma_wait3A_150 = arith.constant 0 : i32
    %dma_wait3A_151 = tpu.memref_slice %arg3[%dma_wait3A, %add3A, %dma_wait3A_150] : memref<2x32x10000xi32, #tpu.memory_space<hbm>> -> memref<1x1x1024xi32, #tpu.memory_space<hbm>>
    %dma_wait3A_152 = tpu.memref_squeeze %dma_wait3A_151 : memref<1x1x1024xi32, #tpu.memory_space<hbm>> -> memref<1024xi32, #tpu.memory_space<hbm>>
    %dma_wait3A_153 = arith.constant 0 : i32
    %dma_wait3A_154 = tpu.memref_slice %arg3[%dma_wait3A, %add3A, %dma_wait3A_153] : memref<2x32x10000xi32, #tpu.memory_space<hbm>> -> memref<1x1x1024xi32, #tpu.memory_space<hbm>>
    %dma_wait3A_155 = tpu.memref_squeeze %dma_wait3A_154 : memref<1x1x1024xi32, #tpu.memory_space<hbm>> -> memref<1024xi32, #tpu.memory_space<hbm>>
    tpu.wait_dma2 semaphore(%arg34 : memref<!tpu.dma_semaphore, #tpu.memory_space<semaphore_mem>>) src(%dma_wait3A_155 : memref<1024xi32, #tpu.memory_space<hbm>>) dst(%arg6 : memref<1024xi32, #tpu.memory_space<vmem>>)
    %dma_wait3A_156 = arith.constant 1 : i32
    %dma_wait3A_157 = arith.constant 0 : i32
    %dma_wait3A_158 = tpu.memref_slice %arg3[%dma_wait3A_156, %add3A, %dma_wait3A_157] : memref<2x32x10000xi32, #tpu.memory_space<hbm>> -> memref<1x1x1024xi32, #tpu.memory_space<hbm>>
    %dma_wait3A_159 = tpu.memref_squeeze %dma_wait3A_158 : memref<1x1x1024xi32, #tpu.memory_space<hbm>> -> memref<1024xi32, #tpu.memory_space<hbm>>
    %dma_wait3A_160 = arith.constant 0 : i32
    %dma_wait3A_161 = tpu.memref_slice %arg3[%dma_wait3A_156, %add3A, %dma_wait3A_160] : memref<2x32x10000xi32, #tpu.memory_space<hbm>> -> memref<1x1x1024xi32, #tpu.memory_space<hbm>>
    %dma_wait3A_162 = tpu.memref_squeeze %dma_wait3A_161 : memref<1x1x1024xi32, #tpu.memory_space<hbm>> -> memref<1024xi32, #tpu.memory_space<hbm>>
    tpu.wait_dma2 semaphore(%arg34 : memref<!tpu.dma_semaphore, #tpu.memory_space<semaphore_mem>>) src(%dma_wait3A_162 : memref<1024xi32, #tpu.memory_space<hbm>>) dst(%arg16 : memref<1024xi32, #tpu.memory_space<vmem>>)
    %dma_wait3A_163 = arith.constant 0 : i32
    %dma_wait3A_164 = arith.constant 1024 : i32
    %dma_wait3A_165 = tpu.memref_slice %arg3[%dma_wait3A_163, %add3A, %dma_wait3A_164] : memref<2x32x10000xi32, #tpu.memory_space<hbm>> -> memref<1x1x1024xi32, #tpu.memory_space<hbm>>
    %dma_wait3A_166 = tpu.memref_squeeze %dma_wait3A_165 : memref<1x1x1024xi32, #tpu.memory_space<hbm>> -> memref<1024xi32, #tpu.memory_space<hbm>>
    %dma_wait3A_167 = arith.constant 1024 : i32
    %dma_wait3A_168 = tpu.memref_slice %arg3[%dma_wait3A_163, %add3A, %dma_wait3A_167] : memref<2x32x10000xi32, #tpu.memory_space<hbm>> -> memref<1x1x1024xi32, #tpu.memory_space<hbm>>
    %dma_wait3A_169 = tpu.memref_squeeze %dma_wait3A_168 : memref<1x1x1024xi32, #tpu.memory_space<hbm>> -> memref<1024xi32, #tpu.memory_space<hbm>>
    tpu.wait_dma2 semaphore(%arg34 : memref<!tpu.dma_semaphore, #tpu.memory_space<semaphore_mem>>) src(%dma_wait3A_169 : memref<1024xi32, #tpu.memory_space<hbm>>) dst(%arg7 : memref<1024xi32, #tpu.memory_space<vmem>>)
    %dma_wait3A_170 = arith.constant 1 : i32
    %dma_wait3A_171 = arith.constant 1024 : i32
    %dma_wait3A_172 = tpu.memref_slice %arg3[%dma_wait3A_170, %add3A, %dma_wait3A_171] : memref<2x32x10000xi32, #tpu.memory_space<hbm>> -> memref<1x1x1024xi32, #tpu.memory_space<hbm>>
    %dma_wait3A_173 = tpu.memref_squeeze %dma_wait3A_172 : memref<1x1x1024xi32, #tpu.memory_space<hbm>> -> memref<1024xi32, #tpu.memory_space<hbm>>
    %dma_wait3A_174 = arith.constant 1024 : i32
    %dma_wait3A_175 = tpu.memref_slice %arg3[%dma_wait3A_170, %add3A, %dma_wait3A_174] : memref<2x32x10000xi32, #tpu.memory_space<hbm>> -> memref<1x1x1024xi32, #tpu.memory_space<hbm>>
    %dma_wait3A_176 = tpu.memref_squeeze %dma_wait3A_175 : memref<1x1x1024xi32, #tpu.memory_space<hbm>> -> memref<1024xi32, #tpu.memory_space<hbm>>
    tpu.wait_dma2 semaphore(%arg34 : memref<!tpu.dma_semaphore, #tpu.memory_space<semaphore_mem>>) src(%dma_wait3A_176 : memref<1024xi32, #tpu.memory_space<hbm>>) dst(%arg17 : memref<1024xi32, #tpu.memory_space<vmem>>)
    %dma_wait3A_177 = arith.constant 0 : i32
    %dma_wait3A_178 = arith.constant 2048 : i32
    %dma_wait3A_179 = tpu.memref_slice %arg3[%dma_wait3A_177, %add3A, %dma_wait3A_178] : memref<2x32x10000xi32, #tpu.memory_space<hbm>> -> memref<1x1x1024xi32, #tpu.memory_space<hbm>>
    %dma_wait3A_180 = tpu.memref_squeeze %dma_wait3A_179 : memref<1x1x1024xi32, #tpu.memory_space<hbm>> -> memref<1024xi32, #tpu.memory_space<hbm>>
    %dma_wait3A_181 = arith.constant 2048 : i32
    %dma_wait3A_182 = tpu.memref_slice %arg3[%dma_wait3A_177, %add3A, %dma_wait3A_181] : memref<2x32x10000xi32, #tpu.memory_space<hbm>> -> memref<1x1x1024xi32, #tpu.memory_space<hbm>>
    %dma_wait3A_183 = tpu.memref_squeeze %dma_wait3A_182 : memref<1x1x1024xi32, #tpu.memory_space<hbm>> -> memref<1024xi32, #tpu.memory_space<hbm>>
    tpu.wait_dma2 semaphore(%arg34 : memref<!tpu.dma_semaphore, #tpu.memory_space<semaphore_mem>>) src(%dma_wait3A_183 : memref<1024xi32, #tpu.memory_space<hbm>>) dst(%arg8 : memref<1024xi32, #tpu.memory_space<vmem>>)
    %dma_wait3A_184 = arith.constant 1 : i32
    %dma_wait3A_185 = arith.constant 2048 : i32
    %dma_wait3A_186 = tpu.memref_slice %arg3[%dma_wait3A_184, %add3A, %dma_wait3A_185] : memref<2x32x10000xi32, #tpu.memory_space<hbm>> -> memref<1x1x1024xi32, #tpu.memory_space<hbm>>
    %dma_wait3A_187 = tpu.memref_squeeze %dma_wait3A_186 : memref<1x1x1024xi32, #tpu.memory_space<hbm>> -> memref<1024xi32, #tpu.memory_space<hbm>>
    %dma_wait3A_188 = arith.constant 2048 : i32
    %dma_wait3A_189 = tpu.memref_slice %arg3[%dma_wait3A_184, %add3A, %dma_wait3A_188] : memref<2x32x10000xi32, #tpu.memory_space<hbm>> -> memref<1x1x1024xi32, #tpu.memory_space<hbm>>
    %dma_wait3A_190 = tpu.memref_squeeze %dma_wait3A_189 : memref<1x1x1024xi32, #tpu.memory_space<hbm>> -> memref<1024xi32, #tpu.memory_space<hbm>>
    tpu.wait_dma2 semaphore(%arg34 : memref<!tpu.dma_semaphore, #tpu.memory_space<semaphore_mem>>) src(%dma_wait3A_190 : memref<1024xi32, #tpu.memory_space<hbm>>) dst(%arg18 : memref<1024xi32, #tpu.memory_space<vmem>>)
    %dma_wait3A_191 = arith.constant 0 : i32
    %dma_wait3A_192 = arith.constant 3072 : i32
    %dma_wait3A_193 = tpu.memref_slice %arg3[%dma_wait3A_191, %add3A, %dma_wait3A_192] : memref<2x32x10000xi32, #tpu.memory_space<hbm>> -> memref<1x1x1024xi32, #tpu.memory_space<hbm>>
    %dma_wait3A_194 = tpu.memref_squeeze %dma_wait3A_193 : memref<1x1x1024xi32, #tpu.memory_space<hbm>> -> memref<1024xi32, #tpu.memory_space<hbm>>
    %dma_wait3A_195 = arith.constant 3072 : i32
    %dma_wait3A_196 = tpu.memref_slice %arg3[%dma_wait3A_191, %add3A, %dma_wait3A_195] : memref<2x32x10000xi32, #tpu.memory_space<hbm>> -> memref<1x1x1024xi32, #tpu.memory_space<hbm>>
    %dma_wait3A_197 = tpu.memref_squeeze %dma_wait3A_196 : memref<1x1x1024xi32, #tpu.memory_space<hbm>> -> memref<1024xi32, #tpu.memory_space<hbm>>
    tpu.wait_dma2 semaphore(%arg34 : memref<!tpu.dma_semaphore, #tpu.memory_space<semaphore_mem>>) src(%dma_wait3A_197 : memref<1024xi32, #tpu.memory_space<hbm>>) dst(%arg9 : memref<1024xi32, #tpu.memory_space<vmem>>)
    %dma_wait3A_198 = arith.constant 1 : i32
    %dma_wait3A_199 = arith.constant 3072 : i32
    %dma_wait3A_200 = tpu.memref_slice %arg3[%dma_wait3A_198, %add3A, %dma_wait3A_199] : memref<2x32x10000xi32, #tpu.memory_space<hbm>> -> memref<1x1x1024xi32, #tpu.memory_space<hbm>>
    %dma_wait3A_201 = tpu.memref_squeeze %dma_wait3A_200 : memref<1x1x1024xi32, #tpu.memory_space<hbm>> -> memref<1024xi32, #tpu.memory_space<hbm>>
    %dma_wait3A_202 = arith.constant 3072 : i32
    %dma_wait3A_203 = tpu.memref_slice %arg3[%dma_wait3A_198, %add3A, %dma_wait3A_202] : memref<2x32x10000xi32, #tpu.memory_space<hbm>> -> memref<1x1x1024xi32, #tpu.memory_space<hbm>>
    %dma_wait3A_204 = tpu.memref_squeeze %dma_wait3A_203 : memref<1x1x1024xi32, #tpu.memory_space<hbm>> -> memref<1024xi32, #tpu.memory_space<hbm>>
    tpu.wait_dma2 semaphore(%arg34 : memref<!tpu.dma_semaphore, #tpu.memory_space<semaphore_mem>>) src(%dma_wait3A_204 : memref<1024xi32, #tpu.memory_space<hbm>>) dst(%arg19 : memref<1024xi32, #tpu.memory_space<vmem>>)
    %dma_wait3A_205 = arith.constant 0 : i32
    %dma_wait3A_206 = arith.constant 4096 : i32
    %dma_wait3A_207 = tpu.memref_slice %arg3[%dma_wait3A_205, %add3A, %dma_wait3A_206] : memref<2x32x10000xi32, #tpu.memory_space<hbm>> -> memref<1x1x1024xi32, #tpu.memory_space<hbm>>
    %dma_wait3A_208 = tpu.memref_squeeze %dma_wait3A_207 : memref<1x1x1024xi32, #tpu.memory_space<hbm>> -> memref<1024xi32, #tpu.memory_space<hbm>>
    %dma_wait3A_209 = arith.constant 4096 : i32
    %dma_wait3A_210 = tpu.memref_slice %arg3[%dma_wait3A_205, %add3A, %dma_wait3A_209] : memref<2x32x10000xi32, #tpu.memory_space<hbm>> -> memref<1x1x1024xi32, #tpu.memory_space<hbm>>
    %dma_wait3A_211 = tpu.memref_squeeze %dma_wait3A_210 : memref<1x1x1024xi32, #tpu.memory_space<hbm>> -> memref<1024xi32, #tpu.memory_space<hbm>>
    tpu.wait_dma2 semaphore(%arg34 : memref<!tpu.dma_semaphore, #tpu.memory_space<semaphore_mem>>) src(%dma_wait3A_211 : memref<1024xi32, #tpu.memory_space<hbm>>) dst(%arg10 : memref<1024xi32, #tpu.memory_space<vmem>>)
    %dma_wait3A_212 = arith.constant 1 : i32
    %dma_wait3A_213 = arith.constant 4096 : i32
    %dma_wait3A_214 = tpu.memref_slice %arg3[%dma_wait3A_212, %add3A, %dma_wait3A_213] : memref<2x32x10000xi32, #tpu.memory_space<hbm>> -> memref<1x1x1024xi32, #tpu.memory_space<hbm>>
    %dma_wait3A_215 = tpu.memref_squeeze %dma_wait3A_214 : memref<1x1x1024xi32, #tpu.memory_space<hbm>> -> memref<1024xi32, #tpu.memory_space<hbm>>
    %dma_wait3A_216 = arith.constant 4096 : i32
    %dma_wait3A_217 = tpu.memref_slice %arg3[%dma_wait3A_212, %add3A, %dma_wait3A_216] : memref<2x32x10000xi32, #tpu.memory_space<hbm>> -> memref<1x1x1024xi32, #tpu.memory_space<hbm>>
    %dma_wait3A_218 = tpu.memref_squeeze %dma_wait3A_217 : memref<1x1x1024xi32, #tpu.memory_space<hbm>> -> memref<1024xi32, #tpu.memory_space<hbm>>
    tpu.wait_dma2 semaphore(%arg34 : memref<!tpu.dma_semaphore, #tpu.memory_space<semaphore_mem>>) src(%dma_wait3A_218 : memref<1024xi32, #tpu.memory_space<hbm>>) dst(%arg20 : memref<1024xi32, #tpu.memory_space<vmem>>)
    %dma_wait3A_219 = arith.constant 0 : i32
    %dma_wait3A_220 = arith.constant 5120 : i32
    %dma_wait3A_221 = tpu.memref_slice %arg3[%dma_wait3A_219, %add3A, %dma_wait3A_220] : memref<2x32x10000xi32, #tpu.memory_space<hbm>> -> memref<1x1x1024xi32, #tpu.memory_space<hbm>>
    %dma_wait3A_222 = tpu.memref_squeeze %dma_wait3A_221 : memref<1x1x1024xi32, #tpu.memory_space<hbm>> -> memref<1024xi32, #tpu.memory_space<hbm>>
    %dma_wait3A_223 = arith.constant 5120 : i32
    %dma_wait3A_224 = tpu.memref_slice %arg3[%dma_wait3A_219, %add3A, %dma_wait3A_223] : memref<2x32x10000xi32, #tpu.memory_space<hbm>> -> memref<1x1x1024xi32, #tpu.memory_space<hbm>>
    %dma_wait3A_225 = tpu.memref_squeeze %dma_wait3A_224 : memref<1x1x1024xi32, #tpu.memory_space<hbm>> -> memref<1024xi32, #tpu.memory_space<hbm>>
    tpu.wait_dma2 semaphore(%arg34 : memref<!tpu.dma_semaphore, #tpu.memory_space<semaphore_mem>>) src(%dma_wait3A_225 : memref<1024xi32, #tpu.memory_space<hbm>>) dst(%arg11 : memref<1024xi32, #tpu.memory_space<vmem>>)
    %dma_wait3A_226 = arith.constant 1 : i32
    %dma_wait3A_227 = arith.constant 5120 : i32
    %dma_wait3A_228 = tpu.memref_slice %arg3[%dma_wait3A_226, %add3A, %dma_wait3A_227] : memref<2x32x10000xi32, #tpu.memory_space<hbm>> -> memref<1x1x1024xi32, #tpu.memory_space<hbm>>
    %dma_wait3A_229 = tpu.memref_squeeze %dma_wait3A_228 : memref<1x1x1024xi32, #tpu.memory_space<hbm>> -> memref<1024xi32, #tpu.memory_space<hbm>>
    %dma_wait3A_230 = arith.constant 5120 : i32
    %dma_wait3A_231 = tpu.memref_slice %arg3[%dma_wait3A_226, %add3A, %dma_wait3A_230] : memref<2x32x10000xi32, #tpu.memory_space<hbm>> -> memref<1x1x1024xi32, #tpu.memory_space<hbm>>
    %dma_wait3A_232 = tpu.memref_squeeze %dma_wait3A_231 : memref<1x1x1024xi32, #tpu.memory_space<hbm>> -> memref<1024xi32, #tpu.memory_space<hbm>>
    tpu.wait_dma2 semaphore(%arg34 : memref<!tpu.dma_semaphore, #tpu.memory_space<semaphore_mem>>) src(%dma_wait3A_232 : memref<1024xi32, #tpu.memory_space<hbm>>) dst(%arg21 : memref<1024xi32, #tpu.memory_space<vmem>>)
    %dma_wait3A_233 = arith.constant 0 : i32
    %dma_wait3A_234 = arith.constant 6144 : i32
    %dma_wait3A_235 = tpu.memref_slice %arg3[%dma_wait3A_233, %add3A, %dma_wait3A_234] : memref<2x32x10000xi32, #tpu.memory_space<hbm>> -> memref<1x1x1024xi32, #tpu.memory_space<hbm>>
    %dma_wait3A_236 = tpu.memref_squeeze %dma_wait3A_235 : memref<1x1x1024xi32, #tpu.memory_space<hbm>> -> memref<1024xi32, #tpu.memory_space<hbm>>
    %dma_wait3A_237 = arith.constant 6144 : i32
    %dma_wait3A_238 = tpu.memref_slice %arg3[%dma_wait3A_233, %add3A, %dma_wait3A_237] : memref<2x32x10000xi32, #tpu.memory_space<hbm>> -> memref<1x1x1024xi32, #tpu.memory_space<hbm>>
    %dma_wait3A_239 = tpu.memref_squeeze %dma_wait3A_238 : memref<1x1x1024xi32, #tpu.memory_space<hbm>> -> memref<1024xi32, #tpu.memory_space<hbm>>
    tpu.wait_dma2 semaphore(%arg34 : memref<!tpu.dma_semaphore, #tpu.memory_space<semaphore_mem>>) src(%dma_wait3A_239 : memref<1024xi32, #tpu.memory_space<hbm>>) dst(%arg12 : memref<1024xi32, #tpu.memory_space<vmem>>)
    %dma_wait3A_240 = arith.constant 1 : i32
    %dma_wait3A_241 = arith.constant 6144 : i32
    %dma_wait3A_242 = tpu.memref_slice %arg3[%dma_wait3A_240, %add3A, %dma_wait3A_241] : memref<2x32x10000xi32, #tpu.memory_space<hbm>> -> memref<1x1x1024xi32, #tpu.memory_space<hbm>>
    %dma_wait3A_243 = tpu.memref_squeeze %dma_wait3A_242 : memref<1x1x1024xi32, #tpu.memory_space<hbm>> -> memref<1024xi32, #tpu.memory_space<hbm>>
    %dma_wait3A_244 = arith.constant 6144 : i32
    %dma_wait3A_245 = tpu.memref_slice %arg3[%dma_wait3A_240, %add3A, %dma_wait3A_244] : memref<2x32x10000xi32, #tpu.memory_space<hbm>> -> memref<1x1x1024xi32, #tpu.memory_space<hbm>>
    %dma_wait3A_246 = tpu.memref_squeeze %dma_wait3A_245 : memref<1x1x1024xi32, #tpu.memory_space<hbm>> -> memref<1024xi32, #tpu.memory_space<hbm>>
    tpu.wait_dma2 semaphore(%arg34 : memref<!tpu.dma_semaphore, #tpu.memory_space<semaphore_mem>>) src(%dma_wait3A_246 : memref<1024xi32, #tpu.memory_space<hbm>>) dst(%arg22 : memref<1024xi32, #tpu.memory_space<vmem>>)
    %dma_wait3A_247 = arith.constant 0 : i32
    %dma_wait3A_248 = arith.constant 7168 : i32
    %dma_wait3A_249 = tpu.memref_slice %arg3[%dma_wait3A_247, %add3A, %dma_wait3A_248] : memref<2x32x10000xi32, #tpu.memory_space<hbm>> -> memref<1x1x1024xi32, #tpu.memory_space<hbm>>
    %dma_wait3A_250 = tpu.memref_squeeze %dma_wait3A_249 : memref<1x1x1024xi32, #tpu.memory_space<hbm>> -> memref<1024xi32, #tpu.memory_space<hbm>>
    %dma_wait3A_251 = arith.constant 7168 : i32
    %dma_wait3A_252 = tpu.memref_slice %arg3[%dma_wait3A_247, %add3A, %dma_wait3A_251] : memref<2x32x10000xi32, #tpu.memory_space<hbm>> -> memref<1x1x1024xi32, #tpu.memory_space<hbm>>
    %dma_wait3A_253 = tpu.memref_squeeze %dma_wait3A_252 : memref<1x1x1024xi32, #tpu.memory_space<hbm>> -> memref<1024xi32, #tpu.memory_space<hbm>>
    tpu.wait_dma2 semaphore(%arg34 : memref<!tpu.dma_semaphore, #tpu.memory_space<semaphore_mem>>) src(%dma_wait3A_253 : memref<1024xi32, #tpu.memory_space<hbm>>) dst(%arg13 : memref<1024xi32, #tpu.memory_space<vmem>>)
    %dma_wait3A_254 = arith.constant 1 : i32
    %dma_wait3A_255 = arith.constant 7168 : i32
    %dma_wait3A_256 = tpu.memref_slice %arg3[%dma_wait3A_254, %add3A, %dma_wait3A_255] : memref<2x32x10000xi32, #tpu.memory_space<hbm>> -> memref<1x1x1024xi32, #tpu.memory_space<hbm>>
    %dma_wait3A_257 = tpu.memref_squeeze %dma_wait3A_256 : memref<1x1x1024xi32, #tpu.memory_space<hbm>> -> memref<1024xi32, #tpu.memory_space<hbm>>
    %dma_wait3A_258 = arith.constant 7168 : i32
    %dma_wait3A_259 = tpu.memref_slice %arg3[%dma_wait3A_254, %add3A, %dma_wait3A_258] : memref<2x32x10000xi32, #tpu.memory_space<hbm>> -> memref<1x1x1024xi32, #tpu.memory_space<hbm>>
    %dma_wait3A_260 = tpu.memref_squeeze %dma_wait3A_259 : memref<1x1x1024xi32, #tpu.memory_space<hbm>> -> memref<1024xi32, #tpu.memory_space<hbm>>
    tpu.wait_dma2 semaphore(%arg34 : memref<!tpu.dma_semaphore, #tpu.memory_space<semaphore_mem>>) src(%dma_wait3A_260 : memref<1024xi32, #tpu.memory_space<hbm>>) dst(%arg23 : memref<1024xi32, #tpu.memory_space<vmem>>)
    %dma_wait3A_261 = arith.constant 0 : i32
    %dma_wait3A_262 = arith.constant 8192 : i32
    %dma_wait3A_263 = tpu.memref_slice %arg3[%dma_wait3A_261, %add3A, %dma_wait3A_262] : memref<2x32x10000xi32, #tpu.memory_space<hbm>> -> memref<1x1x1024xi32, #tpu.memory_space<hbm>>
    %dma_wait3A_264 = tpu.memref_squeeze %dma_wait3A_263 : memref<1x1x1024xi32, #tpu.memory_space<hbm>> -> memref<1024xi32, #tpu.memory_space<hbm>>
    %dma_wait3A_265 = arith.constant 8192 : i32
    %dma_wait3A_266 = tpu.memref_slice %arg3[%dma_wait3A_261, %add3A, %dma_wait3A_265] : memref<2x32x10000xi32, #tpu.memory_space<hbm>> -> memref<1x1x1024xi32, #tpu.memory_space<hbm>>
    %dma_wait3A_267 = tpu.memref_squeeze %dma_wait3A_266 : memref<1x1x1024xi32, #tpu.memory_space<hbm>> -> memref<1024xi32, #tpu.memory_space<hbm>>
    tpu.wait_dma2 semaphore(%arg34 : memref<!tpu.dma_semaphore, #tpu.memory_space<semaphore_mem>>) src(%dma_wait3A_267 : memref<1024xi32, #tpu.memory_space<hbm>>) dst(%arg14 : memref<1024xi32, #tpu.memory_space<vmem>>)
    %dma_wait3A_268 = arith.constant 1 : i32
    %dma_wait3A_269 = arith.constant 8192 : i32
    %dma_wait3A_270 = tpu.memref_slice %arg3[%dma_wait3A_268, %add3A, %dma_wait3A_269] : memref<2x32x10000xi32, #tpu.memory_space<hbm>> -> memref<1x1x1024xi32, #tpu.memory_space<hbm>>
    %dma_wait3A_271 = tpu.memref_squeeze %dma_wait3A_270 : memref<1x1x1024xi32, #tpu.memory_space<hbm>> -> memref<1024xi32, #tpu.memory_space<hbm>>
    %dma_wait3A_272 = arith.constant 8192 : i32
    %dma_wait3A_273 = tpu.memref_slice %arg3[%dma_wait3A_268, %add3A, %dma_wait3A_272] : memref<2x32x10000xi32, #tpu.memory_space<hbm>> -> memref<1x1x1024xi32, #tpu.memory_space<hbm>>
    %dma_wait3A_274 = tpu.memref_squeeze %dma_wait3A_273 : memref<1x1x1024xi32, #tpu.memory_space<hbm>> -> memref<1024xi32, #tpu.memory_space<hbm>>
    tpu.wait_dma2 semaphore(%arg34 : memref<!tpu.dma_semaphore, #tpu.memory_space<semaphore_mem>>) src(%dma_wait3A_274 : memref<1024xi32, #tpu.memory_space<hbm>>) dst(%arg24 : memref<1024xi32, #tpu.memory_space<vmem>>)
    %dma_wait3A_275 = arith.constant 0 : i32
    %dma_wait3A_276 = arith.constant 9216 : i32
    %dma_wait3A_277 = tpu.memref_slice %arg3[%dma_wait3A_275, %add3A, %dma_wait3A_276] : memref<2x32x10000xi32, #tpu.memory_space<hbm>> -> memref<1x1x784xi32, #tpu.memory_space<hbm>>
    %dma_wait3A_278 = tpu.memref_squeeze %dma_wait3A_277 : memref<1x1x784xi32, #tpu.memory_space<hbm>> -> memref<784xi32, #tpu.memory_space<hbm>>
    %dma_wait3A_279 = arith.constant 9216 : i32
    %dma_wait3A_280 = tpu.memref_slice %arg3[%dma_wait3A_275, %add3A, %dma_wait3A_279] : memref<2x32x10000xi32, #tpu.memory_space<hbm>> -> memref<1x1x784xi32, #tpu.memory_space<hbm>>
    %dma_wait3A_281 = tpu.memref_squeeze %dma_wait3A_280 : memref<1x1x784xi32, #tpu.memory_space<hbm>> -> memref<784xi32, #tpu.memory_space<hbm>>
    tpu.wait_dma2 semaphore(%arg34 : memref<!tpu.dma_semaphore, #tpu.memory_space<semaphore_mem>>) src(%dma_wait3A_281 : memref<784xi32, #tpu.memory_space<hbm>>) dst(%arg15 : memref<784xi32, #tpu.memory_space<vmem>>)
    %dma_wait3A_282 = arith.constant 1 : i32
    %dma_wait3A_283 = arith.constant 9216 : i32
    %dma_wait3A_284 = tpu.memref_slice %arg3[%dma_wait3A_282, %add3A, %dma_wait3A_283] : memref<2x32x10000xi32, #tpu.memory_space<hbm>> -> memref<1x1x784xi32, #tpu.memory_space<hbm>>
    %dma_wait3A_285 = tpu.memref_squeeze %dma_wait3A_284 : memref<1x1x784xi32, #tpu.memory_space<hbm>> -> memref<784xi32, #tpu.memory_space<hbm>>
    %dma_wait3A_286 = arith.constant 9216 : i32
    %dma_wait3A_287 = tpu.memref_slice %arg3[%dma_wait3A_282, %add3A, %dma_wait3A_286] : memref<2x32x10000xi32, #tpu.memory_space<hbm>> -> memref<1x1x784xi32, #tpu.memory_space<hbm>>
    %dma_wait3A_288 = tpu.memref_squeeze %dma_wait3A_287 : memref<1x1x784xi32, #tpu.memory_space<hbm>> -> memref<784xi32, #tpu.memory_space<hbm>>
    tpu.wait_dma2 semaphore(%arg34 : memref<!tpu.dma_semaphore, #tpu.memory_space<semaphore_mem>>) src(%dma_wait3A_288 : memref<784xi32, #tpu.memory_space<hbm>>) dst(%arg25 : memref<784xi32, #tpu.memory_space<vmem>>)
    %mul3A_289 = arith.constant 640 : i32
    %mul3A_290 = arith.muli %arg1, %mul3A_289 : i32
    %mul3A_291 = arith.constant 640 : i32
    %mul3A_292 = arith.muli %arg1, %mul3A_291 : i32
    %dma_wait3A_293 = arith.constant 0 : i32
    %dma_wait3A_294 = tpu.memref_slice %arg29[%mul3A_292, %dma_wait3A_293] : memref<10240x16xf32, #tpu.memory_space<vmem_shared>> -> memref<640x16xf32, #tpu.memory_space<vmem_shared>>
    %dma_wait3A_295 = arith.constant 0 : i32
    %dma_wait3A_296 = tpu.memref_slice %arg2[%mul3A_290, %dma_wait3A_295] : memref<10240x16xf32, #tpu.memory_space<hbm>> -> memref<640x16xf32, #tpu.memory_space<hbm>>
    tpu.wait_dma2 semaphore(%arg34 : memref<!tpu.dma_semaphore, #tpu.memory_space<semaphore_mem>>) src(%dma_wait3A_296 : memref<640x16xf32, #tpu.memory_space<hbm>>) dst(%dma_wait3A_294 : memref<640x16xf32, #tpu.memory_space<vmem_shared>>)
    %barrier3A = arith.constant 0 : index
    tpu.barrier barrier_id(%barrier3A)
    %dma_start3A_297 = arith.constant 0 : i32
    %dma_start3A_298 = arith.constant 0 : i32
    %dma_start3A_299 = tpu.memref_slice %arg29[%dma_start3A_297, %dma_start3A_298] : memref<10240x16xf32, #tpu.memory_space<vmem_shared>> -> memref<10240x16xf32, #tpu.memory_space<vmem_shared>>
    tpu.enqueue_indirect_dma source(%dma_start3A_299 : memref<10240x16xf32, #tpu.memory_space<vmem_shared>>) target(%arg26 : memref<1024x16xf32, #tpu.memory_space<vmem>>) offsets(%arg6 : memref<1024xi32, #tpu.memory_space<vmem>>) semaphore(%arg30 : memref<!tpu.dma_semaphore, #tpu.memory_space<semaphore_mem>>)
    %dma_wait3A_300 = arith.constant 0 : i32
    %dma_wait3A_301 = arith.constant 0 : i32
    %dma_wait3A_302 = tpu.memref_slice %arg29[%dma_wait3A_300, %dma_wait3A_301] : memref<10240x16xf32, #tpu.memory_space<vmem_shared>> -> memref<10240x16xf32, #tpu.memory_space<vmem_shared>>
    tpu.wait_indirect_dma semaphore(%arg30 : memref<!tpu.dma_semaphore, #tpu.memory_space<semaphore_mem>>) src(%dma_wait3A_302 : memref<10240x16xf32, #tpu.memory_space<vmem_shared>>) dst(%arg26 : memref<1024x16xf32, #tpu.memory_space<vmem>>)
    %dma_start3A_303 = arith.constant 0 : i32
    %dma_start3A_304 = arith.constant 0 : i32
    %dma_start3A_305 = tpu.memref_slice %arg28[%dma_start3A_303, %dma_start3A_304] : memref<10240x16xf32, #tpu.memory_space<vmem_shared>> -> memref<10240x16xf32, #tpu.memory_space<vmem_shared>>
    tpu.enqueue_indirect_dma source(%arg26 : memref<1024x16xf32, #tpu.memory_space<vmem>>) target(%dma_start3A_305 : memref<10240x16xf32, #tpu.memory_space<vmem_shared>>) offsets(%arg16 : memref<1024xi32, #tpu.memory_space<vmem>>) semaphore(%arg32 : memref<!tpu.dma_semaphore, #tpu.memory_space<semaphore_mem>>) {add = true}
    %dma_start3A_306 = arith.constant 0 : i32
    %dma_start3A_307 = arith.constant 0 : i32
    %dma_start3A_308 = tpu.memref_slice %arg29[%dma_start3A_306, %dma_start3A_307] : memref<10240x16xf32, #tpu.memory_space<vmem_shared>> -> memref<10240x16xf32, #tpu.memory_space<vmem_shared>>
    tpu.enqueue_indirect_dma source(%dma_start3A_308 : memref<10240x16xf32, #tpu.memory_space<vmem_shared>>) target(%arg27 : memref<1024x16xf32, #tpu.memory_space<vmem>>) offsets(%arg7 : memref<1024xi32, #tpu.memory_space<vmem>>) semaphore(%arg31 : memref<!tpu.dma_semaphore, #tpu.memory_space<semaphore_mem>>)
    %dma_wait3A_309 = arith.constant 0 : i32
    %dma_wait3A_310 = arith.constant 0 : i32
    %dma_wait3A_311 = tpu.memref_slice %arg29[%dma_wait3A_309, %dma_wait3A_310] : memref<10240x16xf32, #tpu.memory_space<vmem_shared>> -> memref<10240x16xf32, #tpu.memory_space<vmem_shared>>
    tpu.wait_indirect_dma semaphore(%arg31 : memref<!tpu.dma_semaphore, #tpu.memory_space<semaphore_mem>>) src(%dma_wait3A_311 : memref<10240x16xf32, #tpu.memory_space<vmem_shared>>) dst(%arg27 : memref<1024x16xf32, #tpu.memory_space<vmem>>)
    %dma_start3A_312 = arith.constant 0 : i32
    %dma_start3A_313 = arith.constant 0 : i32
    %dma_start3A_314 = tpu.memref_slice %arg28[%dma_start3A_312, %dma_start3A_313] : memref<10240x16xf32, #tpu.memory_space<vmem_shared>> -> memref<10240x16xf32, #tpu.memory_space<vmem_shared>>
    tpu.enqueue_indirect_dma source(%arg27 : memref<1024x16xf32, #tpu.memory_space<vmem>>) target(%dma_start3A_314 : memref<10240x16xf32, #tpu.memory_space<vmem_shared>>) offsets(%arg17 : memref<1024xi32, #tpu.memory_space<vmem>>) semaphore(%arg33 : memref<!tpu.dma_semaphore, #tpu.memory_space<semaphore_mem>>) {add = true}
    %dma_wait3A_315 = arith.constant 0 : i32
    %dma_wait3A_316 = arith.constant 0 : i32
    %dma_wait3A_317 = tpu.memref_slice %arg28[%dma_wait3A_315, %dma_wait3A_316] : memref<10240x16xf32, #tpu.memory_space<vmem_shared>> -> memref<10240x16xf32, #tpu.memory_space<vmem_shared>>
    tpu.wait_indirect_dma semaphore(%arg32 : memref<!tpu.dma_semaphore, #tpu.memory_space<semaphore_mem>>) src(%arg26 : memref<1024x16xf32, #tpu.memory_space<vmem>>) dst(%dma_wait3A_317 : memref<10240x16xf32, #tpu.memory_space<vmem_shared>>)
    %dma_start3A_318 = arith.constant 0 : i32
    %dma_start3A_319 = arith.constant 0 : i32
    %dma_start3A_320 = tpu.memref_slice %arg29[%dma_start3A_318, %dma_start3A_319] : memref<10240x16xf32, #tpu.memory_space<vmem_shared>> -> memref<10240x16xf32, #tpu.memory_space<vmem_shared>>
    tpu.enqueue_indirect_dma source(%dma_start3A_320 : memref<10240x16xf32, #tpu.memory_space<vmem_shared>>) target(%arg26 : memref<1024x16xf32, #tpu.memory_space<vmem>>) offsets(%arg8 : memref<1024xi32, #tpu.memory_space<vmem>>) semaphore(%arg30 : memref<!tpu.dma_semaphore, #tpu.memory_space<semaphore_mem>>)
    %dma_wait3A_321 = arith.constant 0 : i32
    %dma_wait3A_322 = arith.constant 0 : i32
    %dma_wait3A_323 = tpu.memref_slice %arg29[%dma_wait3A_321, %dma_wait3A_322] : memref<10240x16xf32, #tpu.memory_space<vmem_shared>> -> memref<10240x16xf32, #tpu.memory_space<vmem_shared>>
    tpu.wait_indirect_dma semaphore(%arg30 : memref<!tpu.dma_semaphore, #tpu.memory_space<semaphore_mem>>) src(%dma_wait3A_323 : memref<10240x16xf32, #tpu.memory_space<vmem_shared>>) dst(%arg26 : memref<1024x16xf32, #tpu.memory_space<vmem>>)
    %dma_start3A_324 = arith.constant 0 : i32
    %dma_start3A_325 = arith.constant 0 : i32
    %dma_start3A_326 = tpu.memref_slice %arg28[%dma_start3A_324, %dma_start3A_325] : memref<10240x16xf32, #tpu.memory_space<vmem_shared>> -> memref<10240x16xf32, #tpu.memory_space<vmem_shared>>
    tpu.enqueue_indirect_dma source(%arg26 : memref<1024x16xf32, #tpu.memory_space<vmem>>) target(%dma_start3A_326 : memref<10240x16xf32, #tpu.memory_space<vmem_shared>>) offsets(%arg18 : memref<1024xi32, #tpu.memory_space<vmem>>) semaphore(%arg32 : memref<!tpu.dma_semaphore, #tpu.memory_space<semaphore_mem>>) {add = true}
    %dma_wait3A_327 = arith.constant 0 : i32
    %dma_wait3A_328 = arith.constant 0 : i32
    %dma_wait3A_329 = tpu.memref_slice %arg28[%dma_wait3A_327, %dma_wait3A_328] : memref<10240x16xf32, #tpu.memory_space<vmem_shared>> -> memref<10240x16xf32, #tpu.memory_space<vmem_shared>>
    tpu.wait_indirect_dma semaphore(%arg33 : memref<!tpu.dma_semaphore, #tpu.memory_space<semaphore_mem>>) src(%arg27 : memref<1024x16xf32, #tpu.memory_space<vmem>>) dst(%dma_wait3A_329 : memref<10240x16xf32, #tpu.memory_space<vmem_shared>>)
    %dma_start3A_330 = arith.constant 0 : i32
    %dma_start3A_331 = arith.constant 0 : i32
    %dma_start3A_332 = tpu.memref_slice %arg29[%dma_start3A_330, %dma_start3A_331] : memref<10240x16xf32, #tpu.memory_space<vmem_shared>> -> memref<10240x16xf32, #tpu.memory_space<vmem_shared>>
    tpu.enqueue_indirect_dma source(%dma_start3A_332 : memref<10240x16xf32, #tpu.memory_space<vmem_shared>>) target(%arg27 : memref<1024x16xf32, #tpu.memory_space<vmem>>) offsets(%arg9 : memref<1024xi32, #tpu.memory_space<vmem>>) semaphore(%arg31 : memref<!tpu.dma_semaphore, #tpu.memory_space<semaphore_mem>>)
    %dma_wait3A_333 = arith.constant 0 : i32
    %dma_wait3A_334 = arith.constant 0 : i32
    %dma_wait3A_335 = tpu.memref_slice %arg29[%dma_wait3A_333, %dma_wait3A_334] : memref<10240x16xf32, #tpu.memory_space<vmem_shared>> -> memref<10240x16xf32, #tpu.memory_space<vmem_shared>>
    tpu.wait_indirect_dma semaphore(%arg31 : memref<!tpu.dma_semaphore, #tpu.memory_space<semaphore_mem>>) src(%dma_wait3A_335 : memref<10240x16xf32, #tpu.memory_space<vmem_shared>>) dst(%arg27 : memref<1024x16xf32, #tpu.memory_space<vmem>>)
    %dma_start3A_336 = arith.constant 0 : i32
    %dma_start3A_337 = arith.constant 0 : i32
    %dma_start3A_338 = tpu.memref_slice %arg28[%dma_start3A_336, %dma_start3A_337] : memref<10240x16xf32, #tpu.memory_space<vmem_shared>> -> memref<10240x16xf32, #tpu.memory_space<vmem_shared>>
    tpu.enqueue_indirect_dma source(%arg27 : memref<1024x16xf32, #tpu.memory_space<vmem>>) target(%dma_start3A_338 : memref<10240x16xf32, #tpu.memory_space<vmem_shared>>) offsets(%arg19 : memref<1024xi32, #tpu.memory_space<vmem>>) semaphore(%arg33 : memref<!tpu.dma_semaphore, #tpu.memory_space<semaphore_mem>>) {add = true}
    %dma_wait3A_339 = arith.constant 0 : i32
    %dma_wait3A_340 = arith.constant 0 : i32
    %dma_wait3A_341 = tpu.memref_slice %arg28[%dma_wait3A_339, %dma_wait3A_340] : memref<10240x16xf32, #tpu.memory_space<vmem_shared>> -> memref<10240x16xf32, #tpu.memory_space<vmem_shared>>
    tpu.wait_indirect_dma semaphore(%arg32 : memref<!tpu.dma_semaphore, #tpu.memory_space<semaphore_mem>>) src(%arg26 : memref<1024x16xf32, #tpu.memory_space<vmem>>) dst(%dma_wait3A_341 : memref<10240x16xf32, #tpu.memory_space<vmem_shared>>)
    %dma_start3A_342 = arith.constant 0 : i32
    %dma_start3A_343 = arith.constant 0 : i32
    %dma_start3A_344 = tpu.memref_slice %arg29[%dma_start3A_342, %dma_start3A_343] : memref<10240x16xf32, #tpu.memory_space<vmem_shared>> -> memref<10240x16xf32, #tpu.memory_space<vmem_shared>>
    tpu.enqueue_indirect_dma source(%dma_start3A_344 : memref<10240x16xf32, #tpu.memory_space<vmem_shared>>) target(%arg26 : memref<1024x16xf32, #tpu.memory_space<vmem>>) offsets(%arg10 : memref<1024xi32, #tpu.memory_space<vmem>>) semaphore(%arg30 : memref<!tpu.dma_semaphore, #tpu.memory_space<semaphore_mem>>)
    %dma_wait3A_345 = arith.constant 0 : i32
    %dma_wait3A_346 = arith.constant 0 : i32
    %dma_wait3A_347 = tpu.memref_slice %arg29[%dma_wait3A_345, %dma_wait3A_346] : memref<10240x16xf32, #tpu.memory_space<vmem_shared>> -> memref<10240x16xf32, #tpu.memory_space<vmem_shared>>
    tpu.wait_indirect_dma semaphore(%arg30 : memref<!tpu.dma_semaphore, #tpu.memory_space<semaphore_mem>>) src(%dma_wait3A_347 : memref<10240x16xf32, #tpu.memory_space<vmem_shared>>) dst(%arg26 : memref<1024x16xf32, #tpu.memory_space<vmem>>)
    %dma_start3A_348 = arith.constant 0 : i32
    %dma_start3A_349 = arith.constant 0 : i32
    %dma_start3A_350 = tpu.memref_slice %arg28[%dma_start3A_348, %dma_start3A_349] : memref<10240x16xf32, #tpu.memory_space<vmem_shared>> -> memref<10240x16xf32, #tpu.memory_space<vmem_shared>>
    tpu.enqueue_indirect_dma source(%arg26 : memref<1024x16xf32, #tpu.memory_space<vmem>>) target(%dma_start3A_350 : memref<10240x16xf32, #tpu.memory_space<vmem_shared>>) offsets(%arg20 : memref<1024xi32, #tpu.memory_space<vmem>>) semaphore(%arg32 : memref<!tpu.dma_semaphore, #tpu.memory_space<semaphore_mem>>) {add = true}
    %dma_wait3A_351 = arith.constant 0 : i32
    %dma_wait3A_352 = arith.constant 0 : i32
    %dma_wait3A_353 = tpu.memref_slice %arg28[%dma_wait3A_351, %dma_wait3A_352] : memref<10240x16xf32, #tpu.memory_space<vmem_shared>> -> memref<10240x16xf32, #tpu.memory_space<vmem_shared>>
    tpu.wait_indirect_dma semaphore(%arg33 : memref<!tpu.dma_semaphore, #tpu.memory_space<semaphore_mem>>) src(%arg27 : memref<1024x16xf32, #tpu.memory_space<vmem>>) dst(%dma_wait3A_353 : memref<10240x16xf32, #tpu.memory_space<vmem_shared>>)
    %dma_start3A_354 = arith.constant 0 : i32
    %dma_start3A_355 = arith.constant 0 : i32
    %dma_start3A_356 = tpu.memref_slice %arg29[%dma_start3A_354, %dma_start3A_355] : memref<10240x16xf32, #tpu.memory_space<vmem_shared>> -> memref<10240x16xf32, #tpu.memory_space<vmem_shared>>
    tpu.enqueue_indirect_dma source(%dma_start3A_356 : memref<10240x16xf32, #tpu.memory_space<vmem_shared>>) target(%arg27 : memref<1024x16xf32, #tpu.memory_space<vmem>>) offsets(%arg11 : memref<1024xi32, #tpu.memory_space<vmem>>) semaphore(%arg31 : memref<!tpu.dma_semaphore, #tpu.memory_space<semaphore_mem>>)
    %dma_wait3A_357 = arith.constant 0 : i32
    %dma_wait3A_358 = arith.constant 0 : i32
    %dma_wait3A_359 = tpu.memref_slice %arg29[%dma_wait3A_357, %dma_wait3A_358] : memref<10240x16xf32, #tpu.memory_space<vmem_shared>> -> memref<10240x16xf32, #tpu.memory_space<vmem_shared>>
    tpu.wait_indirect_dma semaphore(%arg31 : memref<!tpu.dma_semaphore, #tpu.memory_space<semaphore_mem>>) src(%dma_wait3A_359 : memref<10240x16xf32, #tpu.memory_space<vmem_shared>>) dst(%arg27 : memref<1024x16xf32, #tpu.memory_space<vmem>>)
    %dma_start3A_360 = arith.constant 0 : i32
    %dma_start3A_361 = arith.constant 0 : i32
    %dma_start3A_362 = tpu.memref_slice %arg28[%dma_start3A_360, %dma_start3A_361] : memref<10240x16xf32, #tpu.memory_space<vmem_shared>> -> memref<10240x16xf32, #tpu.memory_space<vmem_shared>>
    tpu.enqueue_indirect_dma source(%arg27 : memref<1024x16xf32, #tpu.memory_space<vmem>>) target(%dma_start3A_362 : memref<10240x16xf32, #tpu.memory_space<vmem_shared>>) offsets(%arg21 : memref<1024xi32, #tpu.memory_space<vmem>>) semaphore(%arg33 : memref<!tpu.dma_semaphore, #tpu.memory_space<semaphore_mem>>) {add = true}
    %dma_wait3A_363 = arith.constant 0 : i32
    %dma_wait3A_364 = arith.constant 0 : i32
    %dma_wait3A_365 = tpu.memref_slice %arg28[%dma_wait3A_363, %dma_wait3A_364] : memref<10240x16xf32, #tpu.memory_space<vmem_shared>> -> memref<10240x16xf32, #tpu.memory_space<vmem_shared>>
    tpu.wait_indirect_dma semaphore(%arg32 : memref<!tpu.dma_semaphore, #tpu.memory_space<semaphore_mem>>) src(%arg26 : memref<1024x16xf32, #tpu.memory_space<vmem>>) dst(%dma_wait3A_365 : memref<10240x16xf32, #tpu.memory_space<vmem_shared>>)
    %dma_start3A_366 = arith.constant 0 : i32
    %dma_start3A_367 = arith.constant 0 : i32
    %dma_start3A_368 = tpu.memref_slice %arg29[%dma_start3A_366, %dma_start3A_367] : memref<10240x16xf32, #tpu.memory_space<vmem_shared>> -> memref<10240x16xf32, #tpu.memory_space<vmem_shared>>
    tpu.enqueue_indirect_dma source(%dma_start3A_368 : memref<10240x16xf32, #tpu.memory_space<vmem_shared>>) target(%arg26 : memref<1024x16xf32, #tpu.memory_space<vmem>>) offsets(%arg12 : memref<1024xi32, #tpu.memory_space<vmem>>) semaphore(%arg30 : memref<!tpu.dma_semaphore, #tpu.memory_space<semaphore_mem>>)
    %dma_wait3A_369 = arith.constant 0 : i32
    %dma_wait3A_370 = arith.constant 0 : i32
    %dma_wait3A_371 = tpu.memref_slice %arg29[%dma_wait3A_369, %dma_wait3A_370] : memref<10240x16xf32, #tpu.memory_space<vmem_shared>> -> memref<10240x16xf32, #tpu.memory_space<vmem_shared>>
    tpu.wait_indirect_dma semaphore(%arg30 : memref<!tpu.dma_semaphore, #tpu.memory_space<semaphore_mem>>) src(%dma_wait3A_371 : memref<10240x16xf32, #tpu.memory_space<vmem_shared>>) dst(%arg26 : memref<1024x16xf32, #tpu.memory_space<vmem>>)
    %dma_start3A_372 = arith.constant 0 : i32
    %dma_start3A_373 = arith.constant 0 : i32
    %dma_start3A_374 = tpu.memref_slice %arg28[%dma_start3A_372, %dma_start3A_373] : memref<10240x16xf32, #tpu.memory_space<vmem_shared>> -> memref<10240x16xf32, #tpu.memory_space<vmem_shared>>
    tpu.enqueue_indirect_dma source(%arg26 : memref<1024x16xf32, #tpu.memory_space<vmem>>) target(%dma_start3A_374 : memref<10240x16xf32, #tpu.memory_space<vmem_shared>>) offsets(%arg22 : memref<1024xi32, #tpu.memory_space<vmem>>) semaphore(%arg32 : memref<!tpu.dma_semaphore, #tpu.memory_space<semaphore_mem>>) {add = true}
    %dma_wait3A_375 = arith.constant 0 : i32
    %dma_wait3A_376 = arith.constant 0 : i32
    %dma_wait3A_377 = tpu.memref_slice %arg28[%dma_wait3A_375, %dma_wait3A_376] : memref<10240x16xf32, #tpu.memory_space<vmem_shared>> -> memref<10240x16xf32, #tpu.memory_space<vmem_shared>>
    tpu.wait_indirect_dma semaphore(%arg33 : memref<!tpu.dma_semaphore, #tpu.memory_space<semaphore_mem>>) src(%arg27 : memref<1024x16xf32, #tpu.memory_space<vmem>>) dst(%dma_wait3A_377 : memref<10240x16xf32, #tpu.memory_space<vmem_shared>>)
    %dma_start3A_378 = arith.constant 0 : i32
    %dma_start3A_379 = arith.constant 0 : i32
    %dma_start3A_380 = tpu.memref_slice %arg29[%dma_start3A_378, %dma_start3A_379] : memref<10240x16xf32, #tpu.memory_space<vmem_shared>> -> memref<10240x16xf32, #tpu.memory_space<vmem_shared>>
    tpu.enqueue_indirect_dma source(%dma_start3A_380 : memref<10240x16xf32, #tpu.memory_space<vmem_shared>>) target(%arg27 : memref<1024x16xf32, #tpu.memory_space<vmem>>) offsets(%arg13 : memref<1024xi32, #tpu.memory_space<vmem>>) semaphore(%arg31 : memref<!tpu.dma_semaphore, #tpu.memory_space<semaphore_mem>>)
    %dma_wait3A_381 = arith.constant 0 : i32
    %dma_wait3A_382 = arith.constant 0 : i32
    %dma_wait3A_383 = tpu.memref_slice %arg29[%dma_wait3A_381, %dma_wait3A_382] : memref<10240x16xf32, #tpu.memory_space<vmem_shared>> -> memref<10240x16xf32, #tpu.memory_space<vmem_shared>>
    tpu.wait_indirect_dma semaphore(%arg31 : memref<!tpu.dma_semaphore, #tpu.memory_space<semaphore_mem>>) src(%dma_wait3A_383 : memref<10240x16xf32, #tpu.memory_space<vmem_shared>>) dst(%arg27 : memref<1024x16xf32, #tpu.memory_space<vmem>>)
    %dma_start3A_384 = arith.constant 0 : i32
    %dma_start3A_385 = arith.constant 0 : i32
    %dma_start3A_386 = tpu.memref_slice %arg28[%dma_start3A_384, %dma_start3A_385] : memref<10240x16xf32, #tpu.memory_space<vmem_shared>> -> memref<10240x16xf32, #tpu.memory_space<vmem_shared>>
    tpu.enqueue_indirect_dma source(%arg27 : memref<1024x16xf32, #tpu.memory_space<vmem>>) target(%dma_start3A_386 : memref<10240x16xf32, #tpu.memory_space<vmem_shared>>) offsets(%arg23 : memref<1024xi32, #tpu.memory_space<vmem>>) semaphore(%arg33 : memref<!tpu.dma_semaphore, #tpu.memory_space<semaphore_mem>>) {add = true}
    %dma_wait3A_387 = arith.constant 0 : i32
    %dma_wait3A_388 = arith.constant 0 : i32
    %dma_wait3A_389 = tpu.memref_slice %arg28[%dma_wait3A_387, %dma_wait3A_388] : memref<10240x16xf32, #tpu.memory_space<vmem_shared>> -> memref<10240x16xf32, #tpu.memory_space<vmem_shared>>
    tpu.wait_indirect_dma semaphore(%arg32 : memref<!tpu.dma_semaphore, #tpu.memory_space<semaphore_mem>>) src(%arg26 : memref<1024x16xf32, #tpu.memory_space<vmem>>) dst(%dma_wait3A_389 : memref<10240x16xf32, #tpu.memory_space<vmem_shared>>)
    %dma_start3A_390 = arith.constant 0 : i32
    %dma_start3A_391 = arith.constant 0 : i32
    %dma_start3A_392 = tpu.memref_slice %arg29[%dma_start3A_390, %dma_start3A_391] : memref<10240x16xf32, #tpu.memory_space<vmem_shared>> -> memref<10240x16xf32, #tpu.memory_space<vmem_shared>>
    tpu.enqueue_indirect_dma source(%dma_start3A_392 : memref<10240x16xf32, #tpu.memory_space<vmem_shared>>) target(%arg26 : memref<1024x16xf32, #tpu.memory_space<vmem>>) offsets(%arg14 : memref<1024xi32, #tpu.memory_space<vmem>>) semaphore(%arg30 : memref<!tpu.dma_semaphore, #tpu.memory_space<semaphore_mem>>)
    %dma_wait3A_393 = arith.constant 0 : i32
    %dma_wait3A_394 = arith.constant 0 : i32
    %dma_wait3A_395 = tpu.memref_slice %arg29[%dma_wait3A_393, %dma_wait3A_394] : memref<10240x16xf32, #tpu.memory_space<vmem_shared>> -> memref<10240x16xf32, #tpu.memory_space<vmem_shared>>
    tpu.wait_indirect_dma semaphore(%arg30 : memref<!tpu.dma_semaphore, #tpu.memory_space<semaphore_mem>>) src(%dma_wait3A_395 : memref<10240x16xf32, #tpu.memory_space<vmem_shared>>) dst(%arg26 : memref<1024x16xf32, #tpu.memory_space<vmem>>)
    %dma_start3A_396 = arith.constant 0 : i32
    %dma_start3A_397 = arith.constant 0 : i32
    %dma_start3A_398 = tpu.memref_slice %arg28[%dma_start3A_396, %dma_start3A_397] : memref<10240x16xf32, #tpu.memory_space<vmem_shared>> -> memref<10240x16xf32, #tpu.memory_space<vmem_shared>>
    tpu.enqueue_indirect_dma source(%arg26 : memref<1024x16xf32, #tpu.memory_space<vmem>>) target(%dma_start3A_398 : memref<10240x16xf32, #tpu.memory_space<vmem_shared>>) offsets(%arg24 : memref<1024xi32, #tpu.memory_space<vmem>>) semaphore(%arg32 : memref<!tpu.dma_semaphore, #tpu.memory_space<semaphore_mem>>) {add = true}
    %dma_wait3A_399 = arith.constant 0 : i32
    %dma_wait3A_400 = arith.constant 0 : i32
    %dma_wait3A_401 = tpu.memref_slice %arg28[%dma_wait3A_399, %dma_wait3A_400] : memref<10240x16xf32, #tpu.memory_space<vmem_shared>> -> memref<10240x16xf32, #tpu.memory_space<vmem_shared>>
    tpu.wait_indirect_dma semaphore(%arg33 : memref<!tpu.dma_semaphore, #tpu.memory_space<semaphore_mem>>) src(%arg27 : memref<1024x16xf32, #tpu.memory_space<vmem>>) dst(%dma_wait3A_401 : memref<10240x16xf32, #tpu.memory_space<vmem_shared>>)
    %dma_start3A_402 = arith.constant 0 : i32
    %dma_start3A_403 = arith.constant 0 : i32
    %dma_start3A_404 = tpu.memref_slice %arg27[%dma_start3A_402, %dma_start3A_403] : memref<1024x16xf32, #tpu.memory_space<vmem>> -> memref<784x16xf32, #tpu.memory_space<vmem>>
    %dma_start3A_405 = arith.constant 0 : i32
    %dma_start3A_406 = arith.constant 0 : i32
    %dma_start3A_407 = tpu.memref_slice %arg29[%dma_start3A_405, %dma_start3A_406] : memref<10240x16xf32, #tpu.memory_space<vmem_shared>> -> memref<10240x16xf32, #tpu.memory_space<vmem_shared>>
    tpu.enqueue_indirect_dma source(%dma_start3A_407 : memref<10240x16xf32, #tpu.memory_space<vmem_shared>>) target(%dma_start3A_404 : memref<784x16xf32, #tpu.memory_space<vmem>>) offsets(%arg15 : memref<784xi32, #tpu.memory_space<vmem>>) semaphore(%arg31 : memref<!tpu.dma_semaphore, #tpu.memory_space<semaphore_mem>>)
    %dma_wait3A_408 = arith.constant 0 : i32
    %dma_wait3A_409 = arith.constant 0 : i32
    %dma_wait3A_410 = tpu.memref_slice %arg27[%dma_wait3A_408, %dma_wait3A_409] : memref<1024x16xf32, #tpu.memory_space<vmem>> -> memref<784x16xf32, #tpu.memory_space<vmem>>
    %dma_wait3A_411 = arith.constant 0 : i32
    %dma_wait3A_412 = arith.constant 0 : i32
    %dma_wait3A_413 = tpu.memref_slice %arg29[%dma_wait3A_411, %dma_wait3A_412] : memref<10240x16xf32, #tpu.memory_space<vmem_shared>> -> memref<10240x16xf32, #tpu.memory_space<vmem_shared>>
    tpu.wait_indirect_dma semaphore(%arg31 : memref<!tpu.dma_semaphore, #tpu.memory_space<semaphore_mem>>) src(%dma_wait3A_413 : memref<10240x16xf32, #tpu.memory_space<vmem_shared>>) dst(%dma_wait3A_410 : memref<784x16xf32, #tpu.memory_space<vmem>>)
    %dma_start3A_414 = arith.constant 0 : i32
    %dma_start3A_415 = arith.constant 0 : i32
    %dma_start3A_416 = tpu.memref_slice %arg27[%dma_start3A_414, %dma_start3A_415] : memref<1024x16xf32, #tpu.memory_space<vmem>> -> memref<784x16xf32, #tpu.memory_space<vmem>>
    %dma_start3A_417 = arith.constant 0 : i32
    %dma_start3A_418 = arith.constant 0 : i32
    %dma_start3A_419 = tpu.memref_slice %arg28[%dma_start3A_417, %dma_start3A_418] : memref<10240x16xf32, #tpu.memory_space<vmem_shared>> -> memref<10240x16xf32, #tpu.memory_space<vmem_shared>>
    tpu.enqueue_indirect_dma source(%dma_start3A_416 : memref<784x16xf32, #tpu.memory_space<vmem>>) target(%dma_start3A_419 : memref<10240x16xf32, #tpu.memory_space<vmem_shared>>) offsets(%arg25 : memref<784xi32, #tpu.memory_space<vmem>>) semaphore(%arg33 : memref<!tpu.dma_semaphore, #tpu.memory_space<semaphore_mem>>) {add = true}
    %dma_wait3A_420 = arith.constant 0 : i32
    %dma_wait3A_421 = arith.constant 0 : i32
    %dma_wait3A_422 = tpu.memref_slice %arg28[%dma_wait3A_420, %dma_wait3A_421] : memref<10240x16xf32, #tpu.memory_space<vmem_shared>> -> memref<10240x16xf32, #tpu.memory_space<vmem_shared>>
    tpu.wait_indirect_dma semaphore(%arg32 : memref<!tpu.dma_semaphore, #tpu.memory_space<semaphore_mem>>) src(%arg26 : memref<1024x16xf32, #tpu.memory_space<vmem>>) dst(%dma_wait3A_422 : memref<10240x16xf32, #tpu.memory_space<vmem_shared>>)
    %dma_wait3A_423 = arith.constant 0 : i32
    %dma_wait3A_424 = arith.constant 0 : i32
    %dma_wait3A_425 = tpu.memref_slice %arg27[%dma_wait3A_423, %dma_wait3A_424] : memref<1024x16xf32, #tpu.memory_space<vmem>> -> memref<784x16xf32, #tpu.memory_space<vmem>>
    %dma_wait3A_426 = arith.constant 0 : i32
    %dma_wait3A_427 = arith.constant 0 : i32
    %dma_wait3A_428 = tpu.memref_slice %arg28[%dma_wait3A_426, %dma_wait3A_427] : memref<10240x16xf32, #tpu.memory_space<vmem_shared>> -> memref<10240x16xf32, #tpu.memory_space<vmem_shared>>
    tpu.wait_indirect_dma semaphore(%arg33 : memref<!tpu.dma_semaphore, #tpu.memory_space<semaphore_mem>>) src(%dma_wait3A_425 : memref<784x16xf32, #tpu.memory_space<vmem>>) dst(%dma_wait3A_428 : memref<10240x16xf32, #tpu.memory_space<vmem_shared>>)
    %barrier3A_429 = arith.constant 0 : index
    tpu.barrier barrier_id(%barrier3A_429)
    %mul3A_430 = arith.constant 640 : i32
    %mul3A_431 = arith.muli %arg1, %mul3A_430 : i32
    %mul3A_432 = arith.constant 640 : i32
    %mul3A_433 = arith.muli %arg1, %mul3A_432 : i32
    "tpu.region"() ({
      %run_scoped3A = tpu.sem_alloc : memref<!tpu.dma_semaphore, #tpu.memory_space<semaphore_mem>>
      %dma_start3A_434 = arith.constant 0 : i32
      %dma_start3A_435 = tpu.memref_slice %arg5[%arg0, %mul3A_433, %dma_start3A_434] : memref<2x10240x16xf32, #tpu.memory_space<hbm>> -> memref<1x640x16xf32, #tpu.memory_space<hbm>>
      %dma_start3A_436 = tpu.memref_squeeze %dma_start3A_435 : memref<1x640x16xf32, #tpu.memory_space<hbm>> -> memref<640x16xf32, #tpu.memory_space<hbm>>
      %dma_start3A_437 = arith.constant 0 : i32
      %dma_start3A_438 = tpu.memref_slice %arg28[%mul3A_431, %dma_start3A_437] : memref<10240x16xf32, #tpu.memory_space<vmem_shared>> -> memref<640x16xf32, #tpu.memory_space<vmem_shared>>
      tpu.enqueue_dma source(%dma_start3A_438 : memref<640x16xf32, #tpu.memory_space<vmem_shared>>) target(%dma_start3A_436 : memref<640x16xf32, #tpu.memory_space<hbm>>) target_semaphore(%run_scoped3A : memref<!tpu.dma_semaphore, #tpu.memory_space<semaphore_mem>>)
      %dma_wait3A_439 = arith.constant 0 : i32
      %dma_wait3A_440 = tpu.memref_slice %arg5[%arg0, %mul3A_433, %dma_wait3A_439] : memref<2x10240x16xf32, #tpu.memory_space<hbm>> -> memref<1x640x16xf32, #tpu.memory_space<hbm>>
      %dma_wait3A_441 = tpu.memref_squeeze %dma_wait3A_440 : memref<1x640x16xf32, #tpu.memory_space<hbm>> -> memref<640x16xf32, #tpu.memory_space<hbm>>
      %dma_wait3A_442 = arith.constant 0 : i32
      %dma_wait3A_443 = tpu.memref_slice %arg28[%mul3A_431, %dma_wait3A_442] : memref<10240x16xf32, #tpu.memory_space<vmem_shared>> -> memref<640x16xf32, #tpu.memory_space<vmem_shared>>
      tpu.wait_dma2 semaphore(%run_scoped3A : memref<!tpu.dma_semaphore, #tpu.memory_space<semaphore_mem>>) src(%dma_wait3A_443 : memref<640x16xf32, #tpu.memory_space<vmem_shared>>) dst(%dma_wait3A_441 : memref<640x16xf32, #tpu.memory_space<hbm>>)
      tpu.yield
    }) : () -> ()
    return
  }
}

module attributes {stable_mosaic.version = 14 : i64} {
  func.func @body(%arg0: memref<1250x1024xf32, #tpu.memory_space<vmem>>, %arg1: memref<1024x128xf32, #tpu.memory_space<vmem>>, %arg2: memref<1280x128xf32, #tpu.memory_space<vmem>>) attributes {dimension_semantics = [], scalar_prefetch = 0 : i64, scratch_operands = 0 : i64, tpu.core_type = #tpu.core_type<tc>} {
    %get3A = arith.constant 0 : index
    %get3A_0 = arith.constant 0 : index
    %get3A_1 = vector.load %arg0[%get3A, %get3A_0] : memref<1250x1024xf32, #tpu.memory_space<vmem>>, vector<1250x1024xf32>
    %get3A_2 = arith.constant 0 : index
    %get3A_3 = arith.constant 0 : index
    %get3A_4 = vector.load %arg1[%get3A_2, %get3A_3] : memref<1024x128xf32, #tpu.memory_space<vmem>>, vector<1024x128xf32>
    %dot_general3A = arith.constant dense<0.000000e+00> : vector<1250x128xf32>
    %dot_general3A_5 = tpu.matmul %get3A_1, %get3A_4, %dot_general3A {dimension_numbers = #tpu.dot_dimension_numbers<[1], [0], [0], [1], [0, 0, 1, 1], [], []>, transpose_lhs_hint = false} : vector<1250x1024xf32>, vector<1024x128xf32>, vector<1250x128xf32> -> vector<1250x128xf32>
    %swap3A = arith.constant 0 : index
    %swap3A_6 = arith.constant 0 : index
    %swap3A_7 = vector.load %arg2[%swap3A, %swap3A_6] : memref<1280x128xf32, #tpu.memory_space<vmem>>, vector<1250x128xf32>
    tpu.vector_store %arg2[%swap3A, %swap3A_6], %dot_general3A_5 {strides = array<i32>} : memref<1280x128xf32, #tpu.memory_space<vmem>>, vector<1250x128xf32>,
    %broadcast_in_dim3A = arith.constant 0.000000e+00 : f32
    %broadcast_in_dim3A_8 = vector.broadcast %broadcast_in_dim3A : f32 to vector<30x128xf32>
    %swap3A_9 = arith.constant 1250 : index
    %swap3A_10 = arith.constant 0 : index
    %swap3A_11 = vector.load %arg2[%swap3A_9, %swap3A_10] : memref<1280x128xf32, #tpu.memory_space<vmem>>, vector<30x128xf32>
    tpu.vector_store %arg2[%swap3A_9, %swap3A_10], %broadcast_in_dim3A_8 {strides = array<i32>} : memref<1280x128xf32, #tpu.memory_space<vmem>>, vector<30x128xf32>,
    return
  }
}

module attributes {stable_mosaic.version = 14 : i64} {
  func.func @body(%arg0: memref<1280x128xf32, #tpu.memory_space<vmem>>, %arg1: memref<2x1280x128xf32, #tpu.memory_space<vmem>>, %arg2: memref<1280x128xf32, #tpu.memory_space<vmem>>, %arg3: memref<1280x128xf32, #tpu.memory_space<vmem>>) attributes {dimension_semantics = [], scalar_prefetch = 0 : i64, scratch_operands = 0 : i64, tpu.core_type = #tpu.core_type<tc>} {
    %get3A = arith.constant 0 : index
    %get3A_0 = arith.constant 0 : index
    %get3A_1 = arith.constant 0 : index
    %get3A_2 = vector.load %arg1[%get3A, %get3A_0, %get3A_1] : memref<2x1280x128xf32, #tpu.memory_space<vmem>>, vector<1x1280x128xf32>
    %get3A_3 = vector.shape_cast %get3A_2 : vector<1x1280x128xf32> to vector<1280x128xf32>
    %get3A_4 = arith.constant 1 : index
    %get3A_5 = arith.constant 0 : index
    %get3A_6 = arith.constant 0 : index
    %get3A_7 = vector.load %arg1[%get3A_4, %get3A_5, %get3A_6] : memref<2x1280x128xf32, #tpu.memory_space<vmem>>, vector<1x1280x128xf32>
    %get3A_8 = vector.shape_cast %get3A_7 : vector<1x1280x128xf32> to vector<1280x128xf32>
    %add3A = arith.addf %get3A_3, %get3A_8 : vector<1280x128xf32>
    %add3A_9 = arith.constant 1.000000e+00 : f32
    %add3A_10 = vector.broadcast %add3A_9 : f32 to vector<1280x128xf32>
    %add3A_11 = arith.addf %add3A, %add3A_10 : vector<1280x128xf32>
    %rsqrt3A = math.rsqrt %add3A_11 : vector<1280x128xf32>
    %get3A_12 = arith.constant 0 : index
    %get3A_13 = arith.constant 0 : index
    %get3A_14 = vector.load %arg0[%get3A_12, %get3A_13] : memref<1280x128xf32, #tpu.memory_space<vmem>>, vector<1280x128xf32>
    %mul3A = arith.mulf %get3A_14, %rsqrt3A : vector<1280x128xf32>
    %swap3A = arith.constant 0 : index
    %swap3A_15 = arith.constant 0 : index
    %swap3A_16 = vector.load %arg2[%swap3A, %swap3A_15] : memref<1280x128xf32, #tpu.memory_space<vmem>>, vector<1280x128xf32>
    tpu.vector_store %arg2[%swap3A, %swap3A_15], %mul3A {strides = array<i32>} : memref<1280x128xf32, #tpu.memory_space<vmem>>, vector<1280x128xf32>,
    %swap3A_17 = arith.constant 0 : index
    %swap3A_18 = arith.constant 0 : index
    %swap3A_19 = vector.load %arg3[%swap3A_17, %swap3A_18] : memref<1280x128xf32, #tpu.memory_space<vmem>>, vector<1280x128xf32>
    tpu.vector_store %arg3[%swap3A_17, %swap3A_18], %rsqrt3A {strides = array<i32>} : memref<1280x128xf32, #tpu.memory_space<vmem>>, vector<1280x128xf32>,
    return
  }
}

module attributes {stable_mosaic.version = 14 : i64} {
  func.func @body(%arg0: memref<2x1280x128xf32, #tpu.memory_space<vmem>>, %arg1: memref<1280x128xf32, #tpu.memory_space<vmem>>, %arg2: memref<1280x128xf32, #tpu.memory_space<vmem>>, %arg3: memref<256x128xf32, #tpu.memory_space<vmem>>, %arg4: memref<640x128xf32, #tpu.memory_space<vmem>>, %arg5: memref<1x128xf32, #tpu.memory_space<vmem>>, %arg6: memref<640x128xf32, #tpu.memory_space<vmem>>) attributes {dimension_semantics = [], scalar_prefetch = 0 : i64, scratch_operands = 0 : i64, tpu.core_type = #tpu.core_type<tc>} {
    %get3A = arith.constant 0 : index
    %get3A_0 = arith.constant 0 : index
    %get3A_1 = arith.constant 0 : index
    %get3A_2 = vector.load %arg0[%get3A, %get3A_0, %get3A_1] : memref<2x1280x128xf32, #tpu.memory_space<vmem>>, vector<1x1280x128xf32>
    %get3A_3 = vector.shape_cast %get3A_2 : vector<1x1280x128xf32> to vector<1280x128xf32>
    %get3A_4 = arith.constant 1 : index
    %get3A_5 = arith.constant 0 : index
    %get3A_6 = arith.constant 0 : index
    %get3A_7 = vector.load %arg0[%get3A_4, %get3A_5, %get3A_6] : memref<2x1280x128xf32, #tpu.memory_space<vmem>>, vector<1x1280x128xf32>
    %get3A_8 = vector.shape_cast %get3A_7 : vector<1x1280x128xf32> to vector<1280x128xf32>
    %add3A = arith.addf %get3A_3, %get3A_8 : vector<1280x128xf32>
    %get3A_9 = arith.constant 0 : index
    %get3A_10 = arith.constant 0 : index
    %get3A_11 = vector.load %arg2[%get3A_9, %get3A_10] : memref<1280x128xf32, #tpu.memory_space<vmem>>, vector<1280x128xf32>
    %get3A_12 = arith.constant 0 : index
    %get3A_13 = arith.constant 0 : index
    %get3A_14 = vector.load %arg1[%get3A_12, %get3A_13] : memref<1280x128xf32, #tpu.memory_space<vmem>>, vector<1280x128xf32>
    %add3A_15 = arith.addf %add3A, %get3A_14 : vector<1280x128xf32>
    %mul3A = arith.mulf %get3A_11, %add3A_15 : vector<1280x128xf32>
    %get3A_16 = arith.constant 0 : index
    %get3A_17 = arith.constant 0 : index
    %get3A_18 = vector.load %arg5[%get3A_16, %get3A_17] : memref<1x128xf32, #tpu.memory_space<vmem>>, vector<1x128xf32>
    %add3A_19 = vector.broadcast %get3A_18 : vector<1x128xf32> to vector<1280x128xf32>
    %add3A_20 = arith.addf %mul3A, %add3A_19 : vector<1280x128xf32>
    %max3A = arith.constant 0.000000e+00 : f32
    %max3A_21 = vector.broadcast %max3A : f32 to vector<1280x128xf32>
    %max3A_22 = arith.maximumf %add3A_20, %max3A_21 : vector<1280x128xf32>
    %reshape3A = vector.shape_cast %max3A_22 : vector<1280x128xf32> to vector<640x256xf32>
    %get3A_23 = arith.constant 0 : index
    %get3A_24 = arith.constant 0 : index
    %get3A_25 = vector.load %arg3[%get3A_23, %get3A_24] : memref<256x128xf32, #tpu.memory_space<vmem>>, vector<256x128xf32>
    %dot_general3A = arith.constant dense<0.000000e+00> : vector<640x128xf32>
    %dot_general3A_26 = tpu.matmul %reshape3A, %get3A_25, %dot_general3A {dimension_numbers = #tpu.dot_dimension_numbers<[1], [0], [0], [1], [0, 0, 1, 1], [], []>, transpose_lhs_hint = false} : vector<640x256xf32>, vector<256x128xf32>, vector<640x128xf32> -> vector<640x128xf32>
    %get3A_27 = arith.constant 0 : index
    %get3A_28 = arith.constant 0 : index
    %get3A_29 = vector.load %arg4[%get3A_27, %get3A_28] : memref<640x128xf32, #tpu.memory_space<vmem>>, vector<640x128xf32>
    %mul3A_30 = arith.mulf %dot_general3A_26, %get3A_29 : vector<640x128xf32>
    %iota3A = tpu.iota {dimensions = array<i32: 0>} : vector<640x128xi32>
    %mul3A_31 = arith.constant 16 : i32
    %mul3A_32 = vector.broadcast %mul3A_31 : i32 to vector<640x128xi32>
    %mul3A_33 = arith.muli %mul3A_32, %iota3A : vector<640x128xi32>
    %iota3A_34 = tpu.iota {dimensions = array<i32: 1>} : vector<640x128xi32>
    %jit3A = arith.constant 8 : i32
    %div3A = vector.broadcast %jit3A : i32 to vector<640x128xi32>
    %div3A_35 = arith.divsi %iota3A_34, %div3A : vector<640x128xi32>
    %sign3A = arith.constant 0 : i32
    %sign3A_36 = vector.broadcast %sign3A : i32 to vector<640x128xi32>
    %sign3A_37 = arith.cmpi sgt, %iota3A_34, %sign3A_36 : vector<640x128xi32>
    %sign3A_38 = arith.extui %sign3A_37 : vector<640x128xi1> to vector<640x128xi32>
    %sign3A_39 = arith.constant 0 : i32
    %sign3A_40 = vector.broadcast %sign3A_39 : i32 to vector<640x128xi32>
    %sign3A_41 = arith.cmpi slt, %iota3A_34, %sign3A_40 : vector<640x128xi32>
    %sign3A_42 = arith.extui %sign3A_41 : vector<640x128xi1> to vector<640x128xi32>
    %sign3A_43 = arith.subi %sign3A_38, %sign3A_42 : vector<640x128xi32>
    %sign3A_44 = arith.constant 0 : i32
    %sign3A_45 = arith.cmpi sgt, %jit3A, %sign3A_44 : i32
    %sign3A_46 = arith.extui %sign3A_45 : i1 to i32
    %sign3A_47 = arith.constant 0 : i32
    %sign3A_48 = arith.cmpi slt, %jit3A, %sign3A_47 : i32
    %sign3A_49 = arith.extui %sign3A_48 : i1 to i32
    %sign3A_50 = arith.subi %sign3A_46, %sign3A_49 : i32
    %ne3A = vector.broadcast %sign3A_50 : i32 to vector<640x128xi32>
    %ne3A_51 = arith.cmpi ne, %sign3A_43, %ne3A : vector<640x128xi32>
    %rem3A = vector.broadcast %jit3A : i32 to vector<640x128xi32>
    %rem3A_52 = arith.remsi %iota3A_34, %rem3A : vector<640x128xi32>
    %ne3A_53 = arith.constant 0 : i32
    %ne3A_54 = vector.broadcast %ne3A_53 : i32 to vector<640x128xi32>
    %ne3A_55 = arith.cmpi ne, %rem3A_52, %ne3A_54 : vector<640x128xi32>
    %and3A = arith.andi %ne3A_51, %ne3A_55 : vector<640x128xi1>
    %sub3A = arith.constant 1 : i32
    %sub3A_56 = vector.broadcast %sub3A : i32 to vector<640x128xi32>
    %sub3A_57 = arith.subi %div3A_35, %sub3A_56 : vector<640x128xi32>
    %select_n3A = arith.select %and3A, %sub3A_57, %div3A_35 : vector<640x128xi1>, vector<640x128xi32>
    %add3A_58 = arith.addi %mul3A_33, %select_n3A : vector<640x128xi32>
    %lt3A = arith.constant 10000 : i32
    %lt3A_59 = vector.broadcast %lt3A : i32 to vector<640x128xi32>
    %lt3A_60 = arith.cmpi slt, %add3A_58, %lt3A_59 : vector<640x128xi32>
    %jit3A_61 = arith.constant 0.000000e+00 : f32
    %broadcast_in_dim3A = vector.broadcast %jit3A_61 : f32 to vector<640x128xf32>
    %select_n3A_62 = arith.select %lt3A_60, %mul3A_30, %broadcast_in_dim3A : vector<640x128xi1>, vector<640x128xf32>
    %swap3A = arith.constant 0 : index
    %swap3A_63 = arith.constant 0 : index
    %swap3A_64 = vector.load %arg6[%swap3A, %swap3A_63] : memref<640x128xf32, #tpu.memory_space<vmem>>, vector<640x128xf32>
    tpu.vector_store %arg6[%swap3A, %swap3A_63], %select_n3A_62 {strides = array<i32>} : memref<640x128xf32, #tpu.memory_space<vmem>>, vector<640x128xf32>,
    return
  }
}

module attributes {stable_mosaic.version = 14 : i64} {
  func.func @body(%arg0: memref<2x640x128xf32, #tpu.memory_space<vmem>>, %arg1: memref<640x128xf32, #tpu.memory_space<vmem>>, %arg2: memref<640x128xf32, #tpu.memory_space<vmem>>, %arg3: memref<1x128xf32, #tpu.memory_space<vmem>>, %arg4: memref<640x128xf32, #tpu.memory_space<vmem>>) attributes {dimension_semantics = [], scalar_prefetch = 0 : i64, scratch_operands = 0 : i64, tpu.core_type = #tpu.core_type<tc>} {
    %get3A = arith.constant 0 : index
    %get3A_0 = arith.constant 0 : index
    %get3A_1 = vector.load %arg2[%get3A, %get3A_0] : memref<640x128xf32, #tpu.memory_space<vmem>>, vector<640x128xf32>
    %get3A_2 = arith.constant 0 : index
    %get3A_3 = arith.constant 0 : index
    %get3A_4 = arith.constant 0 : index
    %get3A_5 = vector.load %arg0[%get3A_2, %get3A_3, %get3A_4] : memref<2x640x128xf32, #tpu.memory_space<vmem>>, vector<1x640x128xf32>
    %get3A_6 = vector.shape_cast %get3A_5 : vector<1x640x128xf32> to vector<640x128xf32>
    %get3A_7 = arith.constant 1 : index
    %get3A_8 = arith.constant 0 : index
    %get3A_9 = arith.constant 0 : index
    %get3A_10 = vector.load %arg0[%get3A_7, %get3A_8, %get3A_9] : memref<2x640x128xf32, #tpu.memory_space<vmem>>, vector<1x640x128xf32>
    %get3A_11 = vector.shape_cast %get3A_10 : vector<1x640x128xf32> to vector<640x128xf32>
    %add3A = arith.addf %get3A_6, %get3A_11 : vector<640x128xf32>
    %get3A_12 = arith.constant 0 : index
    %get3A_13 = arith.constant 0 : index
    %get3A_14 = vector.load %arg1[%get3A_12, %get3A_13] : memref<640x128xf32, #tpu.memory_space<vmem>>, vector<640x128xf32>
    %add3A_15 = arith.addf %add3A, %get3A_14 : vector<640x128xf32>
    %mul3A = arith.mulf %get3A_1, %add3A_15 : vector<640x128xf32>
    %get3A_16 = arith.constant 0 : index
    %get3A_17 = arith.constant 0 : index
    %get3A_18 = vector.load %arg3[%get3A_16, %get3A_17] : memref<1x128xf32, #tpu.memory_space<vmem>>, vector<1x128xf32>
    %add3A_19 = vector.broadcast %get3A_18 : vector<1x128xf32> to vector<640x128xf32>
    %add3A_20 = arith.addf %mul3A, %add3A_19 : vector<640x128xf32>
    %swap3A = arith.constant 0 : index
    %swap3A_21 = arith.constant 0 : index
    %swap3A_22 = vector.load %arg4[%swap3A, %swap3A_21] : memref<640x128xf32, #tpu.memory_space<vmem>>, vector<640x128xf32>
    tpu.vector_store %arg4[%swap3A, %swap3A_21], %add3A_20 {strides = array<i32>} : memref<640x128xf32, #tpu.memory_space<vmem>>, vector<640x128xf32>,
    return
  }
}

</mosaic_0001>

<sc_bundles>
// kernel: kernel.12.cloned.1.call-start
scs
__scs_entry_jumppad:
0x0: {  	(pc) =	sbr.rel $0x88, $3  }
0x1: {  	(tag) =	ssettag $0x0;
	lr =	simm.s32 $0x1  }
0x2: {  	[smem:$0x3F9B] =	sst lr;
	_ =	strace $0xD0000000  }
0x3: {  	_ = 	snop  }
0x4: {  	_ = 	snop  }
0x5: {  	_ = 	snop  }
0x6: {  	_ = 	snop  }
0x7: {  	_ = 	snop  }
__scs_overlays_trampoline_lowered:
0x8: {  	[smem:$0x3FAA] =	sst s0  }
0x9: {  	[smem:$0x3FAB] =	sst s1  }
0xa: {  	[smem:$0x3FAC] =	sst s2  }
0xb: {  	[smem:$0x3FAD] =	sst s3  }
0xc: {  	[smem:$0x3FAE] =	sst s4  }
0xd: {  	[smem:$0x3FAF] =	sst s5  }
0xe: {  	[smem:$0x3FB0] =	sst s6  }
0xf: {  	[smem:$0x3FB1] =	sst s7  }
0x10: {  	[smem:$0x3FB2] =	sst s8  }
0x11: {  	[smem:$0x3FB3] =	sst s9;
	s0 =	simm.s32 @!p0 $0x0  }
0x12: {  	s1 =	sld [smem:$0x3F99];
	s0 =	simm.s32 @p0 $0x1  }
0x13: {  	[smem:$0x3FB4] =	sst s0;
	s0 =	simm.s32 @!p1 $0x0  }
0x14: {  	s2 =	sld [smem:$0x3F98];
	s0 =	simm.s32 @p1 $0x1  }
0x15: {  	[smem:$0x3FB5] =	sst s0;
	s0 =	simm.s32 @!p2 $0x0  }
0x16: {  	s3 =	sld [smem:$0x3FDB];
	s0 =	simm.s32 @p2 $0x1  }
0x17: {  	s4 =	simm.s32 $0x1BF5;
	[smem:$0x3FB7] =	sst s0  }
0x18: {  	s0 =	sld [smem:$0x3F9A];
	_ =	swait.ge [sflag:s4], $0x0  }
0x19: {  	s7 =	sld [smem:$0x3F9B]  }
0x1a: {  	s8 =	sadd.s32 $0xFFFFE003, lr  }
0x1b: {  	s9 =	sadd.s32 $0xFFFFFEF7, lr;
	s5 =	simm.s32 $0xFFFFFFFF;
	p2 =	slt.u32 s8, $0xFFFFF086  }
0x1c: {  	p1 =	slt.u32 s9, $0xF7A;
	s5 =	simm.s32 @!p2 $0x0  }
0x1d: {  	s5 =	simm.s32 @p1 $0x1;
	p0 =	seq.s32 s7, s2  }
0x1e: {  	s7 =	smul.u32 @!p0 $0xF7A, s2;
	p2 =	seq.s32 @!p0 s5, $0x0  }
0x1f: {  	s9 =	smul.u32 $0xF7A, s1;
	s8 =	simm.s32 @!p0 $0x1BF5;
	p2 =	por !p2, p0  }
0x20: {  	[sflag:s8] =	ssyncset.s32 @!p0 $0xFFFFF086;
	s6 =	sadd.s32 @!p0 s3, s7;
	s7 =	simm.s32 @!p0 $0x108  }
0x21: {  	s3 =	sadd.s32 s3, s9;
	s6 =	sadd.s32 @!p0 $0x88, s6;
	s7 =	simm.s32 @p2 $0x1082  }
0x22: {  	[simem:s7], [sflag:s8] =	dma.local @!p0 [hbm:s6], $0xF7A  }
0x23: {  	s9 =	sor.u32 $0xD0000000, s2;
	s6 =	simm.s32 $0x108;
	_ =	swait.ge @!p0 [sflag:s8], $0x0  }
0x24: {  	s3 =	sadd.s32 $0x88, s3;
	s6 =	simm.s32 @!p1 $0x1082;
	[sflag:s4] =	ssyncset.s32 $0xFFFFF086  }
0x25: {  	[simem:s6], [sflag:s4] =	dma.local [hbm:s3], $0xF7A  }
0x26: {  	[smem:$0x3F9B] =	sst s1;
	(tag) =	ssettag s2;
	_ =	strace s9  }
0x27: {  	s1 =	sld [smem:$0x3FAB]  }
0x28: {  	s2 =	sld [smem:$0x3FAC]  }
0x29: {  	s4 =	sld [smem:$0x3FAE]  }
0x2a: {  	p0 =	seq.s32 s5, $0x0;
	s5 =	sld [smem:$0x3FAF]  }
0x2b: {  	s6 =	sld [smem:$0x3FB0]  }
0x2c: {  	s7 =	sld [smem:$0x3FB1]  }
0x2d: {  	s3 =	simm.s32 $0x108;
	s8 =	sld [smem:$0x3FB2]  }
0x2e: {  	s3 =	simm.s32 @!p0 $0x1082;
	s9 =	sld [smem:$0x3FB3]  }
0x2f: {  	lr =	sadd.s32 s0, s3;
	s0 =	sld [smem:$0x3FAA]  }
0x30: {  	s3 =	sld [smem:$0x3FAD]  }
0x31: {  	[smem:$0x3FB6] =	sst s10  }
0x32: {  	s10 =	sld [smem:$0x3FB4];
	_ =	sdelay $0x3  }
0x33: {  	p0 =	seq.s32 s10, $0x1;
	s10 =	sld [smem:$0x3FB6];
	_ =	sdelay $0x3  }
0x34: {  	[smem:$0x3FB6] =	sst s10  }
0x35: {  	s10 =	sld [smem:$0x3FB5];
	_ =	sdelay $0x3  }
0x36: {  	p1 =	seq.s32 s10, $0x1;
	s10 =	sld [smem:$0x3FB6];
	_ =	sdelay $0x3  }
0x37: {  	[smem:$0x3FB6] =	sst s10  }
0x38: {  	s10 =	sld [smem:$0x3FB7]  }
0x39: {  	_ = 	snop;
	(pc) =	sbr.ind lr, $3  }
0x3a: {  	_ = 	snop  }
0x3b: {  	_ = 	snop  }
0x3c: {  	p2 =	seq.s32 s10, $0x1;
	s10 =	sld [smem:$0x3FB6]  }
0x3d: {  	_ =	shalt  }
0x3e: {  	_ =	shalt  }
0x3f: {  	_ =	shalt  }
0x40: {  	_ =	shalt  }
0x41: {  	_ =	shalt  }
0x42: {  	_ =	shalt  }
0x43: {  	_ =	shalt  }
0x44: {  	_ =	shalt  }
0x45: {  	_ =	shalt  }
0x46: {  	_ =	shalt  }
0x47: {  	_ =	shalt  }
0x48: {  	_ =	shalt  }
0x49: {  	_ =	shalt  }
0x4a: {  	_ =	shalt  }
0x4b: {  	_ =	shalt  }
0x4c: {  	_ =	shalt  }
0x4d: {  	_ =	shalt  }
0x4e: {  	_ =	shalt  }
0x4f: {  	_ =	shalt  }
0x50: {  	_ =	shalt  }
0x51: {  	_ =	shalt  }
0x52: {  	_ =	shalt  }
0x53: {  	_ =	shalt  }
0x54: {  	_ =	shalt  }
0x55: {  	_ =	shalt  }
0x56: {  	_ =	shalt  }
0x57: {  	_ =	shalt  }
0x58: {  	_ =	shalt  }
0x59: {  	_ =	shalt  }
0x5a: {  	_ =	shalt  }
0x5b: {  	_ =	shalt  }
0x5c: {  	_ =	shalt  }
0x5d: {  	_ =	shalt  }
0x5e: {  	_ =	shalt  }
0x5f: {  	_ =	shalt  }
0x60: {  	_ =	shalt  }
0x61: {  	_ =	shalt  }
0x62: {  	_ =	shalt  }
0x63: {  	_ =	shalt  }
0x64: {  	_ =	shalt  }
0x65: {  	_ =	shalt  }
0x66: {  	_ =	shalt  }
0x67: {  	_ =	shalt  }
0x68: {  	_ =	shalt  }
0x69: {  	_ =	shalt  }
0x6a: {  	_ =	shalt  }
0x6b: {  	_ =	shalt  }
0x6c: {  	_ =	shalt  }
0x6d: {  	_ =	shalt  }
0x6e: {  	_ =	shalt  }
0x6f: {  	_ =	shalt  }
0x70: {  	_ =	shalt  }
0x71: {  	_ =	shalt  }
0x72: {  	_ =	shalt  }
0x73: {  	_ =	shalt  }
0x74: {  	_ =	shalt  }
0x75: {  	_ =	shalt  }
0x76: {  	_ =	shalt  }
0x77: {  	_ =	shalt  }
0x78: {  	_ =	shalt  }
0x79: {  	_ =	shalt  }
0x7a: {  	_ =	shalt  }
0x7b: {  	_ =	shalt  }
0x7c: {  	_ =	shalt  }
0x7d: {  	_ =	shalt  }
0x7e: {  	_ =	shalt  }
0x7f: {  	_ =	shalt  }
0x80: {  	_ =	shalt  }
0x81: {  	_ =	shalt  }
0x82: {  	_ =	shalt  }
0x83: {  	_ =	shalt  }
0x84: {  	_ =	shalt  }
0x85: {  	_ =	shalt  }
0x86: {  	_ =	shalt  }
0x87: {  	_ =	shalt  }
.Lfunc_end0:
.L_simem_size_0:
called_computation.1_lowered:
.L_overlay_start_0:
0x88: {  	s2 =	sld [smem:$0x3FD9]  }
0x89: {  	s3 =	sld [smem:$0x3FFE];
	_ =	sdelay $0x1  }
0x8a: {  	s1 =	srdreg.scid  }
0x8b: {  	s0 =	sand.u32 $0x1, s1  }
0x8c: {  	s17 =	sshll.u32 s0, $0xA;
	s2 =	sadd.s32 s3, s2  }
0x8d: {  	s2 =	sadd.s32 s2, s17  }
0x8e: {  	[smem:$0x3FC2] =	sst s2  }
0x8f: {  	_ = 	snop  }
0x90: {  	s2 =	sld [smem:$0x3FD0];
	(tm) =	ssettm $0x1  }
0x91: {  	s18 =	sld [smem:$0x3FFB];
	_ =	sdelay $0x3  }
0x92: {  	_ =	strace s18  }
0x93: {  	s3 =	sld [smem:$0x3FFC];
	_ =	sdelay $0x3  }
0x94: {  	_ =	strace s3  }
0x95: {  	s3 =	sld [smem:$0x3FFD];
	_ =	sdelay $0x3  }
0x96: {  	_ =	strace s3  }
0x97: {  	_ =	strace $0x8FFFFFFF  }
0x98: {  	s19 =	sld [smem:$0x3FDB];
	_ =	sdelay $0x1  }
0x99: {  	s4 =	simm.s32 $_scs_section_size  }
0x9a: {  	s5 =	simm.s32 $_size__tile_overlayer_lowered;
	s6 =	simm.s32 $_tile_overlayer_lowered  }
0x9b: {  	s22 =	simm.s32 $0x1BFF;
	s21 =	sshll.u32 s6, $0x1;
	s3 =	sadd.s32 s4, s19  }
0x9c: {  	s7 =	simm.s32 $0x0;
	s20 =	sshll.u32 s5, $0x1;
	s5 =	sadd.s32 s21, s3  }
0x9d: {  	[timem:s7], [sflag:s22] =	dma.local [hbm:s5], s20  }
0x9e: {  	_ =	swait.ge [sflag:s22], s20  }
0x9f: {  	s4 =	ssub.s32 $0x0, s20;
	[sflag:s22] =	ssyncset.done $0x0  }
0xa0: {  	[sflag:s22] =	ssyncadd.s32 s4;
	_ =	sdelay $0x1  }
0xa1: {  	s23 =	simm.s32 $0x1B8B  }
0xa2: {  	_ =	swait.ge [sflag:s23], $0x1  }
0xa3: {  	[sflag:s23] =	ssyncset.done $0x0  }
0xa4: {  	s25 =	simm.s32 $0x1B8E;
	s24 =	sld [smem:$0x3FFE];
	[sflag:s23] =	ssyncadd.s32 $0xFFFFFFFF  }
0xa5: {  	s26 =	simm.s32 $execute0_lowered;
	[smem:$0x3FD2] =	sst s25  }
0xa6: {  	s5 =	sshll.u32 s26, $0x1;
	_ =	strace $0x80000049;
	[dreg:$0x1] =	wrdreg $0xFFFFFFFF  }
0xa7: {  	s28 =	simm.s32 $_size_execute0_lowered;
	s3 =	sadd.s32 s3, s5;
	[dreg:$0x0] =	wrdreg $0x0  }
0xa8: {  	s5 =	sshll.u32 s28, $0x1;
	[dreg:$0x2] =	wrdreg s3  }
0xa9: {  	[dreg:$0x3] =	wrdreg s5  }
0xaa: {  	[dreg:$0x4] =	wrdreg $0xC0  }
0xab: {  	_ =	task [dreg:s7], $0x5FFFF  }
0xac: {  	[dreg:$0x1] =	wrdreg $0xFFFFFFFF  }
0xad: {  	[dreg:$0x0] =	wrdreg $0x60  }
0xae: {  	[dreg:$0x2] =	wrdreg s24  }
0xaf: {  	[dreg:$0x3] =	wrdreg s2  }
0xb0: {  	[dreg:$0x4] =	wrdreg $0xCE200  }
0xb1: {  	[dreg:$0x5] =	wrdreg $0xF6200  }
0xb2: {  	[dreg:$0x6] =	wrdreg $0x9  }
0xb3: {  	_ =	task.clear_ibuf [dreg:s7], $0x7FFFF;
	_ =	strace $0x90000049  }
0xb4: {  	s29 =	simm.s32 $0x9;
	_ =	strace $0x8000004B  }
0xb5: {  	_ =	swait.ge [sflag:s29], $0x1  }
0xb6: {  	[sflag:s29] =	ssyncadd.s32 $0xFFFFFFFF  }
0xb7: {  	_ =	strace $0x9000004B  }
0xb8: {  	_ =	sfence  }
0xb9: {  	s30 =	sld [smem:$0x0];
	_ =	sdelay $0x2  }
0xba: {  	s31 =	sshll.u32 s1, $0xD;
	s1 =	sshrl.u32 s1, $0x2  }
0xbb: {  	s3 =	sand.u32 $0x4000, s31;
	s1 =	sadd.s32 s1, s30  }
0xbc: {  	s0 =	sor.u32 s3, s0;
	s1 =	sshll.u32 s1, $0x11  }
0xbd: {  	s0 =	sor.u32 s1, s0  }
0xbe: {  	s0 =	sadd.s32 $0x8F2B, s0  }
0xbf: {  	[sflag:s0] =	ssyncadd.remote.s32 $0x1  }
0xc0: {  	_ =	sfence.sel $0xFFFF  }
0xc1: {  	[dreg:$0x0] =	wrdreg $0xFFFFFFFF;
	(pc) =	sbr.abs _section_cstart, $3  }
0xc2: {  	[dreg:$0x1] =	wrdreg $0xFFFFFFFF  }
0xc3: {  	_ =	task.clear_ibuf [dreg:s7], $0x2FFFF;
	_ =	strace $0x9FFFFFFF  }
0xc4: {  	(tm) =	ssettm $0x7FFFFFFF  }
0xc5: {  	_ =	shalt  }
tec
execute0_lowered:
.L_overlay_start_1:
0x0: {  	(tag) =	ssettag $0x1  }
0x1: {  	s0 =	srdreg.scid  }
0x2: {  	s1 =	rddreg [dreg:$0x0];
	s4 =	sand.u32 $0x1, s0  }
0x3: {  	s2 =	rddreg [dreg:$0x1];
	s18 =	stileid.u32;
	s3 =	sshll.u32 s4, $0x4  }
0x4: {  	s20 =	rddreg [dreg:$0x4];
	s0 =	smul.u32 $0x2800, s18;
	s5 =	sor.u32 s18, s3  }
0x5: {  	[dreg:$0x5] =	wrdreg s2;
	s5 =	smul.u32 $0x2710, s5  }
0x6: {  	s7 =	simm.s32 $0x0;
	s2 =	rddreg [dreg:$0x2];
	s6 =	sshrl.u32 s0, $0x3  }
0x7: {  	[smem:$0x7FF] =	sst s7;
	s6 =	sadd.s32 s6, s1;
	s5 =	sshrl.u32 s5, $0x3  }
0x8: {  	s3 =	rddreg [dreg:$0x3];
	s6 =	sadd.s32 $0x16600, s6;
	s5 =	sadd.s32 s5, s1  }
0x9: {  	_ =	strace $0x8000004A;
	[dreg:$0x6] =	wrdreg s6;
	s24 =	sadd.s32 $0x2C00, s5  }
0xa: {  	s25 =	sadd.s32 $0xC840, s5;
	[dreg:$0x7] =	wrdreg s24  }
0xb: {  	s26 =	sadd.s32 $0x2C80, s5;
	[dreg:$0x8] =	wrdreg s25  }
0xc: {  	s8 =	sadd.s32 $0xC8C0, s5;
	[dreg:$0x9] =	wrdreg s26  }
0xd: {  	s9 =	sadd.s32 $0x2D00, s5;
	[dreg:$0xa] =	wrdreg s8  }
0xe: {  	s10 =	sadd.s32 $0xC940, s5;
	[dreg:$0xb] =	wrdreg s9  }
0xf: {  	s11 =	sadd.s32 $0x2D80, s5;
	[dreg:$0xc] =	wrdreg s10  }
0x10: {  	s12 =	sadd.s32 $0xC9C0, s5;
	[dreg:$0xd] =	wrdreg s11  }
0x11: {  	s13 =	sadd.s32 $0x2E00, s5;
	[dreg:$0xe] =	wrdreg s12  }
0x12: {  	s14 =	sadd.s32 $0xCA40, s5;
	[dreg:$0xf] =	wrdreg s13  }
0x13: {  	s31 =	simm.s32 $0x2F10;
	s15 =	sadd.s32 $0x2E80, s5;
	[dreg:$0x10] =	wrdreg s14  }
0x14: {  	s30 =	simm.s32 $0x3710;
	s16 =	sadd.s32 $0xCAC0, s5;
	[dreg:$0x11] =	wrdreg s15  }
0x15: {  	s29 =	simm.s32 $0x1400;
	s17 =	sadd.s32 $0x2F00, s5;
	[dreg:$0x12] =	wrdreg s16  }
0x16: {  	s28 =	simm.s32 $0x3B10;
	s19 =	sadd.s32 $0xCB40, s5;
	[dreg:$0x13] =	wrdreg s17  }
0x17: {  	p0 =	por $0x0, $0x0;
	s21 =	sadd.s32 $0x2F80, s5;
	[dreg:$0x14] =	wrdreg s19  }
0x18: {  	s23 =	sadd.s32 $0xCBC0, s5;
	s8 =	smul.u32 $0x28000, s4;
	[dreg:$0x15] =	wrdreg s21  }
0x19: {  	s4 =	ssub.s32 $0x2, s4;
	[dreg:$0x16] =	wrdreg s23;
	s24 =	sadd.s32 $0x3000, s5  }
0x1a: {  	s25 =	sadd.s32 s0, s2;
	s26 =	sadd.s32 $0xCC40, s5;
	s17 =	sshll.u32 s18, $0x6  }
0x1b: {  	s9 =	sadd.s32 $0x3080, s5;
	s5 =	sadd.s32 $0xCCC0, s5;
	s11 =	simm.s32 $0x5  }
0x1c: {  	s19 =	simm.s32 $0x4E20;
	s21 =	simm.s32 $0x1;
	s13 =	simm.s32 $0x8E20  }
0x1d: {  	s16 =	simm.s32 $0x2;
	s12 =	simm.s32 $0x3;
	[dreg:$0x17] =	wrdreg s24  }
0x1e: {  	s23 =	simm.s32 $0x310;
	[dreg:$0x18] =	wrdreg s26;
	s8 =	sadd.s32 s0, s8  }
0x1f: {  	s22 =	sshrl.u32 s4, $0x1;
	[dreg:$0x19] =	wrdreg s9;
	s8 =	sshrl.u32 s8, $0x3  }
0x20: {  	[dreg:$0x1a] =	wrdreg s5;
	s1 =	sadd.s32 s8, s1;
	s8 =	ssub.s32 s4, s22  }
0x21: {  	s6 =	sshrl.u32 s25, $0x3;
	s5 =	simm.s32 $0x6;
	s10 =	smax.u32 s8, $0x1  }
0x22: {  	s9 =	simm.s32 $0xC00;
	s26 =	simm.s32 $0x1800;
	p1 =	sne.s32 s10, $0x1  }
.Ltmp0:
0x23: {  	s25 =	simm.s32 $0x3F10;
	s0 =	sadd.s32 s0, s3;
	(pc) =	sbr.rel @!p1 .LBB2_5-.Ltmp0, $4  }
0x24: {  	s24 =	simm.s32 $0x1C00;
	s0 =	sshrl.u32 s0, $0x3;
	s4 =	sor.u32 $0x1C06, s17  }
0x25: {  	[dreg:$0x1c] =	wrdreg s0;
	s22 =	simm.s32 $0x2B10;
	s1 =	sadd.s32 $0x1B600, s1  }
0x26: {  	s0 =	simm.s32 $0x3310;
	s8 =	simm.s32 $0x400;
	[dreg:$0x1b] =	wrdreg s1  }
0x27: {  	s1 =	simm.s32 $0x1000;
	s14 =	sadd.s32 $0xFFFFFFFF, s10;
	s10 =	simm.s32 $0x4  }
0x28: {  	s15 =	rddreg [dreg:$0x5]  }
0x29: {  	[spmem:s6], [sflag:s4] =	dma.local [hbm:s15], $0x500  }
0x2a: {  	_ =	swait.ge [sflag:s5], $0x500  }
0x2b: {  	s18 =	rddreg [dreg:$0x6]  }
0x2c: {  	[smem:$0x7FB] =	sst s17  }
0x2d: {  	[sflag:s5] =	ssyncset.done $0x0;
	[smem:$0x7FC] =	sst s18  }
0x2e: {  	[sflag:s5] =	ssyncadd.s32 $0xFFFFFB00;
	s5 =	sor.u32 $0x1C05, s17;
	s17 =	sld [smem:$0x7FC]  }
0x2f: {  	s15 =	rddreg [dreg:$0x1c]  }
0x30: {  	[dreg:$0x1d] =	wrdreg s5  }
0x31: {  	[spmem:s15], [sflag:s5] =	dma.local [hbm:s17], $0x500  }
0x32: {  	s15 =	rddreg [dreg:$0x7]  }
0x33: {  	s5 =	rddreg [dreg:$0x8]  }
0x34: {  	[tilespmem:s7], [sflag:$0x5] =	stream.linear.gather [hbm4b:s15+s7], $0x400, $0x38;
	[tilespmem:$0x11E20] =	vst v63  }
0x35: {  	s20 =	smov.u32 s14;
	s17 =	simm.s32 $0x2710;
	s14 =	rddreg [dreg:$0x9]  }
0x36: {  	[tilespmem:s17], [sflag:$0x5] =	stream.linear.gather [hbm4b:s5+s7], $0x400, $0x38;
	[tilespmem:$0x11E20] =	vst v63  }
0x37: {  	s5 =	rddreg [dreg:$0xa]  }
0x38: {  	[tilespmem:s8], [sflag:$0x5] =	stream.linear.gather [hbm4b:s14+s7], $0x400, $0x38;
	[tilespmem:$0x11E20] =	vst v63  }
0x39: {  	s14 =	rddreg [dreg:$0xb]  }
0x3a: {  	[tilespmem:s22], [sflag:$0x5] =	stream.linear.gather [hbm4b:s5+s7], $0x400, $0x38;
	[tilespmem:$0x11E20] =	vst v63  }
0x3b: {  	s5 =	rddreg [dreg:$0xc];
	s22 =	simm.s32 $0x800  }
0x3c: {  	[tilespmem:s22], [sflag:$0x5] =	stream.linear.gather [hbm4b:s14+s7], $0x400, $0x38;
	[tilespmem:$0x11E20] =	vst v63  }
0x3d: {  	s14 =	rddreg [dreg:$0xd]  }
0x3e: {  	[tilespmem:s31], [sflag:$0x5] =	stream.linear.gather [hbm4b:s5+s7], $0x400, $0x38;
	[tilespmem:$0x11E20] =	vst v63  }
0x3f: {  	s31 =	rddreg [dreg:$0xe]  }
0x40: {  	[tilespmem:s9], [sflag:$0x5] =	stream.linear.gather [hbm4b:s14+s7], $0x400, $0x38;
	[tilespmem:$0x11E20] =	vst v63  }
0x41: {  	s5 =	rddreg [dreg:$0x11]  }
0x42: {  	[tilespmem:s0], [sflag:$0x5] =	stream.linear.gather [hbm4b:s31+s7], $0x400, $0x38;
	[tilespmem:$0x11E20] =	vst v63  }
0x43: {  	s14 =	rddreg [dreg:$0xf]  }
0x44: {  	[tilespmem:s1], [sflag:$0x5] =	stream.linear.gather [hbm4b:s14+s7], $0x400, $0x38;
	[tilespmem:$0x11E20] =	vst v63  }
0x45: {  	s31 =	rddreg [dreg:$0x10]  }
0x46: {  	[tilespmem:s30], [sflag:$0x5] =	stream.linear.gather [hbm4b:s31+s7], $0x400, $0x38;
	[tilespmem:$0x11E20] =	vst v63  }
0x47: {  	s9 =	rddreg [dreg:$0x12]  }
0x48: {  	[tilespmem:s29], [sflag:$0x5] =	stream.linear.gather [hbm4b:s5+s7], $0x400, $0x38;
	[tilespmem:$0x11E20] =	vst v63  }
0x49: {  	s14 =	rddreg [dreg:$0x13]  }
0x4a: {  	[tilespmem:s28], [sflag:$0x5] =	stream.linear.gather [hbm4b:s9+s7], $0x400, $0x38;
	[tilespmem:$0x11E20] =	vst v63  }
0x4b: {  	s30 =	rddreg [dreg:$0x15]  }
0x4c: {  	[tilespmem:s26], [sflag:$0x5] =	stream.linear.gather [hbm4b:s14+s7], $0x400, $0x38;
	[tilespmem:$0x11E20] =	vst v63  }
0x4d: {  	s29 =	rddreg [dreg:$0x14]  }
0x4e: {  	[tilespmem:s25], [sflag:$0x5] =	stream.linear.gather [hbm4b:s29+s7], $0x400, $0x38;
	[tilespmem:$0x11E20] =	vst v63  }
0x4f: {  	s31 =	rddreg [dreg:$0x16]  }
0x50: {  	[tilespmem:s24], [sflag:$0x5] =	stream.linear.gather [hbm4b:s30+s7], $0x400, $0x38;
	[tilespmem:$0x11E20] =	vst v63  }
0x51: {  	s25 =	rddreg [dreg:$0x18];
	s24 =	simm.s32 $0x4310  }
0x52: {  	[tilespmem:s24], [sflag:$0x5] =	stream.linear.gather [hbm4b:s31+s7], $0x400, $0x38;
	[tilespmem:$0x11E20] =	vst v63  }
0x53: {  	s30 =	rddreg [dreg:$0x17];
	s31 =	simm.s32 $0x2000  }
0x54: {  	[tilespmem:s31], [sflag:$0x5] =	stream.linear.gather [hbm4b:s30+s7], $0x400, $0x38;
	[tilespmem:$0x11E20] =	vst v63  }
0x55: {  	s30 =	rddreg [dreg:$0x19]  }
0x56: {  	s18 =	simm.s32 $0x4710;
	[smem:$0x7FD] =	sst s30  }
0x57: {  	[tilespmem:s18], [sflag:$0x5] =	stream.linear.gather [hbm4b:s25+s7], $0x400, $0x38;
	[tilespmem:$0x11E20] =	vst v63  }
0x58: {  	s25 =	sld [smem:$0x7FD]  }
0x59: {  	[dreg:$0x1e] =	wrdreg s4  }
0x5a: {  	[dreg:$0x1f] =	wrdreg s6;
	s30 =	simm.s32 $0x2400  }
0x5b: {  	[tilespmem:s30], [sflag:$0x5] =	stream.linear.gather [hbm4b:s25+s7], $0x310, $0x38;
	[tilespmem:$0x11E20] =	vst v63  }
0x5c: {  	s15 =	rddreg [dreg:$0x1a];
	s25 =	simm.s32 $0x4B10  }
0x5d: {  	[tilespmem:s25], [sflag:$0x5] =	stream.linear.gather [hbm4b:s15+s7], $0x310, $0x38;
	[tilespmem:$0x11E20] =	vst v63  }
0x5e: {  	_ =	swait.ge [sflag:s11], $0x400  }
0x5f: {  	[sflag:s11] =	ssyncset.done $0x0  }
0x60: {  	[sflag:s11] =	ssyncadd.s32 $0xFFFFFC00  }
0x61: {  	_ =	swait.ge [sflag:s11], $0x400  }
0x62: {  	[sflag:s11] =	ssyncset.done $0x0  }
0x63: {  	[sflag:s11] =	ssyncadd.s32 $0xFFFFFC00  }
0x64: {  	_ =	swait.ge [sflag:s11], $0x400  }
0x65: {  	[sflag:s11] =	ssyncset.done $0x0  }
0x66: {  	[sflag:s11] =	ssyncadd.s32 $0xFFFFFC00  }
0x67: {  	_ =	swait.ge [sflag:s11], $0x400  }
0x68: {  	[sflag:s11] =	ssyncset.done $0x0  }
0x69: {  	[sflag:s11] =	ssyncadd.s32 $0xFFFFFC00  }
0x6a: {  	_ =	swait.ge [sflag:s11], $0x400  }
0x6b: {  	[sflag:s11] =	ssyncset.done $0x0  }
0x6c: {  	[sflag:s11] =	ssyncadd.s32 $0xFFFFFC00  }
0x6d: {  	_ =	swait.ge [sflag:s11], $0x400  }
0x6e: {  	[sflag:s11] =	ssyncset.done $0x0  }
0x6f: {  	[sflag:s11] =	ssyncadd.s32 $0xFFFFFC00  }
0x70: {  	_ =	swait.ge [sflag:s11], $0x400  }
0x71: {  	[sflag:s11] =	ssyncset.done $0x0  }
0x72: {  	[sflag:s11] =	ssyncadd.s32 $0xFFFFFC00  }
0x73: {  	_ =	swait.ge [sflag:s11], $0x400  }
0x74: {  	[sflag:s11] =	ssyncset.done $0x0  }
0x75: {  	[sflag:s11] =	ssyncadd.s32 $0xFFFFFC00  }
0x76: {  	_ =	swait.ge [sflag:s11], $0x400  }
0x77: {  	[sflag:s11] =	ssyncset.done $0x0  }
0x78: {  	[sflag:s11] =	ssyncadd.s32 $0xFFFFFC00  }
0x79: {  	_ =	swait.ge [sflag:s11], $0x400  }
0x7a: {  	[sflag:s11] =	ssyncset.done $0x0  }
0x7b: {  	[sflag:s11] =	ssyncadd.s32 $0xFFFFFC00  }
0x7c: {  	_ =	swait.ge [sflag:s11], $0x400  }
0x7d: {  	[sflag:s11] =	ssyncset.done $0x0  }
0x7e: {  	[sflag:s11] =	ssyncadd.s32 $0xFFFFFC00  }
0x7f: {  	_ =	swait.ge [sflag:s11], $0x400  }
0x80: {  	[sflag:s11] =	ssyncset.done $0x0  }
0x81: {  	[sflag:s11] =	ssyncadd.s32 $0xFFFFFC00  }
0x82: {  	_ =	swait.ge [sflag:s11], $0x400  }
0x83: {  	[sflag:s11] =	ssyncset.done $0x0  }
0x84: {  	[sflag:s11] =	ssyncadd.s32 $0xFFFFFC00  }
0x85: {  	_ =	swait.ge [sflag:s11], $0x400  }
0x86: {  	[sflag:s11] =	ssyncset.done $0x0  }
0x87: {  	[sflag:s11] =	ssyncadd.s32 $0xFFFFFC00  }
0x88: {  	_ =	swait.ge [sflag:s11], $0x400  }
0x89: {  	[sflag:s11] =	ssyncset.done $0x0  }
0x8a: {  	[sflag:s11] =	ssyncadd.s32 $0xFFFFFC00  }
0x8b: {  	_ =	swait.ge [sflag:s11], $0x400  }
0x8c: {  	[sflag:s11] =	ssyncset.done $0x0  }
0x8d: {  	[sflag:s11] =	ssyncadd.s32 $0xFFFFFC00  }
0x8e: {  	_ =	swait.ge [sflag:s11], $0x400  }
0x8f: {  	[sflag:s11] =	ssyncset.done $0x0  }
0x90: {  	[sflag:s11] =	ssyncadd.s32 $0xFFFFFC00  }
0x91: {  	_ =	swait.ge [sflag:s11], $0x400  }
0x92: {  	[sflag:s11] =	ssyncset.done $0x0  }
0x93: {  	[sflag:s11] =	ssyncadd.s32 $0xFFFFFC00  }
0x94: {  	_ =	swait.ge [sflag:s11], $0x310  }
0x95: {  	[sflag:s11] =	ssyncset.done $0x0  }
0x96: {  	[sflag:s11] =	ssyncadd.s32 $0xFFFFFCF0  }
0x97: {  	_ =	swait.ge [sflag:s11], $0x310  }
0x98: {  	[sflag:s11] =	ssyncset.done $0x0  }
0x99: {  	[sflag:s11] =	ssyncadd.s32 $0xFFFFFCF0  }
0x9a: {  	_ =	swait.ge [sflag:s11], $0x500  }
0x9b: {  	[sflag:s11] =	ssyncset.done $0x0  }
0x9c: {  	[sflag:s11] =	ssyncadd.s32 $0xFFFFFB00  }
0x9d: {  	[bflag:$0x0] =	sbarrier.arrive $0xFFFF  }
0x9e: {  	[tilespmem:s19], [sflag:$0x1] =	stream.indirect.gather [spmem:s3], $0x10, s7, s8, $0xb8;
	[tilespmem:$0x11E20] =	vst v63  }
0x9f: {  	_ =	swait.ge [sflag:s21], $0x4000  }
0xa0: {  	[sflag:s21] =	ssyncset.done $0x0  }
0xa1: {  	[sflag:s21] =	ssyncadd.s32 $0xFFFFC000  }
0xa2: {  	[spmem:s2] =	stream.indirect.scatter.add.f32 [tilespmem:s19], [sflag:$0x3], $0x10, s17, s8, $0xb8;
	[tilespmem:$0x11E20] =	vst v63  }
0xa3: {  	_ = 	snop  }
0xa4: {  	[tilespmem:s13], [sflag:$0x2] =	stream.indirect.gather [spmem:s3], $0x10, s8, s8, $0xb8;
	[tilespmem:$0x11E20] =	vst v63  }
0xa5: {  	_ =	swait.ge [sflag:s16], $0x4000  }
0xa6: {  	[sflag:s16] =	ssyncset.done $0x0  }
0xa7: {  	s17 =	simm.s32 $0x2B10;
	[sflag:s16] =	ssyncadd.s32 $0xFFFFC000  }
0xa8: {  	[spmem:s2] =	stream.indirect.scatter.add.f32 [tilespmem:s13], [sflag:$0x4], $0x10, s17, s8, $0xb8;
	[tilespmem:$0x11E20] =	vst v63  }
0xa9: {  	_ =	swait.ge [sflag:s12], $0x4000  }
0xaa: {  	[sflag:s12] =	ssyncset.done $0x0  }
0xab: {  	[sflag:s12] =	ssyncadd.s32 $0xFFFFC000  }
0xac: {  	[tilespmem:s19], [sflag:$0x1] =	stream.indirect.gather [spmem:s3], $0x10, s22, s8, $0xb8;
	[tilespmem:$0x11E20] =	vst v63  }
0xad: {  	_ =	swait.ge [sflag:s21], $0x4000  }
0xae: {  	[sflag:s21] =	ssyncset.done $0x0  }
0xaf: {  	s4 =	simm.s32 $0x2F10;
	[sflag:s21] =	ssyncadd.s32 $0xFFFFC000  }
0xb0: {  	[spmem:s2] =	stream.indirect.scatter.add.f32 [tilespmem:s19], [sflag:$0x3], $0x10, s4, s8, $0xb8;
	[tilespmem:$0x11E20] =	vst v63  }
0xb1: {  	s4 =	rddreg [dreg:$0x1e];
	_ =	swait.ge [sflag:s10], $0x4000  }
0xb2: {  	[sflag:s10] =	ssyncset.done $0x0  }
0xb3: {  	s14 =	simm.s32 $0xC00;
	[sflag:s10] =	ssyncadd.s32 $0xFFFFC000  }
0xb4: {  	[tilespmem:s13], [sflag:$0x2] =	stream.indirect.gather [spmem:s3], $0x10, s14, s8, $0xb8;
	[tilespmem:$0x11E20] =	vst v63  }
0xb5: {  	_ =	swait.ge [sflag:s16], $0x4000  }
0xb6: {  	[sflag:s16] =	ssyncset.done $0x0  }
0xb7: {  	s9 =	simm.s32 $0x3310;
	[sflag:s16] =	ssyncadd.s32 $0xFFFFC000  }
0xb8: {  	[spmem:s2] =	stream.indirect.scatter.add.f32 [tilespmem:s13], [sflag:$0x4], $0x10, s9, s8, $0xb8;
	[tilespmem:$0x11E20] =	vst v63  }
0xb9: {  	_ =	swait.ge [sflag:s12], $0x4000  }
0xba: {  	[sflag:s12] =	ssyncset.done $0x0  }
0xbb: {  	s29 =	simm.s32 $0x1000;
	[sflag:s12] =	ssyncadd.s32 $0xFFFFC000  }
0xbc: {  	[tilespmem:s19], [sflag:$0x1] =	stream.indirect.gather [spmem:s3], $0x10, s29, s8, $0xb8;
	[tilespmem:$0x11E20] =	vst v63  }
0xbd: {  	_ =	swait.ge [sflag:s21], $0x4000  }
0xbe: {  	[sflag:s21] =	ssyncset.done $0x0  }
0xbf: {  	s0 =	simm.s32 $0x3710;
	[sflag:s21] =	ssyncadd.s32 $0xFFFFC000  }
0xc0: {  	[spmem:s2] =	stream.indirect.scatter.add.f32 [tilespmem:s19], [sflag:$0x3], $0x10, s0, s8, $0xb8;
	[tilespmem:$0x11E20] =	vst v63  }
0xc1: {  	_ =	swait.ge [sflag:s10], $0x4000  }
0xc2: {  	[sflag:s10] =	ssyncset.done $0x0  }
0xc3: {  	s28 =	simm.s32 $0x1400;
	[sflag:s10] =	ssyncadd.s32 $0xFFFFC000  }
0xc4: {  	[tilespmem:s13], [sflag:$0x2] =	stream.indirect.gather [spmem:s3], $0x10, s28, s8, $0xb8;
	[tilespmem:$0x11E20] =	vst v63  }
0xc5: {  	_ =	swait.ge [sflag:s16], $0x4000  }
0xc6: {  	[sflag:s16] =	ssyncset.done $0x0  }
0xc7: {  	s1 =	simm.s32 $0x3B10;
	[sflag:s16] =	ssyncadd.s32 $0xFFFFC000  }
0xc8: {  	[spmem:s2] =	stream.indirect.scatter.add.f32 [tilespmem:s13], [sflag:$0x4], $0x10, s1, s8, $0xb8;
	[tilespmem:$0x11E20] =	vst v63  }
0xc9: {  	_ =	swait.ge [sflag:s12], $0x4000  }
0xca: {  	[sflag:s12] =	ssyncset.done $0x0  }
0xcb: {  	s26 =	simm.s32 $0x1800;
	[sflag:s12] =	ssyncadd.s32 $0xFFFFC000  }
0xcc: {  	[tilespmem:s19], [sflag:$0x1] =	stream.indirect.gather [spmem:s3], $0x10, s26, s8, $0xb8;
	[tilespmem:$0x11E20] =	vst v63  }
0xcd: {  	_ =	swait.ge [sflag:s21], $0x4000  }
0xce: {  	[sflag:s21] =	ssyncset.done $0x0  }
0xcf: {  	s5 =	simm.s32 $0x3F10;
	[sflag:s21] =	ssyncadd.s32 $0xFFFFC000  }
0xd0: {  	[spmem:s2] =	stream.indirect.scatter.add.f32 [tilespmem:s19], [sflag:$0x3], $0x10, s5, s8, $0xb8;
	[tilespmem:$0x11E20] =	vst v63  }
0xd1: {  	_ =	swait.ge [sflag:s10], $0x4000  }
0xd2: {  	[sflag:s10] =	ssyncset.done $0x0  }
0xd3: {  	s6 =	simm.s32 $0x1C00;
	[sflag:s10] =	ssyncadd.s32 $0xFFFFC000  }
0xd4: {  	[tilespmem:s13], [sflag:$0x2] =	stream.indirect.gather [spmem:s3], $0x10, s6, s8, $0xb8;
	[tilespmem:$0x11E20] =	vst v63  }
0xd5: {  	s6 =	rddreg [dreg:$0x1f];
	_ =	swait.ge [sflag:s16], $0x4000  }
0xd6: {  	[sflag:s16] =	ssyncset.done $0x0  }
0xd7: {  	[sflag:s16] =	ssyncadd.s32 $0xFFFFC000  }
0xd8: {  	[spmem:s2] =	stream.indirect.scatter.add.f32 [tilespmem:s13], [sflag:$0x4], $0x10, s24, s8, $0xb8;
	[tilespmem:$0x11E20] =	vst v63  }
0xd9: {  	_ =	swait.ge [sflag:s12], $0x4000  }
0xda: {  	[sflag:s12] =	ssyncset.done $0x0  }
0xdb: {  	[sflag:s12] =	ssyncadd.s32 $0xFFFFC000  }
0xdc: {  	[tilespmem:s19], [sflag:$0x1] =	stream.indirect.gather [spmem:s3], $0x10, s31, s8, $0xb8;
	[tilespmem:$0x11E20] =	vst v63  }
0xdd: {  	_ =	swait.ge [sflag:s21], $0x4000  }
0xde: {  	[sflag:s21] =	ssyncset.done $0x0  }
0xdf: {  	s18 =	simm.s32 $0x4710;
	[sflag:s21] =	ssyncadd.s32 $0xFFFFC000  }
0xe0: {  	[spmem:s2] =	stream.indirect.scatter.add.f32 [tilespmem:s19], [sflag:$0x3], $0x10, s18, s8, $0xb8;
	[tilespmem:$0x11E20] =	vst v63  }
0xe1: {  	_ =	swait.ge [sflag:s10], $0x4000  }
0xe2: {  	[sflag:s10] =	ssyncset.done $0x0  }
0xe3: {  	[sflag:s10] =	ssyncadd.s32 $0xFFFFC000  }
0xe4: {  	[tilespmem:s13], [sflag:$0x2] =	stream.indirect.gather [spmem:s3], $0x10, s30, s23, $0xb8;
	[tilespmem:$0x11E20] =	vst v63  }
0xe5: {  	_ =	swait.ge [sflag:s16], $0x3100  }
0xe6: {  	[sflag:s16] =	ssyncset.done $0x0  }
0xe7: {  	[sflag:s16] =	ssyncadd.s32 $0xFFFFCF00  }
0xe8: {  	[spmem:s2] =	stream.indirect.scatter.add.f32 [tilespmem:s13], [sflag:$0x4], $0x10, s25, s23, $0xb8;
	[tilespmem:$0x11E20] =	vst v63  }
0xe9: {  	_ =	swait.ge [sflag:s12], $0x4000  }
0xea: {  	[sflag:s12] =	ssyncset.done $0x0  }
0xeb: {  	[sflag:s12] =	ssyncadd.s32 $0xFFFFC000  }
0xec: {  	_ =	swait.ge [sflag:s10], $0x3100  }
0xed: {  	p1 =	sne.s32 s20, $0x1;
	[sflag:s10] =	ssyncset.done $0x0  }
.Ltmp1:
0xee: {  	[sflag:s10] =	ssyncadd.s32 $0xFFFFCF00;
	(pc) =	sbr.rel @!p1 .LBB2_6-.Ltmp1, $4  }
0xef: {  	[bflag:$0x0] =	sbarrier.arrive $0xFFFF  }
0xf0: {  	s5 =	simm.s32 $0x6;
	s31 =	rddreg [dreg:$0x1b]  }
0xf1: {  	[hbm:s31], [sflag:s4] =	dma.local [spmem:s6], $0x500  }
0xf2: {  	p0 =	por $0x1, $0x1;
	s15 =	sadd.s32 $0xFFFFFFFF, s20;
	_ =	swait.ge [sflag:s5], $0x500  }
0xf3: {  	s28 =	simm.s32 $0x2710;
	s26 =	simm.s32 $0x2B10;
	s25 =	simm.s32 $0x800  }
0xf4: {  	s14 =	simm.s32 $0xC00;
	s9 =	simm.s32 $0x3310;
	s31 =	simm.s32 $0x1000  }
0xf5: {  	s0 =	simm.s32 $0x3710;
	s29 =	simm.s32 $0x1400;
	s1 =	simm.s32 $0x3B10  }
0xf6: {  	s30 =	simm.s32 $0x1800;
	s24 =	simm.s32 $0x4310;
	s22 =	simm.s32 $0x2000  }
.LBB2_3:
0xf7: {  	[sflag:s5] =	ssyncset.done $0x0  }
0xf8: {  	s17 =	rddreg [dreg:$0x5];
	[sflag:s5] =	ssyncadd.s32 $0xFFFFFB00  }
0xf9: {  	[spmem:s6], [sflag:s4] =	dma.local [hbm:s17], $0x500  }
0xfa: {  	_ =	swait.ge [sflag:s5], $0x500  }
0xfb: {  	s4 =	rddreg [dreg:$0x6]  }
0xfc: {  	[sflag:s5] =	ssyncset.done $0x0;
	s18 =	rddreg [dreg:$0x1c]  }
0xfd: {  	s20 =	rddreg [dreg:$0x1d];
	[sflag:s5] =	ssyncadd.s32 $0xFFFFFB00  }
0xfe: {  	[spmem:s18], [sflag:s20] =	dma.local [hbm:s4], $0x500  }
0xff: {  	s17 =	rddreg [dreg:$0x7]  }
0x100: {  	[tilespmem:s7], [sflag:$0x5] =	stream.linear.gather [hbm4b:s17+s7], $0x400, $0x38;
	[tilespmem:$0x11E20] =	vst v63  }
0x101: {  	s18 =	rddreg [dreg:$0x8]  }
0x102: {  	[tilespmem:s28], [sflag:$0x5] =	stream.linear.gather [hbm4b:s18+s7], $0x400, $0x38;
	[tilespmem:$0x11E20] =	vst v63  }
0x103: {  	s20 =	rddreg [dreg:$0x9]  }
0x104: {  	[tilespmem:s8], [sflag:$0x5] =	stream.linear.gather [hbm4b:s20+s7], $0x400, $0x38;
	[tilespmem:$0x11E20] =	vst v63  }
0x105: {  	s5 =	rddreg [dreg:$0xa]  }
0x106: {  	[tilespmem:s26], [sflag:$0x5] =	stream.linear.gather [hbm4b:s5+s7], $0x400, $0x38;
	[tilespmem:$0x11E20] =	vst v63  }
0x107: {  	s6 =	rddreg [dreg:$0xb]  }
0x108: {  	[tilespmem:s25], [sflag:$0x5] =	stream.linear.gather [hbm4b:s6+s7], $0x400, $0x38;
	[tilespmem:$0x11E20] =	vst v63  }
0x109: {  	s4 =	simm.s32 $0x2F10;
	s23 =	rddreg [dreg:$0xc]  }
0x10a: {  	[tilespmem:s4], [sflag:$0x5] =	stream.linear.gather [hbm4b:s23+s7], $0x400, $0x38;
	[tilespmem:$0x11E20] =	vst v63  }
0x10b: {  	s5 =	rddreg [dreg:$0xd]  }
0x10c: {  	[tilespmem:s14], [sflag:$0x5] =	stream.linear.gather [hbm4b:s5+s7], $0x400, $0x38;
	[tilespmem:$0x11E20] =	vst v63  }
0x10d: {  	s6 =	rddreg [dreg:$0xe]  }
0x10e: {  	[tilespmem:s9], [sflag:$0x5] =	stream.linear.gather [hbm4b:s6+s7], $0x400, $0x38;
	[tilespmem:$0x11E20] =	vst v63  }
0x10f: {  	s23 =	rddreg [dreg:$0xf]  }
0x110: {  	[tilespmem:s31], [sflag:$0x5] =	stream.linear.gather [hbm4b:s23+s7], $0x400, $0x38;
	[tilespmem:$0x11E20] =	vst v63  }
0x111: {  	s5 =	rddreg [dreg:$0x10]  }
0x112: {  	[tilespmem:s0], [sflag:$0x5] =	stream.linear.gather [hbm4b:s5+s7], $0x400, $0x38;
	[tilespmem:$0x11E20] =	vst v63  }
0x113: {  	s6 =	rddreg [dreg:$0x11]  }
0x114: {  	[tilespmem:s29], [sflag:$0x5] =	stream.linear.gather [hbm4b:s6+s7], $0x400, $0x38;
	[tilespmem:$0x11E20] =	vst v63  }
0x115: {  	s23 =	rddreg [dreg:$0x12]  }
0x116: {  	[tilespmem:s1], [sflag:$0x5] =	stream.linear.gather [hbm4b:s23+s7], $0x400, $0x38;
	[tilespmem:$0x11E20] =	vst v63  }
0x117: {  	s5 =	rddreg [dreg:$0x13]  }
0x118: {  	[tilespmem:s30], [sflag:$0x5] =	stream.linear.gather [hbm4b:s5+s7], $0x400, $0x38;
	[tilespmem:$0x11E20] =	vst v63  }
0x119: {  	s6 =	rddreg [dreg:$0x14];
	s5 =	simm.s32 $0x3F10  }
0x11a: {  	[tilespmem:s5], [sflag:$0x5] =	stream.linear.gather [hbm4b:s6+s7], $0x400, $0x38;
	[tilespmem:$0x11E20] =	vst v63  }
0x11b: {  	s20 =	rddreg [dreg:$0x15];
	s6 =	simm.s32 $0x1C00  }
0x11c: {  	[tilespmem:s6], [sflag:$0x5] =	stream.linear.gather [hbm4b:s20+s7], $0x400, $0x38;
	[tilespmem:$0x11E20] =	vst v63  }
0x11d: {  	s23 =	rddreg [dreg:$0x16]  }
0x11e: {  	[tilespmem:s24], [sflag:$0x5] =	stream.linear.gather [hbm4b:s23+s7], $0x400, $0x38;
	[tilespmem:$0x11E20] =	vst v63  }
0x11f: {  	s18 =	rddreg [dreg:$0x17]  }
0x120: {  	[tilespmem:s22], [sflag:$0x5] =	stream.linear.gather [hbm4b:s18+s7], $0x400, $0x38;
	[tilespmem:$0x11E20] =	vst v63  }
0x121: {  	s20 =	rddreg [dreg:$0x18];
	s23 =	simm.s32 $0x4710  }
0x122: {  	[tilespmem:s23], [sflag:$0x5] =	stream.linear.gather [hbm4b:s20+s7], $0x400, $0x38;
	[tilespmem:$0x11E20] =	vst v63  }
0x123: {  	s17 =	rddreg [dreg:$0x19];
	s20 =	simm.s32 $0x2400  }
0x124: {  	[tilespmem:s20], [sflag:$0x5] =	stream.linear.gather [hbm4b:s17+s7], $0x310, $0x38;
	[tilespmem:$0x11E20] =	vst v63  }
0x125: {  	s18 =	rddreg [dreg:$0x1a];
	s17 =	simm.s32 $0x4B10  }
0x126: {  	[tilespmem:s17], [sflag:$0x5] =	stream.linear.gather [hbm4b:s18+s7], $0x310, $0x38;
	[tilespmem:$0x11E20] =	vst v63  }
0x127: {  	_ =	swait.ge [sflag:s11], $0x400  }
0x128: {  	[sflag:s11] =	ssyncset.done $0x0  }
0x129: {  	[sflag:s11] =	ssyncadd.s32 $0xFFFFFC00  }
0x12a: {  	_ =	swait.ge [sflag:s11], $0x400  }
0x12b: {  	[sflag:s11] =	ssyncset.done $0x0  }
0x12c: {  	[sflag:s11] =	ssyncadd.s32 $0xFFFFFC00  }
0x12d: {  	_ =	swait.ge [sflag:s11], $0x400  }
0x12e: {  	[sflag:s11] =	ssyncset.done $0x0  }
0x12f: {  	[sflag:s11] =	ssyncadd.s32 $0xFFFFFC00  }
0x130: {  	_ =	swait.ge [sflag:s11], $0x400  }
0x131: {  	[sflag:s11] =	ssyncset.done $0x0  }
0x132: {  	[sflag:s11] =	ssyncadd.s32 $0xFFFFFC00  }
0x133: {  	_ =	swait.ge [sflag:s11], $0x400  }
0x134: {  	[sflag:s11] =	ssyncset.done $0x0  }
0x135: {  	[sflag:s11] =	ssyncadd.s32 $0xFFFFFC00  }
0x136: {  	_ =	swait.ge [sflag:s11], $0x400  }
0x137: {  	[sflag:s11] =	ssyncset.done $0x0  }
0x138: {  	[sflag:s11] =	ssyncadd.s32 $0xFFFFFC00  }
0x139: {  	_ =	swait.ge [sflag:s11], $0x400  }
0x13a: {  	[sflag:s11] =	ssyncset.done $0x0  }
0x13b: {  	[sflag:s11] =	ssyncadd.s32 $0xFFFFFC00  }
0x13c: {  	_ =	swait.ge [sflag:s11], $0x400  }
0x13d: {  	[sflag:s11] =	ssyncset.done $0x0  }
0x13e: {  	[sflag:s11] =	ssyncadd.s32 $0xFFFFFC00  }
0x13f: {  	_ =	swait.ge [sflag:s11], $0x400  }
0x140: {  	[sflag:s11] =	ssyncset.done $0x0  }
0x141: {  	[sflag:s11] =	ssyncadd.s32 $0xFFFFFC00  }
0x142: {  	_ =	swait.ge [sflag:s11], $0x400  }
0x143: {  	[sflag:s11] =	ssyncset.done $0x0  }
0x144: {  	[sflag:s11] =	ssyncadd.s32 $0xFFFFFC00  }
0x145: {  	_ =	swait.ge [sflag:s11], $0x400  }
0x146: {  	[sflag:s11] =	ssyncset.done $0x0  }
0x147: {  	[sflag:s11] =	ssyncadd.s32 $0xFFFFFC00  }
0x148: {  	_ =	swait.ge [sflag:s11], $0x400  }
0x149: {  	[sflag:s11] =	ssyncset.done $0x0  }
0x14a: {  	[sflag:s11] =	ssyncadd.s32 $0xFFFFFC00  }
0x14b: {  	_ =	swait.ge [sflag:s11], $0x400  }
0x14c: {  	[sflag:s11] =	ssyncset.done $0x0  }
0x14d: {  	[sflag:s11] =	ssyncadd.s32 $0xFFFFFC00  }
0x14e: {  	_ =	swait.ge [sflag:s11], $0x400  }
0x14f: {  	[sflag:s11] =	ssyncset.done $0x0  }
0x150: {  	[sflag:s11] =	ssyncadd.s32 $0xFFFFFC00  }
0x151: {  	_ =	swait.ge [sflag:s11], $0x400  }
0x152: {  	[sflag:s11] =	ssyncset.done $0x0  }
0x153: {  	[sflag:s11] =	ssyncadd.s32 $0xFFFFFC00  }
0x154: {  	_ =	swait.ge [sflag:s11], $0x400  }
0x155: {  	[sflag:s11] =	ssyncset.done $0x0  }
0x156: {  	[sflag:s11] =	ssyncadd.s32 $0xFFFFFC00  }
0x157: {  	_ =	swait.ge [sflag:s11], $0x400  }
0x158: {  	[sflag:s11] =	ssyncset.done $0x0  }
0x159: {  	[sflag:s11] =	ssyncadd.s32 $0xFFFFFC00  }
0x15a: {  	_ =	swait.ge [sflag:s11], $0x400  }
0x15b: {  	[sflag:s11] =	ssyncset.done $0x0  }
0x15c: {  	[sflag:s11] =	ssyncadd.s32 $0xFFFFFC00  }
0x15d: {  	_ =	swait.ge [sflag:s11], $0x310  }
0x15e: {  	[sflag:s11] =	ssyncset.done $0x0  }
0x15f: {  	[sflag:s11] =	ssyncadd.s32 $0xFFFFFCF0  }
0x160: {  	_ =	swait.ge [sflag:s11], $0x310  }
0x161: {  	[sflag:s11] =	ssyncset.done $0x0  }
0x162: {  	[sflag:s11] =	ssyncadd.s32 $0xFFFFFCF0  }
0x163: {  	_ =	swait.ge [sflag:s11], $0x500  }
0x164: {  	[sflag:s11] =	ssyncset.done $0x0  }
0x165: {  	[sflag:s11] =	ssyncadd.s32 $0xFFFFFB00  }
0x166: {  	[bflag:$0x0] =	sbarrier.arrive $0xFFFF  }
0x167: {  	[tilespmem:s19], [sflag:$0x1] =	stream.indirect.gather [spmem:s3], $0x10, s7, s8, $0xb8;
	[tilespmem:$0x11E20] =	vst v63  }
0x168: {  	_ =	swait.ge [sflag:s21], $0x4000  }
0x169: {  	[sflag:s21] =	ssyncset.done $0x0  }
0x16a: {  	[sflag:s21] =	ssyncadd.s32 $0xFFFFC000  }
0x16b: {  	[spmem:s2] =	stream.indirect.scatter.add.f32 [tilespmem:s19], [sflag:$0x3], $0x10, s28, s8, $0xb8;
	[tilespmem:$0x11E20] =	vst v63  }
0x16c: {  	_ = 	snop  }
0x16d: {  	[tilespmem:s13], [sflag:$0x2] =	stream.indirect.gather [spmem:s3], $0x10, s8, s8, $0xb8;
	[tilespmem:$0x11E20] =	vst v63  }
0x16e: {  	_ =	swait.ge [sflag:s16], $0x4000  }
0x16f: {  	[sflag:s16] =	ssyncset.done $0x0  }
0x170: {  	[sflag:s16] =	ssyncadd.s32 $0xFFFFC000  }
0x171: {  	[spmem:s2] =	stream.indirect.scatter.add.f32 [tilespmem:s13], [sflag:$0x4], $0x10, s26, s8, $0xb8;
	[tilespmem:$0x11E20] =	vst v63  }
0x172: {  	_ =	swait.ge [sflag:s12], $0x4000  }
0x173: {  	[sflag:s12] =	ssyncset.done $0x0  }
0x174: {  	[sflag:s12] =	ssyncadd.s32 $0xFFFFC000  }
0x175: {  	[tilespmem:s19], [sflag:$0x1] =	stream.indirect.gather [spmem:s3], $0x10, s25, s8, $0xb8;
	[tilespmem:$0x11E20] =	vst v63  }
0x176: {  	_ =	swait.ge [sflag:s21], $0x4000  }
0x177: {  	[sflag:s21] =	ssyncset.done $0x0  }
0x178: {  	[sflag:s21] =	ssyncadd.s32 $0xFFFFC000  }
0x179: {  	[spmem:s2] =	stream.indirect.scatter.add.f32 [tilespmem:s19], [sflag:$0x3], $0x10, s4, s8, $0xb8;
	[tilespmem:$0x11E20] =	vst v63  }
0x17a: {  	s4 =	rddreg [dreg:$0x1e];
	_ =	swait.ge [sflag:s10], $0x4000  }
0x17b: {  	[sflag:s10] =	ssyncset.done $0x0  }
0x17c: {  	[sflag:s10] =	ssyncadd.s32 $0xFFFFC000  }
0x17d: {  	[tilespmem:s13], [sflag:$0x2] =	stream.indirect.gather [spmem:s3], $0x10, s14, s8, $0xb8;
	[tilespmem:$0x11E20] =	vst v63  }
0x17e: {  	_ =	swait.ge [sflag:s16], $0x4000  }
0x17f: {  	[sflag:s16] =	ssyncset.done $0x0  }
0x180: {  	[sflag:s16] =	ssyncadd.s32 $0xFFFFC000  }
0x181: {  	[spmem:s2] =	stream.indirect.scatter.add.f32 [tilespmem:s13], [sflag:$0x4], $0x10, s9, s8, $0xb8;
	[tilespmem:$0x11E20] =	vst v63  }
0x182: {  	_ =	swait.ge [sflag:s12], $0x4000  }
0x183: {  	[sflag:s12] =	ssyncset.done $0x0  }
0x184: {  	[sflag:s12] =	ssyncadd.s32 $0xFFFFC000  }
0x185: {  	[tilespmem:s19], [sflag:$0x1] =	stream.indirect.gather [spmem:s3], $0x10, s31, s8, $0xb8;
	[tilespmem:$0x11E20] =	vst v63  }
0x186: {  	_ =	swait.ge [sflag:s21], $0x4000  }
0x187: {  	[sflag:s21] =	ssyncset.done $0x0  }
0x188: {  	[sflag:s21] =	ssyncadd.s32 $0xFFFFC000  }
0x189: {  	[spmem:s2] =	stream.indirect.scatter.add.f32 [tilespmem:s19], [sflag:$0x3], $0x10, s0, s8, $0xb8;
	[tilespmem:$0x11E20] =	vst v63  }
0x18a: {  	_ =	swait.ge [sflag:s10], $0x4000  }
0x18b: {  	[sflag:s10] =	ssyncset.done $0x0  }
0x18c: {  	[sflag:s10] =	ssyncadd.s32 $0xFFFFC000  }
0x18d: {  	[tilespmem:s13], [sflag:$0x2] =	stream.indirect.gather [spmem:s3], $0x10, s29, s8, $0xb8;
	[tilespmem:$0x11E20] =	vst v63  }
0x18e: {  	_ =	swait.ge [sflag:s16], $0x4000  }
0x18f: {  	[sflag:s16] =	ssyncset.done $0x0  }
0x190: {  	[sflag:s16] =	ssyncadd.s32 $0xFFFFC000  }
0x191: {  	[spmem:s2] =	stream.indirect.scatter.add.f32 [tilespmem:s13], [sflag:$0x4], $0x10, s1, s8, $0xb8;
	[tilespmem:$0x11E20] =	vst v63  }
0x192: {  	_ =	swait.ge [sflag:s12], $0x4000  }
0x193: {  	[sflag:s12] =	ssyncset.done $0x0  }
0x194: {  	[sflag:s12] =	ssyncadd.s32 $0xFFFFC000  }
0x195: {  	[tilespmem:s19], [sflag:$0x1] =	stream.indirect.gather [spmem:s3], $0x10, s30, s8, $0xb8;
	[tilespmem:$0x11E20] =	vst v63  }
0x196: {  	_ =	swait.ge [sflag:s21], $0x4000  }
0x197: {  	[sflag:s21] =	ssyncset.done $0x0  }
0x198: {  	[sflag:s21] =	ssyncadd.s32 $0xFFFFC000  }
0x199: {  	[spmem:s2] =	stream.indirect.scatter.add.f32 [tilespmem:s19], [sflag:$0x3], $0x10, s5, s8, $0xb8;
	[tilespmem:$0x11E20] =	vst v63  }
0x19a: {  	_ =	swait.ge [sflag:s10], $0x4000  }
0x19b: {  	[sflag:s10] =	ssyncset.done $0x0  }
0x19c: {  	[sflag:s10] =	ssyncadd.s32 $0xFFFFC000  }
0x19d: {  	[tilespmem:s13], [sflag:$0x2] =	stream.indirect.gather [spmem:s3], $0x10, s6, s8, $0xb8;
	[tilespmem:$0x11E20] =	vst v63  }
0x19e: {  	s6 =	rddreg [dreg:$0x1f];
	_ =	swait.ge [sflag:s16], $0x4000  }
0x19f: {  	[sflag:s16] =	ssyncset.done $0x0  }
0x1a0: {  	[sflag:s16] =	ssyncadd.s32 $0xFFFFC000  }
0x1a1: {  	[spmem:s2] =	stream.indirect.scatter.add.f32 [tilespmem:s13], [sflag:$0x4], $0x10, s24, s8, $0xb8;
	[tilespmem:$0x11E20] =	vst v63  }
0x1a2: {  	_ =	swait.ge [sflag:s12], $0x4000  }
0x1a3: {  	[sflag:s12] =	ssyncset.done $0x0  }
0x1a4: {  	[sflag:s12] =	ssyncadd.s32 $0xFFFFC000  }
0x1a5: {  	[tilespmem:s19], [sflag:$0x1] =	stream.indirect.gather [spmem:s3], $0x10, s22, s8, $0xb8;
	[tilespmem:$0x11E20] =	vst v63  }
0x1a6: {  	_ =	swait.ge [sflag:s21], $0x4000  }
0x1a7: {  	[sflag:s21] =	ssyncset.done $0x0  }
0x1a8: {  	s18 =	simm.s32 $0x4710;
	[sflag:s21] =	ssyncadd.s32 $0xFFFFC000  }
0x1a9: {  	[spmem:s2] =	stream.indirect.scatter.add.f32 [tilespmem:s19], [sflag:$0x3], $0x10, s18, s8, $0xb8;
	[tilespmem:$0x11E20] =	vst v63  }
0x1aa: {  	_ =	swait.ge [sflag:s10], $0x4000  }
0x1ab: {  	[sflag:s10] =	ssyncset.done $0x0  }
0x1ac: {  	s23 =	simm.s32 $0x310;
	[sflag:s10] =	ssyncadd.s32 $0xFFFFC000  }
0x1ad: {  	[tilespmem:s13], [sflag:$0x2] =	stream.indirect.gather [spmem:s3], $0x10, s20, s23, $0xb8;
	[tilespmem:$0x11E20] =	vst v63  }
0x1ae: {  	_ =	swait.ge [sflag:s16], $0x3100  }
0x1af: {  	[sflag:s16] =	ssyncset.done $0x0  }
0x1b0: {  	[sflag:s16] =	ssyncadd.s32 $0xFFFFCF00  }
0x1b1: {  	[spmem:s2] =	stream.indirect.scatter.add.f32 [tilespmem:s13], [sflag:$0x4], $0x10, s17, s23, $0xb8;
	[tilespmem:$0x11E20] =	vst v63  }
0x1b2: {  	_ =	swait.ge [sflag:s12], $0x4000  }
0x1b3: {  	[sflag:s12] =	ssyncset.done $0x0  }
0x1b4: {  	[sflag:s12] =	ssyncadd.s32 $0xFFFFC000  }
0x1b5: {  	_ =	swait.ge [sflag:s10], $0x3100  }
0x1b6: {  	p1 =	sne.s32 s15, $0x1;
	[sflag:s10] =	ssyncset.done $0x0  }
.Ltmp2:
0x1b7: {  	[sflag:s10] =	ssyncadd.s32 $0xFFFFCF00;
	(pc) =	sbr.rel @p1 .LBB2_3-.Ltmp2, $4  }
0x1b8: {  	[bflag:$0x0] =	sbarrier.arrive $0xFFFF  }
0x1b9: {  	s5 =	simm.s32 $0x6;
	s20 =	rddreg [dreg:$0x1b]  }
0x1ba: {  	[hbm:s20], [sflag:s4] =	dma.local [spmem:s6], $0x500  }
0x1bb: {  	s15 =	sadd.s32 $0xFFFFFFFF, s15;
	_ =	swait.ge [sflag:s5], $0x500  }
0x1bc: {  	s18 =	stileid.u32;
	s20 =	rddreg [dreg:$0x4]  }
0x1bd: {  	s24 =	simm.s32 $0x1C00;
	s25 =	simm.s32 $0x3F10;
	s26 =	simm.s32 $0x1800  }
0x1be: {  	s28 =	simm.s32 $0x3B10;
	s29 =	simm.s32 $0x1400;
	s30 =	simm.s32 $0x3710  }
0x1bf: {  	s1 =	simm.s32 $0x1000;
	s0 =	simm.s32 $0x3310;
	s9 =	simm.s32 $0xC00  }
0x1c0: {  	s31 =	simm.s32 $0x2F10;
	s22 =	simm.s32 $0x2B10;
	s17 =	sld [smem:$0x7FB]  }
.LBB2_5:
0x1c1: {  	[sflag:s5] =	ssyncset.done @p0 $0x0  }
0x1c2: {  	s14 =	rddreg [dreg:$0x5];
	[sflag:s5] =	ssyncadd.s32 @p0 $0xFFFFFB00  }
0x1c3: {  	[spmem:s6], [sflag:s4] =	dma.local [hbm:s14], $0x500  }
0x1c4: {  	_ =	swait.ge [sflag:s5], $0x500  }
0x1c5: {  	s14 =	rddreg [dreg:$0x6];
	[sflag:s5] =	ssyncset.done $0x0  }
0x1c6: {  	s17 =	sor.u32 $0x1C05, s17;
	s15 =	rddreg [dreg:$0x1c];
	[sflag:s5] =	ssyncadd.s32 $0xFFFFFB00  }
0x1c7: {  	[spmem:s15], [sflag:s17] =	dma.local [hbm:s14], $0x500  }
0x1c8: {  	s14 =	rddreg [dreg:$0x7]  }
0x1c9: {  	[tilespmem:s7], [sflag:$0x5] =	stream.linear.gather [hbm4b:s14+s7], $0x400, $0x38;
	[tilespmem:$0x11E20] =	vst v63  }
0x1ca: {  	s17 =	simm.s32 $0x2710;
	s15 =	rddreg [dreg:$0x8]  }
0x1cb: {  	[tilespmem:s17], [sflag:$0x5] =	stream.linear.gather [hbm4b:s15+s7], $0x400, $0x38;
	[tilespmem:$0x11E20] =	vst v63  }
0x1cc: {  	s14 =	rddreg [dreg:$0x9]  }
0x1cd: {  	[tilespmem:s8], [sflag:$0x5] =	stream.linear.gather [hbm4b:s14+s7], $0x400, $0x38;
	[tilespmem:$0x11E20] =	vst v63  }
0x1ce: {  	s15 =	rddreg [dreg:$0xa]  }
0x1cf: {  	[tilespmem:s22], [sflag:$0x5] =	stream.linear.gather [hbm4b:s15+s7], $0x400, $0x38;
	[tilespmem:$0x11E20] =	vst v63  }
0x1d0: {  	s14 =	rddreg [dreg:$0xb];
	s22 =	simm.s32 $0x800  }
0x1d1: {  	[tilespmem:s22], [sflag:$0x5] =	stream.linear.gather [hbm4b:s14+s7], $0x400, $0x38;
	[tilespmem:$0x11E20] =	vst v63  }
0x1d2: {  	s15 =	rddreg [dreg:$0xc]  }
0x1d3: {  	[tilespmem:s31], [sflag:$0x5] =	stream.linear.gather [hbm4b:s15+s7], $0x400, $0x38;
	[tilespmem:$0x11E20] =	vst v63  }
0x1d4: {  	s14 =	rddreg [dreg:$0xd]  }
0x1d5: {  	[tilespmem:s9], [sflag:$0x5] =	stream.linear.gather [hbm4b:s14+s7], $0x400, $0x38;
	[tilespmem:$0x11E20] =	vst v63  }
0x1d6: {  	s15 =	rddreg [dreg:$0xe]  }
0x1d7: {  	[tilespmem:s0], [sflag:$0x5] =	stream.linear.gather [hbm4b:s15+s7], $0x400, $0x38;
	[tilespmem:$0x11E20] =	vst v63  }
0x1d8: {  	s31 =	rddreg [dreg:$0xf]  }
0x1d9: {  	[tilespmem:s1], [sflag:$0x5] =	stream.linear.gather [hbm4b:s31+s7], $0x400, $0x38;
	[tilespmem:$0x11E20] =	vst v63  }
0x1da: {  	s0 =	rddreg [dreg:$0x10]  }
0x1db: {  	[tilespmem:s30], [sflag:$0x5] =	stream.linear.gather [hbm4b:s0+s7], $0x400, $0x38;
	[tilespmem:$0x11E20] =	vst v63  }
0x1dc: {  	s9 =	rddreg [dreg:$0x11]  }
0x1dd: {  	[tilespmem:s29], [sflag:$0x5] =	stream.linear.gather [hbm4b:s9+s7], $0x400, $0x38;
	[tilespmem:$0x11E20] =	vst v63  }
0x1de: {  	s30 =	rddreg [dreg:$0x12]  }
0x1df: {  	[tilespmem:s28], [sflag:$0x5] =	stream.linear.gather [hbm4b:s30+s7], $0x400, $0x38;
	[tilespmem:$0x11E20] =	vst v63  }
0x1e0: {  	s31 =	rddreg [dreg:$0x13]  }
0x1e1: {  	[tilespmem:s26], [sflag:$0x5] =	stream.linear.gather [hbm4b:s31+s7], $0x400, $0x38;
	[tilespmem:$0x11E20] =	vst v63  }
0x1e2: {  	s0 =	rddreg [dreg:$0x14]  }
0x1e3: {  	[tilespmem:s25], [sflag:$0x5] =	stream.linear.gather [hbm4b:s0+s7], $0x400, $0x38;
	[tilespmem:$0x11E20] =	vst v63  }
0x1e4: {  	s1 =	rddreg [dreg:$0x15]  }
0x1e5: {  	[tilespmem:s24], [sflag:$0x5] =	stream.linear.gather [hbm4b:s1+s7], $0x400, $0x38;
	[tilespmem:$0x11E20] =	vst v63  }
0x1e6: {  	s9 =	rddreg [dreg:$0x16];
	s24 =	simm.s32 $0x4310  }
0x1e7: {  	[tilespmem:s24], [sflag:$0x5] =	stream.linear.gather [hbm4b:s9+s7], $0x400, $0x38;
	[tilespmem:$0x11E20] =	vst v63  }
0x1e8: {  	s14 =	rddreg [dreg:$0x17];
	s1 =	simm.s32 $0x2000  }
0x1e9: {  	[tilespmem:s1], [sflag:$0x5] =	stream.linear.gather [hbm4b:s14+s7], $0x400, $0x38;
	[tilespmem:$0x11E20] =	vst v63  }
0x1ea: {  	s15 =	rddreg [dreg:$0x18];
	s9 =	simm.s32 $0x4710  }
0x1eb: {  	[tilespmem:s9], [sflag:$0x5] =	stream.linear.gather [hbm4b:s15+s7], $0x400, $0x38;
	[tilespmem:$0x11E20] =	vst v63  }
0x1ec: {  	s14 =	rddreg [dreg:$0x19];
	s9 =	simm.s32 $0x2400  }
0x1ed: {  	[tilespmem:s9], [sflag:$0x5] =	stream.linear.gather [hbm4b:s14+s7], $0x310, $0x38;
	[tilespmem:$0x11E20] =	vst v63  }
0x1ee: {  	s15 =	rddreg [dreg:$0x1a];
	s14 =	simm.s32 $0x4B10  }
0x1ef: {  	[tilespmem:s14], [sflag:$0x5] =	stream.linear.gather [hbm4b:s15+s7], $0x310, $0x38;
	[tilespmem:$0x11E20] =	vst v63  }
0x1f0: {  	_ =	swait.ge [sflag:s11], $0x400  }
0x1f1: {  	[sflag:s11] =	ssyncset.done $0x0  }
0x1f2: {  	[sflag:s11] =	ssyncadd.s32 $0xFFFFFC00  }
0x1f3: {  	_ =	swait.ge [sflag:s11], $0x400  }
0x1f4: {  	[sflag:s11] =	ssyncset.done $0x0  }
0x1f5: {  	[sflag:s11] =	ssyncadd.s32 $0xFFFFFC00  }
0x1f6: {  	_ =	swait.ge [sflag:s11], $0x400  }
0x1f7: {  	[sflag:s11] =	ssyncset.done $0x0  }
0x1f8: {  	[sflag:s11] =	ssyncadd.s32 $0xFFFFFC00  }
0x1f9: {  	_ =	swait.ge [sflag:s11], $0x400  }
0x1fa: {  	[sflag:s11] =	ssyncset.done $0x0  }
0x1fb: {  	[sflag:s11] =	ssyncadd.s32 $0xFFFFFC00  }
0x1fc: {  	_ =	swait.ge [sflag:s11], $0x400  }
0x1fd: {  	[sflag:s11] =	ssyncset.done $0x0  }
0x1fe: {  	[sflag:s11] =	ssyncadd.s32 $0xFFFFFC00  }
0x1ff: {  	_ =	swait.ge [sflag:s11], $0x400  }
0x200: {  	[sflag:s11] =	ssyncset.done $0x0  }
0x201: {  	[sflag:s11] =	ssyncadd.s32 $0xFFFFFC00  }
0x202: {  	_ =	swait.ge [sflag:s11], $0x400  }
0x203: {  	[sflag:s11] =	ssyncset.done $0x0  }
0x204: {  	[sflag:s11] =	ssyncadd.s32 $0xFFFFFC00  }
0x205: {  	_ =	swait.ge [sflag:s11], $0x400  }
0x206: {  	[sflag:s11] =	ssyncset.done $0x0  }
0x207: {  	[sflag:s11] =	ssyncadd.s32 $0xFFFFFC00  }
0x208: {  	_ =	swait.ge [sflag:s11], $0x400  }
0x209: {  	[sflag:s11] =	ssyncset.done $0x0  }
0x20a: {  	[sflag:s11] =	ssyncadd.s32 $0xFFFFFC00  }
0x20b: {  	_ =	swait.ge [sflag:s11], $0x400  }
0x20c: {  	[sflag:s11] =	ssyncset.done $0x0  }
0x20d: {  	[sflag:s11] =	ssyncadd.s32 $0xFFFFFC00  }
0x20e: {  	_ =	swait.ge [sflag:s11], $0x400  }
0x20f: {  	[sflag:s11] =	ssyncset.done $0x0  }
0x210: {  	[sflag:s11] =	ssyncadd.s32 $0xFFFFFC00  }
0x211: {  	_ =	swait.ge [sflag:s11], $0x400  }
0x212: {  	[sflag:s11] =	ssyncset.done $0x0  }
0x213: {  	[sflag:s11] =	ssyncadd.s32 $0xFFFFFC00  }
0x214: {  	_ =	swait.ge [sflag:s11], $0x400  }
0x215: {  	[sflag:s11] =	ssyncset.done $0x0  }
0x216: {  	[sflag:s11] =	ssyncadd.s32 $0xFFFFFC00  }
0x217: {  	_ =	swait.ge [sflag:s11], $0x400  }
0x218: {  	[sflag:s11] =	ssyncset.done $0x0  }
0x219: {  	[sflag:s11] =	ssyncadd.s32 $0xFFFFFC00  }
0x21a: {  	_ =	swait.ge [sflag:s11], $0x400  }
0x21b: {  	[sflag:s11] =	ssyncset.done $0x0  }
0x21c: {  	[sflag:s11] =	ssyncadd.s32 $0xFFFFFC00  }
0x21d: {  	_ =	swait.ge [sflag:s11], $0x400  }
0x21e: {  	[sflag:s11] =	ssyncset.done $0x0  }
0x21f: {  	[sflag:s11] =	ssyncadd.s32 $0xFFFFFC00  }
0x220: {  	_ =	swait.ge [sflag:s11], $0x400  }
0x221: {  	[sflag:s11] =	ssyncset.done $0x0  }
0x222: {  	[sflag:s11] =	ssyncadd.s32 $0xFFFFFC00  }
0x223: {  	_ =	swait.ge [sflag:s11], $0x400  }
0x224: {  	[sflag:s11] =	ssyncset.done $0x0  }
0x225: {  	[sflag:s11] =	ssyncadd.s32 $0xFFFFFC00  }
0x226: {  	_ =	swait.ge [sflag:s11], $0x310  }
0x227: {  	[sflag:s11] =	ssyncset.done $0x0  }
0x228: {  	[sflag:s11] =	ssyncadd.s32 $0xFFFFFCF0  }
0x229: {  	_ =	swait.ge [sflag:s11], $0x310  }
0x22a: {  	[sflag:s11] =	ssyncset.done $0x0  }
0x22b: {  	[sflag:s11] =	ssyncadd.s32 $0xFFFFFCF0  }
0x22c: {  	_ =	swait.ge [sflag:s11], $0x500  }
0x22d: {  	[sflag:s11] =	ssyncset.done $0x0  }
0x22e: {  	[sflag:s11] =	ssyncadd.s32 $0xFFFFFB00  }
0x22f: {  	[bflag:$0x0] =	sbarrier.arrive $0xFFFF  }
0x230: {  	[tilespmem:s19], [sflag:$0x1] =	stream.indirect.gather [spmem:s3], $0x10, s7, s8, $0xb8;
	[tilespmem:$0x11E20] =	vst v63  }
0x231: {  	_ =	swait.ge [sflag:s21], $0x4000  }
0x232: {  	[sflag:s21] =	ssyncset.done $0x0  }
0x233: {  	[sflag:s21] =	ssyncadd.s32 $0xFFFFC000  }
0x234: {  	[spmem:s2] =	stream.indirect.scatter.add.f32 [tilespmem:s19], [sflag:$0x3], $0x10, s17, s8, $0xb8;
	[tilespmem:$0x11E20] =	vst v63  }
0x235: {  	_ = 	snop  }
0x236: {  	[tilespmem:s13], [sflag:$0x2] =	stream.indirect.gather [spmem:s3], $0x10, s8, s8, $0xb8;
	[tilespmem:$0x11E20] =	vst v63  }
0x237: {  	_ =	swait.ge [sflag:s16], $0x4000  }
0x238: {  	[sflag:s16] =	ssyncset.done $0x0  }
0x239: {  	s0 =	simm.s32 $0x2B10;
	[sflag:s16] =	ssyncadd.s32 $0xFFFFC000  }
0x23a: {  	[spmem:s2] =	stream.indirect.scatter.add.f32 [tilespmem:s13], [sflag:$0x4], $0x10, s0, s8, $0xb8;
	[tilespmem:$0x11E20] =	vst v63  }
0x23b: {  	_ =	swait.ge [sflag:s12], $0x4000  }
0x23c: {  	[sflag:s12] =	ssyncset.done $0x0  }
0x23d: {  	[sflag:s12] =	ssyncadd.s32 $0xFFFFC000  }
0x23e: {  	[tilespmem:s19], [sflag:$0x1] =	stream.indirect.gather [spmem:s3], $0x10, s22, s8, $0xb8;
	[tilespmem:$0x11E20] =	vst v63  }
0x23f: {  	_ =	swait.ge [sflag:s21], $0x4000  }
0x240: {  	[sflag:s21] =	ssyncset.done $0x0  }
0x241: {  	s25 =	simm.s32 $0x2F10;
	[sflag:s21] =	ssyncadd.s32 $0xFFFFC000  }
0x242: {  	[spmem:s2] =	stream.indirect.scatter.add.f32 [tilespmem:s19], [sflag:$0x3], $0x10, s25, s8, $0xb8;
	[tilespmem:$0x11E20] =	vst v63  }
0x243: {  	_ =	swait.ge [sflag:s10], $0x4000  }
0x244: {  	[sflag:s10] =	ssyncset.done $0x0  }
0x245: {  	s26 =	simm.s32 $0xC00;
	[sflag:s10] =	ssyncadd.s32 $0xFFFFC000  }
0x246: {  	[tilespmem:s13], [sflag:$0x2] =	stream.indirect.gather [spmem:s3], $0x10, s26, s8, $0xb8;
	[tilespmem:$0x11E20] =	vst v63  }
0x247: {  	_ =	swait.ge [sflag:s16], $0x4000  }
0x248: {  	[sflag:s16] =	ssyncset.done $0x0  }
0x249: {  	s28 =	simm.s32 $0x3310;
	[sflag:s16] =	ssyncadd.s32 $0xFFFFC000  }
0x24a: {  	[spmem:s2] =	stream.indirect.scatter.add.f32 [tilespmem:s13], [sflag:$0x4], $0x10, s28, s8, $0xb8;
	[tilespmem:$0x11E20] =	vst v63  }
0x24b: {  	_ =	swait.ge [sflag:s12], $0x4000  }
0x24c: {  	[sflag:s12] =	ssyncset.done $0x0  }
0x24d: {  	s29 =	simm.s32 $0x1000;
	[sflag:s12] =	ssyncadd.s32 $0xFFFFC000  }
0x24e: {  	[tilespmem:s19], [sflag:$0x1] =	stream.indirect.gather [spmem:s3], $0x10, s29, s8, $0xb8;
	[tilespmem:$0x11E20] =	vst v63  }
0x24f: {  	_ =	swait.ge [sflag:s21], $0x4000  }
0x250: {  	[sflag:s21] =	ssyncset.done $0x0  }
0x251: {  	s31 =	simm.s32 $0x3710;
	[sflag:s21] =	ssyncadd.s32 $0xFFFFC000  }
0x252: {  	[spmem:s2] =	stream.indirect.scatter.add.f32 [tilespmem:s19], [sflag:$0x3], $0x10, s31, s8, $0xb8;
	[tilespmem:$0x11E20] =	vst v63  }
0x253: {  	_ =	swait.ge [sflag:s10], $0x4000  }
0x254: {  	[sflag:s10] =	ssyncset.done $0x0  }
0x255: {  	s30 =	simm.s32 $0x1400;
	[sflag:s10] =	ssyncadd.s32 $0xFFFFC000  }
0x256: {  	[tilespmem:s13], [sflag:$0x2] =	stream.indirect.gather [spmem:s3], $0x10, s30, s8, $0xb8;
	[tilespmem:$0x11E20] =	vst v63  }
0x257: {  	_ =	swait.ge [sflag:s16], $0x4000  }
0x258: {  	[sflag:s16] =	ssyncset.done $0x0  }
0x259: {  	s25 =	simm.s32 $0x3B10;
	[sflag:s16] =	ssyncadd.s32 $0xFFFFC000  }
0x25a: {  	[spmem:s2] =	stream.indirect.scatter.add.f32 [tilespmem:s13], [sflag:$0x4], $0x10, s25, s8, $0xb8;
	[tilespmem:$0x11E20] =	vst v63  }
0x25b: {  	_ =	swait.ge [sflag:s12], $0x4000  }
0x25c: {  	[sflag:s12] =	ssyncset.done $0x0  }
0x25d: {  	s26 =	simm.s32 $0x1800;
	[sflag:s12] =	ssyncadd.s32 $0xFFFFC000  }
0x25e: {  	[tilespmem:s19], [sflag:$0x1] =	stream.indirect.gather [spmem:s3], $0x10, s26, s8, $0xb8;
	[tilespmem:$0x11E20] =	vst v63  }
0x25f: {  	_ =	swait.ge [sflag:s21], $0x4000  }
0x260: {  	[sflag:s21] =	ssyncset.done $0x0  }
0x261: {  	s28 =	simm.s32 $0x3F10;
	[sflag:s21] =	ssyncadd.s32 $0xFFFFC000  }
0x262: {  	[spmem:s2] =	stream.indirect.scatter.add.f32 [tilespmem:s19], [sflag:$0x3], $0x10, s28, s8, $0xb8;
	[tilespmem:$0x11E20] =	vst v63  }
0x263: {  	_ =	swait.ge [sflag:s10], $0x4000  }
0x264: {  	[sflag:s10] =	ssyncset.done $0x0  }
0x265: {  	s29 =	simm.s32 $0x1C00;
	[sflag:s10] =	ssyncadd.s32 $0xFFFFC000  }
0x266: {  	[tilespmem:s13], [sflag:$0x2] =	stream.indirect.gather [spmem:s3], $0x10, s29, s8, $0xb8;
	[tilespmem:$0x11E20] =	vst v63  }
0x267: {  	_ =	swait.ge [sflag:s16], $0x4000  }
0x268: {  	[sflag:s16] =	ssyncset.done $0x0  }
0x269: {  	[sflag:s16] =	ssyncadd.s32 $0xFFFFC000  }
0x26a: {  	[spmem:s2] =	stream.indirect.scatter.add.f32 [tilespmem:s13], [sflag:$0x4], $0x10, s24, s8, $0xb8;
	[tilespmem:$0x11E20] =	vst v63  }
0x26b: {  	_ =	swait.ge [sflag:s12], $0x4000  }
0x26c: {  	[sflag:s12] =	ssyncset.done $0x0  }
0x26d: {  	[sflag:s12] =	ssyncadd.s32 $0xFFFFC000  }
0x26e: {  	[tilespmem:s19], [sflag:$0x1] =	stream.indirect.gather [spmem:s3], $0x10, s1, s8, $0xb8;
	[tilespmem:$0x11E20] =	vst v63  }
0x26f: {  	_ =	swait.ge [sflag:s21], $0x4000  }
0x270: {  	[sflag:s21] =	ssyncset.done $0x0  }
0x271: {  	s30 =	simm.s32 $0x4710;
	[sflag:s21] =	ssyncadd.s32 $0xFFFFC000  }
0x272: {  	[spmem:s2] =	stream.indirect.scatter.add.f32 [tilespmem:s19], [sflag:$0x3], $0x10, s30, s8, $0xb8;
	[tilespmem:$0x11E20] =	vst v63  }
0x273: {  	_ =	swait.ge [sflag:s10], $0x4000  }
0x274: {  	[sflag:s10] =	ssyncset.done $0x0  }
0x275: {  	[sflag:s10] =	ssyncadd.s32 $0xFFFFC000  }
0x276: {  	[tilespmem:s13], [sflag:$0x2] =	stream.indirect.gather [spmem:s3], $0x10, s9, s23, $0xb8;
	[tilespmem:$0x11E20] =	vst v63  }
0x277: {  	_ =	swait.ge [sflag:s16], $0x3100  }
0x278: {  	[sflag:s16] =	ssyncset.done $0x0  }
0x279: {  	[sflag:s16] =	ssyncadd.s32 $0xFFFFCF00  }
0x27a: {  	[spmem:s2] =	stream.indirect.scatter.add.f32 [tilespmem:s13], [sflag:$0x4], $0x10, s14, s23, $0xb8;
	[tilespmem:$0x11E20] =	vst v63  }
0x27b: {  	_ =	swait.ge [sflag:s12], $0x4000  }
0x27c: {  	[sflag:s12] =	ssyncset.done $0x0  }
0x27d: {  	[sflag:s12] =	ssyncadd.s32 $0xFFFFC000  }
0x27e: {  	_ =	swait.ge [sflag:s10], $0x3100  }
0x27f: {  	[sflag:s10] =	ssyncset.done $0x0  }
0x280: {  	[sflag:s10] =	ssyncadd.s32 $0xFFFFCF00  }
0x281: {  	[bflag:$0x0] =	sbarrier.arrive $0xFFFF  }
0x282: {  	s31 =	rddreg [dreg:$0x1b]  }
0x283: {  	[hbm:s31], [sflag:s4] =	dma.local [spmem:s6], $0x500  }
0x284: {  	_ =	swait.ge [sflag:s5], $0x500  }
0x285: {  	[sflag:s5] =	ssyncset.done $0x0  }
0x286: {  	[sflag:s5] =	ssyncadd.s32 $0xFFFFFB00  }
0x287: {  	_ =	sfence.sel $0x180000  }
0x288: {  	[bflag:$0x0] =	sbarrier.arrive $0xFFFF  }
0x289: {  	p0 =	sne.s32 s18, $0x0;
	_ =	strace $0x9000004A  }
0x28a: {  	s0 =	sadd.s32 @!p0 $0x100000, s20;
	[bflag:$0x2] =	sbarrier.arrive $0xFFFF  }
0x28b: {  	[sflag:s0] =	ssyncadd.tile.s32 @!p0 $0x1;
	_ =	shalt  }
.LBB2_6:
0x28c: {  	s18 =	stileid.u32  }
.Ltmp3:
0x28d: {  	s20 =	rddreg [dreg:$0x4];
	(pc) =	sbr.rel .LBB2_5-.Ltmp3, $4  }
0x28e: {  	s24 =	simm.s32 $0x1C00;
	s25 =	simm.s32 $0x3F10;
	s26 =	simm.s32 $0x1800  }
0x28f: {  	s28 =	simm.s32 $0x3B10;
	s29 =	simm.s32 $0x1400;
	s30 =	simm.s32 $0x3710  }
0x290: {  	s1 =	simm.s32 $0x1000;
	s0 =	simm.s32 $0x3310;
	s9 =	simm.s32 $0xC00  }
0x291: {  	s31 =	simm.s32 $0x2F10;
	s22 =	simm.s32 $0x2B10;
	s17 =	sld [smem:$0x7FB]  }
.Lfunc_end2:
_tile_overlayer_lowered:
.L_overlay_start_2:
0x292: {  	(tag) =	ssettag $0x2  }
0x293: {  	s0 =	rddreg [dreg:$0x0];
	s2 =	stileid.u32  }
0x294: {  	s1 =	rddreg [dreg:$0x1];
	p0 =	sne.s32 s2, $0x0  }
0x295: {  	s3 =	rddreg [dreg:$0x2];
	[bflag:$0x3] =	sbarrier.arrive $0xFFFF;
	s2 =	simm.s32 @!p0 $0x1C06  }
0x296: {  	[timem:s3], [sflag:s2] =	dma.local @!p0 [hbm:s0], s1  }
0x297: {  	s0 =	simm.s32 @!p0 $0x6  }
0x298: {  	_ =	swait.ge @!p0 [sflag:s0], s1  }
0x299: {  	s1 =	ssub.s32 @!p0 $0x0, s1;
	[sflag:s0] =	ssyncset.done @!p0 $0x0  }
0x29a: {  	[sflag:s0] =	ssyncadd.s32 @!p0 s1  }
0x29b: {  	[bflag:$0x3] =	sbarrier.arrive $0xFFFF  }
0x29c: {  	_ =	shalt  }

// kernel: kernel.15.cloned.1.call-start
scs
__scs_entry_jumppad:
0x0: {  	(pc) =	sbr.rel $0x88, $3  }
0x1: {  	(tag) =	ssettag $0x0;
	lr =	simm.s32 $0x1  }
0x2: {  	[smem:$0x3F9B] =	sst lr;
	_ =	strace $0xD0000000  }
0x3: {  	_ = 	snop  }
0x4: {  	_ = 	snop  }
0x5: {  	_ = 	snop  }
0x6: {  	_ = 	snop  }
0x7: {  	_ = 	snop  }
__scs_overlays_trampoline_lowered:
0x8: {  	[smem:$0x3FAA] =	sst s0  }
0x9: {  	[smem:$0x3FAB] =	sst s1  }
0xa: {  	[smem:$0x3FAC] =	sst s2  }
0xb: {  	[smem:$0x3FAD] =	sst s3  }
0xc: {  	[smem:$0x3FAE] =	sst s4  }
0xd: {  	[smem:$0x3FAF] =	sst s5  }
0xe: {  	[smem:$0x3FB0] =	sst s6  }
0xf: {  	[smem:$0x3FB1] =	sst s7  }
0x10: {  	[smem:$0x3FB2] =	sst s8  }
0x11: {  	[smem:$0x3FB3] =	sst s9;
	s0 =	simm.s32 @!p0 $0x0  }
0x12: {  	s1 =	sld [smem:$0x3F99];
	s0 =	simm.s32 @p0 $0x1  }
0x13: {  	[smem:$0x3FB4] =	sst s0;
	s0 =	simm.s32 @!p1 $0x0  }
0x14: {  	s2 =	sld [smem:$0x3F98];
	s0 =	simm.s32 @p1 $0x1  }
0x15: {  	[smem:$0x3FB5] =	sst s0;
	s0 =	simm.s32 @!p2 $0x0  }
0x16: {  	s3 =	sld [smem:$0x3FDB];
	s0 =	simm.s32 @p2 $0x1  }
0x17: {  	s4 =	simm.s32 $0x1BF5;
	[smem:$0x3FB7] =	sst s0  }
0x18: {  	s0 =	sld [smem:$0x3F9A];
	_ =	swait.ge [sflag:s4], $0x0  }
0x19: {  	s7 =	sld [smem:$0x3F9B]  }
0x1a: {  	s8 =	sadd.s32 $0xFFFFE003, lr  }
0x1b: {  	s9 =	sadd.s32 $0xFFFFFEF7, lr;
	s5 =	simm.s32 $0xFFFFFFFF;
	p2 =	slt.u32 s8, $0xFFFFF086  }
0x1c: {  	p1 =	slt.u32 s9, $0xF7A;
	s5 =	simm.s32 @!p2 $0x0  }
0x1d: {  	s5 =	simm.s32 @p1 $0x1;
	p0 =	seq.s32 s7, s2  }
0x1e: {  	s7 =	smul.u32 @!p0 $0xF7A, s2;
	p2 =	seq.s32 @!p0 s5, $0x0  }
0x1f: {  	s9 =	smul.u32 $0xF7A, s1;
	s8 =	simm.s32 @!p0 $0x1BF5;
	p2 =	por !p2, p0  }
0x20: {  	[sflag:s8] =	ssyncset.s32 @!p0 $0xFFFFF086;
	s6 =	sadd.s32 @!p0 s3, s7;
	s7 =	simm.s32 @!p0 $0x108  }
0x21: {  	s3 =	sadd.s32 s3, s9;
	s6 =	sadd.s32 @!p0 $0x88, s6;
	s7 =	simm.s32 @p2 $0x1082  }
0x22: {  	[simem:s7], [sflag:s8] =	dma.local @!p0 [hbm:s6], $0xF7A  }
0x23: {  	s9 =	sor.u32 $0xD0000000, s2;
	s6 =	simm.s32 $0x108;
	_ =	swait.ge @!p0 [sflag:s8], $0x0  }
0x24: {  	s3 =	sadd.s32 $0x88, s3;
	s6 =	simm.s32 @!p1 $0x1082;
	[sflag:s4] =	ssyncset.s32 $0xFFFFF086  }
0x25: {  	[simem:s6], [sflag:s4] =	dma.local [hbm:s3], $0xF7A  }
0x26: {  	[smem:$0x3F9B] =	sst s1;
	(tag) =	ssettag s2;
	_ =	strace s9  }
0x27: {  	s1 =	sld [smem:$0x3FAB]  }
0x28: {  	s2 =	sld [smem:$0x3FAC]  }
0x29: {  	s4 =	sld [smem:$0x3FAE]  }
0x2a: {  	p0 =	seq.s32 s5, $0x0;
	s5 =	sld [smem:$0x3FAF]  }
0x2b: {  	s6 =	sld [smem:$0x3FB0]  }
0x2c: {  	s7 =	sld [smem:$0x3FB1]  }
0x2d: {  	s3 =	simm.s32 $0x108;
	s8 =	sld [smem:$0x3FB2]  }
0x2e: {  	s3 =	simm.s32 @!p0 $0x1082;
	s9 =	sld [smem:$0x3FB3]  }
0x2f: {  	lr =	sadd.s32 s0, s3;
	s0 =	sld [smem:$0x3FAA]  }
0x30: {  	s3 =	sld [smem:$0x3FAD]  }
0x31: {  	[smem:$0x3FB6] =	sst s10  }
0x32: {  	s10 =	sld [smem:$0x3FB4];
	_ =	sdelay $0x3  }
0x33: {  	p0 =	seq.s32 s10, $0x1;
	s10 =	sld [smem:$0x3FB6];
	_ =	sdelay $0x3  }
0x34: {  	[smem:$0x3FB6] =	sst s10  }
0x35: {  	s10 =	sld [smem:$0x3FB5];
	_ =	sdelay $0x3  }
0x36: {  	p1 =	seq.s32 s10, $0x1;
	s10 =	sld [smem:$0x3FB6];
	_ =	sdelay $0x3  }
0x37: {  	[smem:$0x3FB6] =	sst s10  }
0x38: {  	s10 =	sld [smem:$0x3FB7]  }
0x39: {  	_ = 	snop;
	(pc) =	sbr.ind lr, $3  }
0x3a: {  	_ = 	snop  }
0x3b: {  	_ = 	snop  }
0x3c: {  	p2 =	seq.s32 s10, $0x1;
	s10 =	sld [smem:$0x3FB6]  }
0x3d: {  	_ =	shalt  }
0x3e: {  	_ =	shalt  }
0x3f: {  	_ =	shalt  }
0x40: {  	_ =	shalt  }
0x41: {  	_ =	shalt  }
0x42: {  	_ =	shalt  }
0x43: {  	_ =	shalt  }
0x44: {  	_ =	shalt  }
0x45: {  	_ =	shalt  }
0x46: {  	_ =	shalt  }
0x47: {  	_ =	shalt  }
0x48: {  	_ =	shalt  }
0x49: {  	_ =	shalt  }
0x4a: {  	_ =	shalt  }
0x4b: {  	_ =	shalt  }
0x4c: {  	_ =	shalt  }
0x4d: {  	_ =	shalt  }
0x4e: {  	_ =	shalt  }
0x4f: {  	_ =	shalt  }
0x50: {  	_ =	shalt  }
0x51: {  	_ =	shalt  }
0x52: {  	_ =	shalt  }
0x53: {  	_ =	shalt  }
0x54: {  	_ =	shalt  }
0x55: {  	_ =	shalt  }
0x56: {  	_ =	shalt  }
0x57: {  	_ =	shalt  }
0x58: {  	_ =	shalt  }
0x59: {  	_ =	shalt  }
0x5a: {  	_ =	shalt  }
0x5b: {  	_ =	shalt  }
0x5c: {  	_ =	shalt  }
0x5d: {  	_ =	shalt  }
0x5e: {  	_ =	shalt  }
0x5f: {  	_ =	shalt  }
0x60: {  	_ =	shalt  }
0x61: {  	_ =	shalt  }
0x62: {  	_ =	shalt  }
0x63: {  	_ =	shalt  }
0x64: {  	_ =	shalt  }
0x65: {  	_ =	shalt  }
0x66: {  	_ =	shalt  }
0x67: {  	_ =	shalt  }
0x68: {  	_ =	shalt  }
0x69: {  	_ =	shalt  }
0x6a: {  	_ =	shalt  }
0x6b: {  	_ =	shalt  }
0x6c: {  	_ =	shalt  }
0x6d: {  	_ =	shalt  }
0x6e: {  	_ =	shalt  }
0x6f: {  	_ =	shalt  }
0x70: {  	_ =	shalt  }
0x71: {  	_ =	shalt  }
0x72: {  	_ =	shalt  }
0x73: {  	_ =	shalt  }
0x74: {  	_ =	shalt  }
0x75: {  	_ =	shalt  }
0x76: {  	_ =	shalt  }
0x77: {  	_ =	shalt  }
0x78: {  	_ =	shalt  }
0x79: {  	_ =	shalt  }
0x7a: {  	_ =	shalt  }
0x7b: {  	_ =	shalt  }
0x7c: {  	_ =	shalt  }
0x7d: {  	_ =	shalt  }
0x7e: {  	_ =	shalt  }
0x7f: {  	_ =	shalt  }
0x80: {  	_ =	shalt  }
0x81: {  	_ =	shalt  }
0x82: {  	_ =	shalt  }
0x83: {  	_ =	shalt  }
0x84: {  	_ =	shalt  }
0x85: {  	_ =	shalt  }
0x86: {  	_ =	shalt  }
0x87: {  	_ =	shalt  }
.Lfunc_end0:
.L_simem_size_0:
called_computation.2_lowered:
.L_overlay_start_0:
0x88: {  	s2 =	sld [smem:$0x3FD9]  }
0x89: {  	s3 =	sld [smem:$0x3FFE];
	_ =	sdelay $0x1  }
0x8a: {  	s1 =	srdreg.scid  }
0x8b: {  	s0 =	sand.u32 $0x1, s1  }
0x8c: {  	s17 =	sshll.u32 s0, $0xA;
	s2 =	sadd.s32 s3, s2  }
0x8d: {  	s2 =	sadd.s32 s2, s17  }
0x8e: {  	[smem:$0x3FC2] =	sst s2  }
0x8f: {  	_ = 	snop  }
0x90: {  	s2 =	sld [smem:$0x3FD0];
	(tm) =	ssettm $0x1  }
0x91: {  	s18 =	sld [smem:$0x3FFB];
	_ =	sdelay $0x3  }
0x92: {  	_ =	strace s18  }
0x93: {  	s3 =	sld [smem:$0x3FFC];
	_ =	sdelay $0x3  }
0x94: {  	_ =	strace s3  }
0x95: {  	s3 =	sld [smem:$0x3FFD];
	_ =	sdelay $0x3  }
0x96: {  	_ =	strace s3  }
0x97: {  	_ =	strace $0x8FFFFFFF  }
0x98: {  	s19 =	sld [smem:$0x3FDB];
	_ =	sdelay $0x1  }
0x99: {  	s4 =	simm.s32 $_scs_section_size  }
0x9a: {  	s5 =	simm.s32 $_size__tile_overlayer_lowered;
	s6 =	simm.s32 $_tile_overlayer_lowered  }
0x9b: {  	s22 =	simm.s32 $0x1BFF;
	s21 =	sshll.u32 s6, $0x1;
	s3 =	sadd.s32 s4, s19  }
0x9c: {  	s7 =	simm.s32 $0x0;
	s20 =	sshll.u32 s5, $0x1;
	s5 =	sadd.s32 s21, s3  }
0x9d: {  	[timem:s7], [sflag:s22] =	dma.local [hbm:s5], s20  }
0x9e: {  	_ =	swait.ge [sflag:s22], s20  }
0x9f: {  	s4 =	ssub.s32 $0x0, s20;
	[sflag:s22] =	ssyncset.done $0x0  }
0xa0: {  	[sflag:s22] =	ssyncadd.s32 s4;
	_ =	sdelay $0x1  }
0xa1: {  	s23 =	simm.s32 $0x1B8B  }
0xa2: {  	_ =	swait.ge [sflag:s23], $0x1  }
0xa3: {  	[sflag:s23] =	ssyncset.done $0x0  }
0xa4: {  	s25 =	simm.s32 $0x1B8E;
	s24 =	sld [smem:$0x3FFE];
	[sflag:s23] =	ssyncadd.s32 $0xFFFFFFFF  }
0xa5: {  	s26 =	simm.s32 $execute0_lowered;
	[smem:$0x3FD2] =	sst s25  }
0xa6: {  	s5 =	sshll.u32 s26, $0x1;
	_ =	strace $0x8000004C;
	[dreg:$0x1] =	wrdreg $0xFFFFFFFF  }
0xa7: {  	s28 =	simm.s32 $_size_execute0_lowered;
	s3 =	sadd.s32 s3, s5;
	[dreg:$0x0] =	wrdreg $0x0  }
0xa8: {  	s5 =	sshll.u32 s28, $0x1;
	[dreg:$0x2] =	wrdreg s3  }
0xa9: {  	[dreg:$0x3] =	wrdreg s5  }
0xaa: {  	[dreg:$0x4] =	wrdreg $0xC0  }
0xab: {  	_ =	task [dreg:s7], $0x5FFFF  }
0xac: {  	[dreg:$0x1] =	wrdreg $0xFFFFFFFF  }
0xad: {  	[dreg:$0x0] =	wrdreg $0x60  }
0xae: {  	[dreg:$0x2] =	wrdreg s24  }
0xaf: {  	[dreg:$0x3] =	wrdreg s2  }
0xb0: {  	[dreg:$0x4] =	wrdreg $0x8E200  }
0xb1: {  	[dreg:$0x5] =	wrdreg $0xA2200  }
0xb2: {  	[dreg:$0x6] =	wrdreg $0x9  }
0xb3: {  	_ =	task.clear_ibuf [dreg:s7], $0x7FFFF;
	_ =	strace $0x9000004C  }
0xb4: {  	s29 =	simm.s32 $0x9;
	_ =	strace $0x8000004E  }
0xb5: {  	_ =	swait.ge [sflag:s29], $0x1  }
0xb6: {  	[sflag:s29] =	ssyncadd.s32 $0xFFFFFFFF  }
0xb7: {  	_ =	strace $0x9000004E  }
0xb8: {  	_ =	sfence  }
0xb9: {  	s30 =	sld [smem:$0x0];
	_ =	sdelay $0x2  }
0xba: {  	s31 =	sshll.u32 s1, $0xD;
	s1 =	sshrl.u32 s1, $0x2  }
0xbb: {  	s3 =	sand.u32 $0x4000, s31;
	s1 =	sadd.s32 s1, s30  }
0xbc: {  	s0 =	sor.u32 s3, s0;
	s1 =	sshll.u32 s1, $0x11  }
0xbd: {  	s0 =	sor.u32 s1, s0  }
0xbe: {  	s0 =	sadd.s32 $0x8F2B, s0  }
0xbf: {  	[sflag:s0] =	ssyncadd.remote.s32 $0x1  }
0xc0: {  	_ =	sfence.sel $0xFFFF  }
0xc1: {  	[dreg:$0x0] =	wrdreg $0xFFFFFFFF;
	(pc) =	sbr.abs _section_cstart, $3  }
0xc2: {  	[dreg:$0x1] =	wrdreg $0xFFFFFFFF  }
0xc3: {  	_ =	task.clear_ibuf [dreg:s7], $0x2FFFF;
	_ =	strace $0x9FFFFFFF  }
0xc4: {  	(tm) =	ssettm $0x7FFFFFFF  }
0xc5: {  	_ =	shalt  }
tec
execute0_lowered:
.L_overlay_start_1:
0x0: {  	(tag) =	ssettag $0x1  }
0x1: {  	s0 =	srdreg.scid  }
0x2: {  	s1 =	rddreg [dreg:$0x0];
	s4 =	sand.u32 $0x1, s0  }
0x3: {  	s2 =	rddreg [dreg:$0x1];
	s18 =	stileid.u32;
	s3 =	sshll.u32 s4, $0x4  }
0x4: {  	s20 =	rddreg [dreg:$0x4];
	s0 =	smul.u32 $0x1400, s18;
	s5 =	sor.u32 s18, s3  }
0x5: {  	[dreg:$0x5] =	wrdreg s2;
	s5 =	smul.u32 $0x2710, s5  }
0x6: {  	s7 =	simm.s32 $0x0;
	s2 =	rddreg [dreg:$0x2];
	s6 =	sshrl.u32 s0, $0x3  }
0x7: {  	[smem:$0x7FF] =	sst s7;
	s6 =	sadd.s32 s6, s1;
	s5 =	sshrl.u32 s5, $0x3  }
0x8: {  	s3 =	rddreg [dreg:$0x3];
	s6 =	sadd.s32 $0x16600, s6;
	s5 =	sadd.s32 s5, s1  }
0x9: {  	_ =	strace $0x8000004D;
	[dreg:$0x6] =	wrdreg s6;
	s24 =	sadd.s32 $0x2C00, s5  }
0xa: {  	s25 =	sadd.s32 $0xC840, s5;
	[dreg:$0x7] =	wrdreg s24  }
0xb: {  	s26 =	sadd.s32 $0x2C80, s5;
	[dreg:$0x8] =	wrdreg s25  }
0xc: {  	s8 =	sadd.s32 $0xC8C0, s5;
	[dreg:$0x9] =	wrdreg s26  }
0xd: {  	s9 =	sadd.s32 $0x2D00, s5;
	[dreg:$0xa] =	wrdreg s8  }
0xe: {  	s10 =	sadd.s32 $0xC940, s5;
	[dreg:$0xb] =	wrdreg s9  }
0xf: {  	s11 =	sadd.s32 $0x2D80, s5;
	[dreg:$0xc] =	wrdreg s10  }
0x10: {  	s12 =	sadd.s32 $0xC9C0, s5;
	[dreg:$0xd] =	wrdreg s11  }
0x11: {  	s13 =	sadd.s32 $0x2E00, s5;
	[dreg:$0xe] =	wrdreg s12  }
0x12: {  	s14 =	sadd.s32 $0xCA40, s5;
	[dreg:$0xf] =	wrdreg s13  }
0x13: {  	s31 =	simm.s32 $0x2F10;
	s15 =	sadd.s32 $0x2E80, s5;
	[dreg:$0x10] =	wrdreg s14  }
0x14: {  	s30 =	simm.s32 $0x3710;
	s16 =	sadd.s32 $0xCAC0, s5;
	[dreg:$0x11] =	wrdreg s15  }
0x15: {  	s29 =	simm.s32 $0x1400;
	s17 =	sadd.s32 $0x2F00, s5;
	[dreg:$0x12] =	wrdreg s16  }
0x16: {  	s28 =	simm.s32 $0x3B10;
	s19 =	sadd.s32 $0xCB40, s5;
	[dreg:$0x13] =	wrdreg s17  }
0x17: {  	p0 =	por $0x0, $0x0;
	s21 =	sadd.s32 $0x2F80, s5;
	[dreg:$0x14] =	wrdreg s19  }
0x18: {  	s23 =	sadd.s32 $0xCBC0, s5;
	s8 =	smul.u32 $0x14000, s4;
	[dreg:$0x15] =	wrdreg s21  }
0x19: {  	s4 =	ssub.s32 $0x2, s4;
	[dreg:$0x16] =	wrdreg s23;
	s24 =	sadd.s32 $0x3000, s5  }
0x1a: {  	s25 =	sadd.s32 s0, s2;
	s26 =	sadd.s32 $0xCC40, s5;
	s17 =	sshll.u32 s18, $0x6  }
0x1b: {  	s9 =	sadd.s32 $0x3080, s5;
	s5 =	sadd.s32 $0xCCC0, s5;
	s11 =	simm.s32 $0x5  }
0x1c: {  	s19 =	simm.s32 $0x4E20;
	s21 =	simm.s32 $0x1;
	s13 =	simm.s32 $0x6E20  }
0x1d: {  	s16 =	simm.s32 $0x2;
	s12 =	simm.s32 $0x3;
	[dreg:$0x17] =	wrdreg s24  }
0x1e: {  	s23 =	simm.s32 $0x310;
	[dreg:$0x18] =	wrdreg s26;
	s8 =	sadd.s32 s0, s8  }
0x1f: {  	s22 =	sshrl.u32 s4, $0x1;
	[dreg:$0x19] =	wrdreg s9;
	s8 =	sshrl.u32 s8, $0x3  }
0x20: {  	[dreg:$0x1a] =	wrdreg s5;
	s1 =	sadd.s32 s8, s1;
	s8 =	ssub.s32 s4, s22  }
0x21: {  	s6 =	sshrl.u32 s25, $0x3;
	s5 =	simm.s32 $0x6;
	s10 =	smax.u32 s8, $0x1  }
0x22: {  	s9 =	simm.s32 $0xC00;
	s26 =	simm.s32 $0x1800;
	p1 =	sne.s32 s10, $0x1  }
.Ltmp0:
0x23: {  	s25 =	simm.s32 $0x3F10;
	s0 =	sadd.s32 s0, s3;
	(pc) =	sbr.rel @!p1 .LBB2_5-.Ltmp0, $4  }
0x24: {  	s24 =	simm.s32 $0x1C00;
	s0 =	sshrl.u32 s0, $0x3;
	s4 =	sor.u32 $0x1C06, s17  }
0x25: {  	[dreg:$0x1c] =	wrdreg s0;
	s22 =	simm.s32 $0x2B10;
	s1 =	sadd.s32 $0x18E00, s1  }
0x26: {  	s0 =	simm.s32 $0x3310;
	s8 =	simm.s32 $0x400;
	[dreg:$0x1b] =	wrdreg s1  }
0x27: {  	s1 =	simm.s32 $0x1000;
	s14 =	sadd.s32 $0xFFFFFFFF, s10;
	s10 =	simm.s32 $0x4  }
0x28: {  	s15 =	rddreg [dreg:$0x5]  }
0x29: {  	[spmem:s6], [sflag:s4] =	dma.local [hbm:s15], $0x280  }
0x2a: {  	_ =	swait.ge [sflag:s5], $0x280  }
0x2b: {  	s18 =	rddreg [dreg:$0x6]  }
0x2c: {  	[smem:$0x7FB] =	sst s17  }
0x2d: {  	[sflag:s5] =	ssyncset.done $0x0;
	[smem:$0x7FC] =	sst s18  }
0x2e: {  	[sflag:s5] =	ssyncadd.s32 $0xFFFFFD80;
	s5 =	sor.u32 $0x1C05, s17;
	s17 =	sld [smem:$0x7FC]  }
0x2f: {  	s15 =	rddreg [dreg:$0x1c]  }
0x30: {  	[dreg:$0x1d] =	wrdreg s5  }
0x31: {  	[spmem:s15], [sflag:s5] =	dma.local [hbm:s17], $0x280  }
0x32: {  	s15 =	rddreg [dreg:$0x7]  }
0x33: {  	s5 =	rddreg [dreg:$0x8]  }
0x34: {  	[tilespmem:s7], [sflag:$0x5] =	stream.linear.gather [hbm4b:s15+s7], $0x400, $0x38;
	[tilespmem:$0xB620] =	vst v63  }
0x35: {  	s20 =	smov.u32 s14;
	s17 =	simm.s32 $0x2710;
	s14 =	rddreg [dreg:$0x9]  }
0x36: {  	[tilespmem:s17], [sflag:$0x5] =	stream.linear.gather [hbm4b:s5+s7], $0x400, $0x38;
	[tilespmem:$0xB620] =	vst v63  }
0x37: {  	s5 =	rddreg [dreg:$0xa]  }
0x38: {  	[tilespmem:s8], [sflag:$0x5] =	stream.linear.gather [hbm4b:s14+s7], $0x400, $0x38;
	[tilespmem:$0xB620] =	vst v63  }
0x39: {  	s14 =	rddreg [dreg:$0xb]  }
0x3a: {  	[tilespmem:s22], [sflag:$0x5] =	stream.linear.gather [hbm4b:s5+s7], $0x400, $0x38;
	[tilespmem:$0xB620] =	vst v63  }
0x3b: {  	s5 =	rddreg [dreg:$0xc];
	s22 =	simm.s32 $0x800  }
0x3c: {  	[tilespmem:s22], [sflag:$0x5] =	stream.linear.gather [hbm4b:s14+s7], $0x400, $0x38;
	[tilespmem:$0xB620] =	vst v63  }
0x3d: {  	s14 =	rddreg [dreg:$0xd]  }
0x3e: {  	[tilespmem:s31], [sflag:$0x5] =	stream.linear.gather [hbm4b:s5+s7], $0x400, $0x38;
	[tilespmem:$0xB620] =	vst v63  }
0x3f: {  	s31 =	rddreg [dreg:$0xe]  }
0x40: {  	[tilespmem:s9], [sflag:$0x5] =	stream.linear.gather [hbm4b:s14+s7], $0x400, $0x38;
	[tilespmem:$0xB620] =	vst v63  }
0x41: {  	s5 =	rddreg [dreg:$0x11]  }
0x42: {  	[tilespmem:s0], [sflag:$0x5] =	stream.linear.gather [hbm4b:s31+s7], $0x400, $0x38;
	[tilespmem:$0xB620] =	vst v63  }
0x43: {  	s14 =	rddreg [dreg:$0xf]  }
0x44: {  	[tilespmem:s1], [sflag:$0x5] =	stream.linear.gather [hbm4b:s14+s7], $0x400, $0x38;
	[tilespmem:$0xB620] =	vst v63  }
0x45: {  	s31 =	rddreg [dreg:$0x10]  }
0x46: {  	[tilespmem:s30], [sflag:$0x5] =	stream.linear.gather [hbm4b:s31+s7], $0x400, $0x38;
	[tilespmem:$0xB620] =	vst v63  }
0x47: {  	s9 =	rddreg [dreg:$0x12]  }
0x48: {  	[tilespmem:s29], [sflag:$0x5] =	stream.linear.gather [hbm4b:s5+s7], $0x400, $0x38;
	[tilespmem:$0xB620] =	vst v63  }
0x49: {  	s14 =	rddreg [dreg:$0x13]  }
0x4a: {  	[tilespmem:s28], [sflag:$0x5] =	stream.linear.gather [hbm4b:s9+s7], $0x400, $0x38;
	[tilespmem:$0xB620] =	vst v63  }
0x4b: {  	s30 =	rddreg [dreg:$0x15]  }
0x4c: {  	[tilespmem:s26], [sflag:$0x5] =	stream.linear.gather [hbm4b:s14+s7], $0x400, $0x38;
	[tilespmem:$0xB620] =	vst v63  }
0x4d: {  	s29 =	rddreg [dreg:$0x14]  }
0x4e: {  	[tilespmem:s25], [sflag:$0x5] =	stream.linear.gather [hbm4b:s29+s7], $0x400, $0x38;
	[tilespmem:$0xB620] =	vst v63  }
0x4f: {  	s31 =	rddreg [dreg:$0x16]  }
0x50: {  	[tilespmem:s24], [sflag:$0x5] =	stream.linear.gather [hbm4b:s30+s7], $0x400, $0x38;
	[tilespmem:$0xB620] =	vst v63  }
0x51: {  	s25 =	rddreg [dreg:$0x18];
	s24 =	simm.s32 $0x4310  }
0x52: {  	[tilespmem:s24], [sflag:$0x5] =	stream.linear.gather [hbm4b:s31+s7], $0x400, $0x38;
	[tilespmem:$0xB620] =	vst v63  }
0x53: {  	s30 =	rddreg [dreg:$0x17];
	s31 =	simm.s32 $0x2000  }
0x54: {  	[tilespmem:s31], [sflag:$0x5] =	stream.linear.gather [hbm4b:s30+s7], $0x400, $0x38;
	[tilespmem:$0xB620] =	vst v63  }
0x55: {  	s30 =	rddreg [dreg:$0x19]  }
0x56: {  	s18 =	simm.s32 $0x4710;
	[smem:$0x7FD] =	sst s30  }
0x57: {  	[tilespmem:s18], [sflag:$0x5] =	stream.linear.gather [hbm4b:s25+s7], $0x400, $0x38;
	[tilespmem:$0xB620] =	vst v63  }
0x58: {  	s25 =	sld [smem:$0x7FD]  }
0x59: {  	[dreg:$0x1e] =	wrdreg s4  }
0x5a: {  	[dreg:$0x1f] =	wrdreg s6;
	s30 =	simm.s32 $0x2400  }
0x5b: {  	[tilespmem:s30], [sflag:$0x5] =	stream.linear.gather [hbm4b:s25+s7], $0x310, $0x38;
	[tilespmem:$0xB620] =	vst v63  }
0x5c: {  	s15 =	rddreg [dreg:$0x1a];
	s25 =	simm.s32 $0x4B10  }
0x5d: {  	[tilespmem:s25], [sflag:$0x5] =	stream.linear.gather [hbm4b:s15+s7], $0x310, $0x38;
	[tilespmem:$0xB620] =	vst v63  }
0x5e: {  	_ =	swait.ge [sflag:s11], $0x400  }
0x5f: {  	[sflag:s11] =	ssyncset.done $0x0  }
0x60: {  	[sflag:s11] =	ssyncadd.s32 $0xFFFFFC00  }
0x61: {  	_ =	swait.ge [sflag:s11], $0x400  }
0x62: {  	[sflag:s11] =	ssyncset.done $0x0  }
0x63: {  	[sflag:s11] =	ssyncadd.s32 $0xFFFFFC00  }
0x64: {  	_ =	swait.ge [sflag:s11], $0x400  }
0x65: {  	[sflag:s11] =	ssyncset.done $0x0  }
0x66: {  	[sflag:s11] =	ssyncadd.s32 $0xFFFFFC00  }
0x67: {  	_ =	swait.ge [sflag:s11], $0x400  }
0x68: {  	[sflag:s11] =	ssyncset.done $0x0  }
0x69: {  	[sflag:s11] =	ssyncadd.s32 $0xFFFFFC00  }
0x6a: {  	_ =	swait.ge [sflag:s11], $0x400  }
0x6b: {  	[sflag:s11] =	ssyncset.done $0x0  }
0x6c: {  	[sflag:s11] =	ssyncadd.s32 $0xFFFFFC00  }
0x6d: {  	_ =	swait.ge [sflag:s11], $0x400  }
0x6e: {  	[sflag:s11] =	ssyncset.done $0x0  }
0x6f: {  	[sflag:s11] =	ssyncadd.s32 $0xFFFFFC00  }
0x70: {  	_ =	swait.ge [sflag:s11], $0x400  }
0x71: {  	[sflag:s11] =	ssyncset.done $0x0  }
0x72: {  	[sflag:s11] =	ssyncadd.s32 $0xFFFFFC00  }
0x73: {  	_ =	swait.ge [sflag:s11], $0x400  }
0x74: {  	[sflag:s11] =	ssyncset.done $0x0  }
0x75: {  	[sflag:s11] =	ssyncadd.s32 $0xFFFFFC00  }
0x76: {  	_ =	swait.ge [sflag:s11], $0x400  }
0x77: {  	[sflag:s11] =	ssyncset.done $0x0  }
0x78: {  	[sflag:s11] =	ssyncadd.s32 $0xFFFFFC00  }
0x79: {  	_ =	swait.ge [sflag:s11], $0x400  }
0x7a: {  	[sflag:s11] =	ssyncset.done $0x0  }
0x7b: {  	[sflag:s11] =	ssyncadd.s32 $0xFFFFFC00  }
0x7c: {  	_ =	swait.ge [sflag:s11], $0x400  }
0x7d: {  	[sflag:s11] =	ssyncset.done $0x0  }
0x7e: {  	[sflag:s11] =	ssyncadd.s32 $0xFFFFFC00  }
0x7f: {  	_ =	swait.ge [sflag:s11], $0x400  }
0x80: {  	[sflag:s11] =	ssyncset.done $0x0  }
0x81: {  	[sflag:s11] =	ssyncadd.s32 $0xFFFFFC00  }
0x82: {  	_ =	swait.ge [sflag:s11], $0x400  }
0x83: {  	[sflag:s11] =	ssyncset.done $0x0  }
0x84: {  	[sflag:s11] =	ssyncadd.s32 $0xFFFFFC00  }
0x85: {  	_ =	swait.ge [sflag:s11], $0x400  }
0x86: {  	[sflag:s11] =	ssyncset.done $0x0  }
0x87: {  	[sflag:s11] =	ssyncadd.s32 $0xFFFFFC00  }
0x88: {  	_ =	swait.ge [sflag:s11], $0x400  }
0x89: {  	[sflag:s11] =	ssyncset.done $0x0  }
0x8a: {  	[sflag:s11] =	ssyncadd.s32 $0xFFFFFC00  }
0x8b: {  	_ =	swait.ge [sflag:s11], $0x400  }
0x8c: {  	[sflag:s11] =	ssyncset.done $0x0  }
0x8d: {  	[sflag:s11] =	ssyncadd.s32 $0xFFFFFC00  }
0x8e: {  	_ =	swait.ge [sflag:s11], $0x400  }
0x8f: {  	[sflag:s11] =	ssyncset.done $0x0  }
0x90: {  	[sflag:s11] =	ssyncadd.s32 $0xFFFFFC00  }
0x91: {  	_ =	swait.ge [sflag:s11], $0x400  }
0x92: {  	[sflag:s11] =	ssyncset.done $0x0  }
0x93: {  	[sflag:s11] =	ssyncadd.s32 $0xFFFFFC00  }
0x94: {  	_ =	swait.ge [sflag:s11], $0x310  }
0x95: {  	[sflag:s11] =	ssyncset.done $0x0  }
0x96: {  	[sflag:s11] =	ssyncadd.s32 $0xFFFFFCF0  }
0x97: {  	_ =	swait.ge [sflag:s11], $0x310  }
0x98: {  	[sflag:s11] =	ssyncset.done $0x0  }
0x99: {  	[sflag:s11] =	ssyncadd.s32 $0xFFFFFCF0  }
0x9a: {  	_ =	swait.ge [sflag:s11], $0x280  }
0x9b: {  	[sflag:s11] =	ssyncset.done $0x0  }
0x9c: {  	[sflag:s11] =	ssyncadd.s32 $0xFFFFFD80  }
0x9d: {  	[bflag:$0x0] =	sbarrier.arrive $0xFFFF  }
0x9e: {  	[tilespmem:s19], [sflag:$0x1] =	stream.indirect.gather [spmem:s3], $0x8, s7, s8, $0xb8;
	[tilespmem:$0xB620] =	vst v63  }
0x9f: {  	_ =	swait.ge [sflag:s21], $0x2000  }
0xa0: {  	[sflag:s21] =	ssyncset.done $0x0  }
0xa1: {  	[sflag:s21] =	ssyncadd.s32 $0xFFFFE000  }
0xa2: {  	[spmem:s2] =	stream.indirect.scatter.add.f32 [tilespmem:s19], [sflag:$0x3], $0x8, s17, s8, $0xb8;
	[tilespmem:$0xB620] =	vst v63  }
0xa3: {  	_ = 	snop  }
0xa4: {  	[tilespmem:s13], [sflag:$0x2] =	stream.indirect.gather [spmem:s3], $0x8, s8, s8, $0xb8;
	[tilespmem:$0xB620] =	vst v63  }
0xa5: {  	_ =	swait.ge [sflag:s16], $0x2000  }
0xa6: {  	[sflag:s16] =	ssyncset.done $0x0  }
0xa7: {  	s17 =	simm.s32 $0x2B10;
	[sflag:s16] =	ssyncadd.s32 $0xFFFFE000  }
0xa8: {  	[spmem:s2] =	stream.indirect.scatter.add.f32 [tilespmem:s13], [sflag:$0x4], $0x8, s17, s8, $0xb8;
	[tilespmem:$0xB620] =	vst v63  }
0xa9: {  	_ =	swait.ge [sflag:s12], $0x2000  }
0xaa: {  	[sflag:s12] =	ssyncset.done $0x0  }
0xab: {  	[sflag:s12] =	ssyncadd.s32 $0xFFFFE000  }
0xac: {  	[tilespmem:s19], [sflag:$0x1] =	stream.indirect.gather [spmem:s3], $0x8, s22, s8, $0xb8;
	[tilespmem:$0xB620] =	vst v63  }
0xad: {  	_ =	swait.ge [sflag:s21], $0x2000  }
0xae: {  	[sflag:s21] =	ssyncset.done $0x0  }
0xaf: {  	s4 =	simm.s32 $0x2F10;
	[sflag:s21] =	ssyncadd.s32 $0xFFFFE000  }
0xb0: {  	[spmem:s2] =	stream.indirect.scatter.add.f32 [tilespmem:s19], [sflag:$0x3], $0x8, s4, s8, $0xb8;
	[tilespmem:$0xB620] =	vst v63  }
0xb1: {  	s4 =	rddreg [dreg:$0x1e];
	_ =	swait.ge [sflag:s10], $0x2000  }
0xb2: {  	[sflag:s10] =	ssyncset.done $0x0  }
0xb3: {  	s14 =	simm.s32 $0xC00;
	[sflag:s10] =	ssyncadd.s32 $0xFFFFE000  }
0xb4: {  	[tilespmem:s13], [sflag:$0x2] =	stream.indirect.gather [spmem:s3], $0x8, s14, s8, $0xb8;
	[tilespmem:$0xB620] =	vst v63  }
0xb5: {  	_ =	swait.ge [sflag:s16], $0x2000  }
0xb6: {  	[sflag:s16] =	ssyncset.done $0x0  }
0xb7: {  	s9 =	simm.s32 $0x3310;
	[sflag:s16] =	ssyncadd.s32 $0xFFFFE000  }
0xb8: {  	[spmem:s2] =	stream.indirect.scatter.add.f32 [tilespmem:s13], [sflag:$0x4], $0x8, s9, s8, $0xb8;
	[tilespmem:$0xB620] =	vst v63  }
0xb9: {  	_ =	swait.ge [sflag:s12], $0x2000  }
0xba: {  	[sflag:s12] =	ssyncset.done $0x0  }
0xbb: {  	s29 =	simm.s32 $0x1000;
	[sflag:s12] =	ssyncadd.s32 $0xFFFFE000  }
0xbc: {  	[tilespmem:s19], [sflag:$0x1] =	stream.indirect.gather [spmem:s3], $0x8, s29, s8, $0xb8;
	[tilespmem:$0xB620] =	vst v63  }
0xbd: {  	_ =	swait.ge [sflag:s21], $0x2000  }
0xbe: {  	[sflag:s21] =	ssyncset.done $0x0  }
0xbf: {  	s0 =	simm.s32 $0x3710;
	[sflag:s21] =	ssyncadd.s32 $0xFFFFE000  }
0xc0: {  	[spmem:s2] =	stream.indirect.scatter.add.f32 [tilespmem:s19], [sflag:$0x3], $0x8, s0, s8, $0xb8;
	[tilespmem:$0xB620] =	vst v63  }
0xc1: {  	_ =	swait.ge [sflag:s10], $0x2000  }
0xc2: {  	[sflag:s10] =	ssyncset.done $0x0  }
0xc3: {  	s28 =	simm.s32 $0x1400;
	[sflag:s10] =	ssyncadd.s32 $0xFFFFE000  }
0xc4: {  	[tilespmem:s13], [sflag:$0x2] =	stream.indirect.gather [spmem:s3], $0x8, s28, s8, $0xb8;
	[tilespmem:$0xB620] =	vst v63  }
0xc5: {  	_ =	swait.ge [sflag:s16], $0x2000  }
0xc6: {  	[sflag:s16] =	ssyncset.done $0x0  }
0xc7: {  	s1 =	simm.s32 $0x3B10;
	[sflag:s16] =	ssyncadd.s32 $0xFFFFE000  }
0xc8: {  	[spmem:s2] =	stream.indirect.scatter.add.f32 [tilespmem:s13], [sflag:$0x4], $0x8, s1, s8, $0xb8;
	[tilespmem:$0xB620] =	vst v63  }
0xc9: {  	_ =	swait.ge [sflag:s12], $0x2000  }
0xca: {  	[sflag:s12] =	ssyncset.done $0x0  }
0xcb: {  	s26 =	simm.s32 $0x1800;
	[sflag:s12] =	ssyncadd.s32 $0xFFFFE000  }
0xcc: {  	[tilespmem:s19], [sflag:$0x1] =	stream.indirect.gather [spmem:s3], $0x8, s26, s8, $0xb8;
	[tilespmem:$0xB620] =	vst v63  }
0xcd: {  	_ =	swait.ge [sflag:s21], $0x2000  }
0xce: {  	[sflag:s21] =	ssyncset.done $0x0  }
0xcf: {  	s5 =	simm.s32 $0x3F10;
	[sflag:s21] =	ssyncadd.s32 $0xFFFFE000  }
0xd0: {  	[spmem:s2] =	stream.indirect.scatter.add.f32 [tilespmem:s19], [sflag:$0x3], $0x8, s5, s8, $0xb8;
	[tilespmem:$0xB620] =	vst v63  }
0xd1: {  	_ =	swait.ge [sflag:s10], $0x2000  }
0xd2: {  	[sflag:s10] =	ssyncset.done $0x0  }
0xd3: {  	s6 =	simm.s32 $0x1C00;
	[sflag:s10] =	ssyncadd.s32 $0xFFFFE000  }
0xd4: {  	[tilespmem:s13], [sflag:$0x2] =	stream.indirect.gather [spmem:s3], $0x8, s6, s8, $0xb8;
	[tilespmem:$0xB620] =	vst v63  }
0xd5: {  	s6 =	rddreg [dreg:$0x1f];
	_ =	swait.ge [sflag:s16], $0x2000  }
0xd6: {  	[sflag:s16] =	ssyncset.done $0x0  }
0xd7: {  	[sflag:s16] =	ssyncadd.s32 $0xFFFFE000  }
0xd8: {  	[spmem:s2] =	stream.indirect.scatter.add.f32 [tilespmem:s13], [sflag:$0x4], $0x8, s24, s8, $0xb8;
	[tilespmem:$0xB620] =	vst v63  }
0xd9: {  	_ =	swait.ge [sflag:s12], $0x2000  }
0xda: {  	[sflag:s12] =	ssyncset.done $0x0  }
0xdb: {  	[sflag:s12] =	ssyncadd.s32 $0xFFFFE000  }
0xdc: {  	[tilespmem:s19], [sflag:$0x1] =	stream.indirect.gather [spmem:s3], $0x8, s31, s8, $0xb8;
	[tilespmem:$0xB620] =	vst v63  }
0xdd: {  	_ =	swait.ge [sflag:s21], $0x2000  }
0xde: {  	[sflag:s21] =	ssyncset.done $0x0  }
0xdf: {  	s18 =	simm.s32 $0x4710;
	[sflag:s21] =	ssyncadd.s32 $0xFFFFE000  }
0xe0: {  	[spmem:s2] =	stream.indirect.scatter.add.f32 [tilespmem:s19], [sflag:$0x3], $0x8, s18, s8, $0xb8;
	[tilespmem:$0xB620] =	vst v63  }
0xe1: {  	_ =	swait.ge [sflag:s10], $0x2000  }
0xe2: {  	[sflag:s10] =	ssyncset.done $0x0  }
0xe3: {  	[sflag:s10] =	ssyncadd.s32 $0xFFFFE000  }
0xe4: {  	[tilespmem:s13], [sflag:$0x2] =	stream.indirect.gather [spmem:s3], $0x8, s30, s23, $0xb8;
	[tilespmem:$0xB620] =	vst v63  }
0xe5: {  	_ =	swait.ge [sflag:s16], $0x1880  }
0xe6: {  	[sflag:s16] =	ssyncset.done $0x0  }
0xe7: {  	[sflag:s16] =	ssyncadd.s32 $0xFFFFE780  }
0xe8: {  	[spmem:s2] =	stream.indirect.scatter.add.f32 [tilespmem:s13], [sflag:$0x4], $0x8, s25, s23, $0xb8;
	[tilespmem:$0xB620] =	vst v63  }
0xe9: {  	_ =	swait.ge [sflag:s12], $0x2000  }
0xea: {  	[sflag:s12] =	ssyncset.done $0x0  }
0xeb: {  	[sflag:s12] =	ssyncadd.s32 $0xFFFFE000  }
0xec: {  	_ =	swait.ge [sflag:s10], $0x1880  }
0xed: {  	p1 =	sne.s32 s20, $0x1;
	[sflag:s10] =	ssyncset.done $0x0  }
.Ltmp1:
0xee: {  	[sflag:s10] =	ssyncadd.s32 $0xFFFFE780;
	(pc) =	sbr.rel @!p1 .LBB2_6-.Ltmp1, $4  }
0xef: {  	[bflag:$0x0] =	sbarrier.arrive $0xFFFF  }
0xf0: {  	s5 =	simm.s32 $0x6;
	s31 =	rddreg [dreg:$0x1b]  }
0xf1: {  	[hbm:s31], [sflag:s4] =	dma.local [spmem:s6], $0x280  }
0xf2: {  	p0 =	por $0x1, $0x1;
	s15 =	sadd.s32 $0xFFFFFFFF, s20;
	_ =	swait.ge [sflag:s5], $0x280  }
0xf3: {  	s28 =	simm.s32 $0x2710;
	s26 =	simm.s32 $0x2B10;
	s25 =	simm.s32 $0x800  }
0xf4: {  	s14 =	simm.s32 $0xC00;
	s9 =	simm.s32 $0x3310;
	s31 =	simm.s32 $0x1000  }
0xf5: {  	s0 =	simm.s32 $0x3710;
	s29 =	simm.s32 $0x1400;
	s1 =	simm.s32 $0x3B10  }
0xf6: {  	s30 =	simm.s32 $0x1800;
	s24 =	simm.s32 $0x4310;
	s22 =	simm.s32 $0x2000  }
.LBB2_3:
0xf7: {  	[sflag:s5] =	ssyncset.done $0x0  }
0xf8: {  	s17 =	rddreg [dreg:$0x5];
	[sflag:s5] =	ssyncadd.s32 $0xFFFFFD80  }
0xf9: {  	[spmem:s6], [sflag:s4] =	dma.local [hbm:s17], $0x280  }
0xfa: {  	_ =	swait.ge [sflag:s5], $0x280  }
0xfb: {  	s4 =	rddreg [dreg:$0x6]  }
0xfc: {  	[sflag:s5] =	ssyncset.done $0x0;
	s18 =	rddreg [dreg:$0x1c]  }
0xfd: {  	s20 =	rddreg [dreg:$0x1d];
	[sflag:s5] =	ssyncadd.s32 $0xFFFFFD80  }
0xfe: {  	[spmem:s18], [sflag:s20] =	dma.local [hbm:s4], $0x280  }
0xff: {  	s17 =	rddreg [dreg:$0x7]  }
0x100: {  	[tilespmem:s7], [sflag:$0x5] =	stream.linear.gather [hbm4b:s17+s7], $0x400, $0x38;
	[tilespmem:$0xB620] =	vst v63  }
0x101: {  	s18 =	rddreg [dreg:$0x8]  }
0x102: {  	[tilespmem:s28], [sflag:$0x5] =	stream.linear.gather [hbm4b:s18+s7], $0x400, $0x38;
	[tilespmem:$0xB620] =	vst v63  }
0x103: {  	s20 =	rddreg [dreg:$0x9]  }
0x104: {  	[tilespmem:s8], [sflag:$0x5] =	stream.linear.gather [hbm4b:s20+s7], $0x400, $0x38;
	[tilespmem:$0xB620] =	vst v63  }
0x105: {  	s5 =	rddreg [dreg:$0xa]  }
0x106: {  	[tilespmem:s26], [sflag:$0x5] =	stream.linear.gather [hbm4b:s5+s7], $0x400, $0x38;
	[tilespmem:$0xB620] =	vst v63  }
0x107: {  	s6 =	rddreg [dreg:$0xb]  }
0x108: {  	[tilespmem:s25], [sflag:$0x5] =	stream.linear.gather [hbm4b:s6+s7], $0x400, $0x38;
	[tilespmem:$0xB620] =	vst v63  }
0x109: {  	s4 =	simm.s32 $0x2F10;
	s23 =	rddreg [dreg:$0xc]  }
0x10a: {  	[tilespmem:s4], [sflag:$0x5] =	stream.linear.gather [hbm4b:s23+s7], $0x400, $0x38;
	[tilespmem:$0xB620] =	vst v63  }
0x10b: {  	s5 =	rddreg [dreg:$0xd]  }
0x10c: {  	[tilespmem:s14], [sflag:$0x5] =	stream.linear.gather [hbm4b:s5+s7], $0x400, $0x38;
	[tilespmem:$0xB620] =	vst v63  }
0x10d: {  	s6 =	rddreg [dreg:$0xe]  }
0x10e: {  	[tilespmem:s9], [sflag:$0x5] =	stream.linear.gather [hbm4b:s6+s7], $0x400, $0x38;
	[tilespmem:$0xB620] =	vst v63  }
0x10f: {  	s23 =	rddreg [dreg:$0xf]  }
0x110: {  	[tilespmem:s31], [sflag:$0x5] =	stream.linear.gather [hbm4b:s23+s7], $0x400, $0x38;
	[tilespmem:$0xB620] =	vst v63  }
0x111: {  	s5 =	rddreg [dreg:$0x10]  }
0x112: {  	[tilespmem:s0], [sflag:$0x5] =	stream.linear.gather [hbm4b:s5+s7], $0x400, $0x38;
	[tilespmem:$0xB620] =	vst v63  }
0x113: {  	s6 =	rddreg [dreg:$0x11]  }
0x114: {  	[tilespmem:s29], [sflag:$0x5] =	stream.linear.gather [hbm4b:s6+s7], $0x400, $0x38;
	[tilespmem:$0xB620] =	vst v63  }
0x115: {  	s23 =	rddreg [dreg:$0x12]  }
0x116: {  	[tilespmem:s1], [sflag:$0x5] =	stream.linear.gather [hbm4b:s23+s7], $0x400, $0x38;
	[tilespmem:$0xB620] =	vst v63  }
0x117: {  	s5 =	rddreg [dreg:$0x13]  }
0x118: {  	[tilespmem:s30], [sflag:$0x5] =	stream.linear.gather [hbm4b:s5+s7], $0x400, $0x38;
	[tilespmem:$0xB620] =	vst v63  }
0x119: {  	s6 =	rddreg [dreg:$0x14];
	s5 =	simm.s32 $0x3F10  }
0x11a: {  	[tilespmem:s5], [sflag:$0x5] =	stream.linear.gather [hbm4b:s6+s7], $0x400, $0x38;
	[tilespmem:$0xB620] =	vst v63  }
0x11b: {  	s20 =	rddreg [dreg:$0x15];
	s6 =	simm.s32 $0x1C00  }
0x11c: {  	[tilespmem:s6], [sflag:$0x5] =	stream.linear.gather [hbm4b:s20+s7], $0x400, $0x38;
	[tilespmem:$0xB620] =	vst v63  }
0x11d: {  	s23 =	rddreg [dreg:$0x16]  }
0x11e: {  	[tilespmem:s24], [sflag:$0x5] =	stream.linear.gather [hbm4b:s23+s7], $0x400, $0x38;
	[tilespmem:$0xB620] =	vst v63  }
0x11f: {  	s18 =	rddreg [dreg:$0x17]  }
0x120: {  	[tilespmem:s22], [sflag:$0x5] =	stream.linear.gather [hbm4b:s18+s7], $0x400, $0x38;
	[tilespmem:$0xB620] =	vst v63  }
0x121: {  	s20 =	rddreg [dreg:$0x18];
	s23 =	simm.s32 $0x4710  }
0x122: {  	[tilespmem:s23], [sflag:$0x5] =	stream.linear.gather [hbm4b:s20+s7], $0x400, $0x38;
	[tilespmem:$0xB620] =	vst v63  }
0x123: {  	s17 =	rddreg [dreg:$0x19];
	s20 =	simm.s32 $0x2400  }
0x124: {  	[tilespmem:s20], [sflag:$0x5] =	stream.linear.gather [hbm4b:s17+s7], $0x310, $0x38;
	[tilespmem:$0xB620] =	vst v63  }
0x125: {  	s18 =	rddreg [dreg:$0x1a];
	s17 =	simm.s32 $0x4B10  }
0x126: {  	[tilespmem:s17], [sflag:$0x5] =	stream.linear.gather [hbm4b:s18+s7], $0x310, $0x38;
	[tilespmem:$0xB620] =	vst v63  }
0x127: {  	_ =	swait.ge [sflag:s11], $0x400  }
0x128: {  	[sflag:s11] =	ssyncset.done $0x0  }
0x129: {  	[sflag:s11] =	ssyncadd.s32 $0xFFFFFC00  }
0x12a: {  	_ =	swait.ge [sflag:s11], $0x400  }
0x12b: {  	[sflag:s11] =	ssyncset.done $0x0  }
0x12c: {  	[sflag:s11] =	ssyncadd.s32 $0xFFFFFC00  }
0x12d: {  	_ =	swait.ge [sflag:s11], $0x400  }
0x12e: {  	[sflag:s11] =	ssyncset.done $0x0  }
0x12f: {  	[sflag:s11] =	ssyncadd.s32 $0xFFFFFC00  }
0x130: {  	_ =	swait.ge [sflag:s11], $0x400  }
0x131: {  	[sflag:s11] =	ssyncset.done $0x0  }
0x132: {  	[sflag:s11] =	ssyncadd.s32 $0xFFFFFC00  }
0x133: {  	_ =	swait.ge [sflag:s11], $0x400  }
0x134: {  	[sflag:s11] =	ssyncset.done $0x0  }
0x135: {  	[sflag:s11] =	ssyncadd.s32 $0xFFFFFC00  }
0x136: {  	_ =	swait.ge [sflag:s11], $0x400  }
0x137: {  	[sflag:s11] =	ssyncset.done $0x0  }
0x138: {  	[sflag:s11] =	ssyncadd.s32 $0xFFFFFC00  }
0x139: {  	_ =	swait.ge [sflag:s11], $0x400  }
0x13a: {  	[sflag:s11] =	ssyncset.done $0x0  }
0x13b: {  	[sflag:s11] =	ssyncadd.s32 $0xFFFFFC00  }
0x13c: {  	_ =	swait.ge [sflag:s11], $0x400  }
0x13d: {  	[sflag:s11] =	ssyncset.done $0x0  }
0x13e: {  	[sflag:s11] =	ssyncadd.s32 $0xFFFFFC00  }
0x13f: {  	_ =	swait.ge [sflag:s11], $0x400  }
0x140: {  	[sflag:s11] =	ssyncset.done $0x0  }
0x141: {  	[sflag:s11] =	ssyncadd.s32 $0xFFFFFC00  }
0x142: {  	_ =	swait.ge [sflag:s11], $0x400  }
0x143: {  	[sflag:s11] =	ssyncset.done $0x0  }
0x144: {  	[sflag:s11] =	ssyncadd.s32 $0xFFFFFC00  }
0x145: {  	_ =	swait.ge [sflag:s11], $0x400  }
0x146: {  	[sflag:s11] =	ssyncset.done $0x0  }
0x147: {  	[sflag:s11] =	ssyncadd.s32 $0xFFFFFC00  }
0x148: {  	_ =	swait.ge [sflag:s11], $0x400  }
0x149: {  	[sflag:s11] =	ssyncset.done $0x0  }
0x14a: {  	[sflag:s11] =	ssyncadd.s32 $0xFFFFFC00  }
0x14b: {  	_ =	swait.ge [sflag:s11], $0x400  }
0x14c: {  	[sflag:s11] =	ssyncset.done $0x0  }
0x14d: {  	[sflag:s11] =	ssyncadd.s32 $0xFFFFFC00  }
0x14e: {  	_ =	swait.ge [sflag:s11], $0x400  }
0x14f: {  	[sflag:s11] =	ssyncset.done $0x0  }
0x150: {  	[sflag:s11] =	ssyncadd.s32 $0xFFFFFC00  }
0x151: {  	_ =	swait.ge [sflag:s11], $0x400  }
0x152: {  	[sflag:s11] =	ssyncset.done $0x0  }
0x153: {  	[sflag:s11] =	ssyncadd.s32 $0xFFFFFC00  }
0x154: {  	_ =	swait.ge [sflag:s11], $0x400  }
0x155: {  	[sflag:s11] =	ssyncset.done $0x0  }
0x156: {  	[sflag:s11] =	ssyncadd.s32 $0xFFFFFC00  }
0x157: {  	_ =	swait.ge [sflag:s11], $0x400  }
0x158: {  	[sflag:s11] =	ssyncset.done $0x0  }
0x159: {  	[sflag:s11] =	ssyncadd.s32 $0xFFFFFC00  }
0x15a: {  	_ =	swait.ge [sflag:s11], $0x400  }
0x15b: {  	[sflag:s11] =	ssyncset.done $0x0  }
0x15c: {  	[sflag:s11] =	ssyncadd.s32 $0xFFFFFC00  }
0x15d: {  	_ =	swait.ge [sflag:s11], $0x310  }
0x15e: {  	[sflag:s11] =	ssyncset.done $0x0  }
0x15f: {  	[sflag:s11] =	ssyncadd.s32 $0xFFFFFCF0  }
0x160: {  	_ =	swait.ge [sflag:s11], $0x310  }
0x161: {  	[sflag:s11] =	ssyncset.done $0x0  }
0x162: {  	[sflag:s11] =	ssyncadd.s32 $0xFFFFFCF0  }
0x163: {  	_ =	swait.ge [sflag:s11], $0x280  }
0x164: {  	[sflag:s11] =	ssyncset.done $0x0  }
0x165: {  	[sflag:s11] =	ssyncadd.s32 $0xFFFFFD80  }
0x166: {  	[bflag:$0x0] =	sbarrier.arrive $0xFFFF  }
0x167: {  	[tilespmem:s19], [sflag:$0x1] =	stream.indirect.gather [spmem:s3], $0x8, s7, s8, $0xb8;
	[tilespmem:$0xB620] =	vst v63  }
0x168: {  	_ =	swait.ge [sflag:s21], $0x2000  }
0x169: {  	[sflag:s21] =	ssyncset.done $0x0  }
0x16a: {  	[sflag:s21] =	ssyncadd.s32 $0xFFFFE000  }
0x16b: {  	[spmem:s2] =	stream.indirect.scatter.add.f32 [tilespmem:s19], [sflag:$0x3], $0x8, s28, s8, $0xb8;
	[tilespmem:$0xB620] =	vst v63  }
0x16c: {  	_ = 	snop  }
0x16d: {  	[tilespmem:s13], [sflag:$0x2] =	stream.indirect.gather [spmem:s3], $0x8, s8, s8, $0xb8;
	[tilespmem:$0xB620] =	vst v63  }
0x16e: {  	_ =	swait.ge [sflag:s16], $0x2000  }
0x16f: {  	[sflag:s16] =	ssyncset.done $0x0  }
0x170: {  	[sflag:s16] =	ssyncadd.s32 $0xFFFFE000  }
0x171: {  	[spmem:s2] =	stream.indirect.scatter.add.f32 [tilespmem:s13], [sflag:$0x4], $0x8, s26, s8, $0xb8;
	[tilespmem:$0xB620] =	vst v63  }
0x172: {  	_ =	swait.ge [sflag:s12], $0x2000  }
0x173: {  	[sflag:s12] =	ssyncset.done $0x0  }
0x174: {  	[sflag:s12] =	ssyncadd.s32 $0xFFFFE000  }
0x175: {  	[tilespmem:s19], [sflag:$0x1] =	stream.indirect.gather [spmem:s3], $0x8, s25, s8, $0xb8;
	[tilespmem:$0xB620] =	vst v63  }
0x176: {  	_ =	swait.ge [sflag:s21], $0x2000  }
0x177: {  	[sflag:s21] =	ssyncset.done $0x0  }
0x178: {  	[sflag:s21] =	ssyncadd.s32 $0xFFFFE000  }
0x179: {  	[spmem:s2] =	stream.indirect.scatter.add.f32 [tilespmem:s19], [sflag:$0x3], $0x8, s4, s8, $0xb8;
	[tilespmem:$0xB620] =	vst v63  }
0x17a: {  	s4 =	rddreg [dreg:$0x1e];
	_ =	swait.ge [sflag:s10], $0x2000  }
0x17b: {  	[sflag:s10] =	ssyncset.done $0x0  }
0x17c: {  	[sflag:s10] =	ssyncadd.s32 $0xFFFFE000  }
0x17d: {  	[tilespmem:s13], [sflag:$0x2] =	stream.indirect.gather [spmem:s3], $0x8, s14, s8, $0xb8;
	[tilespmem:$0xB620] =	vst v63  }
0x17e: {  	_ =	swait.ge [sflag:s16], $0x2000  }
0x17f: {  	[sflag:s16] =	ssyncset.done $0x0  }
0x180: {  	[sflag:s16] =	ssyncadd.s32 $0xFFFFE000  }
0x181: {  	[spmem:s2] =	stream.indirect.scatter.add.f32 [tilespmem:s13], [sflag:$0x4], $0x8, s9, s8, $0xb8;
	[tilespmem:$0xB620] =	vst v63  }
0x182: {  	_ =	swait.ge [sflag:s12], $0x2000  }
0x183: {  	[sflag:s12] =	ssyncset.done $0x0  }
0x184: {  	[sflag:s12] =	ssyncadd.s32 $0xFFFFE000  }
0x185: {  	[tilespmem:s19], [sflag:$0x1] =	stream.indirect.gather [spmem:s3], $0x8, s31, s8, $0xb8;
	[tilespmem:$0xB620] =	vst v63  }
0x186: {  	_ =	swait.ge [sflag:s21], $0x2000  }
0x187: {  	[sflag:s21] =	ssyncset.done $0x0  }
0x188: {  	[sflag:s21] =	ssyncadd.s32 $0xFFFFE000  }
0x189: {  	[spmem:s2] =	stream.indirect.scatter.add.f32 [tilespmem:s19], [sflag:$0x3], $0x8, s0, s8, $0xb8;
	[tilespmem:$0xB620] =	vst v63  }
0x18a: {  	_ =	swait.ge [sflag:s10], $0x2000  }
0x18b: {  	[sflag:s10] =	ssyncset.done $0x0  }
0x18c: {  	[sflag:s10] =	ssyncadd.s32 $0xFFFFE000  }
0x18d: {  	[tilespmem:s13], [sflag:$0x2] =	stream.indirect.gather [spmem:s3], $0x8, s29, s8, $0xb8;
	[tilespmem:$0xB620] =	vst v63  }
0x18e: {  	_ =	swait.ge [sflag:s16], $0x2000  }
0x18f: {  	[sflag:s16] =	ssyncset.done $0x0  }
0x190: {  	[sflag:s16] =	ssyncadd.s32 $0xFFFFE000  }
0x191: {  	[spmem:s2] =	stream.indirect.scatter.add.f32 [tilespmem:s13], [sflag:$0x4], $0x8, s1, s8, $0xb8;
	[tilespmem:$0xB620] =	vst v63  }
0x192: {  	_ =	swait.ge [sflag:s12], $0x2000  }
0x193: {  	[sflag:s12] =	ssyncset.done $0x0  }
0x194: {  	[sflag:s12] =	ssyncadd.s32 $0xFFFFE000  }
0x195: {  	[tilespmem:s19], [sflag:$0x1] =	stream.indirect.gather [spmem:s3], $0x8, s30, s8, $0xb8;
	[tilespmem:$0xB620] =	vst v63  }
0x196: {  	_ =	swait.ge [sflag:s21], $0x2000  }
0x197: {  	[sflag:s21] =	ssyncset.done $0x0  }
0x198: {  	[sflag:s21] =	ssyncadd.s32 $0xFFFFE000  }
0x199: {  	[spmem:s2] =	stream.indirect.scatter.add.f32 [tilespmem:s19], [sflag:$0x3], $0x8, s5, s8, $0xb8;
	[tilespmem:$0xB620] =	vst v63  }
0x19a: {  	_ =	swait.ge [sflag:s10], $0x2000  }
0x19b: {  	[sflag:s10] =	ssyncset.done $0x0  }
0x19c: {  	[sflag:s10] =	ssyncadd.s32 $0xFFFFE000  }
0x19d: {  	[tilespmem:s13], [sflag:$0x2] =	stream.indirect.gather [spmem:s3], $0x8, s6, s8, $0xb8;
	[tilespmem:$0xB620] =	vst v63  }
0x19e: {  	s6 =	rddreg [dreg:$0x1f];
	_ =	swait.ge [sflag:s16], $0x2000  }
0x19f: {  	[sflag:s16] =	ssyncset.done $0x0  }
0x1a0: {  	[sflag:s16] =	ssyncadd.s32 $0xFFFFE000  }
0x1a1: {  	[spmem:s2] =	stream.indirect.scatter.add.f32 [tilespmem:s13], [sflag:$0x4], $0x8, s24, s8, $0xb8;
	[tilespmem:$0xB620] =	vst v63  }
0x1a2: {  	_ =	swait.ge [sflag:s12], $0x2000  }
0x1a3: {  	[sflag:s12] =	ssyncset.done $0x0  }
0x1a4: {  	[sflag:s12] =	ssyncadd.s32 $0xFFFFE000  }
0x1a5: {  	[tilespmem:s19], [sflag:$0x1] =	stream.indirect.gather [spmem:s3], $0x8, s22, s8, $0xb8;
	[tilespmem:$0xB620] =	vst v63  }
0x1a6: {  	_ =	swait.ge [sflag:s21], $0x2000  }
0x1a7: {  	[sflag:s21] =	ssyncset.done $0x0  }
0x1a8: {  	s18 =	simm.s32 $0x4710;
	[sflag:s21] =	ssyncadd.s32 $0xFFFFE000  }
0x1a9: {  	[spmem:s2] =	stream.indirect.scatter.add.f32 [tilespmem:s19], [sflag:$0x3], $0x8, s18, s8, $0xb8;
	[tilespmem:$0xB620] =	vst v63  }
0x1aa: {  	_ =	swait.ge [sflag:s10], $0x2000  }
0x1ab: {  	[sflag:s10] =	ssyncset.done $0x0  }
0x1ac: {  	s23 =	simm.s32 $0x310;
	[sflag:s10] =	ssyncadd.s32 $0xFFFFE000  }
0x1ad: {  	[tilespmem:s13], [sflag:$0x2] =	stream.indirect.gather [spmem:s3], $0x8, s20, s23, $0xb8;
	[tilespmem:$0xB620] =	vst v63  }
0x1ae: {  	_ =	swait.ge [sflag:s16], $0x1880  }
0x1af: {  	[sflag:s16] =	ssyncset.done $0x0  }
0x1b0: {  	[sflag:s16] =	ssyncadd.s32 $0xFFFFE780  }
0x1b1: {  	[spmem:s2] =	stream.indirect.scatter.add.f32 [tilespmem:s13], [sflag:$0x4], $0x8, s17, s23, $0xb8;
	[tilespmem:$0xB620] =	vst v63  }
0x1b2: {  	_ =	swait.ge [sflag:s12], $0x2000  }
0x1b3: {  	[sflag:s12] =	ssyncset.done $0x0  }
0x1b4: {  	[sflag:s12] =	ssyncadd.s32 $0xFFFFE000  }
0x1b5: {  	_ =	swait.ge [sflag:s10], $0x1880  }
0x1b6: {  	p1 =	sne.s32 s15, $0x1;
	[sflag:s10] =	ssyncset.done $0x0  }
.Ltmp2:
0x1b7: {  	[sflag:s10] =	ssyncadd.s32 $0xFFFFE780;
	(pc) =	sbr.rel @p1 .LBB2_3-.Ltmp2, $4  }
0x1b8: {  	[bflag:$0x0] =	sbarrier.arrive $0xFFFF  }
0x1b9: {  	s5 =	simm.s32 $0x6;
	s20 =	rddreg [dreg:$0x1b]  }
0x1ba: {  	[hbm:s20], [sflag:s4] =	dma.local [spmem:s6], $0x280  }
0x1bb: {  	s15 =	sadd.s32 $0xFFFFFFFF, s15;
	_ =	swait.ge [sflag:s5], $0x280  }
0x1bc: {  	s18 =	stileid.u32;
	s20 =	rddreg [dreg:$0x4]  }
0x1bd: {  	s24 =	simm.s32 $0x1C00;
	s25 =	simm.s32 $0x3F10;
	s26 =	simm.s32 $0x1800  }
0x1be: {  	s28 =	simm.s32 $0x3B10;
	s29 =	simm.s32 $0x1400;
	s30 =	simm.s32 $0x3710  }
0x1bf: {  	s1 =	simm.s32 $0x1000;
	s0 =	simm.s32 $0x3310;
	s9 =	simm.s32 $0xC00  }
0x1c0: {  	s31 =	simm.s32 $0x2F10;
	s22 =	simm.s32 $0x2B10;
	s17 =	sld [smem:$0x7FB]  }
.LBB2_5:
0x1c1: {  	[sflag:s5] =	ssyncset.done @p0 $0x0  }
0x1c2: {  	s14 =	rddreg [dreg:$0x5];
	[sflag:s5] =	ssyncadd.s32 @p0 $0xFFFFFD80  }
0x1c3: {  	[spmem:s6], [sflag:s4] =	dma.local [hbm:s14], $0x280  }
0x1c4: {  	_ =	swait.ge [sflag:s5], $0x280  }
0x1c5: {  	s14 =	rddreg [dreg:$0x6];
	[sflag:s5] =	ssyncset.done $0x0  }
0x1c6: {  	s17 =	sor.u32 $0x1C05, s17;
	s15 =	rddreg [dreg:$0x1c];
	[sflag:s5] =	ssyncadd.s32 $0xFFFFFD80  }
0x1c7: {  	[spmem:s15], [sflag:s17] =	dma.local [hbm:s14], $0x280  }
0x1c8: {  	s14 =	rddreg [dreg:$0x7]  }
0x1c9: {  	[tilespmem:s7], [sflag:$0x5] =	stream.linear.gather [hbm4b:s14+s7], $0x400, $0x38;
	[tilespmem:$0xB620] =	vst v63  }
0x1ca: {  	s17 =	simm.s32 $0x2710;
	s15 =	rddreg [dreg:$0x8]  }
0x1cb: {  	[tilespmem:s17], [sflag:$0x5] =	stream.linear.gather [hbm4b:s15+s7], $0x400, $0x38;
	[tilespmem:$0xB620] =	vst v63  }
0x1cc: {  	s14 =	rddreg [dreg:$0x9]  }
0x1cd: {  	[tilespmem:s8], [sflag:$0x5] =	stream.linear.gather [hbm4b:s14+s7], $0x400, $0x38;
	[tilespmem:$0xB620] =	vst v63  }
0x1ce: {  	s15 =	rddreg [dreg:$0xa]  }
0x1cf: {  	[tilespmem:s22], [sflag:$0x5] =	stream.linear.gather [hbm4b:s15+s7], $0x400, $0x38;
	[tilespmem:$0xB620] =	vst v63  }
0x1d0: {  	s14 =	rddreg [dreg:$0xb];
	s22 =	simm.s32 $0x800  }
0x1d1: {  	[tilespmem:s22], [sflag:$0x5] =	stream.linear.gather [hbm4b:s14+s7], $0x400, $0x38;
	[tilespmem:$0xB620] =	vst v63  }
0x1d2: {  	s15 =	rddreg [dreg:$0xc]  }
0x1d3: {  	[tilespmem:s31], [sflag:$0x5] =	stream.linear.gather [hbm4b:s15+s7], $0x400, $0x38;
	[tilespmem:$0xB620] =	vst v63  }
0x1d4: {  	s14 =	rddreg [dreg:$0xd]  }
0x1d5: {  	[tilespmem:s9], [sflag:$0x5] =	stream.linear.gather [hbm4b:s14+s7], $0x400, $0x38;
	[tilespmem:$0xB620] =	vst v63  }
0x1d6: {  	s15 =	rddreg [dreg:$0xe]  }
0x1d7: {  	[tilespmem:s0], [sflag:$0x5] =	stream.linear.gather [hbm4b:s15+s7], $0x400, $0x38;
	[tilespmem:$0xB620] =	vst v63  }
0x1d8: {  	s31 =	rddreg [dreg:$0xf]  }
0x1d9: {  	[tilespmem:s1], [sflag:$0x5] =	stream.linear.gather [hbm4b:s31+s7], $0x400, $0x38;
	[tilespmem:$0xB620] =	vst v63  }
0x1da: {  	s0 =	rddreg [dreg:$0x10]  }
0x1db: {  	[tilespmem:s30], [sflag:$0x5] =	stream.linear.gather [hbm4b:s0+s7], $0x400, $0x38;
	[tilespmem:$0xB620] =	vst v63  }
0x1dc: {  	s9 =	rddreg [dreg:$0x11]  }
0x1dd: {  	[tilespmem:s29], [sflag:$0x5] =	stream.linear.gather [hbm4b:s9+s7], $0x400, $0x38;
	[tilespmem:$0xB620] =	vst v63  }
0x1de: {  	s30 =	rddreg [dreg:$0x12]  }
0x1df: {  	[tilespmem:s28], [sflag:$0x5] =	stream.linear.gather [hbm4b:s30+s7], $0x400, $0x38;
	[tilespmem:$0xB620] =	vst v63  }
0x1e0: {  	s31 =	rddreg [dreg:$0x13]  }
0x1e1: {  	[tilespmem:s26], [sflag:$0x5] =	stream.linear.gather [hbm4b:s31+s7], $0x400, $0x38;
	[tilespmem:$0xB620] =	vst v63  }
0x1e2: {  	s0 =	rddreg [dreg:$0x14]  }
0x1e3: {  	[tilespmem:s25], [sflag:$0x5] =	stream.linear.gather [hbm4b:s0+s7], $0x400, $0x38;
	[tilespmem:$0xB620] =	vst v63  }
0x1e4: {  	s1 =	rddreg [dreg:$0x15]  }
0x1e5: {  	[tilespmem:s24], [sflag:$0x5] =	stream.linear.gather [hbm4b:s1+s7], $0x400, $0x38;
	[tilespmem:$0xB620] =	vst v63  }
0x1e6: {  	s9 =	rddreg [dreg:$0x16];
	s24 =	simm.s32 $0x4310  }
0x1e7: {  	[tilespmem:s24], [sflag:$0x5] =	stream.linear.gather [hbm4b:s9+s7], $0x400, $0x38;
	[tilespmem:$0xB620] =	vst v63  }
0x1e8: {  	s14 =	rddreg [dreg:$0x17];
	s1 =	simm.s32 $0x2000  }
0x1e9: {  	[tilespmem:s1], [sflag:$0x5] =	stream.linear.gather [hbm4b:s14+s7], $0x400, $0x38;
	[tilespmem:$0xB620] =	vst v63  }
0x1ea: {  	s15 =	rddreg [dreg:$0x18];
	s9 =	simm.s32 $0x4710  }
0x1eb: {  	[tilespmem:s9], [sflag:$0x5] =	stream.linear.gather [hbm4b:s15+s7], $0x400, $0x38;
	[tilespmem:$0xB620] =	vst v63  }
0x1ec: {  	s14 =	rddreg [dreg:$0x19];
	s9 =	simm.s32 $0x2400  }
0x1ed: {  	[tilespmem:s9], [sflag:$0x5] =	stream.linear.gather [hbm4b:s14+s7], $0x310, $0x38;
	[tilespmem:$0xB620] =	vst v63  }
0x1ee: {  	s15 =	rddreg [dreg:$0x1a];
	s14 =	simm.s32 $0x4B10  }
0x1ef: {  	[tilespmem:s14], [sflag:$0x5] =	stream.linear.gather [hbm4b:s15+s7], $0x310, $0x38;
	[tilespmem:$0xB620] =	vst v63  }
0x1f0: {  	_ =	swait.ge [sflag:s11], $0x400  }
0x1f1: {  	[sflag:s11] =	ssyncset.done $0x0  }
0x1f2: {  	[sflag:s11] =	ssyncadd.s32 $0xFFFFFC00  }
0x1f3: {  	_ =	swait.ge [sflag:s11], $0x400  }
0x1f4: {  	[sflag:s11] =	ssyncset.done $0x0  }
0x1f5: {  	[sflag:s11] =	ssyncadd.s32 $0xFFFFFC00  }
0x1f6: {  	_ =	swait.ge [sflag:s11], $0x400  }
0x1f7: {  	[sflag:s11] =	ssyncset.done $0x0  }
0x1f8: {  	[sflag:s11] =	ssyncadd.s32 $0xFFFFFC00  }
0x1f9: {  	_ =	swait.ge [sflag:s11], $0x400  }
0x1fa: {  	[sflag:s11] =	ssyncset.done $0x0  }
0x1fb: {  	[sflag:s11] =	ssyncadd.s32 $0xFFFFFC00  }
0x1fc: {  	_ =	swait.ge [sflag:s11], $0x400  }
0x1fd: {  	[sflag:s11] =	ssyncset.done $0x0  }
0x1fe: {  	[sflag:s11] =	ssyncadd.s32 $0xFFFFFC00  }
0x1ff: {  	_ =	swait.ge [sflag:s11], $0x400  }
0x200: {  	[sflag:s11] =	ssyncset.done $0x0  }
0x201: {  	[sflag:s11] =	ssyncadd.s32 $0xFFFFFC00  }
0x202: {  	_ =	swait.ge [sflag:s11], $0x400  }
0x203: {  	[sflag:s11] =	ssyncset.done $0x0  }
0x204: {  	[sflag:s11] =	ssyncadd.s32 $0xFFFFFC00  }
0x205: {  	_ =	swait.ge [sflag:s11], $0x400  }
0x206: {  	[sflag:s11] =	ssyncset.done $0x0  }
0x207: {  	[sflag:s11] =	ssyncadd.s32 $0xFFFFFC00  }
0x208: {  	_ =	swait.ge [sflag:s11], $0x400  }
0x209: {  	[sflag:s11] =	ssyncset.done $0x0  }
0x20a: {  	[sflag:s11] =	ssyncadd.s32 $0xFFFFFC00  }
0x20b: {  	_ =	swait.ge [sflag:s11], $0x400  }
0x20c: {  	[sflag:s11] =	ssyncset.done $0x0  }
0x20d: {  	[sflag:s11] =	ssyncadd.s32 $0xFFFFFC00  }
0x20e: {  	_ =	swait.ge [sflag:s11], $0x400  }
0x20f: {  	[sflag:s11] =	ssyncset.done $0x0  }
0x210: {  	[sflag:s11] =	ssyncadd.s32 $0xFFFFFC00  }
0x211: {  	_ =	swait.ge [sflag:s11], $0x400  }
0x212: {  	[sflag:s11] =	ssyncset.done $0x0  }
0x213: {  	[sflag:s11] =	ssyncadd.s32 $0xFFFFFC00  }
0x214: {  	_ =	swait.ge [sflag:s11], $0x400  }
0x215: {  	[sflag:s11] =	ssyncset.done $0x0  }
0x216: {  	[sflag:s11] =	ssyncadd.s32 $0xFFFFFC00  }
0x217: {  	_ =	swait.ge [sflag:s11], $0x400  }
0x218: {  	[sflag:s11] =	ssyncset.done $0x0  }
0x219: {  	[sflag:s11] =	ssyncadd.s32 $0xFFFFFC00  }
0x21a: {  	_ =	swait.ge [sflag:s11], $0x400  }
0x21b: {  	[sflag:s11] =	ssyncset.done $0x0  }
0x21c: {  	[sflag:s11] =	ssyncadd.s32 $0xFFFFFC00  }
0x21d: {  	_ =	swait.ge [sflag:s11], $0x400  }
0x21e: {  	[sflag:s11] =	ssyncset.done $0x0  }
0x21f: {  	[sflag:s11] =	ssyncadd.s32 $0xFFFFFC00  }
0x220: {  	_ =	swait.ge [sflag:s11], $0x400  }
0x221: {  	[sflag:s11] =	ssyncset.done $0x0  }
0x222: {  	[sflag:s11] =	ssyncadd.s32 $0xFFFFFC00  }
0x223: {  	_ =	swait.ge [sflag:s11], $0x400  }
0x224: {  	[sflag:s11] =	ssyncset.done $0x0  }
0x225: {  	[sflag:s11] =	ssyncadd.s32 $0xFFFFFC00  }
0x226: {  	_ =	swait.ge [sflag:s11], $0x310  }
0x227: {  	[sflag:s11] =	ssyncset.done $0x0  }
0x228: {  	[sflag:s11] =	ssyncadd.s32 $0xFFFFFCF0  }
0x229: {  	_ =	swait.ge [sflag:s11], $0x310  }
0x22a: {  	[sflag:s11] =	ssyncset.done $0x0  }
0x22b: {  	[sflag:s11] =	ssyncadd.s32 $0xFFFFFCF0  }
0x22c: {  	_ =	swait.ge [sflag:s11], $0x280  }
0x22d: {  	[sflag:s11] =	ssyncset.done $0x0  }
0x22e: {  	[sflag:s11] =	ssyncadd.s32 $0xFFFFFD80  }
0x22f: {  	[bflag:$0x0] =	sbarrier.arrive $0xFFFF  }
0x230: {  	[tilespmem:s19], [sflag:$0x1] =	stream.indirect.gather [spmem:s3], $0x8, s7, s8, $0xb8;
	[tilespmem:$0xB620] =	vst v63  }
0x231: {  	_ =	swait.ge [sflag:s21], $0x2000  }
0x232: {  	[sflag:s21] =	ssyncset.done $0x0  }
0x233: {  	[sflag:s21] =	ssyncadd.s32 $0xFFFFE000  }
0x234: {  	[spmem:s2] =	stream.indirect.scatter.add.f32 [tilespmem:s19], [sflag:$0x3], $0x8, s17, s8, $0xb8;
	[tilespmem:$0xB620] =	vst v63  }
0x235: {  	_ = 	snop  }
0x236: {  	[tilespmem:s13], [sflag:$0x2] =	stream.indirect.gather [spmem:s3], $0x8, s8, s8, $0xb8;
	[tilespmem:$0xB620] =	vst v63  }
0x237: {  	_ =	swait.ge [sflag:s16], $0x2000  }
0x238: {  	[sflag:s16] =	ssyncset.done $0x0  }
0x239: {  	s0 =	simm.s32 $0x2B10;
	[sflag:s16] =	ssyncadd.s32 $0xFFFFE000  }
0x23a: {  	[spmem:s2] =	stream.indirect.scatter.add.f32 [tilespmem:s13], [sflag:$0x4], $0x8, s0, s8, $0xb8;
	[tilespmem:$0xB620] =	vst v63  }
0x23b: {  	_ =	swait.ge [sflag:s12], $0x2000  }
0x23c: {  	[sflag:s12] =	ssyncset.done $0x0  }
0x23d: {  	[sflag:s12] =	ssyncadd.s32 $0xFFFFE000  }
0x23e: {  	[tilespmem:s19], [sflag:$0x1] =	stream.indirect.gather [spmem:s3], $0x8, s22, s8, $0xb8;
	[tilespmem:$0xB620] =	vst v63  }
0x23f: {  	_ =	swait.ge [sflag:s21], $0x2000  }
0x240: {  	[sflag:s21] =	ssyncset.done $0x0  }
0x241: {  	s25 =	simm.s32 $0x2F10;
	[sflag:s21] =	ssyncadd.s32 $0xFFFFE000  }
0x242: {  	[spmem:s2] =	stream.indirect.scatter.add.f32 [tilespmem:s19], [sflag:$0x3], $0x8, s25, s8, $0xb8;
	[tilespmem:$0xB620] =	vst v63  }
0x243: {  	_ =	swait.ge [sflag:s10], $0x2000  }
0x244: {  	[sflag:s10] =	ssyncset.done $0x0  }
0x245: {  	s26 =	simm.s32 $0xC00;
	[sflag:s10] =	ssyncadd.s32 $0xFFFFE000  }
0x246: {  	[tilespmem:s13], [sflag:$0x2] =	stream.indirect.gather [spmem:s3], $0x8, s26, s8, $0xb8;
	[tilespmem:$0xB620] =	vst v63  }
0x247: {  	_ =	swait.ge [sflag:s16], $0x2000  }
0x248: {  	[sflag:s16] =	ssyncset.done $0x0  }
0x249: {  	s28 =	simm.s32 $0x3310;
	[sflag:s16] =	ssyncadd.s32 $0xFFFFE000  }
0x24a: {  	[spmem:s2] =	stream.indirect.scatter.add.f32 [tilespmem:s13], [sflag:$0x4], $0x8, s28, s8, $0xb8;
	[tilespmem:$0xB620] =	vst v63  }
0x24b: {  	_ =	swait.ge [sflag:s12], $0x2000  }
0x24c: {  	[sflag:s12] =	ssyncset.done $0x0  }
0x24d: {  	s29 =	simm.s32 $0x1000;
	[sflag:s12] =	ssyncadd.s32 $0xFFFFE000  }
0x24e: {  	[tilespmem:s19], [sflag:$0x1] =	stream.indirect.gather [spmem:s3], $0x8, s29, s8, $0xb8;
	[tilespmem:$0xB620] =	vst v63  }
0x24f: {  	_ =	swait.ge [sflag:s21], $0x2000  }
0x250: {  	[sflag:s21] =	ssyncset.done $0x0  }
0x251: {  	s31 =	simm.s32 $0x3710;
	[sflag:s21] =	ssyncadd.s32 $0xFFFFE000  }
0x252: {  	[spmem:s2] =	stream.indirect.scatter.add.f32 [tilespmem:s19], [sflag:$0x3], $0x8, s31, s8, $0xb8;
	[tilespmem:$0xB620] =	vst v63  }
0x253: {  	_ =	swait.ge [sflag:s10], $0x2000  }
0x254: {  	[sflag:s10] =	ssyncset.done $0x0  }
0x255: {  	s30 =	simm.s32 $0x1400;
	[sflag:s10] =	ssyncadd.s32 $0xFFFFE000  }
0x256: {  	[tilespmem:s13], [sflag:$0x2] =	stream.indirect.gather [spmem:s3], $0x8, s30, s8, $0xb8;
	[tilespmem:$0xB620] =	vst v63  }
0x257: {  	_ =	swait.ge [sflag:s16], $0x2000  }
0x258: {  	[sflag:s16] =	ssyncset.done $0x0  }
0x259: {  	s25 =	simm.s32 $0x3B10;
	[sflag:s16] =	ssyncadd.s32 $0xFFFFE000  }
0x25a: {  	[spmem:s2] =	stream.indirect.scatter.add.f32 [tilespmem:s13], [sflag:$0x4], $0x8, s25, s8, $0xb8;
	[tilespmem:$0xB620] =	vst v63  }
0x25b: {  	_ =	swait.ge [sflag:s12], $0x2000  }
0x25c: {  	[sflag:s12] =	ssyncset.done $0x0  }
0x25d: {  	s26 =	simm.s32 $0x1800;
	[sflag:s12] =	ssyncadd.s32 $0xFFFFE000  }
0x25e: {  	[tilespmem:s19], [sflag:$0x1] =	stream.indirect.gather [spmem:s3], $0x8, s26, s8, $0xb8;
	[tilespmem:$0xB620] =	vst v63  }
0x25f: {  	_ =	swait.ge [sflag:s21], $0x2000  }
0x260: {  	[sflag:s21] =	ssyncset.done $0x0  }
0x261: {  	s28 =	simm.s32 $0x3F10;
	[sflag:s21] =	ssyncadd.s32 $0xFFFFE000  }
0x262: {  	[spmem:s2] =	stream.indirect.scatter.add.f32 [tilespmem:s19], [sflag:$0x3], $0x8, s28, s8, $0xb8;
	[tilespmem:$0xB620] =	vst v63  }
0x263: {  	_ =	swait.ge [sflag:s10], $0x2000  }
0x264: {  	[sflag:s10] =	ssyncset.done $0x0  }
0x265: {  	s29 =	simm.s32 $0x1C00;
	[sflag:s10] =	ssyncadd.s32 $0xFFFFE000  }
0x266: {  	[tilespmem:s13], [sflag:$0x2] =	stream.indirect.gather [spmem:s3], $0x8, s29, s8, $0xb8;
	[tilespmem:$0xB620] =	vst v63  }
0x267: {  	_ =	swait.ge [sflag:s16], $0x2000  }
0x268: {  	[sflag:s16] =	ssyncset.done $0x0  }
0x269: {  	[sflag:s16] =	ssyncadd.s32 $0xFFFFE000  }
0x26a: {  	[spmem:s2] =	stream.indirect.scatter.add.f32 [tilespmem:s13], [sflag:$0x4], $0x8, s24, s8, $0xb8;
	[tilespmem:$0xB620] =	vst v63  }
0x26b: {  	_ =	swait.ge [sflag:s12], $0x2000  }
0x26c: {  	[sflag:s12] =	ssyncset.done $0x0  }
0x26d: {  	[sflag:s12] =	ssyncadd.s32 $0xFFFFE000  }
0x26e: {  	[tilespmem:s19], [sflag:$0x1] =	stream.indirect.gather [spmem:s3], $0x8, s1, s8, $0xb8;
	[tilespmem:$0xB620] =	vst v63  }
0x26f: {  	_ =	swait.ge [sflag:s21], $0x2000  }
0x270: {  	[sflag:s21] =	ssyncset.done $0x0  }
0x271: {  	s30 =	simm.s32 $0x4710;
	[sflag:s21] =	ssyncadd.s32 $0xFFFFE000  }
0x272: {  	[spmem:s2] =	stream.indirect.scatter.add.f32 [tilespmem:s19], [sflag:$0x3], $0x8, s30, s8, $0xb8;
	[tilespmem:$0xB620] =	vst v63  }
0x273: {  	_ =	swait.ge [sflag:s10], $0x2000  }
0x274: {  	[sflag:s10] =	ssyncset.done $0x0  }
0x275: {  	[sflag:s10] =	ssyncadd.s32 $0xFFFFE000  }
0x276: {  	[tilespmem:s13], [sflag:$0x2] =	stream.indirect.gather [spmem:s3], $0x8, s9, s23, $0xb8;
	[tilespmem:$0xB620] =	vst v63  }
0x277: {  	_ =	swait.ge [sflag:s16], $0x1880  }
0x278: {  	[sflag:s16] =	ssyncset.done $0x0  }
0x279: {  	[sflag:s16] =	ssyncadd.s32 $0xFFFFE780  }
0x27a: {  	[spmem:s2] =	stream.indirect.scatter.add.f32 [tilespmem:s13], [sflag:$0x4], $0x8, s14, s23, $0xb8;
	[tilespmem:$0xB620] =	vst v63  }
0x27b: {  	_ =	swait.ge [sflag:s12], $0x2000  }
0x27c: {  	[sflag:s12] =	ssyncset.done $0x0  }
0x27d: {  	[sflag:s12] =	ssyncadd.s32 $0xFFFFE000  }
0x27e: {  	_ =	swait.ge [sflag:s10], $0x1880  }
0x27f: {  	[sflag:s10] =	ssyncset.done $0x0  }
0x280: {  	[sflag:s10] =	ssyncadd.s32 $0xFFFFE780  }
0x281: {  	[bflag:$0x0] =	sbarrier.arrive $0xFFFF  }
0x282: {  	s31 =	rddreg [dreg:$0x1b]  }
0x283: {  	[hbm:s31], [sflag:s4] =	dma.local [spmem:s6], $0x280  }
0x284: {  	_ =	swait.ge [sflag:s5], $0x280  }
0x285: {  	[sflag:s5] =	ssyncset.done $0x0  }
0x286: {  	[sflag:s5] =	ssyncadd.s32 $0xFFFFFD80  }
0x287: {  	_ =	sfence.sel $0x180000  }
0x288: {  	[bflag:$0x0] =	sbarrier.arrive $0xFFFF  }
0x289: {  	p0 =	sne.s32 s18, $0x0;
	_ =	strace $0x9000004D  }
0x28a: {  	s0 =	sadd.s32 @!p0 $0x100000, s20;
	[bflag:$0x2] =	sbarrier.arrive $0xFFFF  }
0x28b: {  	[sflag:s0] =	ssyncadd.tile.s32 @!p0 $0x1;
	_ =	shalt  }
.LBB2_6:
0x28c: {  	s18 =	stileid.u32  }
.Ltmp3:
0x28d: {  	s20 =	rddreg [dreg:$0x4];
	(pc) =	sbr.rel .LBB2_5-.Ltmp3, $4  }
0x28e: {  	s24 =	simm.s32 $0x1C00;
	s25 =	simm.s32 $0x3F10;
	s26 =	simm.s32 $0x1800  }
0x28f: {  	s28 =	simm.s32 $0x3B10;
	s29 =	simm.s32 $0x1400;
	s30 =	simm.s32 $0x3710  }
0x290: {  	s1 =	simm.s32 $0x1000;
	s0 =	simm.s32 $0x3310;
	s9 =	simm.s32 $0xC00  }
0x291: {  	s31 =	simm.s32 $0x2F10;
	s22 =	simm.s32 $0x2B10;
	s17 =	sld [smem:$0x7FB]  }
.Lfunc_end2:
_tile_overlayer_lowered:
.L_overlay_start_2:
0x292: {  	(tag) =	ssettag $0x2  }
0x293: {  	s0 =	rddreg [dreg:$0x0];
	s2 =	stileid.u32  }
0x294: {  	s1 =	rddreg [dreg:$0x1];
	p0 =	sne.s32 s2, $0x0  }
0x295: {  	s3 =	rddreg [dreg:$0x2];
	[bflag:$0x3] =	sbarrier.arrive $0xFFFF;
	s2 =	simm.s32 @!p0 $0x1C06  }
0x296: {  	[timem:s3], [sflag:s2] =	dma.local @!p0 [hbm:s0], s1  }
0x297: {  	s0 =	simm.s32 @!p0 $0x6  }
0x298: {  	_ =	swait.ge @!p0 [sflag:s0], s1  }
0x299: {  	s1 =	ssub.s32 @!p0 $0x0, s1;
	[sflag:s0] =	ssyncset.done @!p0 $0x0  }
0x29a: {  	[sflag:s0] =	ssyncadd.s32 @!p0 s1  }
0x29b: {  	[bflag:$0x3] =	sbarrier.arrive $0xFFFF  }
0x29c: {  	_ =	shalt  }

// kernel: kernel.9.cloned.1.call-start
scs
__scs_entry_jumppad:
0x0: {  	(pc) =	sbr.rel $0x88, $3  }
0x1: {  	(tag) =	ssettag $0x0;
	lr =	simm.s32 $0x1  }
0x2: {  	[smem:$0x3F9B] =	sst lr;
	_ =	strace $0xD0000000  }
0x3: {  	_ = 	snop  }
0x4: {  	_ = 	snop  }
0x5: {  	_ = 	snop  }
0x6: {  	_ = 	snop  }
0x7: {  	_ = 	snop  }
__scs_overlays_trampoline_lowered:
0x8: {  	[smem:$0x3FAA] =	sst s0  }
0x9: {  	[smem:$0x3FAB] =	sst s1  }
0xa: {  	[smem:$0x3FAC] =	sst s2  }
0xb: {  	[smem:$0x3FAD] =	sst s3  }
0xc: {  	[smem:$0x3FAE] =	sst s4  }
0xd: {  	[smem:$0x3FAF] =	sst s5  }
0xe: {  	[smem:$0x3FB0] =	sst s6  }
0xf: {  	[smem:$0x3FB1] =	sst s7  }
0x10: {  	[smem:$0x3FB2] =	sst s8  }
0x11: {  	[smem:$0x3FB3] =	sst s9;
	s0 =	simm.s32 @!p0 $0x0  }
0x12: {  	s1 =	sld [smem:$0x3F99];
	s0 =	simm.s32 @p0 $0x1  }
0x13: {  	[smem:$0x3FB4] =	sst s0;
	s0 =	simm.s32 @!p1 $0x0  }
0x14: {  	s2 =	sld [smem:$0x3F98];
	s0 =	simm.s32 @p1 $0x1  }
0x15: {  	[smem:$0x3FB5] =	sst s0;
	s0 =	simm.s32 @!p2 $0x0  }
0x16: {  	s3 =	sld [smem:$0x3FDB];
	s0 =	simm.s32 @p2 $0x1  }
0x17: {  	s4 =	simm.s32 $0x1BF5;
	[smem:$0x3FB7] =	sst s0  }
0x18: {  	s0 =	sld [smem:$0x3F9A];
	_ =	swait.ge [sflag:s4], $0x0  }
0x19: {  	s7 =	sld [smem:$0x3F9B]  }
0x1a: {  	s8 =	sadd.s32 $0xFFFFE003, lr  }
0x1b: {  	s9 =	sadd.s32 $0xFFFFFEF7, lr;
	s5 =	simm.s32 $0xFFFFFFFF;
	p2 =	slt.u32 s8, $0xFFFFF086  }
0x1c: {  	p1 =	slt.u32 s9, $0xF7A;
	s5 =	simm.s32 @!p2 $0x0  }
0x1d: {  	s5 =	simm.s32 @p1 $0x1;
	p0 =	seq.s32 s7, s2  }
0x1e: {  	s7 =	smul.u32 @!p0 $0xF7A, s2;
	p2 =	seq.s32 @!p0 s5, $0x0  }
0x1f: {  	s9 =	smul.u32 $0xF7A, s1;
	s8 =	simm.s32 @!p0 $0x1BF5;
	p2 =	por !p2, p0  }
0x20: {  	[sflag:s8] =	ssyncset.s32 @!p0 $0xFFFFF086;
	s6 =	sadd.s32 @!p0 s3, s7;
	s7 =	simm.s32 @!p0 $0x108  }
0x21: {  	s3 =	sadd.s32 s3, s9;
	s6 =	sadd.s32 @!p0 $0x88, s6;
	s7 =	simm.s32 @p2 $0x1082  }
0x22: {  	[simem:s7], [sflag:s8] =	dma.local @!p0 [hbm:s6], $0xF7A  }
0x23: {  	s9 =	sor.u32 $0xD0000000, s2;
	s6 =	simm.s32 $0x108;
	_ =	swait.ge @!p0 [sflag:s8], $0x0  }
0x24: {  	s3 =	sadd.s32 $0x88, s3;
	s6 =	simm.s32 @!p1 $0x1082;
	[sflag:s4] =	ssyncset.s32 $0xFFFFF086  }
0x25: {  	[simem:s6], [sflag:s4] =	dma.local [hbm:s3], $0xF7A  }
0x26: {  	[smem:$0x3F9B] =	sst s1;
	(tag) =	ssettag s2;
	_ =	strace s9  }
0x27: {  	s1 =	sld [smem:$0x3FAB]  }
0x28: {  	s2 =	sld [smem:$0x3FAC]  }
0x29: {  	s4 =	sld [smem:$0x3FAE]  }
0x2a: {  	p0 =	seq.s32 s5, $0x0;
	s5 =	sld [smem:$0x3FAF]  }
0x2b: {  	s6 =	sld [smem:$0x3FB0]  }
0x2c: {  	s7 =	sld [smem:$0x3FB1]  }
0x2d: {  	s3 =	simm.s32 $0x108;
	s8 =	sld [smem:$0x3FB2]  }
0x2e: {  	s3 =	simm.s32 @!p0 $0x1082;
	s9 =	sld [smem:$0x3FB3]  }
0x2f: {  	lr =	sadd.s32 s0, s3;
	s0 =	sld [smem:$0x3FAA]  }
0x30: {  	s3 =	sld [smem:$0x3FAD]  }
0x31: {  	[smem:$0x3FB6] =	sst s10  }
0x32: {  	s10 =	sld [smem:$0x3FB4];
	_ =	sdelay $0x3  }
0x33: {  	p0 =	seq.s32 s10, $0x1;
	s10 =	sld [smem:$0x3FB6];
	_ =	sdelay $0x3  }
0x34: {  	[smem:$0x3FB6] =	sst s10  }
0x35: {  	s10 =	sld [smem:$0x3FB5];
	_ =	sdelay $0x3  }
0x36: {  	p1 =	seq.s32 s10, $0x1;
	s10 =	sld [smem:$0x3FB6];
	_ =	sdelay $0x3  }
0x37: {  	[smem:$0x3FB6] =	sst s10  }
0x38: {  	s10 =	sld [smem:$0x3FB7]  }
0x39: {  	_ = 	snop;
	(pc) =	sbr.ind lr, $3  }
0x3a: {  	_ = 	snop  }
0x3b: {  	_ = 	snop  }
0x3c: {  	p2 =	seq.s32 s10, $0x1;
	s10 =	sld [smem:$0x3FB6]  }
0x3d: {  	_ =	shalt  }
0x3e: {  	_ =	shalt  }
0x3f: {  	_ =	shalt  }
0x40: {  	_ =	shalt  }
0x41: {  	_ =	shalt  }
0x42: {  	_ =	shalt  }
0x43: {  	_ =	shalt  }
0x44: {  	_ =	shalt  }
0x45: {  	_ =	shalt  }
0x46: {  	_ =	shalt  }
0x47: {  	_ =	shalt  }
0x48: {  	_ =	shalt  }
0x49: {  	_ =	shalt  }
0x4a: {  	_ =	shalt  }
0x4b: {  	_ =	shalt  }
0x4c: {  	_ =	shalt  }
0x4d: {  	_ =	shalt  }
0x4e: {  	_ =	shalt  }
0x4f: {  	_ =	shalt  }
0x50: {  	_ =	shalt  }
0x51: {  	_ =	shalt  }
0x52: {  	_ =	shalt  }
0x53: {  	_ =	shalt  }
0x54: {  	_ =	shalt  }
0x55: {  	_ =	shalt  }
0x56: {  	_ =	shalt  }
0x57: {  	_ =	shalt  }
0x58: {  	_ =	shalt  }
0x59: {  	_ =	shalt  }
0x5a: {  	_ =	shalt  }
0x5b: {  	_ =	shalt  }
0x5c: {  	_ =	shalt  }
0x5d: {  	_ =	shalt  }
0x5e: {  	_ =	shalt  }
0x5f: {  	_ =	shalt  }
0x60: {  	_ =	shalt  }
0x61: {  	_ =	shalt  }
0x62: {  	_ =	shalt  }
0x63: {  	_ =	shalt  }
0x64: {  	_ =	shalt  }
0x65: {  	_ =	shalt  }
0x66: {  	_ =	shalt  }
0x67: {  	_ =	shalt  }
0x68: {  	_ =	shalt  }
0x69: {  	_ =	shalt  }
0x6a: {  	_ =	shalt  }
0x6b: {  	_ =	shalt  }
0x6c: {  	_ =	shalt  }
0x6d: {  	_ =	shalt  }
0x6e: {  	_ =	shalt  }
0x6f: {  	_ =	shalt  }
0x70: {  	_ =	shalt  }
0x71: {  	_ =	shalt  }
0x72: {  	_ =	shalt  }
0x73: {  	_ =	shalt  }
0x74: {  	_ =	shalt  }
0x75: {  	_ =	shalt  }
0x76: {  	_ =	shalt  }
0x77: {  	_ =	shalt  }
0x78: {  	_ =	shalt  }
0x79: {  	_ =	shalt  }
0x7a: {  	_ =	shalt  }
0x7b: {  	_ =	shalt  }
0x7c: {  	_ =	shalt  }
0x7d: {  	_ =	shalt  }
0x7e: {  	_ =	shalt  }
0x7f: {  	_ =	shalt  }
0x80: {  	_ =	shalt  }
0x81: {  	_ =	shalt  }
0x82: {  	_ =	shalt  }
0x83: {  	_ =	shalt  }
0x84: {  	_ =	shalt  }
0x85: {  	_ =	shalt  }
0x86: {  	_ =	shalt  }
0x87: {  	_ =	shalt  }
.Lfunc_end0:
.L_simem_size_0:
called_computation_lowered:
.L_overlay_start_0:
0x88: {  	s2 =	sld [smem:$0x3FD9]  }
0x89: {  	s3 =	sld [smem:$0x3FFE];
	_ =	sdelay $0x1  }
0x8a: {  	s1 =	srdreg.scid  }
0x8b: {  	s0 =	sand.u32 $0x1, s1  }
0x8c: {  	s16 =	sshll.u32 s0, $0xA;
	s2 =	sadd.s32 s3, s2  }
0x8d: {  	s2 =	sadd.s32 s2, s16  }
0x8e: {  	[smem:$0x3FC2] =	sst s2  }
0x8f: {  	_ = 	snop  }
0x90: {  	(tm) =	ssettm $0x1  }
0x91: {  	s17 =	sld [smem:$0x3FFB];
	_ =	sdelay $0x3  }
0x92: {  	_ =	strace s17  }
0x93: {  	s2 =	sld [smem:$0x3FFC];
	_ =	sdelay $0x3  }
0x94: {  	_ =	strace s2  }
0x95: {  	s2 =	sld [smem:$0x3FFD];
	_ =	sdelay $0x3  }
0x96: {  	_ =	strace s2  }
0x97: {  	_ =	strace $0x8FFFFFFF  }
0x98: {  	s18 =	sld [smem:$0x3FDB];
	_ =	sdelay $0x1  }
0x99: {  	s19 =	simm.s32 $_scs_section_size  }
0x9a: {  	s4 =	simm.s32 $_size__tile_overlayer_lowered;
	s5 =	simm.s32 $_tile_overlayer_lowered  }
0x9b: {  	s22 =	simm.s32 $0x1BFF;
	s21 =	sshll.u32 s5, $0x1;
	s2 =	sadd.s32 s19, s18  }
0x9c: {  	s6 =	simm.s32 $0x0;
	s20 =	sshll.u32 s4, $0x1;
	s4 =	sadd.s32 s21, s2  }
0x9d: {  	[timem:s6], [sflag:s22] =	dma.local [hbm:s4], s20  }
0x9e: {  	_ =	swait.ge [sflag:s22], s20  }
0x9f: {  	s3 =	ssub.s32 $0x0, s20;
	[sflag:s22] =	ssyncset.done $0x0  }
0xa0: {  	[sflag:s22] =	ssyncadd.s32 s3;
	_ =	sdelay $0x1  }
0xa1: {  	s23 =	simm.s32 $0x1B8B  }
0xa2: {  	_ =	swait.ge [sflag:s23], $0x1  }
0xa3: {  	[sflag:s23] =	ssyncset.done $0x0  }
0xa4: {  	s25 =	simm.s32 $0x1B8E;
	s24 =	sld [smem:$0x3FFE];
	[sflag:s23] =	ssyncadd.s32 $0xFFFFFFFF  }
0xa5: {  	s26 =	simm.s32 $execute0_lowered;
	[smem:$0x3FD2] =	sst s25  }
0xa6: {  	s4 =	sshll.u32 s26, $0x1;
	_ =	strace $0x80000046;
	[dreg:$0x1] =	wrdreg $0xFFFFFFFF  }
0xa7: {  	s28 =	simm.s32 $_size_execute0_lowered;
	s2 =	sadd.s32 s2, s4;
	[dreg:$0x0] =	wrdreg $0x0  }
0xa8: {  	s4 =	sshll.u32 s28, $0x1;
	[dreg:$0x2] =	wrdreg s2  }
0xa9: {  	[dreg:$0x3] =	wrdreg s4  }
0xaa: {  	[dreg:$0x4] =	wrdreg $0xC0  }
0xab: {  	_ =	task [dreg:s6], $0x5FFFF  }
0xac: {  	[dreg:$0x1] =	wrdreg $0xFFFFFFFF  }
0xad: {  	[dreg:$0x0] =	wrdreg $0x60  }
0xae: {  	[dreg:$0x2] =	wrdreg s24  }
0xaf: {  	[dreg:$0x3] =	wrdreg $0x8F100  }
0xb0: {  	[dreg:$0x4] =	wrdreg $0x9  }
0xb1: {  	_ =	task.clear_ibuf [dreg:s6], $0x5FFFF;
	_ =	strace $0x90000046  }
0xb2: {  	s29 =	simm.s32 $0x9;
	_ =	strace $0x80000048  }
0xb3: {  	_ =	swait.ge [sflag:s29], $0x1  }
0xb4: {  	[sflag:s29] =	ssyncadd.s32 $0xFFFFFFFF  }
0xb5: {  	_ =	strace $0x90000048  }
0xb6: {  	_ =	sfence  }
0xb7: {  	s30 =	sld [smem:$0x0];
	_ =	sdelay $0x2  }
0xb8: {  	s31 =	sshll.u32 s1, $0xD;
	s1 =	sshrl.u32 s1, $0x2  }
0xb9: {  	s3 =	sand.u32 $0x4000, s31;
	s1 =	sadd.s32 s1, s30  }
0xba: {  	s0 =	sor.u32 s3, s0;
	s1 =	sshll.u32 s1, $0x11  }
0xbb: {  	s0 =	sor.u32 s1, s0  }
0xbc: {  	s0 =	sadd.s32 $0x8F2B, s0  }
0xbd: {  	[sflag:s0] =	ssyncadd.remote.s32 $0x1  }
0xbe: {  	_ =	sfence.sel $0xFFFF  }
0xbf: {  	[dreg:$0x0] =	wrdreg $0xFFFFFFFF;
	(pc) =	sbr.abs _section_cstart, $3  }
0xc0: {  	[dreg:$0x1] =	wrdreg $0xFFFFFFFF  }
0xc1: {  	_ =	task.clear_ibuf [dreg:s6], $0x2FFFF;
	_ =	strace $0x9FFFFFFF  }
0xc2: {  	(tm) =	ssettm $0x7FFFFFFF  }
0xc3: {  	_ =	shalt  }
tec
execute0_lowered:
.L_overlay_start_1:
0x0: {  	(tag) =	ssettag $0x1  }
0x1: {  	s0 =	srdreg.scid  }
0x2: {  	s5 =	stileid.u32;
	s4 =	rddreg [dreg:$0x0]  }
0x3: {  	s2 =	rddreg [dreg:$0x1];
	s3 =	simm.s32 $0x0;
	s18 =	simm.s32 $0x2  }
0x4: {  	s19 =	simm.s32 $0x400;
	s20 =	simm.s32 $0x800;
	s21 =	simm.s32 $0xC00  }
0x5: {  	s22 =	simm.s32 $0x1000;
	s23 =	simm.s32 $0x1400;
	s24 =	simm.s32 $0x1800  }
0x6: {  	s25 =	simm.s32 $0x1C00;
	s26 =	simm.s32 $0x2000;
	s28 =	simm.s32 $0x2400  }
0x7: {  	s29 =	simm.s32 $0x1;
	s30 =	simm.s32 $0x2710;
	s0 =	sand.u32 $0x1, s0  }
0x8: {  	s31 =	simm.s32 $0x310;
	s1 =	sshll.u32 s0, $0x4;
	s6 =	smul.u32 $0x28000, s0  }
0x9: {  	s0 =	ssub.s32 $0x2, s0;
	s1 =	sor.u32 s5, s1;
	s5 =	smul.u32 $0x2800, s5  }
0xa: {  	[smem:$0x7FF] =	sst s3;
	s7 =	sshrl.u32 s0, $0x1;
	s1 =	smul.u32 $0x2710, s1  }
0xb: {  	_ =	strace $0x80000047;
	s0 =	ssub.s32 s0, s7;
	s6 =	sadd.s32 s5, s6  }
0xc: {  	s16 =	smax.u32 s0, $0x1;
	s1 =	sshrl.u32 s1, $0x3;
	s6 =	sshrl.u32 s6, $0x3  }
0xd: {  	s1 =	sadd.s32 s1, s4;
	s15 =	sadd.s32 s6, s4;
	s4 =	sadd.s32 s5, s2  }
0xe: {  	s5 =	sadd.s32 $0xC840, s1;
	s6 =	sadd.s32 $0xC8C0, s1;
	s7 =	sadd.s32 $0xC940, s1  }
0xf: {  	s8 =	sadd.s32 $0xC9C0, s1;
	s9 =	sadd.s32 $0xCA40, s1;
	s10 =	sadd.s32 $0xCAC0, s1  }
0x10: {  	s11 =	sadd.s32 $0xCB40, s1;
	s12 =	sadd.s32 $0xCBC0, s1;
	s13 =	sadd.s32 $0xCC40, s1  }
0x11: {  	v0 =	vimm.f32 $1.000000000e+00;
	v1 =	vimm.f32 $0.0e+00;
	s14 =	sadd.s32 $0xCCC0, s1;
	s15 =	sadd.s32 $0x16600, s15;
	s1 =	simm.s32 $0x0  }
.LBB2_1:
0x12: {  	s0 =	simm.s32 $0x0  }
.LBB2_2:
0x13: {  	p0 =	sne.s32 s0, $0xFFC0  }
.Ltmp0:
0x14: {  	_ = 	snop;
	(pc) =	sbr.rel @p0 .LBB2_2-.Ltmp0, $3  }
0x15: {  	_ =	sdelay $0x1  }
0x16: {  	s17 =	sshra.s32 s0, $0x2  }
0x17: {  	s0 =	sadd.s32 $0x40, s0;
	[tilespmem:s17+$0x2710] =	vst v0  }
0x18: {  	s0 =	simm.s32 $0x40;
	s17 =	simm.s32 $0x0  }
.LBB2_4:
0x19: {  	p0 =	sne.s32 s0, $0x9FC0;
	[tilespmem:s17+$0x6710] =	vst v1;
	s17 =	smov.u32 s0;
	s0 =	sadd.s32 $0x40, s0  }
.Ltmp1:
0x1a: {  	(pc) =	sbr.rel @p0 .LBB2_4-.Ltmp1, $2  }
0x1b: {  	_ =	sdelay $0x2  }
0x1c: {  	s17 =	sshra.s32 s17, $0x2  }
0x1d: {  	[tilespmem:s17+$0x6710] =	vst v1;
	s0 =	simm.s32 $0x6710  }
0x1e: {  	[spmem:s4] =	stream.linear.scatter [tilespmem:s0], [sflag:$0x2], $0x2800, $0x38;
	[tilespmem:$0xB710] =	vst v63  }
0x1f: {  	_ =	swait.ge [sflag:s18], $0x2800  }
0x20: {  	[sflag:s18] =	ssyncset.done $0x0  }
0x21: {  	[sflag:s18] =	ssyncadd.s32 $0xFFFFD800  }
0x22: {  	[tilespmem:s3], [sflag:$0x1] =	stream.linear.gather [hbm4b:s5+s3], $0x400, $0x38;
	[tilespmem:$0xB710] =	vst v63  }
0x23: {  	_ = 	snop  }
0x24: {  	[tilespmem:s19], [sflag:$0x1] =	stream.linear.gather [hbm4b:s6+s3], $0x400, $0x38;
	[tilespmem:$0xB710] =	vst v63  }
0x25: {  	_ = 	snop  }
0x26: {  	[tilespmem:s20], [sflag:$0x1] =	stream.linear.gather [hbm4b:s7+s3], $0x400, $0x38;
	[tilespmem:$0xB710] =	vst v63  }
0x27: {  	_ = 	snop  }
0x28: {  	[tilespmem:s21], [sflag:$0x1] =	stream.linear.gather [hbm4b:s8+s3], $0x400, $0x38;
	[tilespmem:$0xB710] =	vst v63  }
0x29: {  	_ = 	snop  }
0x2a: {  	[tilespmem:s22], [sflag:$0x1] =	stream.linear.gather [hbm4b:s9+s3], $0x400, $0x38;
	[tilespmem:$0xB710] =	vst v63  }
0x2b: {  	_ = 	snop  }
0x2c: {  	[tilespmem:s23], [sflag:$0x1] =	stream.linear.gather [hbm4b:s10+s3], $0x400, $0x38;
	[tilespmem:$0xB710] =	vst v63  }
0x2d: {  	_ = 	snop  }
0x2e: {  	[tilespmem:s24], [sflag:$0x1] =	stream.linear.gather [hbm4b:s11+s3], $0x400, $0x38;
	[tilespmem:$0xB710] =	vst v63  }
0x2f: {  	_ = 	snop  }
0x30: {  	[tilespmem:s25], [sflag:$0x1] =	stream.linear.gather [hbm4b:s12+s3], $0x400, $0x38;
	[tilespmem:$0xB710] =	vst v63  }
0x31: {  	_ = 	snop  }
0x32: {  	[tilespmem:s26], [sflag:$0x1] =	stream.linear.gather [hbm4b:s13+s3], $0x400, $0x38;
	[tilespmem:$0xB710] =	vst v63  }
0x33: {  	_ = 	snop  }
0x34: {  	[tilespmem:s28], [sflag:$0x1] =	stream.linear.gather [hbm4b:s14+s3], $0x310, $0x38;
	[tilespmem:$0xB710] =	vst v63  }
0x35: {  	_ =	swait.ge [sflag:s29], $0x400  }
0x36: {  	[sflag:s29] =	ssyncset.done $0x0  }
0x37: {  	[sflag:s29] =	ssyncadd.s32 $0xFFFFFC00  }
0x38: {  	_ =	swait.ge [sflag:s29], $0x400  }
0x39: {  	[sflag:s29] =	ssyncset.done $0x0  }
0x3a: {  	[sflag:s29] =	ssyncadd.s32 $0xFFFFFC00  }
0x3b: {  	_ =	swait.ge [sflag:s29], $0x400  }
0x3c: {  	[sflag:s29] =	ssyncset.done $0x0  }
0x3d: {  	[sflag:s29] =	ssyncadd.s32 $0xFFFFFC00  }
0x3e: {  	_ =	swait.ge [sflag:s29], $0x400  }
0x3f: {  	[sflag:s29] =	ssyncset.done $0x0  }
0x40: {  	[sflag:s29] =	ssyncadd.s32 $0xFFFFFC00  }
0x41: {  	_ =	swait.ge [sflag:s29], $0x400  }
0x42: {  	[sflag:s29] =	ssyncset.done $0x0  }
0x43: {  	[sflag:s29] =	ssyncadd.s32 $0xFFFFFC00  }
0x44: {  	_ =	swait.ge [sflag:s29], $0x400  }
0x45: {  	[sflag:s29] =	ssyncset.done $0x0  }
0x46: {  	[sflag:s29] =	ssyncadd.s32 $0xFFFFFC00  }
0x47: {  	_ =	swait.ge [sflag:s29], $0x400  }
0x48: {  	[sflag:s29] =	ssyncset.done $0x0  }
0x49: {  	[sflag:s29] =	ssyncadd.s32 $0xFFFFFC00  }
0x4a: {  	_ =	swait.ge [sflag:s29], $0x400  }
0x4b: {  	[sflag:s29] =	ssyncset.done $0x0  }
0x4c: {  	[sflag:s29] =	ssyncadd.s32 $0xFFFFFC00  }
0x4d: {  	_ =	swait.ge [sflag:s29], $0x400  }
0x4e: {  	[sflag:s29] =	ssyncset.done $0x0  }
0x4f: {  	[sflag:s29] =	ssyncadd.s32 $0xFFFFFC00  }
0x50: {  	_ =	swait.ge [sflag:s29], $0x310  }
0x51: {  	[sflag:s29] =	ssyncset.done $0x0  }
0x52: {  	[sflag:s29] =	ssyncadd.s32 $0xFFFFFCF0  }
0x53: {  	[bflag:$0x0] =	sbarrier.arrive $0xFFFF  }
0x54: {  	[spmem:s2] =	stream.indirect.scatter.add.f32 [tilespmem:s30], [sflag:$0x1], $0x10, s3, s19, $0xb8;
	[tilespmem:$0xB710] =	vst v63  }
0x55: {  	_ = 	snop  }
0x56: {  	[spmem:s2] =	stream.indirect.scatter.add.f32 [tilespmem:s30], [sflag:$0x1], $0x10, s19, s19, $0xb8;
	[tilespmem:$0xB710] =	vst v63  }
0x57: {  	_ = 	snop  }
0x58: {  	[spmem:s2] =	stream.indirect.scatter.add.f32 [tilespmem:s30], [sflag:$0x1], $0x10, s20, s19, $0xb8;
	[tilespmem:$0xB710] =	vst v63  }
0x59: {  	_ = 	snop  }
0x5a: {  	[spmem:s2] =	stream.indirect.scatter.add.f32 [tilespmem:s30], [sflag:$0x1], $0x10, s21, s19, $0xb8;
	[tilespmem:$0xB710] =	vst v63  }
0x5b: {  	_ = 	snop  }
0x5c: {  	[spmem:s2] =	stream.indirect.scatter.add.f32 [tilespmem:s30], [sflag:$0x1], $0x10, s22, s19, $0xb8;
	[tilespmem:$0xB710] =	vst v63  }
0x5d: {  	_ = 	snop  }
0x5e: {  	[spmem:s2] =	stream.indirect.scatter.add.f32 [tilespmem:s30], [sflag:$0x1], $0x10, s23, s19, $0xb8;
	[tilespmem:$0xB710] =	vst v63  }
0x5f: {  	_ = 	snop  }
0x60: {  	[spmem:s2] =	stream.indirect.scatter.add.f32 [tilespmem:s30], [sflag:$0x1], $0x10, s24, s19, $0xb8;
	[tilespmem:$0xB710] =	vst v63  }
0x61: {  	_ = 	snop  }
0x62: {  	[spmem:s2] =	stream.indirect.scatter.add.f32 [tilespmem:s30], [sflag:$0x1], $0x10, s25, s19, $0xb8;
	[tilespmem:$0xB710] =	vst v63  }
0x63: {  	_ = 	snop  }
0x64: {  	[spmem:s2] =	stream.indirect.scatter.add.f32 [tilespmem:s30], [sflag:$0x1], $0x10, s26, s19, $0xb8;
	[tilespmem:$0xB710] =	vst v63  }
0x65: {  	_ = 	snop  }
0x66: {  	[spmem:s2] =	stream.indirect.scatter.add.f32 [tilespmem:s30], [sflag:$0x1], $0x10, s28, s31, $0xb8;
	[tilespmem:$0xB710] =	vst v63  }
0x67: {  	_ =	swait.ge [sflag:s29], $0x4000  }
0x68: {  	[sflag:s29] =	ssyncset.done $0x0  }
0x69: {  	[sflag:s29] =	ssyncadd.s32 $0xFFFFC000  }
0x6a: {  	_ =	swait.ge [sflag:s29], $0x4000  }
0x6b: {  	[sflag:s29] =	ssyncset.done $0x0  }
0x6c: {  	[sflag:s29] =	ssyncadd.s32 $0xFFFFC000  }
0x6d: {  	_ =	swait.ge [sflag:s29], $0x4000  }
0x6e: {  	[sflag:s29] =	ssyncset.done $0x0  }
0x6f: {  	[sflag:s29] =	ssyncadd.s32 $0xFFFFC000  }
0x70: {  	_ =	swait.ge [sflag:s29], $0x4000  }
0x71: {  	[sflag:s29] =	ssyncset.done $0x0  }
0x72: {  	[sflag:s29] =	ssyncadd.s32 $0xFFFFC000  }
0x73: {  	_ =	swait.ge [sflag:s29], $0x4000  }
0x74: {  	[sflag:s29] =	ssyncset.done $0x0  }
0x75: {  	[sflag:s29] =	ssyncadd.s32 $0xFFFFC000  }
0x76: {  	_ =	swait.ge [sflag:s29], $0x4000  }
0x77: {  	[sflag:s29] =	ssyncset.done $0x0  }
0x78: {  	[sflag:s29] =	ssyncadd.s32 $0xFFFFC000  }
0x79: {  	_ =	swait.ge [sflag:s29], $0x4000  }
0x7a: {  	[sflag:s29] =	ssyncset.done $0x0  }
0x7b: {  	[sflag:s29] =	ssyncadd.s32 $0xFFFFC000  }
0x7c: {  	_ =	swait.ge [sflag:s29], $0x4000  }
0x7d: {  	[sflag:s29] =	ssyncset.done $0x0  }
0x7e: {  	[sflag:s29] =	ssyncadd.s32 $0xFFFFC000  }
0x7f: {  	_ =	swait.ge [sflag:s29], $0x4000  }
0x80: {  	[sflag:s29] =	ssyncset.done $0x0  }
0x81: {  	[sflag:s29] =	ssyncadd.s32 $0xFFFFC000  }
0x82: {  	s17 =	stileid.u32;
	_ =	swait.ge [sflag:s29], $0x3100  }
0x83: {  	s1 =	sadd.s32 $0x1, s1;
	s0 =	sshll.u32 s17, $0x6;
	[sflag:s29] =	ssyncset.done $0x0  }
0x84: {  	s17 =	sshrl.u32 s4, $0x3;
	p0 =	sne.s32 s1, s16;
	[sflag:s29] =	ssyncadd.s32 $0xFFFFCF00  }
.Ltmp2:
0x85: {  	s0 =	sor.u32 $0x1C02, s0;
	[bflag:$0x0] =	sbarrier.arrive $0xFFFF;
	(pc) =	sbr.rel @p0 .LBB2_1-.Ltmp2, $4  }
0x86: {  	[hbm:s15], [sflag:s0] =	dma.local [spmem:s17], $0x500  }
0x87: {  	_ =	swait.ge [sflag:s18], $0x500  }
0x88: {  	[sflag:s18] =	ssyncset.done $0x0  }
0x89: {  	[sflag:s18] =	ssyncadd.s32 $0xFFFFFB00  }
0x8a: {  	_ =	sfence.sel $0x180000  }
0x8b: {  	[bflag:$0x0] =	sbarrier.arrive $0xFFFF  }
0x8c: {  	_ =	strace $0x90000047  }
0x8d: {  	s0 =	stileid.u32;
	[bflag:$0x2] =	sbarrier.arrive $0xFFFF  }
0x8e: {  	p0 =	sne.s32 s0, $0x0;
	s0 =	rddreg [dreg:$0x2]  }
0x8f: {  	s0 =	sadd.s32 @!p0 $0x100000, s0  }
0x90: {  	[sflag:s0] =	ssyncadd.tile.s32 @!p0 $0x1;
	_ =	shalt  }
.Lfunc_end2:
_tile_overlayer_lowered:
.L_overlay_start_2:
0x91: {  	(tag) =	ssettag $0x2  }
0x92: {  	s0 =	rddreg [dreg:$0x0];
	s2 =	stileid.u32  }
0x93: {  	s1 =	rddreg [dreg:$0x1];
	p0 =	sne.s32 s2, $0x0  }
0x94: {  	s3 =	rddreg [dreg:$0x2];
	[bflag:$0x3] =	sbarrier.arrive $0xFFFF;
	s2 =	simm.s32 @!p0 $0x1C02  }
0x95: {  	[timem:s3], [sflag:s2] =	dma.local @!p0 [hbm:s0], s1  }
0x96: {  	s0 =	simm.s32 @!p0 $0x2  }
0x97: {  	_ =	swait.ge @!p0 [sflag:s0], s1  }
0x98: {  	s1 =	ssub.s32 @!p0 $0x0, s1;
	[sflag:s0] =	ssyncset.done @!p0 $0x0  }
0x99: {  	[sflag:s0] =	ssyncadd.s32 @!p0 s1  }
0x9a: {  	[bflag:$0x3] =	sbarrier.arrive $0xFFFF  }
0x9b: {  	_ =	shalt  }

</sc_bundles>
